<compile_context>
chip_gen: v7x
topology: tpu7x:2x2x1
jax: 0.10.2.dev20260603
libtpu: 0.0.44.dev20260713+nightly
codegen_flags: <defaults>
</compile_context>

<pallas_src>
import functools

import jax
import jax.numpy as jnp
from jax import lax
from jax.experimental import pallas as pl
from jax.experimental.pallas import tpu as pltpu
from jax.experimental.pallas import tpu_sc as plsc

_DIM = 64
_NC = 2
_NS = 16
_NW = _NC * _NS
_LANE = 128
_NGB = 3
_NTB = 2
_STEP = 6


def _make_gather(n_fields: int, n_btiles: int):
    n_units = n_fields * n_btiles
    assert n_units % _NW == 0
    upw = n_units // _NW
    n_outer = (upw + _STEP - 1) // _STEP
    mesh = plsc.VectorSubcoreMesh(core_axis_name="c", subcore_axis_name="s")

    @functools.partial(
        pl.kernel,
        out_type=jax.ShapeDtypeStruct(
            (n_fields, _DIM // 8, n_btiles, 8, _LANE), jnp.float32
        ),
        mesh=mesh,
        scratch_types=(
            [pltpu.VMEM((upw, _LANE), jnp.int32)]
            + [pltpu.VMEM((_LANE, _DIM), jnp.float32) for _ in range(_NGB)]
            + [pltpu.VMEM((_DIM // 8, 8, _LANE), jnp.float32) for _ in range(_NTB)]
            + [pltpu.SemaphoreType.DMA for _ in range(_NGB + _NTB)]
        ),
        compiler_params=pltpu.CompilerParams(
            use_tc_tiling_on_sc=False, needs_layout_passes=False
        ),
    )
    def gather_kernel(table_hbm, idx_hbm, out_hbm, idx_v, *scratch):
        gbufs = scratch[:_NGB]
        tbufs = scratch[_NGB:_NGB + _NTB]
        gsems = scratch[_NGB + _NTB:2 * _NGB + _NTB]
        wsems = scratch[2 * _NGB + _NTB:]
        wid = lax.axis_index("s") * _NC + lax.axis_index("c")
        pltpu.sync_copy(idx_hbm.at[wid], idx_v)

        iota = lax.iota(jnp.int32, 16)
        rows = [iota + 16 * k2 for k2 in range(8)]

        def start_gather(k, g):
            pltpu.async_copy(table_hbm.at[idx_v.at[k]], gbufs[g], gsems[g])

        for g in range(_NGB - 1):
            start_gather(g, g)

        def unit_block(t6, carry):
            for k6 in range(_STEP):
                g = k6 % _NGB
                t = k6 % _NTB
                k = t6 * _STEP + k6
                u = wid * upw + k
                f = u // n_btiles
                bc = u % n_btiles

                @pl.when(k < upw)
                def _():
                    kn = k + _NGB - 1

                    @pl.when(kn < upw)
                    def _():
                        start_gather(kn, (k6 + _NGB - 1) % _NGB)

                    pltpu.make_async_copy(
                        table_hbm.at[idx_v.at[k]], gbufs[g], gsems[g]
                    ).wait()

                    @pl.when(k >= _NTB)
                    def _():
                        pltpu.make_async_copy(
                            tbufs[t], out_hbm.at[f, :, bc], wsems[t]
                        ).wait()

                    @plsc.parallel_loop(0, _DIM, 1, unroll=8)
                    def col(d0):
                        dvec = (d0 + iota) & (_DIM - 1)
                        tr = dvec >> 3
                        s = dvec & 7
                        for k2 in range(8):
                            vals = plsc.load_gather(gbufs[g], [rows[k2], dvec])
                            plsc.store_scatter(
                                tbufs[t], [tr, s, rows[k2]], vals
                            )
                    pltpu.async_copy(tbufs[t], out_hbm.at[f, :, bc], wsems[t])

            return carry

        lax.fori_loop(0, n_outer, unit_block, 0, unroll=False)

        for i in range(_NTB):
            u = wid * upw + (upw - _NTB + i)
            pltpu.make_async_copy(
                tbufs[(upw - _NTB + i) % _NTB],
                out_hbm.at[u // n_btiles, :, u % n_btiles],
                wsems[(upw - _NTB + i) % _NTB],
            ).wait()

    return gather_kernel


def kernel(metadata_ids, emb_weight):
    batch, n_fields = metadata_ids.shape
    n_btiles = batch // _LANE
    ids_t = metadata_ids.T.astype(jnp.int32)
    idx = (ids_t * 2).reshape(_NW, (n_fields * n_btiles) // _NW, _LANE)
    table_pad = jnp.pad(emb_weight, ((0, 0), (0, 2 * _DIM - emb_weight.shape[1])))
    table2 = table_pad.reshape(2 * emb_weight.shape[0], _DIM)
    out5 = _make_gather(n_fields, n_btiles)(table2, idx)
    return out5.transpose(2, 4, 0, 1, 3).reshape(batch, n_fields, _DIM)

# --- scband reference (transcript-rebuilt; emitter-appended) ---
"""Pipeline reference for scband-simple-metadata-encoder-69398081568788 (READ-ONLY COPY).

The authoritative reference and input builder live on the scoring server;
editing this copy changes nothing except your own understanding.
"""

import jax, jax.numpy as jnp
import numpy as np

VOCAB = 100000
EMBED_DIM = 64
BATCH = 4096
N_FIELDS = 26

def setup_inputs(seed: int = 0) -> dict:
    key = jax.random.key(seed)
    k_idx, k_emb = jax.random.split(key)
    metadata_ids = jax.random.randint(k_idx, (BATCH, N_FIELDS), 0, VOCAB, dtype=jnp.int64 if jax.config.jax_enable_x64 else jnp.int32)
    emb_weight = jax.random.normal(k_emb, (VOCAB, EMBED_DIM), dtype=jnp.float32)
    return {"metadata_ids": metadata_ids, "emb_weight": emb_weight}

def reference(metadata_ids, emb_weight):
    # nn.Embedding forward: row gather from the table
    return jnp.take(emb_weight, metadata_ids, axis=0)

if __name__ == "__main__":
    import jax
    _d = setup_inputs()
    print(jax.jit(kernel)(*tuple(_d.values())))

</pallas_src>

<mosaic_0001>
#map = affine_map<(d0, d1) -> (0, 0)>
#map1 = affine_map<(d0, d1) -> (0, 0, 0)>
#map2 = affine_map<(d0, d1) -> (0, 0, 0, 0, 0)>
module attributes {stable_mosaic.version = 14 : i64} {
  func.func @gather_kernel(%arg0: i32, %arg1: i32, %arg2: memref<200000x64xf32, #tpu.memory_space<hbm>>, %arg3: memref<32x26x128xi32, #tpu.memory_space<hbm>>, %arg4: memref<26x8x32x8x128xf32, #tpu.memory_space<hbm>>, %arg5: memref<26x128xi32, #tpu.memory_space<vmem>>, %arg6: memref<128x64xf32, #tpu.memory_space<vmem>>, %arg7: memref<128x64xf32, #tpu.memory_space<vmem>>, %arg8: memref<128x64xf32, #tpu.memory_space<vmem>>, %arg9: memref<8x8x128xf32, #tpu.memory_space<vmem>>, %arg10: memref<8x8x128xf32, #tpu.memory_space<vmem>>, %arg11: memref<!tpu.dma_semaphore, #tpu.memory_space<semaphore_mem>>, %arg12: memref<!tpu.dma_semaphore, #tpu.memory_space<semaphore_mem>>, %arg13: memref<!tpu.dma_semaphore, #tpu.memory_space<semaphore_mem>>, %arg14: memref<!tpu.dma_semaphore, #tpu.memory_space<semaphore_mem>>, %arg15: memref<!tpu.dma_semaphore, #tpu.memory_space<semaphore_mem>>) attributes {dimension_semantics = [#tpu.dimension_semantics<core_parallel>, #tpu.dimension_semantics<subcore_parallel>], iteration_bounds = array<i64: 2, 16>, scalar_prefetch = 0 : i64, scratch_operands = 11 : i64, tpu.core_type = #tpu.core_type<sc_vector_subcore>, window_params = [{transform_indices = #map}, {transform_indices = #map1}, {transform_indices = #map2}]} {
    %mul3A = arith.constant 2 : i32
    %mul3A_0 = arith.muli %arg1, %mul3A : i32
    %add3A = arith.addi %mul3A_0, %arg0 : i32
    "tpu.region"() ({
      %run_scoped3A = tpu.sem_alloc : memref<!tpu.dma_semaphore, #tpu.memory_space<semaphore_mem>>
      %dma_start3A_140 = arith.constant 0 : i32
      %dma_start3A_141 = arith.constant 0 : i32
      %dma_start3A_142 = tpu.memref_slice %arg3[%add3A, %dma_start3A_140, %dma_start3A_141] : memref<32x26x128xi32, #tpu.memory_space<hbm>> -> memref<1x26x128xi32, #tpu.memory_space<hbm>>
      %dma_start3A_143 = tpu.memref_squeeze %dma_start3A_142 : memref<1x26x128xi32, #tpu.memory_space<hbm>> -> memref<26x128xi32, #tpu.memory_space<hbm>>
      %dma_start3A_144 = arith.constant 0 : i32
      %dma_start3A_145 = arith.constant 0 : i32
      %dma_start3A_146 = tpu.memref_slice %arg3[%add3A, %dma_start3A_144, %dma_start3A_145] : memref<32x26x128xi32, #tpu.memory_space<hbm>> -> memref<1x26x128xi32, #tpu.memory_space<hbm>>
      %dma_start3A_147 = tpu.memref_squeeze %dma_start3A_146 : memref<1x26x128xi32, #tpu.memory_space<hbm>> -> memref<26x128xi32, #tpu.memory_space<hbm>>
      tpu.enqueue_dma source(%dma_start3A_147 : memref<26x128xi32, #tpu.memory_space<hbm>>) target(%arg5 : memref<26x128xi32, #tpu.memory_space<vmem>>) target_semaphore(%run_scoped3A : memref<!tpu.dma_semaphore, #tpu.memory_space<semaphore_mem>>)
      %dma_wait3A_148 = arith.constant 0 : i32
      %dma_wait3A_149 = arith.constant 0 : i32
      %dma_wait3A_150 = tpu.memref_slice %arg3[%add3A, %dma_wait3A_148, %dma_wait3A_149] : memref<32x26x128xi32, #tpu.memory_space<hbm>> -> memref<1x26x128xi32, #tpu.memory_space<hbm>>
      %dma_wait3A_151 = tpu.memref_squeeze %dma_wait3A_150 : memref<1x26x128xi32, #tpu.memory_space<hbm>> -> memref<26x128xi32, #tpu.memory_space<hbm>>
      %dma_wait3A_152 = arith.constant 0 : i32
      %dma_wait3A_153 = arith.constant 0 : i32
      %dma_wait3A_154 = tpu.memref_slice %arg3[%add3A, %dma_wait3A_152, %dma_wait3A_153] : memref<32x26x128xi32, #tpu.memory_space<hbm>> -> memref<1x26x128xi32, #tpu.memory_space<hbm>>
      %dma_wait3A_155 = tpu.memref_squeeze %dma_wait3A_154 : memref<1x26x128xi32, #tpu.memory_space<hbm>> -> memref<26x128xi32, #tpu.memory_space<hbm>>
      tpu.wait_dma2 semaphore(%run_scoped3A : memref<!tpu.dma_semaphore, #tpu.memory_space<semaphore_mem>>) src(%dma_wait3A_155 : memref<26x128xi32, #tpu.memory_space<hbm>>) dst(%arg5 : memref<26x128xi32, #tpu.memory_space<vmem>>)
      tpu.yield
    }) : () -> ()
    %iota3A = tpu.iota {dimensions = array<i32: 0>} : vector<16xi32>
    %add3A_1 = arith.constant 0 : i32
    %add3A_2 = vector.broadcast %add3A_1 : i32 to vector<16xi32>
    %add3A_3 = arith.addi %iota3A, %add3A_2 : vector<16xi32>
    %add3A_4 = arith.constant 16 : i32
    %add3A_5 = vector.broadcast %add3A_4 : i32 to vector<16xi32>
    %add3A_6 = arith.addi %iota3A, %add3A_5 : vector<16xi32>
    %add3A_7 = arith.constant 32 : i32
    %add3A_8 = vector.broadcast %add3A_7 : i32 to vector<16xi32>
    %add3A_9 = arith.addi %iota3A, %add3A_8 : vector<16xi32>
    %add3A_10 = arith.constant 48 : i32
    %add3A_11 = vector.broadcast %add3A_10 : i32 to vector<16xi32>
    %add3A_12 = arith.addi %iota3A, %add3A_11 : vector<16xi32>
    %add3A_13 = arith.constant 64 : i32
    %add3A_14 = vector.broadcast %add3A_13 : i32 to vector<16xi32>
    %add3A_15 = arith.addi %iota3A, %add3A_14 : vector<16xi32>
    %add3A_16 = arith.constant 80 : i32
    %add3A_17 = vector.broadcast %add3A_16 : i32 to vector<16xi32>
    %add3A_18 = arith.addi %iota3A, %add3A_17 : vector<16xi32>
    %add3A_19 = arith.constant 96 : i32
    %add3A_20 = vector.broadcast %add3A_19 : i32 to vector<16xi32>
    %add3A_21 = arith.addi %iota3A, %add3A_20 : vector<16xi32>
    %add3A_22 = arith.constant 112 : i32
    %add3A_23 = vector.broadcast %add3A_22 : i32 to vector<16xi32>
    %add3A_24 = arith.addi %iota3A, %add3A_23 : vector<16xi32>
    %dma_start3A = arith.constant 0 : i32
    %dma_start3A_25 = arith.constant 0 : i32
    %dma_start3A_26 = tpu.memref_slice %arg5[%dma_start3A, %dma_start3A_25] : memref<26x128xi32, #tpu.memory_space<vmem>> -> memref<1x128xi32, #tpu.memory_space<vmem>>
    %dma_start3A_27 = tpu.memref_squeeze %dma_start3A_26 : memref<1x128xi32, #tpu.memory_space<vmem>> -> memref<128xi32, #tpu.memory_space<vmem>>
    %dma_start3A_28 = arith.constant 0 : i32
    %dma_start3A_29 = arith.constant 0 : i32
    %dma_start3A_30 = tpu.memref_slice %arg2[%dma_start3A_28, %dma_start3A_29] : memref<200000x64xf32, #tpu.memory_space<hbm>> -> memref<200000x64xf32, #tpu.memory_space<hbm>>
    tpu.enqueue_indirect_dma source(%dma_start3A_30 : memref<200000x64xf32, #tpu.memory_space<hbm>>) target(%arg6 : memref<128x64xf32, #tpu.memory_space<vmem>>) offsets(%dma_start3A_27 : memref<128xi32, #tpu.memory_space<vmem>>) semaphore(%arg11 : memref<!tpu.dma_semaphore, #tpu.memory_space<semaphore_mem>>)
    %dma_start3A_31 = arith.constant 1 : i32
    %dma_start3A_32 = arith.constant 0 : i32
    %dma_start3A_33 = tpu.memref_slice %arg5[%dma_start3A_31, %dma_start3A_32] : memref<26x128xi32, #tpu.memory_space<vmem>> -> memref<1x128xi32, #tpu.memory_space<vmem>>
    %dma_start3A_34 = tpu.memref_squeeze %dma_start3A_33 : memref<1x128xi32, #tpu.memory_space<vmem>> -> memref<128xi32, #tpu.memory_space<vmem>>
    %dma_start3A_35 = arith.constant 0 : i32
    %dma_start3A_36 = arith.constant 0 : i32
    %dma_start3A_37 = tpu.memref_slice %arg2[%dma_start3A_35, %dma_start3A_36] : memref<200000x64xf32, #tpu.memory_space<hbm>> -> memref<200000x64xf32, #tpu.memory_space<hbm>>
    tpu.enqueue_indirect_dma source(%dma_start3A_37 : memref<200000x64xf32, #tpu.memory_space<hbm>>) target(%arg7 : memref<128x64xf32, #tpu.memory_space<vmem>>) offsets(%dma_start3A_34 : memref<128xi32, #tpu.memory_space<vmem>>) semaphore(%arg12 : memref<!tpu.dma_semaphore, #tpu.memory_space<semaphore_mem>>)
    %scan3A = arith.constant 0 : i32
    %scan3A_38 = arith.constant 0 : i32
    %scan3A_39 = arith.constant 5 : i32
    %scan3A_40 = arith.addi %scan3A_38, %scan3A_39 : i32
    %scan3A_41 = arith.constant 1 : i32
    scf.for %scan3A_140 = %scan3A_38 to %scan3A_40 step %scan3A_41  : i32 {
      %mul3A_141 = arith.constant 6 : i32
      %mul3A_142 = arith.muli %scan3A_140, %mul3A_141 : i32
      %add3A_143 = arith.constant 0 : i32
      %add3A_144 = arith.addi %mul3A_142, %add3A_143 : i32
      %mul3A_145 = arith.constant 26 : i32
      %mul3A_146 = arith.muli %add3A, %mul3A_145 : i32
      %add3A_147 = arith.addi %mul3A_146, %add3A_144 : i32
      %jit3A_148 = arith.constant 32 : i32
      %div3A_149 = arith.divsi %add3A_147, %jit3A_148 : i32
      %sign3A_150 = arith.constant 0 : i32
      %sign3A_151 = arith.cmpi sgt, %add3A_147, %sign3A_150 : i32
      %sign3A_152 = arith.extui %sign3A_151 : i1 to i32
      %sign3A_153 = arith.constant 0 : i32
      %sign3A_154 = arith.cmpi slt, %add3A_147, %sign3A_153 : i32
      %sign3A_155 = arith.extui %sign3A_154 : i1 to i32
      %sign3A_156 = arith.subi %sign3A_152, %sign3A_155 : i32
      %sign3A_157 = arith.constant 0 : i32
      %sign3A_158 = arith.cmpi sgt, %jit3A_148, %sign3A_157 : i32
      %sign3A_159 = arith.extui %sign3A_158 : i1 to i32
      %sign3A_160 = arith.constant 0 : i32
      %sign3A_161 = arith.cmpi slt, %jit3A_148, %sign3A_160 : i32
      %sign3A_162 = arith.extui %sign3A_161 : i1 to i32
      %sign3A_163 = arith.subi %sign3A_159, %sign3A_162 : i32
      %ne3A_164 = arith.cmpi ne, %sign3A_156, %sign3A_163 : i32
      %rem3A_165 = arith.remsi %add3A_147, %jit3A_148 : i32
      %ne3A_166 = arith.constant 0 : i32
      %ne3A_167 = arith.cmpi ne, %rem3A_165, %ne3A_166 : i32
      %and3A_168 = arith.andi %ne3A_164, %ne3A_167 : i1
      %sub3A_169 = arith.constant 1 : i32
      %sub3A_170 = arith.subi %div3A_149, %sub3A_169 : i32
      %select_n3A_171 = arith.select %and3A_168, %sub3A_170, %div3A_149 : i32
      %jit3A_172 = arith.constant 32 : i32
      %eq3A_173 = arith.constant 0 : i32
      %eq3A_174 = arith.cmpi eq, %jit3A_172, %eq3A_173 : i32
      %jit3A_175 = arith.constant 1 : i32
      %select_n3A_176 = arith.select %eq3A_174, %jit3A_175, %jit3A_172 : i32
      %rem3A_177 = arith.remsi %add3A_147, %select_n3A_176 : i32
      %ne3A_178 = arith.constant 0 : i32
      %ne3A_179 = arith.cmpi ne, %rem3A_177, %ne3A_178 : i32
      %lt3A_180 = arith.constant 0 : i32
      %lt3A_181 = arith.cmpi slt, %rem3A_177, %lt3A_180 : i32
      %lt3A_182 = arith.constant 0 : i32
      %lt3A_183 = arith.cmpi slt, %select_n3A_176, %lt3A_182 : i32
      %ne3A_184 = arith.xori %lt3A_181, %lt3A_183 : i1
      %and3A_185 = arith.andi %ne3A_184, %ne3A_179 : i1
      %add3A_186 = arith.addi %rem3A_177, %select_n3A_176 : i32
      %select_n3A_187 = arith.select %and3A_185, %add3A_186, %rem3A_177 : i32
      %lt3A_188 = arith.constant 26 : i32
      %lt3A_189 = arith.cmpi slt, %add3A_144, %lt3A_188 : i32
      %convert_element_type3A = arith.extui %lt3A_189 : i1 to i32
      %cond3A = arith.constant 0 : i32
      %cond3A_190 = arith.cmpi ne, %convert_element_type3A, %cond3A : i32
      scf.if %cond3A_190 {
        %add3A_451 = arith.constant 3 : i32
        %add3A_452 = arith.addi %add3A_144, %add3A_451 : i32
        %sub3A_453 = arith.constant 1 : i32
        %sub3A_454 = arith.subi %add3A_452, %sub3A_453 : i32
        %lt3A_455 = arith.constant 26 : i32
        %lt3A_456 = arith.cmpi slt, %sub3A_454, %lt3A_455 : i32
        %convert_element_type3A_457 = arith.extui %lt3A_456 : i1 to i32
        %cond3A_458 = arith.constant 0 : i32
        %cond3A_459 = arith.cmpi ne, %convert_element_type3A_457, %cond3A_458 : i32
        scf.if %cond3A_459 {
          %dma_start3A_482 = arith.constant 0 : i32
          %dma_start3A_483 = tpu.memref_slice %arg5[%sub3A_454, %dma_start3A_482] : memref<26x128xi32, #tpu.memory_space<vmem>> -> memref<1x128xi32, #tpu.memory_space<vmem>>
          %dma_start3A_484 = tpu.memref_squeeze %dma_start3A_483 : memref<1x128xi32, #tpu.memory_space<vmem>> -> memref<128xi32, #tpu.memory_space<vmem>>
          %dma_start3A_485 = arith.constant 0 : i32
          %dma_start3A_486 = arith.constant 0 : i32
          %dma_start3A_487 = tpu.memref_slice %arg2[%dma_start3A_485, %dma_start3A_486] : memref<200000x64xf32, #tpu.memory_space<hbm>> -> memref<200000x64xf32, #tpu.memory_space<hbm>>
          tpu.enqueue_indirect_dma source(%dma_start3A_487 : memref<200000x64xf32, #tpu.memory_space<hbm>>) target(%arg8 : memref<128x64xf32, #tpu.memory_space<vmem>>) offsets(%dma_start3A_484 : memref<128xi32, #tpu.memory_space<vmem>>) semaphore(%arg13 : memref<!tpu.dma_semaphore, #tpu.memory_space<semaphore_mem>>)
        } else {
        }
        %dma_wait3A_460 = arith.constant 0 : i32
        %dma_wait3A_461 = tpu.memref_slice %arg5[%add3A_144, %dma_wait3A_460] : memref<26x128xi32, #tpu.memory_space<vmem>> -> memref<1x128xi32, #tpu.memory_space<vmem>>
        %dma_wait3A_462 = tpu.memref_squeeze %dma_wait3A_461 : memref<1x128xi32, #tpu.memory_space<vmem>> -> memref<128xi32, #tpu.memory_space<vmem>>
        %dma_wait3A_463 = arith.constant 0 : i32
        %dma_wait3A_464 = arith.constant 0 : i32
        %dma_wait3A_465 = tpu.memref_slice %arg2[%dma_wait3A_463, %dma_wait3A_464] : memref<200000x64xf32, #tpu.memory_space<hbm>> -> memref<200000x64xf32, #tpu.memory_space<hbm>>
        tpu.wait_indirect_dma semaphore(%arg11 : memref<!tpu.dma_semaphore, #tpu.memory_space<semaphore_mem>>) src(%dma_wait3A_465 : memref<200000x64xf32, #tpu.memory_space<hbm>>) dst(%arg6 : memref<128x64xf32, #tpu.memory_space<vmem>>)
        %ge3A = arith.constant 2 : i32
        %ge3A_466 = arith.cmpi sge, %add3A_144, %ge3A : i32
        %convert_element_type3A_467 = arith.extui %ge3A_466 : i1 to i32
        %cond3A_468 = arith.constant 0 : i32
        %cond3A_469 = arith.cmpi ne, %convert_element_type3A_467, %cond3A_468 : i32
        scf.if %cond3A_469 {
          %dma_wait3A_482 = arith.constant 0 : i32
          %dma_wait3A_483 = arith.constant 0 : i32
          %dma_wait3A_484 = arith.constant 0 : i32
          %dma_wait3A_485 = tpu.memref_slice %arg4[%select_n3A_171, %dma_wait3A_482, %select_n3A_187, %dma_wait3A_483, %dma_wait3A_484] : memref<26x8x32x8x128xf32, #tpu.memory_space<hbm>> -> memref<1x8x1x8x128xf32, #tpu.memory_space<hbm>>
          %dma_wait3A_486 = tpu.memref_squeeze %dma_wait3A_485 : memref<1x8x1x8x128xf32, #tpu.memory_space<hbm>> -> memref<8x8x128xf32, #tpu.memory_space<hbm>>
          %dma_wait3A_487 = arith.constant 0 : i32
          %dma_wait3A_488 = arith.constant 0 : i32
          %dma_wait3A_489 = arith.constant 0 : i32
          %dma_wait3A_490 = tpu.memref_slice %arg4[%select_n3A_171, %dma_wait3A_487, %select_n3A_187, %dma_wait3A_488, %dma_wait3A_489] : memref<26x8x32x8x128xf32, #tpu.memory_space<hbm>> -> memref<1x8x1x8x128xf32, #tpu.memory_space<hbm>>
          %dma_wait3A_491 = tpu.memref_squeeze %dma_wait3A_490 : memref<1x8x1x8x128xf32, #tpu.memory_space<hbm>> -> memref<8x8x128xf32, #tpu.memory_space<hbm>>
          tpu.wait_dma2 semaphore(%arg14 : memref<!tpu.dma_semaphore, #tpu.memory_space<semaphore_mem>>) src(%arg9 : memref<8x8x128xf32, #tpu.memory_space<vmem>>) dst(%dma_wait3A_491 : memref<8x8x128xf32, #tpu.memory_space<hbm>>)
        } else {
        }
        %parallel_loop3A = arith.constant 0 : i32
        %parallel_loop3A_470 = arith.constant 64 : i32
        %parallel_loop3A_471 = arith.constant 1 : i32
        scf.for %parallel_loop3A_482 = %parallel_loop3A to %parallel_loop3A_470 step %parallel_loop3A_471  : i32 {
          %parallel_loop3A_483 = vector.broadcast %parallel_loop3A_482 : i32 to vector<16xi32>
          %parallel_loop3A_484 = arith.addi %parallel_loop3A_483, %iota3A : vector<16xi32>
          %parallel_loop3A_485 = arith.constant 63 : i32
          %parallel_loop3A_486 = vector.broadcast %parallel_loop3A_485 : i32 to vector<16xi32>
          %parallel_loop3A_487 = arith.andi %parallel_loop3A_484, %parallel_loop3A_486 : vector<16xi32>
          %parallel_loop3A_488 = arith.constant 3 : i32
          %parallel_loop3A_489 = vector.broadcast %parallel_loop3A_488 : i32 to vector<16xi32>
          %parallel_loop3A_490 = arith.shrsi %parallel_loop3A_487, %parallel_loop3A_489 : vector<16xi32>
          %parallel_loop3A_491 = arith.constant 7 : i32
          %parallel_loop3A_492 = vector.broadcast %parallel_loop3A_491 : i32 to vector<16xi32>
          %parallel_loop3A_493 = arith.andi %parallel_loop3A_487, %parallel_loop3A_492 : vector<16xi32>
          %parallel_loop3A_494 = tpu.vector_load_idx %arg6[%add3A_3, %parallel_loop3A_487] : memref<128x64xf32, #tpu.memory_space<vmem>>[vector<16xi32>, vector<16xi32>], vector<16xf32>,
          tpu.vector_store_idx %arg9[%parallel_loop3A_490, %parallel_loop3A_493, %add3A_3], %parallel_loop3A_494 : memref<8x8x128xf32, #tpu.memory_space<vmem>>[vector<16xi32>, vector<16xi32>, vector<16xi32>], vector<16xf32>,
          %parallel_loop3A_495 = tpu.vector_load_idx %arg6[%add3A_6, %parallel_loop3A_487] : memref<128x64xf32, #tpu.memory_space<vmem>>[vector<16xi32>, vector<16xi32>], vector<16xf32>,
          tpu.vector_store_idx %arg9[%parallel_loop3A_490, %parallel_loop3A_493, %add3A_6], %parallel_loop3A_495 : memref<8x8x128xf32, #tpu.memory_space<vmem>>[vector<16xi32>, vector<16xi32>, vector<16xi32>], vector<16xf32>,
          %parallel_loop3A_496 = tpu.vector_load_idx %arg6[%add3A_9, %parallel_loop3A_487] : memref<128x64xf32, #tpu.memory_space<vmem>>[vector<16xi32>, vector<16xi32>], vector<16xf32>,
          tpu.vector_store_idx %arg9[%parallel_loop3A_490, %parallel_loop3A_493, %add3A_9], %parallel_loop3A_496 : memref<8x8x128xf32, #tpu.memory_space<vmem>>[vector<16xi32>, vector<16xi32>, vector<16xi32>], vector<16xf32>,
          %parallel_loop3A_497 = tpu.vector_load_idx %arg6[%add3A_12, %parallel_loop3A_487] : memref<128x64xf32, #tpu.memory_space<vmem>>[vector<16xi32>, vector<16xi32>], vector<16xf32>,
          tpu.vector_store_idx %arg9[%parallel_loop3A_490, %parallel_loop3A_493, %add3A_12], %parallel_loop3A_497 : memref<8x8x128xf32, #tpu.memory_space<vmem>>[vector<16xi32>, vector<16xi32>, vector<16xi32>], vector<16xf32>,
          %parallel_loop3A_498 = tpu.vector_load_idx %arg6[%add3A_15, %parallel_loop3A_487] : memref<128x64xf32, #tpu.memory_space<vmem>>[vector<16xi32>, vector<16xi32>], vector<16xf32>,
          tpu.vector_store_idx %arg9[%parallel_loop3A_490, %parallel_loop3A_493, %add3A_15], %parallel_loop3A_498 : memref<8x8x128xf32, #tpu.memory_space<vmem>>[vector<16xi32>, vector<16xi32>, vector<16xi32>], vector<16xf32>,
          %parallel_loop3A_499 = tpu.vector_load_idx %arg6[%add3A_18, %parallel_loop3A_487] : memref<128x64xf32, #tpu.memory_space<vmem>>[vector<16xi32>, vector<16xi32>], vector<16xf32>,
          tpu.vector_store_idx %arg9[%parallel_loop3A_490, %parallel_loop3A_493, %add3A_18], %parallel_loop3A_499 : memref<8x8x128xf32, #tpu.memory_space<vmem>>[vector<16xi32>, vector<16xi32>, vector<16xi32>], vector<16xf32>,
          %parallel_loop3A_500 = tpu.vector_load_idx %arg6[%add3A_21, %parallel_loop3A_487] : memref<128x64xf32, #tpu.memory_space<vmem>>[vector<16xi32>, vector<16xi32>], vector<16xf32>,
          tpu.vector_store_idx %arg9[%parallel_loop3A_490, %parallel_loop3A_493, %add3A_21], %parallel_loop3A_500 : memref<8x8x128xf32, #tpu.memory_space<vmem>>[vector<16xi32>, vector<16xi32>, vector<16xi32>], vector<16xf32>,
          %parallel_loop3A_501 = tpu.vector_load_idx %arg6[%add3A_24, %parallel_loop3A_487] : memref<128x64xf32, #tpu.memory_space<vmem>>[vector<16xi32>, vector<16xi32>], vector<16xf32>,
          tpu.vector_store_idx %arg9[%parallel_loop3A_490, %parallel_loop3A_493, %add3A_24], %parallel_loop3A_501 : memref<8x8x128xf32, #tpu.memory_space<vmem>>[vector<16xi32>, vector<16xi32>, vector<16xi32>], vector<16xf32>,
        } {sc.loop_unroll_factor = 8 : i64, sc.parallel_access}
        %dma_start3A_472 = arith.constant 0 : i32
        %dma_start3A_473 = arith.constant 0 : i32
        %dma_start3A_474 = arith.constant 0 : i32
        %dma_start3A_475 = tpu.memref_slice %arg4[%select_n3A_171, %dma_start3A_472, %select_n3A_187, %dma_start3A_473, %dma_start3A_474] : memref<26x8x32x8x128xf32, #tpu.memory_space<hbm>> -> memref<1x8x1x8x128xf32, #tpu.memory_space<hbm>>
        %dma_start3A_476 = tpu.memref_squeeze %dma_start3A_475 : memref<1x8x1x8x128xf32, #tpu.memory_space<hbm>> -> memref<8x8x128xf32, #tpu.memory_space<hbm>>
        %dma_start3A_477 = arith.constant 0 : i32
        %dma_start3A_478 = arith.constant 0 : i32
        %dma_start3A_479 = arith.constant 0 : i32
        %dma_start3A_480 = tpu.memref_slice %arg4[%select_n3A_171, %dma_start3A_477, %select_n3A_187, %dma_start3A_478, %dma_start3A_479] : memref<26x8x32x8x128xf32, #tpu.memory_space<hbm>> -> memref<1x8x1x8x128xf32, #tpu.memory_space<hbm>>
        %dma_start3A_481 = tpu.memref_squeeze %dma_start3A_480 : memref<1x8x1x8x128xf32, #tpu.memory_space<hbm>> -> memref<8x8x128xf32, #tpu.memory_space<hbm>>
        tpu.enqueue_dma source(%arg9 : memref<8x8x128xf32, #tpu.memory_space<vmem>>) target(%dma_start3A_481 : memref<8x8x128xf32, #tpu.memory_space<hbm>>) target_semaphore(%arg14 : memref<!tpu.dma_semaphore, #tpu.memory_space<semaphore_mem>>)
      } else {
      }
      %mul3A_191 = arith.constant 6 : i32
      %mul3A_192 = arith.muli %scan3A_140, %mul3A_191 : i32
      %add3A_193 = arith.constant 1 : i32
      %add3A_194 = arith.addi %mul3A_192, %add3A_193 : i32
      %mul3A_195 = arith.constant 26 : i32
      %mul3A_196 = arith.muli %add3A, %mul3A_195 : i32
      %add3A_197 = arith.addi %mul3A_196, %add3A_194 : i32
      %jit3A_198 = arith.constant 32 : i32
      %div3A_199 = arith.divsi %add3A_197, %jit3A_198 : i32
      %sign3A_200 = arith.constant 0 : i32
      %sign3A_201 = arith.cmpi sgt, %add3A_197, %sign3A_200 : i32
      %sign3A_202 = arith.extui %sign3A_201 : i1 to i32
      %sign3A_203 = arith.constant 0 : i32
      %sign3A_204 = arith.cmpi slt, %add3A_197, %sign3A_203 : i32
      %sign3A_205 = arith.extui %sign3A_204 : i1 to i32
      %sign3A_206 = arith.subi %sign3A_202, %sign3A_205 : i32
      %sign3A_207 = arith.constant 0 : i32
      %sign3A_208 = arith.cmpi sgt, %jit3A_198, %sign3A_207 : i32
      %sign3A_209 = arith.extui %sign3A_208 : i1 to i32
      %sign3A_210 = arith.constant 0 : i32
      %sign3A_211 = arith.cmpi slt, %jit3A_198, %sign3A_210 : i32
      %sign3A_212 = arith.extui %sign3A_211 : i1 to i32
      %sign3A_213 = arith.subi %sign3A_209, %sign3A_212 : i32
      %ne3A_214 = arith.cmpi ne, %sign3A_206, %sign3A_213 : i32
      %rem3A_215 = arith.remsi %add3A_197, %jit3A_198 : i32
      %ne3A_216 = arith.constant 0 : i32
      %ne3A_217 = arith.cmpi ne, %rem3A_215, %ne3A_216 : i32
      %and3A_218 = arith.andi %ne3A_214, %ne3A_217 : i1
      %sub3A_219 = arith.constant 1 : i32
      %sub3A_220 = arith.subi %div3A_199, %sub3A_219 : i32
      %select_n3A_221 = arith.select %and3A_218, %sub3A_220, %div3A_199 : i32
      %jit3A_222 = arith.constant 32 : i32
      %eq3A_223 = arith.constant 0 : i32
      %eq3A_224 = arith.cmpi eq, %jit3A_222, %eq3A_223 : i32
      %jit3A_225 = arith.constant 1 : i32
      %select_n3A_226 = arith.select %eq3A_224, %jit3A_225, %jit3A_222 : i32
      %rem3A_227 = arith.remsi %add3A_197, %select_n3A_226 : i32
      %ne3A_228 = arith.constant 0 : i32
      %ne3A_229 = arith.cmpi ne, %rem3A_227, %ne3A_228 : i32
      %lt3A_230 = arith.constant 0 : i32
      %lt3A_231 = arith.cmpi slt, %rem3A_227, %lt3A_230 : i32
      %lt3A_232 = arith.constant 0 : i32
      %lt3A_233 = arith.cmpi slt, %select_n3A_226, %lt3A_232 : i32
      %ne3A_234 = arith.xori %lt3A_231, %lt3A_233 : i1
      %and3A_235 = arith.andi %ne3A_234, %ne3A_229 : i1
      %add3A_236 = arith.addi %rem3A_227, %select_n3A_226 : i32
      %select_n3A_237 = arith.select %and3A_235, %add3A_236, %rem3A_227 : i32
      %lt3A_238 = arith.constant 26 : i32
      %lt3A_239 = arith.cmpi slt, %add3A_194, %lt3A_238 : i32
      %convert_element_type3A_240 = arith.extui %lt3A_239 : i1 to i32
      %cond3A_241 = arith.constant 0 : i32
      %cond3A_242 = arith.cmpi ne, %convert_element_type3A_240, %cond3A_241 : i32
      scf.if %cond3A_242 {
        %add3A_451 = arith.constant 3 : i32
        %add3A_452 = arith.addi %add3A_194, %add3A_451 : i32
        %sub3A_453 = arith.constant 1 : i32
        %sub3A_454 = arith.subi %add3A_452, %sub3A_453 : i32
        %lt3A_455 = arith.constant 26 : i32
        %lt3A_456 = arith.cmpi slt, %sub3A_454, %lt3A_455 : i32
        %convert_element_type3A_457 = arith.extui %lt3A_456 : i1 to i32
        %cond3A_458 = arith.constant 0 : i32
        %cond3A_459 = arith.cmpi ne, %convert_element_type3A_457, %cond3A_458 : i32
        scf.if %cond3A_459 {
          %dma_start3A_482 = arith.constant 0 : i32
          %dma_start3A_483 = tpu.memref_slice %arg5[%sub3A_454, %dma_start3A_482] : memref<26x128xi32, #tpu.memory_space<vmem>> -> memref<1x128xi32, #tpu.memory_space<vmem>>
          %dma_start3A_484 = tpu.memref_squeeze %dma_start3A_483 : memref<1x128xi32, #tpu.memory_space<vmem>> -> memref<128xi32, #tpu.memory_space<vmem>>
          %dma_start3A_485 = arith.constant 0 : i32
          %dma_start3A_486 = arith.constant 0 : i32
          %dma_start3A_487 = tpu.memref_slice %arg2[%dma_start3A_485, %dma_start3A_486] : memref<200000x64xf32, #tpu.memory_space<hbm>> -> memref<200000x64xf32, #tpu.memory_space<hbm>>
          tpu.enqueue_indirect_dma source(%dma_start3A_487 : memref<200000x64xf32, #tpu.memory_space<hbm>>) target(%arg6 : memref<128x64xf32, #tpu.memory_space<vmem>>) offsets(%dma_start3A_484 : memref<128xi32, #tpu.memory_space<vmem>>) semaphore(%arg11 : memref<!tpu.dma_semaphore, #tpu.memory_space<semaphore_mem>>)
        } else {
        }
        %dma_wait3A_460 = arith.constant 0 : i32
        %dma_wait3A_461 = tpu.memref_slice %arg5[%add3A_194, %dma_wait3A_460] : memref<26x128xi32, #tpu.memory_space<vmem>> -> memref<1x128xi32, #tpu.memory_space<vmem>>
        %dma_wait3A_462 = tpu.memref_squeeze %dma_wait3A_461 : memref<1x128xi32, #tpu.memory_space<vmem>> -> memref<128xi32, #tpu.memory_space<vmem>>
        %dma_wait3A_463 = arith.constant 0 : i32
        %dma_wait3A_464 = arith.constant 0 : i32
        %dma_wait3A_465 = tpu.memref_slice %arg2[%dma_wait3A_463, %dma_wait3A_464] : memref<200000x64xf32, #tpu.memory_space<hbm>> -> memref<200000x64xf32, #tpu.memory_space<hbm>>
        tpu.wait_indirect_dma semaphore(%arg12 : memref<!tpu.dma_semaphore, #tpu.memory_space<semaphore_mem>>) src(%dma_wait3A_465 : memref<200000x64xf32, #tpu.memory_space<hbm>>) dst(%arg7 : memref<128x64xf32, #tpu.memory_space<vmem>>)
        %ge3A = arith.constant 2 : i32
        %ge3A_466 = arith.cmpi sge, %add3A_194, %ge3A : i32
        %convert_element_type3A_467 = arith.extui %ge3A_466 : i1 to i32
        %cond3A_468 = arith.constant 0 : i32
        %cond3A_469 = arith.cmpi ne, %convert_element_type3A_467, %cond3A_468 : i32
        scf.if %cond3A_469 {
          %dma_wait3A_482 = arith.constant 0 : i32
          %dma_wait3A_483 = arith.constant 0 : i32
          %dma_wait3A_484 = arith.constant 0 : i32
          %dma_wait3A_485 = tpu.memref_slice %arg4[%select_n3A_221, %dma_wait3A_482, %select_n3A_237, %dma_wait3A_483, %dma_wait3A_484] : memref<26x8x32x8x128xf32, #tpu.memory_space<hbm>> -> memref<1x8x1x8x128xf32, #tpu.memory_space<hbm>>
          %dma_wait3A_486 = tpu.memref_squeeze %dma_wait3A_485 : memref<1x8x1x8x128xf32, #tpu.memory_space<hbm>> -> memref<8x8x128xf32, #tpu.memory_space<hbm>>
          %dma_wait3A_487 = arith.constant 0 : i32
          %dma_wait3A_488 = arith.constant 0 : i32
          %dma_wait3A_489 = arith.constant 0 : i32
          %dma_wait3A_490 = tpu.memref_slice %arg4[%select_n3A_221, %dma_wait3A_487, %select_n3A_237, %dma_wait3A_488, %dma_wait3A_489] : memref<26x8x32x8x128xf32, #tpu.memory_space<hbm>> -> memref<1x8x1x8x128xf32, #tpu.memory_space<hbm>>
          %dma_wait3A_491 = tpu.memref_squeeze %dma_wait3A_490 : memref<1x8x1x8x128xf32, #tpu.memory_space<hbm>> -> memref<8x8x128xf32, #tpu.memory_space<hbm>>
          tpu.wait_dma2 semaphore(%arg15 : memref<!tpu.dma_semaphore, #tpu.memory_space<semaphore_mem>>) src(%arg10 : memref<8x8x128xf32, #tpu.memory_space<vmem>>) dst(%dma_wait3A_491 : memref<8x8x128xf32, #tpu.memory_space<hbm>>)
        } else {
        }
        %parallel_loop3A = arith.constant 0 : i32
        %parallel_loop3A_470 = arith.constant 64 : i32
        %parallel_loop3A_471 = arith.constant 1 : i32
        scf.for %parallel_loop3A_482 = %parallel_loop3A to %parallel_loop3A_470 step %parallel_loop3A_471  : i32 {
          %parallel_loop3A_483 = vector.broadcast %parallel_loop3A_482 : i32 to vector<16xi32>
          %parallel_loop3A_484 = arith.addi %parallel_loop3A_483, %iota3A : vector<16xi32>
          %parallel_loop3A_485 = arith.constant 63 : i32
          %parallel_loop3A_486 = vector.broadcast %parallel_loop3A_485 : i32 to vector<16xi32>
          %parallel_loop3A_487 = arith.andi %parallel_loop3A_484, %parallel_loop3A_486 : vector<16xi32>
          %parallel_loop3A_488 = arith.constant 3 : i32
          %parallel_loop3A_489 = vector.broadcast %parallel_loop3A_488 : i32 to vector<16xi32>
          %parallel_loop3A_490 = arith.shrsi %parallel_loop3A_487, %parallel_loop3A_489 : vector<16xi32>
          %parallel_loop3A_491 = arith.constant 7 : i32
          %parallel_loop3A_492 = vector.broadcast %parallel_loop3A_491 : i32 to vector<16xi32>
          %parallel_loop3A_493 = arith.andi %parallel_loop3A_487, %parallel_loop3A_492 : vector<16xi32>
          %parallel_loop3A_494 = tpu.vector_load_idx %arg7[%add3A_3, %parallel_loop3A_487] : memref<128x64xf32, #tpu.memory_space<vmem>>[vector<16xi32>, vector<16xi32>], vector<16xf32>,
          tpu.vector_store_idx %arg10[%parallel_loop3A_490, %parallel_loop3A_493, %add3A_3], %parallel_loop3A_494 : memref<8x8x128xf32, #tpu.memory_space<vmem>>[vector<16xi32>, vector<16xi32>, vector<16xi32>], vector<16xf32>,
          %parallel_loop3A_495 = tpu.vector_load_idx %arg7[%add3A_6, %parallel_loop3A_487] : memref<128x64xf32, #tpu.memory_space<vmem>>[vector<16xi32>, vector<16xi32>], vector<16xf32>,
          tpu.vector_store_idx %arg10[%parallel_loop3A_490, %parallel_loop3A_493, %add3A_6], %parallel_loop3A_495 : memref<8x8x128xf32, #tpu.memory_space<vmem>>[vector<16xi32>, vector<16xi32>, vector<16xi32>], vector<16xf32>,
          %parallel_loop3A_496 = tpu.vector_load_idx %arg7[%add3A_9, %parallel_loop3A_487] : memref<128x64xf32, #tpu.memory_space<vmem>>[vector<16xi32>, vector<16xi32>], vector<16xf32>,
          tpu.vector_store_idx %arg10[%parallel_loop3A_490, %parallel_loop3A_493, %add3A_9], %parallel_loop3A_496 : memref<8x8x128xf32, #tpu.memory_space<vmem>>[vector<16xi32>, vector<16xi32>, vector<16xi32>], vector<16xf32>,
          %parallel_loop3A_497 = tpu.vector_load_idx %arg7[%add3A_12, %parallel_loop3A_487] : memref<128x64xf32, #tpu.memory_space<vmem>>[vector<16xi32>, vector<16xi32>], vector<16xf32>,
          tpu.vector_store_idx %arg10[%parallel_loop3A_490, %parallel_loop3A_493, %add3A_12], %parallel_loop3A_497 : memref<8x8x128xf32, #tpu.memory_space<vmem>>[vector<16xi32>, vector<16xi32>, vector<16xi32>], vector<16xf32>,
          %parallel_loop3A_498 = tpu.vector_load_idx %arg7[%add3A_15, %parallel_loop3A_487] : memref<128x64xf32, #tpu.memory_space<vmem>>[vector<16xi32>, vector<16xi32>], vector<16xf32>,
          tpu.vector_store_idx %arg10[%parallel_loop3A_490, %parallel_loop3A_493, %add3A_15], %parallel_loop3A_498 : memref<8x8x128xf32, #tpu.memory_space<vmem>>[vector<16xi32>, vector<16xi32>, vector<16xi32>], vector<16xf32>,
          %parallel_loop3A_499 = tpu.vector_load_idx %arg7[%add3A_18, %parallel_loop3A_487] : memref<128x64xf32, #tpu.memory_space<vmem>>[vector<16xi32>, vector<16xi32>], vector<16xf32>,
          tpu.vector_store_idx %arg10[%parallel_loop3A_490, %parallel_loop3A_493, %add3A_18], %parallel_loop3A_499 : memref<8x8x128xf32, #tpu.memory_space<vmem>>[vector<16xi32>, vector<16xi32>, vector<16xi32>], vector<16xf32>,
          %parallel_loop3A_500 = tpu.vector_load_idx %arg7[%add3A_21, %parallel_loop3A_487] : memref<128x64xf32, #tpu.memory_space<vmem>>[vector<16xi32>, vector<16xi32>], vector<16xf32>,
          tpu.vector_store_idx %arg10[%parallel_loop3A_490, %parallel_loop3A_493, %add3A_21], %parallel_loop3A_500 : memref<8x8x128xf32, #tpu.memory_space<vmem>>[vector<16xi32>, vector<16xi32>, vector<16xi32>], vector<16xf32>,
          %parallel_loop3A_501 = tpu.vector_load_idx %arg7[%add3A_24, %parallel_loop3A_487] : memref<128x64xf32, #tpu.memory_space<vmem>>[vector<16xi32>, vector<16xi32>], vector<16xf32>,
          tpu.vector_store_idx %arg10[%parallel_loop3A_490, %parallel_loop3A_493, %add3A_24], %parallel_loop3A_501 : memref<8x8x128xf32, #tpu.memory_space<vmem>>[vector<16xi32>, vector<16xi32>, vector<16xi32>], vector<16xf32>,
        } {sc.loop_unroll_factor = 8 : i64, sc.parallel_access}
        %dma_start3A_472 = arith.constant 0 : i32
        %dma_start3A_473 = arith.constant 0 : i32
        %dma_start3A_474 = arith.constant 0 : i32
        %dma_start3A_475 = tpu.memref_slice %arg4[%select_n3A_221, %dma_start3A_472, %select_n3A_237, %dma_start3A_473, %dma_start3A_474] : memref<26x8x32x8x128xf32, #tpu.memory_space<hbm>> -> memref<1x8x1x8x128xf32, #tpu.memory_space<hbm>>
        %dma_start3A_476 = tpu.memref_squeeze %dma_start3A_475 : memref<1x8x1x8x128xf32, #tpu.memory_space<hbm>> -> memref<8x8x128xf32, #tpu.memory_space<hbm>>
        %dma_start3A_477 = arith.constant 0 : i32
        %dma_start3A_478 = arith.constant 0 : i32
        %dma_start3A_479 = arith.constant 0 : i32
        %dma_start3A_480 = tpu.memref_slice %arg4[%select_n3A_221, %dma_start3A_477, %select_n3A_237, %dma_start3A_478, %dma_start3A_479] : memref<26x8x32x8x128xf32, #tpu.memory_space<hbm>> -> memref<1x8x1x8x128xf32, #tpu.memory_space<hbm>>
        %dma_start3A_481 = tpu.memref_squeeze %dma_start3A_480 : memref<1x8x1x8x128xf32, #tpu.memory_space<hbm>> -> memref<8x8x128xf32, #tpu.memory_space<hbm>>
        tpu.enqueue_dma source(%arg10 : memref<8x8x128xf32, #tpu.memory_space<vmem>>) target(%dma_start3A_481 : memref<8x8x128xf32, #tpu.memory_space<hbm>>) target_semaphore(%arg15 : memref<!tpu.dma_semaphore, #tpu.memory_space<semaphore_mem>>)
      } else {
      }
      %mul3A_243 = arith.constant 6 : i32
      %mul3A_244 = arith.muli %scan3A_140, %mul3A_243 : i32
      %add3A_245 = arith.constant 2 : i32
      %add3A_246 = arith.addi %mul3A_244, %add3A_245 : i32
      %mul3A_247 = arith.constant 26 : i32
      %mul3A_248 = arith.muli %add3A, %mul3A_247 : i32
      %add3A_249 = arith.addi %mul3A_248, %add3A_246 : i32
      %jit3A_250 = arith.constant 32 : i32
      %div3A_251 = arith.divsi %add3A_249, %jit3A_250 : i32
      %sign3A_252 = arith.constant 0 : i32
      %sign3A_253 = arith.cmpi sgt, %add3A_249, %sign3A_252 : i32
      %sign3A_254 = arith.extui %sign3A_253 : i1 to i32
      %sign3A_255 = arith.constant 0 : i32
      %sign3A_256 = arith.cmpi slt, %add3A_249, %sign3A_255 : i32
      %sign3A_257 = arith.extui %sign3A_256 : i1 to i32
      %sign3A_258 = arith.subi %sign3A_254, %sign3A_257 : i32
      %sign3A_259 = arith.constant 0 : i32
      %sign3A_260 = arith.cmpi sgt, %jit3A_250, %sign3A_259 : i32
      %sign3A_261 = arith.extui %sign3A_260 : i1 to i32
      %sign3A_262 = arith.constant 0 : i32
      %sign3A_263 = arith.cmpi slt, %jit3A_250, %sign3A_262 : i32
      %sign3A_264 = arith.extui %sign3A_263 : i1 to i32
      %sign3A_265 = arith.subi %sign3A_261, %sign3A_264 : i32
      %ne3A_266 = arith.cmpi ne, %sign3A_258, %sign3A_265 : i32
      %rem3A_267 = arith.remsi %add3A_249, %jit3A_250 : i32
      %ne3A_268 = arith.constant 0 : i32
      %ne3A_269 = arith.cmpi ne, %rem3A_267, %ne3A_268 : i32
      %and3A_270 = arith.andi %ne3A_266, %ne3A_269 : i1
      %sub3A_271 = arith.constant 1 : i32
      %sub3A_272 = arith.subi %div3A_251, %sub3A_271 : i32
      %select_n3A_273 = arith.select %and3A_270, %sub3A_272, %div3A_251 : i32
      %jit3A_274 = arith.constant 32 : i32
      %eq3A_275 = arith.constant 0 : i32
      %eq3A_276 = arith.cmpi eq, %jit3A_274, %eq3A_275 : i32
      %jit3A_277 = arith.constant 1 : i32
      %select_n3A_278 = arith.select %eq3A_276, %jit3A_277, %jit3A_274 : i32
      %rem3A_279 = arith.remsi %add3A_249, %select_n3A_278 : i32
      %ne3A_280 = arith.constant 0 : i32
      %ne3A_281 = arith.cmpi ne, %rem3A_279, %ne3A_280 : i32
      %lt3A_282 = arith.constant 0 : i32
      %lt3A_283 = arith.cmpi slt, %rem3A_279, %lt3A_282 : i32
      %lt3A_284 = arith.constant 0 : i32
      %lt3A_285 = arith.cmpi slt, %select_n3A_278, %lt3A_284 : i32
      %ne3A_286 = arith.xori %lt3A_283, %lt3A_285 : i1
      %and3A_287 = arith.andi %ne3A_286, %ne3A_281 : i1
      %add3A_288 = arith.addi %rem3A_279, %select_n3A_278 : i32
      %select_n3A_289 = arith.select %and3A_287, %add3A_288, %rem3A_279 : i32
      %lt3A_290 = arith.constant 26 : i32
      %lt3A_291 = arith.cmpi slt, %add3A_246, %lt3A_290 : i32
      %convert_element_type3A_292 = arith.extui %lt3A_291 : i1 to i32
      %cond3A_293 = arith.constant 0 : i32
      %cond3A_294 = arith.cmpi ne, %convert_element_type3A_292, %cond3A_293 : i32
      scf.if %cond3A_294 {
        %add3A_451 = arith.constant 3 : i32
        %add3A_452 = arith.addi %add3A_246, %add3A_451 : i32
        %sub3A_453 = arith.constant 1 : i32
        %sub3A_454 = arith.subi %add3A_452, %sub3A_453 : i32
        %lt3A_455 = arith.constant 26 : i32
        %lt3A_456 = arith.cmpi slt, %sub3A_454, %lt3A_455 : i32
        %convert_element_type3A_457 = arith.extui %lt3A_456 : i1 to i32
        %cond3A_458 = arith.constant 0 : i32
        %cond3A_459 = arith.cmpi ne, %convert_element_type3A_457, %cond3A_458 : i32
        scf.if %cond3A_459 {
          %dma_start3A_482 = arith.constant 0 : i32
          %dma_start3A_483 = tpu.memref_slice %arg5[%sub3A_454, %dma_start3A_482] : memref<26x128xi32, #tpu.memory_space<vmem>> -> memref<1x128xi32, #tpu.memory_space<vmem>>
          %dma_start3A_484 = tpu.memref_squeeze %dma_start3A_483 : memref<1x128xi32, #tpu.memory_space<vmem>> -> memref<128xi32, #tpu.memory_space<vmem>>
          %dma_start3A_485 = arith.constant 0 : i32
          %dma_start3A_486 = arith.constant 0 : i32
          %dma_start3A_487 = tpu.memref_slice %arg2[%dma_start3A_485, %dma_start3A_486] : memref<200000x64xf32, #tpu.memory_space<hbm>> -> memref<200000x64xf32, #tpu.memory_space<hbm>>
          tpu.enqueue_indirect_dma source(%dma_start3A_487 : memref<200000x64xf32, #tpu.memory_space<hbm>>) target(%arg7 : memref<128x64xf32, #tpu.memory_space<vmem>>) offsets(%dma_start3A_484 : memref<128xi32, #tpu.memory_space<vmem>>) semaphore(%arg12 : memref<!tpu.dma_semaphore, #tpu.memory_space<semaphore_mem>>)
        } else {
        }
        %dma_wait3A_460 = arith.constant 0 : i32
        %dma_wait3A_461 = tpu.memref_slice %arg5[%add3A_246, %dma_wait3A_460] : memref<26x128xi32, #tpu.memory_space<vmem>> -> memref<1x128xi32, #tpu.memory_space<vmem>>
        %dma_wait3A_462 = tpu.memref_squeeze %dma_wait3A_461 : memref<1x128xi32, #tpu.memory_space<vmem>> -> memref<128xi32, #tpu.memory_space<vmem>>
        %dma_wait3A_463 = arith.constant 0 : i32
        %dma_wait3A_464 = arith.constant 0 : i32
        %dma_wait3A_465 = tpu.memref_slice %arg2[%dma_wait3A_463, %dma_wait3A_464] : memref<200000x64xf32, #tpu.memory_space<hbm>> -> memref<200000x64xf32, #tpu.memory_space<hbm>>
        tpu.wait_indirect_dma semaphore(%arg13 : memref<!tpu.dma_semaphore, #tpu.memory_space<semaphore_mem>>) src(%dma_wait3A_465 : memref<200000x64xf32, #tpu.memory_space<hbm>>) dst(%arg8 : memref<128x64xf32, #tpu.memory_space<vmem>>)
        %ge3A = arith.constant 2 : i32
        %ge3A_466 = arith.cmpi sge, %add3A_246, %ge3A : i32
        %convert_element_type3A_467 = arith.extui %ge3A_466 : i1 to i32
        %cond3A_468 = arith.constant 0 : i32
        %cond3A_469 = arith.cmpi ne, %convert_element_type3A_467, %cond3A_468 : i32
        scf.if %cond3A_469 {
          %dma_wait3A_482 = arith.constant 0 : i32
          %dma_wait3A_483 = arith.constant 0 : i32
          %dma_wait3A_484 = arith.constant 0 : i32
          %dma_wait3A_485 = tpu.memref_slice %arg4[%select_n3A_273, %dma_wait3A_482, %select_n3A_289, %dma_wait3A_483, %dma_wait3A_484] : memref<26x8x32x8x128xf32, #tpu.memory_space<hbm>> -> memref<1x8x1x8x128xf32, #tpu.memory_space<hbm>>
          %dma_wait3A_486 = tpu.memref_squeeze %dma_wait3A_485 : memref<1x8x1x8x128xf32, #tpu.memory_space<hbm>> -> memref<8x8x128xf32, #tpu.memory_space<hbm>>
          %dma_wait3A_487 = arith.constant 0 : i32
          %dma_wait3A_488 = arith.constant 0 : i32
          %dma_wait3A_489 = arith.constant 0 : i32
          %dma_wait3A_490 = tpu.memref_slice %arg4[%select_n3A_273, %dma_wait3A_487, %select_n3A_289, %dma_wait3A_488, %dma_wait3A_489] : memref<26x8x32x8x128xf32, #tpu.memory_space<hbm>> -> memref<1x8x1x8x128xf32, #tpu.memory_space<hbm>>
          %dma_wait3A_491 = tpu.memref_squeeze %dma_wait3A_490 : memref<1x8x1x8x128xf32, #tpu.memory_space<hbm>> -> memref<8x8x128xf32, #tpu.memory_space<hbm>>
          tpu.wait_dma2 semaphore(%arg14 : memref<!tpu.dma_semaphore, #tpu.memory_space<semaphore_mem>>) src(%arg9 : memref<8x8x128xf32, #tpu.memory_space<vmem>>) dst(%dma_wait3A_491 : memref<8x8x128xf32, #tpu.memory_space<hbm>>)
        } else {
        }
        %parallel_loop3A = arith.constant 0 : i32
        %parallel_loop3A_470 = arith.constant 64 : i32
        %parallel_loop3A_471 = arith.constant 1 : i32
        scf.for %parallel_loop3A_482 = %parallel_loop3A to %parallel_loop3A_470 step %parallel_loop3A_471  : i32 {
          %parallel_loop3A_483 = vector.broadcast %parallel_loop3A_482 : i32 to vector<16xi32>
          %parallel_loop3A_484 = arith.addi %parallel_loop3A_483, %iota3A : vector<16xi32>
          %parallel_loop3A_485 = arith.constant 63 : i32
          %parallel_loop3A_486 = vector.broadcast %parallel_loop3A_485 : i32 to vector<16xi32>
          %parallel_loop3A_487 = arith.andi %parallel_loop3A_484, %parallel_loop3A_486 : vector<16xi32>
          %parallel_loop3A_488 = arith.constant 3 : i32
          %parallel_loop3A_489 = vector.broadcast %parallel_loop3A_488 : i32 to vector<16xi32>
          %parallel_loop3A_490 = arith.shrsi %parallel_loop3A_487, %parallel_loop3A_489 : vector<16xi32>
          %parallel_loop3A_491 = arith.constant 7 : i32
          %parallel_loop3A_492 = vector.broadcast %parallel_loop3A_491 : i32 to vector<16xi32>
          %parallel_loop3A_493 = arith.andi %parallel_loop3A_487, %parallel_loop3A_492 : vector<16xi32>
          %parallel_loop3A_494 = tpu.vector_load_idx %arg8[%add3A_3, %parallel_loop3A_487] : memref<128x64xf32, #tpu.memory_space<vmem>>[vector<16xi32>, vector<16xi32>], vector<16xf32>,
          tpu.vector_store_idx %arg9[%parallel_loop3A_490, %parallel_loop3A_493, %add3A_3], %parallel_loop3A_494 : memref<8x8x128xf32, #tpu.memory_space<vmem>>[vector<16xi32>, vector<16xi32>, vector<16xi32>], vector<16xf32>,
          %parallel_loop3A_495 = tpu.vector_load_idx %arg8[%add3A_6, %parallel_loop3A_487] : memref<128x64xf32, #tpu.memory_space<vmem>>[vector<16xi32>, vector<16xi32>], vector<16xf32>,
          tpu.vector_store_idx %arg9[%parallel_loop3A_490, %parallel_loop3A_493, %add3A_6], %parallel_loop3A_495 : memref<8x8x128xf32, #tpu.memory_space<vmem>>[vector<16xi32>, vector<16xi32>, vector<16xi32>], vector<16xf32>,
          %parallel_loop3A_496 = tpu.vector_load_idx %arg8[%add3A_9, %parallel_loop3A_487] : memref<128x64xf32, #tpu.memory_space<vmem>>[vector<16xi32>, vector<16xi32>], vector<16xf32>,
          tpu.vector_store_idx %arg9[%parallel_loop3A_490, %parallel_loop3A_493, %add3A_9], %parallel_loop3A_496 : memref<8x8x128xf32, #tpu.memory_space<vmem>>[vector<16xi32>, vector<16xi32>, vector<16xi32>], vector<16xf32>,
          %parallel_loop3A_497 = tpu.vector_load_idx %arg8[%add3A_12, %parallel_loop3A_487] : memref<128x64xf32, #tpu.memory_space<vmem>>[vector<16xi32>, vector<16xi32>], vector<16xf32>,
          tpu.vector_store_idx %arg9[%parallel_loop3A_490, %parallel_loop3A_493, %add3A_12], %parallel_loop3A_497 : memref<8x8x128xf32, #tpu.memory_space<vmem>>[vector<16xi32>, vector<16xi32>, vector<16xi32>], vector<16xf32>,
          %parallel_loop3A_498 = tpu.vector_load_idx %arg8[%add3A_15, %parallel_loop3A_487] : memref<128x64xf32, #tpu.memory_space<vmem>>[vector<16xi32>, vector<16xi32>], vector<16xf32>,
          tpu.vector_store_idx %arg9[%parallel_loop3A_490, %parallel_loop3A_493, %add3A_15], %parallel_loop3A_498 : memref<8x8x128xf32, #tpu.memory_space<vmem>>[vector<16xi32>, vector<16xi32>, vector<16xi32>], vector<16xf32>,
          %parallel_loop3A_499 = tpu.vector_load_idx %arg8[%add3A_18, %parallel_loop3A_487] : memref<128x64xf32, #tpu.memory_space<vmem>>[vector<16xi32>, vector<16xi32>], vector<16xf32>,
          tpu.vector_store_idx %arg9[%parallel_loop3A_490, %parallel_loop3A_493, %add3A_18], %parallel_loop3A_499 : memref<8x8x128xf32, #tpu.memory_space<vmem>>[vector<16xi32>, vector<16xi32>, vector<16xi32>], vector<16xf32>,
          %parallel_loop3A_500 = tpu.vector_load_idx %arg8[%add3A_21, %parallel_loop3A_487] : memref<128x64xf32, #tpu.memory_space<vmem>>[vector<16xi32>, vector<16xi32>], vector<16xf32>,
          tpu.vector_store_idx %arg9[%parallel_loop3A_490, %parallel_loop3A_493, %add3A_21], %parallel_loop3A_500 : memref<8x8x128xf32, #tpu.memory_space<vmem>>[vector<16xi32>, vector<16xi32>, vector<16xi32>], vector<16xf32>,
          %parallel_loop3A_501 = tpu.vector_load_idx %arg8[%add3A_24, %parallel_loop3A_487] : memref<128x64xf32, #tpu.memory_space<vmem>>[vector<16xi32>, vector<16xi32>], vector<16xf32>,
          tpu.vector_store_idx %arg9[%parallel_loop3A_490, %parallel_loop3A_493, %add3A_24], %parallel_loop3A_501 : memref<8x8x128xf32, #tpu.memory_space<vmem>>[vector<16xi32>, vector<16xi32>, vector<16xi32>], vector<16xf32>,
        } {sc.loop_unroll_factor = 8 : i64, sc.parallel_access}
        %dma_start3A_472 = arith.constant 0 : i32
        %dma_start3A_473 = arith.constant 0 : i32
        %dma_start3A_474 = arith.constant 0 : i32
        %dma_start3A_475 = tpu.memref_slice %arg4[%select_n3A_273, %dma_start3A_472, %select_n3A_289, %dma_start3A_473, %dma_start3A_474] : memref<26x8x32x8x128xf32, #tpu.memory_space<hbm>> -> memref<1x8x1x8x128xf32, #tpu.memory_space<hbm>>
        %dma_start3A_476 = tpu.memref_squeeze %dma_start3A_475 : memref<1x8x1x8x128xf32, #tpu.memory_space<hbm>> -> memref<8x8x128xf32, #tpu.memory_space<hbm>>
        %dma_start3A_477 = arith.constant 0 : i32
        %dma_start3A_478 = arith.constant 0 : i32
        %dma_start3A_479 = arith.constant 0 : i32
        %dma_start3A_480 = tpu.memref_slice %arg4[%select_n3A_273, %dma_start3A_477, %select_n3A_289, %dma_start3A_478, %dma_start3A_479] : memref<26x8x32x8x128xf32, #tpu.memory_space<hbm>> -> memref<1x8x1x8x128xf32, #tpu.memory_space<hbm>>
        %dma_start3A_481 = tpu.memref_squeeze %dma_start3A_480 : memref<1x8x1x8x128xf32, #tpu.memory_space<hbm>> -> memref<8x8x128xf32, #tpu.memory_space<hbm>>
        tpu.enqueue_dma source(%arg9 : memref<8x8x128xf32, #tpu.memory_space<vmem>>) target(%dma_start3A_481 : memref<8x8x128xf32, #tpu.memory_space<hbm>>) target_semaphore(%arg14 : memref<!tpu.dma_semaphore, #tpu.memory_space<semaphore_mem>>)
      } else {
      }
      %mul3A_295 = arith.constant 6 : i32
      %mul3A_296 = arith.muli %scan3A_140, %mul3A_295 : i32
      %add3A_297 = arith.constant 3 : i32
      %add3A_298 = arith.addi %mul3A_296, %add3A_297 : i32
      %mul3A_299 = arith.constant 26 : i32
      %mul3A_300 = arith.muli %add3A, %mul3A_299 : i32
      %add3A_301 = arith.addi %mul3A_300, %add3A_298 : i32
      %jit3A_302 = arith.constant 32 : i32
      %div3A_303 = arith.divsi %add3A_301, %jit3A_302 : i32
      %sign3A_304 = arith.constant 0 : i32
      %sign3A_305 = arith.cmpi sgt, %add3A_301, %sign3A_304 : i32
      %sign3A_306 = arith.extui %sign3A_305 : i1 to i32
      %sign3A_307 = arith.constant 0 : i32
      %sign3A_308 = arith.cmpi slt, %add3A_301, %sign3A_307 : i32
      %sign3A_309 = arith.extui %sign3A_308 : i1 to i32
      %sign3A_310 = arith.subi %sign3A_306, %sign3A_309 : i32
      %sign3A_311 = arith.constant 0 : i32
      %sign3A_312 = arith.cmpi sgt, %jit3A_302, %sign3A_311 : i32
      %sign3A_313 = arith.extui %sign3A_312 : i1 to i32
      %sign3A_314 = arith.constant 0 : i32
      %sign3A_315 = arith.cmpi slt, %jit3A_302, %sign3A_314 : i32
      %sign3A_316 = arith.extui %sign3A_315 : i1 to i32
      %sign3A_317 = arith.subi %sign3A_313, %sign3A_316 : i32
      %ne3A_318 = arith.cmpi ne, %sign3A_310, %sign3A_317 : i32
      %rem3A_319 = arith.remsi %add3A_301, %jit3A_302 : i32
      %ne3A_320 = arith.constant 0 : i32
      %ne3A_321 = arith.cmpi ne, %rem3A_319, %ne3A_320 : i32
      %and3A_322 = arith.andi %ne3A_318, %ne3A_321 : i1
      %sub3A_323 = arith.constant 1 : i32
      %sub3A_324 = arith.subi %div3A_303, %sub3A_323 : i32
      %select_n3A_325 = arith.select %and3A_322, %sub3A_324, %div3A_303 : i32
      %jit3A_326 = arith.constant 32 : i32
      %eq3A_327 = arith.constant 0 : i32
      %eq3A_328 = arith.cmpi eq, %jit3A_326, %eq3A_327 : i32
      %jit3A_329 = arith.constant 1 : i32
      %select_n3A_330 = arith.select %eq3A_328, %jit3A_329, %jit3A_326 : i32
      %rem3A_331 = arith.remsi %add3A_301, %select_n3A_330 : i32
      %ne3A_332 = arith.constant 0 : i32
      %ne3A_333 = arith.cmpi ne, %rem3A_331, %ne3A_332 : i32
      %lt3A_334 = arith.constant 0 : i32
      %lt3A_335 = arith.cmpi slt, %rem3A_331, %lt3A_334 : i32
      %lt3A_336 = arith.constant 0 : i32
      %lt3A_337 = arith.cmpi slt, %select_n3A_330, %lt3A_336 : i32
      %ne3A_338 = arith.xori %lt3A_335, %lt3A_337 : i1
      %and3A_339 = arith.andi %ne3A_338, %ne3A_333 : i1
      %add3A_340 = arith.addi %rem3A_331, %select_n3A_330 : i32
      %select_n3A_341 = arith.select %and3A_339, %add3A_340, %rem3A_331 : i32
      %lt3A_342 = arith.constant 26 : i32
      %lt3A_343 = arith.cmpi slt, %add3A_298, %lt3A_342 : i32
      %convert_element_type3A_344 = arith.extui %lt3A_343 : i1 to i32
      %cond3A_345 = arith.constant 0 : i32
      %cond3A_346 = arith.cmpi ne, %convert_element_type3A_344, %cond3A_345 : i32
      scf.if %cond3A_346 {
        %add3A_451 = arith.constant 3 : i32
        %add3A_452 = arith.addi %add3A_298, %add3A_451 : i32
        %sub3A_453 = arith.constant 1 : i32
        %sub3A_454 = arith.subi %add3A_452, %sub3A_453 : i32
        %lt3A_455 = arith.constant 26 : i32
        %lt3A_456 = arith.cmpi slt, %sub3A_454, %lt3A_455 : i32
        %convert_element_type3A_457 = arith.extui %lt3A_456 : i1 to i32
        %cond3A_458 = arith.constant 0 : i32
        %cond3A_459 = arith.cmpi ne, %convert_element_type3A_457, %cond3A_458 : i32
        scf.if %cond3A_459 {
          %dma_start3A_482 = arith.constant 0 : i32
          %dma_start3A_483 = tpu.memref_slice %arg5[%sub3A_454, %dma_start3A_482] : memref<26x128xi32, #tpu.memory_space<vmem>> -> memref<1x128xi32, #tpu.memory_space<vmem>>
          %dma_start3A_484 = tpu.memref_squeeze %dma_start3A_483 : memref<1x128xi32, #tpu.memory_space<vmem>> -> memref<128xi32, #tpu.memory_space<vmem>>
          %dma_start3A_485 = arith.constant 0 : i32
          %dma_start3A_486 = arith.constant 0 : i32
          %dma_start3A_487 = tpu.memref_slice %arg2[%dma_start3A_485, %dma_start3A_486] : memref<200000x64xf32, #tpu.memory_space<hbm>> -> memref<200000x64xf32, #tpu.memory_space<hbm>>
          tpu.enqueue_indirect_dma source(%dma_start3A_487 : memref<200000x64xf32, #tpu.memory_space<hbm>>) target(%arg8 : memref<128x64xf32, #tpu.memory_space<vmem>>) offsets(%dma_start3A_484 : memref<128xi32, #tpu.memory_space<vmem>>) semaphore(%arg13 : memref<!tpu.dma_semaphore, #tpu.memory_space<semaphore_mem>>)
        } else {
        }
        %dma_wait3A_460 = arith.constant 0 : i32
        %dma_wait3A_461 = tpu.memref_slice %arg5[%add3A_298, %dma_wait3A_460] : memref<26x128xi32, #tpu.memory_space<vmem>> -> memref<1x128xi32, #tpu.memory_space<vmem>>
        %dma_wait3A_462 = tpu.memref_squeeze %dma_wait3A_461 : memref<1x128xi32, #tpu.memory_space<vmem>> -> memref<128xi32, #tpu.memory_space<vmem>>
        %dma_wait3A_463 = arith.constant 0 : i32
        %dma_wait3A_464 = arith.constant 0 : i32
        %dma_wait3A_465 = tpu.memref_slice %arg2[%dma_wait3A_463, %dma_wait3A_464] : memref<200000x64xf32, #tpu.memory_space<hbm>> -> memref<200000x64xf32, #tpu.memory_space<hbm>>
        tpu.wait_indirect_dma semaphore(%arg11 : memref<!tpu.dma_semaphore, #tpu.memory_space<semaphore_mem>>) src(%dma_wait3A_465 : memref<200000x64xf32, #tpu.memory_space<hbm>>) dst(%arg6 : memref<128x64xf32, #tpu.memory_space<vmem>>)
        %ge3A = arith.constant 2 : i32
        %ge3A_466 = arith.cmpi sge, %add3A_298, %ge3A : i32
        %convert_element_type3A_467 = arith.extui %ge3A_466 : i1 to i32
        %cond3A_468 = arith.constant 0 : i32
        %cond3A_469 = arith.cmpi ne, %convert_element_type3A_467, %cond3A_468 : i32
        scf.if %cond3A_469 {
          %dma_wait3A_482 = arith.constant 0 : i32
          %dma_wait3A_483 = arith.constant 0 : i32
          %dma_wait3A_484 = arith.constant 0 : i32
          %dma_wait3A_485 = tpu.memref_slice %arg4[%select_n3A_325, %dma_wait3A_482, %select_n3A_341, %dma_wait3A_483, %dma_wait3A_484] : memref<26x8x32x8x128xf32, #tpu.memory_space<hbm>> -> memref<1x8x1x8x128xf32, #tpu.memory_space<hbm>>
          %dma_wait3A_486 = tpu.memref_squeeze %dma_wait3A_485 : memref<1x8x1x8x128xf32, #tpu.memory_space<hbm>> -> memref<8x8x128xf32, #tpu.memory_space<hbm>>
          %dma_wait3A_487 = arith.constant 0 : i32
          %dma_wait3A_488 = arith.constant 0 : i32
          %dma_wait3A_489 = arith.constant 0 : i32
          %dma_wait3A_490 = tpu.memref_slice %arg4[%select_n3A_325, %dma_wait3A_487, %select_n3A_341, %dma_wait3A_488, %dma_wait3A_489] : memref<26x8x32x8x128xf32, #tpu.memory_space<hbm>> -> memref<1x8x1x8x128xf32, #tpu.memory_space<hbm>>
          %dma_wait3A_491 = tpu.memref_squeeze %dma_wait3A_490 : memref<1x8x1x8x128xf32, #tpu.memory_space<hbm>> -> memref<8x8x128xf32, #tpu.memory_space<hbm>>
          tpu.wait_dma2 semaphore(%arg15 : memref<!tpu.dma_semaphore, #tpu.memory_space<semaphore_mem>>) src(%arg10 : memref<8x8x128xf32, #tpu.memory_space<vmem>>) dst(%dma_wait3A_491 : memref<8x8x128xf32, #tpu.memory_space<hbm>>)
        } else {
        }
        %parallel_loop3A = arith.constant 0 : i32
        %parallel_loop3A_470 = arith.constant 64 : i32
        %parallel_loop3A_471 = arith.constant 1 : i32
        scf.for %parallel_loop3A_482 = %parallel_loop3A to %parallel_loop3A_470 step %parallel_loop3A_471  : i32 {
          %parallel_loop3A_483 = vector.broadcast %parallel_loop3A_482 : i32 to vector<16xi32>
          %parallel_loop3A_484 = arith.addi %parallel_loop3A_483, %iota3A : vector<16xi32>
          %parallel_loop3A_485 = arith.constant 63 : i32
          %parallel_loop3A_486 = vector.broadcast %parallel_loop3A_485 : i32 to vector<16xi32>
          %parallel_loop3A_487 = arith.andi %parallel_loop3A_484, %parallel_loop3A_486 : vector<16xi32>
          %parallel_loop3A_488 = arith.constant 3 : i32
          %parallel_loop3A_489 = vector.broadcast %parallel_loop3A_488 : i32 to vector<16xi32>
          %parallel_loop3A_490 = arith.shrsi %parallel_loop3A_487, %parallel_loop3A_489 : vector<16xi32>
          %parallel_loop3A_491 = arith.constant 7 : i32
          %parallel_loop3A_492 = vector.broadcast %parallel_loop3A_491 : i32 to vector<16xi32>
          %parallel_loop3A_493 = arith.andi %parallel_loop3A_487, %parallel_loop3A_492 : vector<16xi32>
          %parallel_loop3A_494 = tpu.vector_load_idx %arg6[%add3A_3, %parallel_loop3A_487] : memref<128x64xf32, #tpu.memory_space<vmem>>[vector<16xi32>, vector<16xi32>], vector<16xf32>,
          tpu.vector_store_idx %arg10[%parallel_loop3A_490, %parallel_loop3A_493, %add3A_3], %parallel_loop3A_494 : memref<8x8x128xf32, #tpu.memory_space<vmem>>[vector<16xi32>, vector<16xi32>, vector<16xi32>], vector<16xf32>,
          %parallel_loop3A_495 = tpu.vector_load_idx %arg6[%add3A_6, %parallel_loop3A_487] : memref<128x64xf32, #tpu.memory_space<vmem>>[vector<16xi32>, vector<16xi32>], vector<16xf32>,
          tpu.vector_store_idx %arg10[%parallel_loop3A_490, %parallel_loop3A_493, %add3A_6], %parallel_loop3A_495 : memref<8x8x128xf32, #tpu.memory_space<vmem>>[vector<16xi32>, vector<16xi32>, vector<16xi32>], vector<16xf32>,
          %parallel_loop3A_496 = tpu.vector_load_idx %arg6[%add3A_9, %parallel_loop3A_487] : memref<128x64xf32, #tpu.memory_space<vmem>>[vector<16xi32>, vector<16xi32>], vector<16xf32>,
          tpu.vector_store_idx %arg10[%parallel_loop3A_490, %parallel_loop3A_493, %add3A_9], %parallel_loop3A_496 : memref<8x8x128xf32, #tpu.memory_space<vmem>>[vector<16xi32>, vector<16xi32>, vector<16xi32>], vector<16xf32>,
          %parallel_loop3A_497 = tpu.vector_load_idx %arg6[%add3A_12, %parallel_loop3A_487] : memref<128x64xf32, #tpu.memory_space<vmem>>[vector<16xi32>, vector<16xi32>], vector<16xf32>,
          tpu.vector_store_idx %arg10[%parallel_loop3A_490, %parallel_loop3A_493, %add3A_12], %parallel_loop3A_497 : memref<8x8x128xf32, #tpu.memory_space<vmem>>[vector<16xi32>, vector<16xi32>, vector<16xi32>], vector<16xf32>,
          %parallel_loop3A_498 = tpu.vector_load_idx %arg6[%add3A_15, %parallel_loop3A_487] : memref<128x64xf32, #tpu.memory_space<vmem>>[vector<16xi32>, vector<16xi32>], vector<16xf32>,
          tpu.vector_store_idx %arg10[%parallel_loop3A_490, %parallel_loop3A_493, %add3A_15], %parallel_loop3A_498 : memref<8x8x128xf32, #tpu.memory_space<vmem>>[vector<16xi32>, vector<16xi32>, vector<16xi32>], vector<16xf32>,
          %parallel_loop3A_499 = tpu.vector_load_idx %arg6[%add3A_18, %parallel_loop3A_487] : memref<128x64xf32, #tpu.memory_space<vmem>>[vector<16xi32>, vector<16xi32>], vector<16xf32>,
          tpu.vector_store_idx %arg10[%parallel_loop3A_490, %parallel_loop3A_493, %add3A_18], %parallel_loop3A_499 : memref<8x8x128xf32, #tpu.memory_space<vmem>>[vector<16xi32>, vector<16xi32>, vector<16xi32>], vector<16xf32>,
          %parallel_loop3A_500 = tpu.vector_load_idx %arg6[%add3A_21, %parallel_loop3A_487] : memref<128x64xf32, #tpu.memory_space<vmem>>[vector<16xi32>, vector<16xi32>], vector<16xf32>,
          tpu.vector_store_idx %arg10[%parallel_loop3A_490, %parallel_loop3A_493, %add3A_21], %parallel_loop3A_500 : memref<8x8x128xf32, #tpu.memory_space<vmem>>[vector<16xi32>, vector<16xi32>, vector<16xi32>], vector<16xf32>,
          %parallel_loop3A_501 = tpu.vector_load_idx %arg6[%add3A_24, %parallel_loop3A_487] : memref<128x64xf32, #tpu.memory_space<vmem>>[vector<16xi32>, vector<16xi32>], vector<16xf32>,
          tpu.vector_store_idx %arg10[%parallel_loop3A_490, %parallel_loop3A_493, %add3A_24], %parallel_loop3A_501 : memref<8x8x128xf32, #tpu.memory_space<vmem>>[vector<16xi32>, vector<16xi32>, vector<16xi32>], vector<16xf32>,
        } {sc.loop_unroll_factor = 8 : i64, sc.parallel_access}
        %dma_start3A_472 = arith.constant 0 : i32
        %dma_start3A_473 = arith.constant 0 : i32
        %dma_start3A_474 = arith.constant 0 : i32
        %dma_start3A_475 = tpu.memref_slice %arg4[%select_n3A_325, %dma_start3A_472, %select_n3A_341, %dma_start3A_473, %dma_start3A_474] : memref<26x8x32x8x128xf32, #tpu.memory_space<hbm>> -> memref<1x8x1x8x128xf32, #tpu.memory_space<hbm>>
        %dma_start3A_476 = tpu.memref_squeeze %dma_start3A_475 : memref<1x8x1x8x128xf32, #tpu.memory_space<hbm>> -> memref<8x8x128xf32, #tpu.memory_space<hbm>>
        %dma_start3A_477 = arith.constant 0 : i32
        %dma_start3A_478 = arith.constant 0 : i32
        %dma_start3A_479 = arith.constant 0 : i32
        %dma_start3A_480 = tpu.memref_slice %arg4[%select_n3A_325, %dma_start3A_477, %select_n3A_341, %dma_start3A_478, %dma_start3A_479] : memref<26x8x32x8x128xf32, #tpu.memory_space<hbm>> -> memref<1x8x1x8x128xf32, #tpu.memory_space<hbm>>
        %dma_start3A_481 = tpu.memref_squeeze %dma_start3A_480 : memref<1x8x1x8x128xf32, #tpu.memory_space<hbm>> -> memref<8x8x128xf32, #tpu.memory_space<hbm>>
        tpu.enqueue_dma source(%arg10 : memref<8x8x128xf32, #tpu.memory_space<vmem>>) target(%dma_start3A_481 : memref<8x8x128xf32, #tpu.memory_space<hbm>>) target_semaphore(%arg15 : memref<!tpu.dma_semaphore, #tpu.memory_space<semaphore_mem>>)
      } else {
      }
      %mul3A_347 = arith.constant 6 : i32
      %mul3A_348 = arith.muli %scan3A_140, %mul3A_347 : i32
      %add3A_349 = arith.constant 4 : i32
      %add3A_350 = arith.addi %mul3A_348, %add3A_349 : i32
      %mul3A_351 = arith.constant 26 : i32
      %mul3A_352 = arith.muli %add3A, %mul3A_351 : i32
      %add3A_353 = arith.addi %mul3A_352, %add3A_350 : i32
      %jit3A_354 = arith.constant 32 : i32
      %div3A_355 = arith.divsi %add3A_353, %jit3A_354 : i32
      %sign3A_356 = arith.constant 0 : i32
      %sign3A_357 = arith.cmpi sgt, %add3A_353, %sign3A_356 : i32
      %sign3A_358 = arith.extui %sign3A_357 : i1 to i32
      %sign3A_359 = arith.constant 0 : i32
      %sign3A_360 = arith.cmpi slt, %add3A_353, %sign3A_359 : i32
      %sign3A_361 = arith.extui %sign3A_360 : i1 to i32
      %sign3A_362 = arith.subi %sign3A_358, %sign3A_361 : i32
      %sign3A_363 = arith.constant 0 : i32
      %sign3A_364 = arith.cmpi sgt, %jit3A_354, %sign3A_363 : i32
      %sign3A_365 = arith.extui %sign3A_364 : i1 to i32
      %sign3A_366 = arith.constant 0 : i32
      %sign3A_367 = arith.cmpi slt, %jit3A_354, %sign3A_366 : i32
      %sign3A_368 = arith.extui %sign3A_367 : i1 to i32
      %sign3A_369 = arith.subi %sign3A_365, %sign3A_368 : i32
      %ne3A_370 = arith.cmpi ne, %sign3A_362, %sign3A_369 : i32
      %rem3A_371 = arith.remsi %add3A_353, %jit3A_354 : i32
      %ne3A_372 = arith.constant 0 : i32
      %ne3A_373 = arith.cmpi ne, %rem3A_371, %ne3A_372 : i32
      %and3A_374 = arith.andi %ne3A_370, %ne3A_373 : i1
      %sub3A_375 = arith.constant 1 : i32
      %sub3A_376 = arith.subi %div3A_355, %sub3A_375 : i32
      %select_n3A_377 = arith.select %and3A_374, %sub3A_376, %div3A_355 : i32
      %jit3A_378 = arith.constant 32 : i32
      %eq3A_379 = arith.constant 0 : i32
      %eq3A_380 = arith.cmpi eq, %jit3A_378, %eq3A_379 : i32
      %jit3A_381 = arith.constant 1 : i32
      %select_n3A_382 = arith.select %eq3A_380, %jit3A_381, %jit3A_378 : i32
      %rem3A_383 = arith.remsi %add3A_353, %select_n3A_382 : i32
      %ne3A_384 = arith.constant 0 : i32
      %ne3A_385 = arith.cmpi ne, %rem3A_383, %ne3A_384 : i32
      %lt3A_386 = arith.constant 0 : i32
      %lt3A_387 = arith.cmpi slt, %rem3A_383, %lt3A_386 : i32
      %lt3A_388 = arith.constant 0 : i32
      %lt3A_389 = arith.cmpi slt, %select_n3A_382, %lt3A_388 : i32
      %ne3A_390 = arith.xori %lt3A_387, %lt3A_389 : i1
      %and3A_391 = arith.andi %ne3A_390, %ne3A_385 : i1
      %add3A_392 = arith.addi %rem3A_383, %select_n3A_382 : i32
      %select_n3A_393 = arith.select %and3A_391, %add3A_392, %rem3A_383 : i32
      %lt3A_394 = arith.constant 26 : i32
      %lt3A_395 = arith.cmpi slt, %add3A_350, %lt3A_394 : i32
      %convert_element_type3A_396 = arith.extui %lt3A_395 : i1 to i32
      %cond3A_397 = arith.constant 0 : i32
      %cond3A_398 = arith.cmpi ne, %convert_element_type3A_396, %cond3A_397 : i32
      scf.if %cond3A_398 {
        %add3A_451 = arith.constant 3 : i32
        %add3A_452 = arith.addi %add3A_350, %add3A_451 : i32
        %sub3A_453 = arith.constant 1 : i32
        %sub3A_454 = arith.subi %add3A_452, %sub3A_453 : i32
        %lt3A_455 = arith.constant 26 : i32
        %lt3A_456 = arith.cmpi slt, %sub3A_454, %lt3A_455 : i32
        %convert_element_type3A_457 = arith.extui %lt3A_456 : i1 to i32
        %cond3A_458 = arith.constant 0 : i32
        %cond3A_459 = arith.cmpi ne, %convert_element_type3A_457, %cond3A_458 : i32
        scf.if %cond3A_459 {
          %dma_start3A_482 = arith.constant 0 : i32
          %dma_start3A_483 = tpu.memref_slice %arg5[%sub3A_454, %dma_start3A_482] : memref<26x128xi32, #tpu.memory_space<vmem>> -> memref<1x128xi32, #tpu.memory_space<vmem>>
          %dma_start3A_484 = tpu.memref_squeeze %dma_start3A_483 : memref<1x128xi32, #tpu.memory_space<vmem>> -> memref<128xi32, #tpu.memory_space<vmem>>
          %dma_start3A_485 = arith.constant 0 : i32
          %dma_start3A_486 = arith.constant 0 : i32
          %dma_start3A_487 = tpu.memref_slice %arg2[%dma_start3A_485, %dma_start3A_486] : memref<200000x64xf32, #tpu.memory_space<hbm>> -> memref<200000x64xf32, #tpu.memory_space<hbm>>
          tpu.enqueue_indirect_dma source(%dma_start3A_487 : memref<200000x64xf32, #tpu.memory_space<hbm>>) target(%arg6 : memref<128x64xf32, #tpu.memory_space<vmem>>) offsets(%dma_start3A_484 : memref<128xi32, #tpu.memory_space<vmem>>) semaphore(%arg11 : memref<!tpu.dma_semaphore, #tpu.memory_space<semaphore_mem>>)
        } else {
        }
        %dma_wait3A_460 = arith.constant 0 : i32
        %dma_wait3A_461 = tpu.memref_slice %arg5[%add3A_350, %dma_wait3A_460] : memref<26x128xi32, #tpu.memory_space<vmem>> -> memref<1x128xi32, #tpu.memory_space<vmem>>
        %dma_wait3A_462 = tpu.memref_squeeze %dma_wait3A_461 : memref<1x128xi32, #tpu.memory_space<vmem>> -> memref<128xi32, #tpu.memory_space<vmem>>
        %dma_wait3A_463 = arith.constant 0 : i32
        %dma_wait3A_464 = arith.constant 0 : i32
        %dma_wait3A_465 = tpu.memref_slice %arg2[%dma_wait3A_463, %dma_wait3A_464] : memref<200000x64xf32, #tpu.memory_space<hbm>> -> memref<200000x64xf32, #tpu.memory_space<hbm>>
        tpu.wait_indirect_dma semaphore(%arg12 : memref<!tpu.dma_semaphore, #tpu.memory_space<semaphore_mem>>) src(%dma_wait3A_465 : memref<200000x64xf32, #tpu.memory_space<hbm>>) dst(%arg7 : memref<128x64xf32, #tpu.memory_space<vmem>>)
        %ge3A = arith.constant 2 : i32
        %ge3A_466 = arith.cmpi sge, %add3A_350, %ge3A : i32
        %convert_element_type3A_467 = arith.extui %ge3A_466 : i1 to i32
        %cond3A_468 = arith.constant 0 : i32
        %cond3A_469 = arith.cmpi ne, %convert_element_type3A_467, %cond3A_468 : i32
        scf.if %cond3A_469 {
          %dma_wait3A_482 = arith.constant 0 : i32
          %dma_wait3A_483 = arith.constant 0 : i32
          %dma_wait3A_484 = arith.constant 0 : i32
          %dma_wait3A_485 = tpu.memref_slice %arg4[%select_n3A_377, %dma_wait3A_482, %select_n3A_393, %dma_wait3A_483, %dma_wait3A_484] : memref<26x8x32x8x128xf32, #tpu.memory_space<hbm>> -> memref<1x8x1x8x128xf32, #tpu.memory_space<hbm>>
          %dma_wait3A_486 = tpu.memref_squeeze %dma_wait3A_485 : memref<1x8x1x8x128xf32, #tpu.memory_space<hbm>> -> memref<8x8x128xf32, #tpu.memory_space<hbm>>
          %dma_wait3A_487 = arith.constant 0 : i32
          %dma_wait3A_488 = arith.constant 0 : i32
          %dma_wait3A_489 = arith.constant 0 : i32
          %dma_wait3A_490 = tpu.memref_slice %arg4[%select_n3A_377, %dma_wait3A_487, %select_n3A_393, %dma_wait3A_488, %dma_wait3A_489] : memref<26x8x32x8x128xf32, #tpu.memory_space<hbm>> -> memref<1x8x1x8x128xf32, #tpu.memory_space<hbm>>
          %dma_wait3A_491 = tpu.memref_squeeze %dma_wait3A_490 : memref<1x8x1x8x128xf32, #tpu.memory_space<hbm>> -> memref<8x8x128xf32, #tpu.memory_space<hbm>>
          tpu.wait_dma2 semaphore(%arg14 : memref<!tpu.dma_semaphore, #tpu.memory_space<semaphore_mem>>) src(%arg9 : memref<8x8x128xf32, #tpu.memory_space<vmem>>) dst(%dma_wait3A_491 : memref<8x8x128xf32, #tpu.memory_space<hbm>>)
        } else {
        }
        %parallel_loop3A = arith.constant 0 : i32
        %parallel_loop3A_470 = arith.constant 64 : i32
        %parallel_loop3A_471 = arith.constant 1 : i32
        scf.for %parallel_loop3A_482 = %parallel_loop3A to %parallel_loop3A_470 step %parallel_loop3A_471  : i32 {
          %parallel_loop3A_483 = vector.broadcast %parallel_loop3A_482 : i32 to vector<16xi32>
          %parallel_loop3A_484 = arith.addi %parallel_loop3A_483, %iota3A : vector<16xi32>
          %parallel_loop3A_485 = arith.constant 63 : i32
          %parallel_loop3A_486 = vector.broadcast %parallel_loop3A_485 : i32 to vector<16xi32>
          %parallel_loop3A_487 = arith.andi %parallel_loop3A_484, %parallel_loop3A_486 : vector<16xi32>
          %parallel_loop3A_488 = arith.constant 3 : i32
          %parallel_loop3A_489 = vector.broadcast %parallel_loop3A_488 : i32 to vector<16xi32>
          %parallel_loop3A_490 = arith.shrsi %parallel_loop3A_487, %parallel_loop3A_489 : vector<16xi32>
          %parallel_loop3A_491 = arith.constant 7 : i32
          %parallel_loop3A_492 = vector.broadcast %parallel_loop3A_491 : i32 to vector<16xi32>
          %parallel_loop3A_493 = arith.andi %parallel_loop3A_487, %parallel_loop3A_492 : vector<16xi32>
          %parallel_loop3A_494 = tpu.vector_load_idx %arg7[%add3A_3, %parallel_loop3A_487] : memref<128x64xf32, #tpu.memory_space<vmem>>[vector<16xi32>, vector<16xi32>], vector<16xf32>,
          tpu.vector_store_idx %arg9[%parallel_loop3A_490, %parallel_loop3A_493, %add3A_3], %parallel_loop3A_494 : memref<8x8x128xf32, #tpu.memory_space<vmem>>[vector<16xi32>, vector<16xi32>, vector<16xi32>], vector<16xf32>,
          %parallel_loop3A_495 = tpu.vector_load_idx %arg7[%add3A_6, %parallel_loop3A_487] : memref<128x64xf32, #tpu.memory_space<vmem>>[vector<16xi32>, vector<16xi32>], vector<16xf32>,
          tpu.vector_store_idx %arg9[%parallel_loop3A_490, %parallel_loop3A_493, %add3A_6], %parallel_loop3A_495 : memref<8x8x128xf32, #tpu.memory_space<vmem>>[vector<16xi32>, vector<16xi32>, vector<16xi32>], vector<16xf32>,
          %parallel_loop3A_496 = tpu.vector_load_idx %arg7[%add3A_9, %parallel_loop3A_487] : memref<128x64xf32, #tpu.memory_space<vmem>>[vector<16xi32>, vector<16xi32>], vector<16xf32>,
          tpu.vector_store_idx %arg9[%parallel_loop3A_490, %parallel_loop3A_493, %add3A_9], %parallel_loop3A_496 : memref<8x8x128xf32, #tpu.memory_space<vmem>>[vector<16xi32>, vector<16xi32>, vector<16xi32>], vector<16xf32>,
          %parallel_loop3A_497 = tpu.vector_load_idx %arg7[%add3A_12, %parallel_loop3A_487] : memref<128x64xf32, #tpu.memory_space<vmem>>[vector<16xi32>, vector<16xi32>], vector<16xf32>,
          tpu.vector_store_idx %arg9[%parallel_loop3A_490, %parallel_loop3A_493, %add3A_12], %parallel_loop3A_497 : memref<8x8x128xf32, #tpu.memory_space<vmem>>[vector<16xi32>, vector<16xi32>, vector<16xi32>], vector<16xf32>,
          %parallel_loop3A_498 = tpu.vector_load_idx %arg7[%add3A_15, %parallel_loop3A_487] : memref<128x64xf32, #tpu.memory_space<vmem>>[vector<16xi32>, vector<16xi32>], vector<16xf32>,
          tpu.vector_store_idx %arg9[%parallel_loop3A_490, %parallel_loop3A_493, %add3A_15], %parallel_loop3A_498 : memref<8x8x128xf32, #tpu.memory_space<vmem>>[vector<16xi32>, vector<16xi32>, vector<16xi32>], vector<16xf32>,
          %parallel_loop3A_499 = tpu.vector_load_idx %arg7[%add3A_18, %parallel_loop3A_487] : memref<128x64xf32, #tpu.memory_space<vmem>>[vector<16xi32>, vector<16xi32>], vector<16xf32>,
          tpu.vector_store_idx %arg9[%parallel_loop3A_490, %parallel_loop3A_493, %add3A_18], %parallel_loop3A_499 : memref<8x8x128xf32, #tpu.memory_space<vmem>>[vector<16xi32>, vector<16xi32>, vector<16xi32>], vector<16xf32>,
          %parallel_loop3A_500 = tpu.vector_load_idx %arg7[%add3A_21, %parallel_loop3A_487] : memref<128x64xf32, #tpu.memory_space<vmem>>[vector<16xi32>, vector<16xi32>], vector<16xf32>,
          tpu.vector_store_idx %arg9[%parallel_loop3A_490, %parallel_loop3A_493, %add3A_21], %parallel_loop3A_500 : memref<8x8x128xf32, #tpu.memory_space<vmem>>[vector<16xi32>, vector<16xi32>, vector<16xi32>], vector<16xf32>,
          %parallel_loop3A_501 = tpu.vector_load_idx %arg7[%add3A_24, %parallel_loop3A_487] : memref<128x64xf32, #tpu.memory_space<vmem>>[vector<16xi32>, vector<16xi32>], vector<16xf32>,
          tpu.vector_store_idx %arg9[%parallel_loop3A_490, %parallel_loop3A_493, %add3A_24], %parallel_loop3A_501 : memref<8x8x128xf32, #tpu.memory_space<vmem>>[vector<16xi32>, vector<16xi32>, vector<16xi32>], vector<16xf32>,
        } {sc.loop_unroll_factor = 8 : i64, sc.parallel_access}
        %dma_start3A_472 = arith.constant 0 : i32
        %dma_start3A_473 = arith.constant 0 : i32
        %dma_start3A_474 = arith.constant 0 : i32
        %dma_start3A_475 = tpu.memref_slice %arg4[%select_n3A_377, %dma_start3A_472, %select_n3A_393, %dma_start3A_473, %dma_start3A_474] : memref<26x8x32x8x128xf32, #tpu.memory_space<hbm>> -> memref<1x8x1x8x128xf32, #tpu.memory_space<hbm>>
        %dma_start3A_476 = tpu.memref_squeeze %dma_start3A_475 : memref<1x8x1x8x128xf32, #tpu.memory_space<hbm>> -> memref<8x8x128xf32, #tpu.memory_space<hbm>>
        %dma_start3A_477 = arith.constant 0 : i32
        %dma_start3A_478 = arith.constant 0 : i32
        %dma_start3A_479 = arith.constant 0 : i32
        %dma_start3A_480 = tpu.memref_slice %arg4[%select_n3A_377, %dma_start3A_477, %select_n3A_393, %dma_start3A_478, %dma_start3A_479] : memref<26x8x32x8x128xf32, #tpu.memory_space<hbm>> -> memref<1x8x1x8x128xf32, #tpu.memory_space<hbm>>
        %dma_start3A_481 = tpu.memref_squeeze %dma_start3A_480 : memref<1x8x1x8x128xf32, #tpu.memory_space<hbm>> -> memref<8x8x128xf32, #tpu.memory_space<hbm>>
        tpu.enqueue_dma source(%arg9 : memref<8x8x128xf32, #tpu.memory_space<vmem>>) target(%dma_start3A_481 : memref<8x8x128xf32, #tpu.memory_space<hbm>>) target_semaphore(%arg14 : memref<!tpu.dma_semaphore, #tpu.memory_space<semaphore_mem>>)
      } else {
      }
      %mul3A_399 = arith.constant 6 : i32
      %mul3A_400 = arith.muli %scan3A_140, %mul3A_399 : i32
      %add3A_401 = arith.constant 5 : i32
      %add3A_402 = arith.addi %mul3A_400, %add3A_401 : i32
      %mul3A_403 = arith.constant 26 : i32
      %mul3A_404 = arith.muli %add3A, %mul3A_403 : i32
      %add3A_405 = arith.addi %mul3A_404, %add3A_402 : i32
      %jit3A_406 = arith.constant 32 : i32
      %div3A_407 = arith.divsi %add3A_405, %jit3A_406 : i32
      %sign3A_408 = arith.constant 0 : i32
      %sign3A_409 = arith.cmpi sgt, %add3A_405, %sign3A_408 : i32
      %sign3A_410 = arith.extui %sign3A_409 : i1 to i32
      %sign3A_411 = arith.constant 0 : i32
      %sign3A_412 = arith.cmpi slt, %add3A_405, %sign3A_411 : i32
      %sign3A_413 = arith.extui %sign3A_412 : i1 to i32
      %sign3A_414 = arith.subi %sign3A_410, %sign3A_413 : i32
      %sign3A_415 = arith.constant 0 : i32
      %sign3A_416 = arith.cmpi sgt, %jit3A_406, %sign3A_415 : i32
      %sign3A_417 = arith.extui %sign3A_416 : i1 to i32
      %sign3A_418 = arith.constant 0 : i32
      %sign3A_419 = arith.cmpi slt, %jit3A_406, %sign3A_418 : i32
      %sign3A_420 = arith.extui %sign3A_419 : i1 to i32
      %sign3A_421 = arith.subi %sign3A_417, %sign3A_420 : i32
      %ne3A_422 = arith.cmpi ne, %sign3A_414, %sign3A_421 : i32
      %rem3A_423 = arith.remsi %add3A_405, %jit3A_406 : i32
      %ne3A_424 = arith.constant 0 : i32
      %ne3A_425 = arith.cmpi ne, %rem3A_423, %ne3A_424 : i32
      %and3A_426 = arith.andi %ne3A_422, %ne3A_425 : i1
      %sub3A_427 = arith.constant 1 : i32
      %sub3A_428 = arith.subi %div3A_407, %sub3A_427 : i32
      %select_n3A_429 = arith.select %and3A_426, %sub3A_428, %div3A_407 : i32
      %jit3A_430 = arith.constant 32 : i32
      %eq3A_431 = arith.constant 0 : i32
      %eq3A_432 = arith.cmpi eq, %jit3A_430, %eq3A_431 : i32
      %jit3A_433 = arith.constant 1 : i32
      %select_n3A_434 = arith.select %eq3A_432, %jit3A_433, %jit3A_430 : i32
      %rem3A_435 = arith.remsi %add3A_405, %select_n3A_434 : i32
      %ne3A_436 = arith.constant 0 : i32
      %ne3A_437 = arith.cmpi ne, %rem3A_435, %ne3A_436 : i32
      %lt3A_438 = arith.constant 0 : i32
      %lt3A_439 = arith.cmpi slt, %rem3A_435, %lt3A_438 : i32
      %lt3A_440 = arith.constant 0 : i32
      %lt3A_441 = arith.cmpi slt, %select_n3A_434, %lt3A_440 : i32
      %ne3A_442 = arith.xori %lt3A_439, %lt3A_441 : i1
      %and3A_443 = arith.andi %ne3A_442, %ne3A_437 : i1
      %add3A_444 = arith.addi %rem3A_435, %select_n3A_434 : i32
      %select_n3A_445 = arith.select %and3A_443, %add3A_444, %rem3A_435 : i32
      %lt3A_446 = arith.constant 26 : i32
      %lt3A_447 = arith.cmpi slt, %add3A_402, %lt3A_446 : i32
      %convert_element_type3A_448 = arith.extui %lt3A_447 : i1 to i32
      %cond3A_449 = arith.constant 0 : i32
      %cond3A_450 = arith.cmpi ne, %convert_element_type3A_448, %cond3A_449 : i32
      scf.if %cond3A_450 {
        %add3A_451 = arith.constant 3 : i32
        %add3A_452 = arith.addi %add3A_402, %add3A_451 : i32
        %sub3A_453 = arith.constant 1 : i32
        %sub3A_454 = arith.subi %add3A_452, %sub3A_453 : i32
        %lt3A_455 = arith.constant 26 : i32
        %lt3A_456 = arith.cmpi slt, %sub3A_454, %lt3A_455 : i32
        %convert_element_type3A_457 = arith.extui %lt3A_456 : i1 to i32
        %cond3A_458 = arith.constant 0 : i32
        %cond3A_459 = arith.cmpi ne, %convert_element_type3A_457, %cond3A_458 : i32
        scf.if %cond3A_459 {
          %dma_start3A_482 = arith.constant 0 : i32
          %dma_start3A_483 = tpu.memref_slice %arg5[%sub3A_454, %dma_start3A_482] : memref<26x128xi32, #tpu.memory_space<vmem>> -> memref<1x128xi32, #tpu.memory_space<vmem>>
          %dma_start3A_484 = tpu.memref_squeeze %dma_start3A_483 : memref<1x128xi32, #tpu.memory_space<vmem>> -> memref<128xi32, #tpu.memory_space<vmem>>
          %dma_start3A_485 = arith.constant 0 : i32
          %dma_start3A_486 = arith.constant 0 : i32
          %dma_start3A_487 = tpu.memref_slice %arg2[%dma_start3A_485, %dma_start3A_486] : memref<200000x64xf32, #tpu.memory_space<hbm>> -> memref<200000x64xf32, #tpu.memory_space<hbm>>
          tpu.enqueue_indirect_dma source(%dma_start3A_487 : memref<200000x64xf32, #tpu.memory_space<hbm>>) target(%arg7 : memref<128x64xf32, #tpu.memory_space<vmem>>) offsets(%dma_start3A_484 : memref<128xi32, #tpu.memory_space<vmem>>) semaphore(%arg12 : memref<!tpu.dma_semaphore, #tpu.memory_space<semaphore_mem>>)
        } else {
        }
        %dma_wait3A_460 = arith.constant 0 : i32
        %dma_wait3A_461 = tpu.memref_slice %arg5[%add3A_402, %dma_wait3A_460] : memref<26x128xi32, #tpu.memory_space<vmem>> -> memref<1x128xi32, #tpu.memory_space<vmem>>
        %dma_wait3A_462 = tpu.memref_squeeze %dma_wait3A_461 : memref<1x128xi32, #tpu.memory_space<vmem>> -> memref<128xi32, #tpu.memory_space<vmem>>
        %dma_wait3A_463 = arith.constant 0 : i32
        %dma_wait3A_464 = arith.constant 0 : i32
        %dma_wait3A_465 = tpu.memref_slice %arg2[%dma_wait3A_463, %dma_wait3A_464] : memref<200000x64xf32, #tpu.memory_space<hbm>> -> memref<200000x64xf32, #tpu.memory_space<hbm>>
        tpu.wait_indirect_dma semaphore(%arg13 : memref<!tpu.dma_semaphore, #tpu.memory_space<semaphore_mem>>) src(%dma_wait3A_465 : memref<200000x64xf32, #tpu.memory_space<hbm>>) dst(%arg8 : memref<128x64xf32, #tpu.memory_space<vmem>>)
        %ge3A = arith.constant 2 : i32
        %ge3A_466 = arith.cmpi sge, %add3A_402, %ge3A : i32
        %convert_element_type3A_467 = arith.extui %ge3A_466 : i1 to i32
        %cond3A_468 = arith.constant 0 : i32
        %cond3A_469 = arith.cmpi ne, %convert_element_type3A_467, %cond3A_468 : i32
        scf.if %cond3A_469 {
          %dma_wait3A_482 = arith.constant 0 : i32
          %dma_wait3A_483 = arith.constant 0 : i32
          %dma_wait3A_484 = arith.constant 0 : i32
          %dma_wait3A_485 = tpu.memref_slice %arg4[%select_n3A_429, %dma_wait3A_482, %select_n3A_445, %dma_wait3A_483, %dma_wait3A_484] : memref<26x8x32x8x128xf32, #tpu.memory_space<hbm>> -> memref<1x8x1x8x128xf32, #tpu.memory_space<hbm>>
          %dma_wait3A_486 = tpu.memref_squeeze %dma_wait3A_485 : memref<1x8x1x8x128xf32, #tpu.memory_space<hbm>> -> memref<8x8x128xf32, #tpu.memory_space<hbm>>
          %dma_wait3A_487 = arith.constant 0 : i32
          %dma_wait3A_488 = arith.constant 0 : i32
          %dma_wait3A_489 = arith.constant 0 : i32
          %dma_wait3A_490 = tpu.memref_slice %arg4[%select_n3A_429, %dma_wait3A_487, %select_n3A_445, %dma_wait3A_488, %dma_wait3A_489] : memref<26x8x32x8x128xf32, #tpu.memory_space<hbm>> -> memref<1x8x1x8x128xf32, #tpu.memory_space<hbm>>
          %dma_wait3A_491 = tpu.memref_squeeze %dma_wait3A_490 : memref<1x8x1x8x128xf32, #tpu.memory_space<hbm>> -> memref<8x8x128xf32, #tpu.memory_space<hbm>>
          tpu.wait_dma2 semaphore(%arg15 : memref<!tpu.dma_semaphore, #tpu.memory_space<semaphore_mem>>) src(%arg10 : memref<8x8x128xf32, #tpu.memory_space<vmem>>) dst(%dma_wait3A_491 : memref<8x8x128xf32, #tpu.memory_space<hbm>>)
        } else {
        }
        %parallel_loop3A = arith.constant 0 : i32
        %parallel_loop3A_470 = arith.constant 64 : i32
        %parallel_loop3A_471 = arith.constant 1 : i32
        scf.for %parallel_loop3A_482 = %parallel_loop3A to %parallel_loop3A_470 step %parallel_loop3A_471  : i32 {
          %parallel_loop3A_483 = vector.broadcast %parallel_loop3A_482 : i32 to vector<16xi32>
          %parallel_loop3A_484 = arith.addi %parallel_loop3A_483, %iota3A : vector<16xi32>
          %parallel_loop3A_485 = arith.constant 63 : i32
          %parallel_loop3A_486 = vector.broadcast %parallel_loop3A_485 : i32 to vector<16xi32>
          %parallel_loop3A_487 = arith.andi %parallel_loop3A_484, %parallel_loop3A_486 : vector<16xi32>
          %parallel_loop3A_488 = arith.constant 3 : i32
          %parallel_loop3A_489 = vector.broadcast %parallel_loop3A_488 : i32 to vector<16xi32>
          %parallel_loop3A_490 = arith.shrsi %parallel_loop3A_487, %parallel_loop3A_489 : vector<16xi32>
          %parallel_loop3A_491 = arith.constant 7 : i32
          %parallel_loop3A_492 = vector.broadcast %parallel_loop3A_491 : i32 to vector<16xi32>
          %parallel_loop3A_493 = arith.andi %parallel_loop3A_487, %parallel_loop3A_492 : vector<16xi32>
          %parallel_loop3A_494 = tpu.vector_load_idx %arg8[%add3A_3, %parallel_loop3A_487] : memref<128x64xf32, #tpu.memory_space<vmem>>[vector<16xi32>, vector<16xi32>], vector<16xf32>,
          tpu.vector_store_idx %arg10[%parallel_loop3A_490, %parallel_loop3A_493, %add3A_3], %parallel_loop3A_494 : memref<8x8x128xf32, #tpu.memory_space<vmem>>[vector<16xi32>, vector<16xi32>, vector<16xi32>], vector<16xf32>,
          %parallel_loop3A_495 = tpu.vector_load_idx %arg8[%add3A_6, %parallel_loop3A_487] : memref<128x64xf32, #tpu.memory_space<vmem>>[vector<16xi32>, vector<16xi32>], vector<16xf32>,
          tpu.vector_store_idx %arg10[%parallel_loop3A_490, %parallel_loop3A_493, %add3A_6], %parallel_loop3A_495 : memref<8x8x128xf32, #tpu.memory_space<vmem>>[vector<16xi32>, vector<16xi32>, vector<16xi32>], vector<16xf32>,
          %parallel_loop3A_496 = tpu.vector_load_idx %arg8[%add3A_9, %parallel_loop3A_487] : memref<128x64xf32, #tpu.memory_space<vmem>>[vector<16xi32>, vector<16xi32>], vector<16xf32>,
          tpu.vector_store_idx %arg10[%parallel_loop3A_490, %parallel_loop3A_493, %add3A_9], %parallel_loop3A_496 : memref<8x8x128xf32, #tpu.memory_space<vmem>>[vector<16xi32>, vector<16xi32>, vector<16xi32>], vector<16xf32>,
          %parallel_loop3A_497 = tpu.vector_load_idx %arg8[%add3A_12, %parallel_loop3A_487] : memref<128x64xf32, #tpu.memory_space<vmem>>[vector<16xi32>, vector<16xi32>], vector<16xf32>,
          tpu.vector_store_idx %arg10[%parallel_loop3A_490, %parallel_loop3A_493, %add3A_12], %parallel_loop3A_497 : memref<8x8x128xf32, #tpu.memory_space<vmem>>[vector<16xi32>, vector<16xi32>, vector<16xi32>], vector<16xf32>,
          %parallel_loop3A_498 = tpu.vector_load_idx %arg8[%add3A_15, %parallel_loop3A_487] : memref<128x64xf32, #tpu.memory_space<vmem>>[vector<16xi32>, vector<16xi32>], vector<16xf32>,
          tpu.vector_store_idx %arg10[%parallel_loop3A_490, %parallel_loop3A_493, %add3A_15], %parallel_loop3A_498 : memref<8x8x128xf32, #tpu.memory_space<vmem>>[vector<16xi32>, vector<16xi32>, vector<16xi32>], vector<16xf32>,
          %parallel_loop3A_499 = tpu.vector_load_idx %arg8[%add3A_18, %parallel_loop3A_487] : memref<128x64xf32, #tpu.memory_space<vmem>>[vector<16xi32>, vector<16xi32>], vector<16xf32>,
          tpu.vector_store_idx %arg10[%parallel_loop3A_490, %parallel_loop3A_493, %add3A_18], %parallel_loop3A_499 : memref<8x8x128xf32, #tpu.memory_space<vmem>>[vector<16xi32>, vector<16xi32>, vector<16xi32>], vector<16xf32>,
          %parallel_loop3A_500 = tpu.vector_load_idx %arg8[%add3A_21, %parallel_loop3A_487] : memref<128x64xf32, #tpu.memory_space<vmem>>[vector<16xi32>, vector<16xi32>], vector<16xf32>,
          tpu.vector_store_idx %arg10[%parallel_loop3A_490, %parallel_loop3A_493, %add3A_21], %parallel_loop3A_500 : memref<8x8x128xf32, #tpu.memory_space<vmem>>[vector<16xi32>, vector<16xi32>, vector<16xi32>], vector<16xf32>,
          %parallel_loop3A_501 = tpu.vector_load_idx %arg8[%add3A_24, %parallel_loop3A_487] : memref<128x64xf32, #tpu.memory_space<vmem>>[vector<16xi32>, vector<16xi32>], vector<16xf32>,
          tpu.vector_store_idx %arg10[%parallel_loop3A_490, %parallel_loop3A_493, %add3A_24], %parallel_loop3A_501 : memref<8x8x128xf32, #tpu.memory_space<vmem>>[vector<16xi32>, vector<16xi32>, vector<16xi32>], vector<16xf32>,
        } {sc.loop_unroll_factor = 8 : i64, sc.parallel_access}
        %dma_start3A_472 = arith.constant 0 : i32
        %dma_start3A_473 = arith.constant 0 : i32
        %dma_start3A_474 = arith.constant 0 : i32
        %dma_start3A_475 = tpu.memref_slice %arg4[%select_n3A_429, %dma_start3A_472, %select_n3A_445, %dma_start3A_473, %dma_start3A_474] : memref<26x8x32x8x128xf32, #tpu.memory_space<hbm>> -> memref<1x8x1x8x128xf32, #tpu.memory_space<hbm>>
        %dma_start3A_476 = tpu.memref_squeeze %dma_start3A_475 : memref<1x8x1x8x128xf32, #tpu.memory_space<hbm>> -> memref<8x8x128xf32, #tpu.memory_space<hbm>>
        %dma_start3A_477 = arith.constant 0 : i32
        %dma_start3A_478 = arith.constant 0 : i32
        %dma_start3A_479 = arith.constant 0 : i32
        %dma_start3A_480 = tpu.memref_slice %arg4[%select_n3A_429, %dma_start3A_477, %select_n3A_445, %dma_start3A_478, %dma_start3A_479] : memref<26x8x32x8x128xf32, #tpu.memory_space<hbm>> -> memref<1x8x1x8x128xf32, #tpu.memory_space<hbm>>
        %dma_start3A_481 = tpu.memref_squeeze %dma_start3A_480 : memref<1x8x1x8x128xf32, #tpu.memory_space<hbm>> -> memref<8x8x128xf32, #tpu.memory_space<hbm>>
        tpu.enqueue_dma source(%arg10 : memref<8x8x128xf32, #tpu.memory_space<vmem>>) target(%dma_start3A_481 : memref<8x8x128xf32, #tpu.memory_space<hbm>>) target_semaphore(%arg15 : memref<!tpu.dma_semaphore, #tpu.memory_space<semaphore_mem>>)
      } else {
      }
    }
    %scan3A_42 = arith.constant 5 : i32
    %mul3A_43 = arith.constant 26 : i32
    %mul3A_44 = arith.muli %add3A, %mul3A_43 : i32
    %add3A_45 = arith.constant 24 : i32
    %add3A_46 = arith.addi %mul3A_44, %add3A_45 : i32
    %jit3A = arith.constant 32 : i32
    %div3A = arith.divsi %add3A_46, %jit3A : i32
    %sign3A = arith.constant 0 : i32
    %sign3A_47 = arith.cmpi sgt, %add3A_46, %sign3A : i32
    %sign3A_48 = arith.extui %sign3A_47 : i1 to i32
    %sign3A_49 = arith.constant 0 : i32
    %sign3A_50 = arith.cmpi slt, %add3A_46, %sign3A_49 : i32
    %sign3A_51 = arith.extui %sign3A_50 : i1 to i32
    %sign3A_52 = arith.subi %sign3A_48, %sign3A_51 : i32
    %sign3A_53 = arith.constant 0 : i32
    %sign3A_54 = arith.cmpi sgt, %jit3A, %sign3A_53 : i32
    %sign3A_55 = arith.extui %sign3A_54 : i1 to i32
    %sign3A_56 = arith.constant 0 : i32
    %sign3A_57 = arith.cmpi slt, %jit3A, %sign3A_56 : i32
    %sign3A_58 = arith.extui %sign3A_57 : i1 to i32
    %sign3A_59 = arith.subi %sign3A_55, %sign3A_58 : i32
    %ne3A = arith.cmpi ne, %sign3A_52, %sign3A_59 : i32
    %rem3A = arith.remsi %add3A_46, %jit3A : i32
    %ne3A_60 = arith.constant 0 : i32
    %ne3A_61 = arith.cmpi ne, %rem3A, %ne3A_60 : i32
    %and3A = arith.andi %ne3A, %ne3A_61 : i1
    %sub3A = arith.constant 1 : i32
    %sub3A_62 = arith.subi %div3A, %sub3A : i32
    %select_n3A = arith.select %and3A, %sub3A_62, %div3A : i32
    %jit3A_63 = arith.constant 32 : i32
    %eq3A = arith.constant 0 : i32
    %eq3A_64 = arith.cmpi eq, %jit3A_63, %eq3A : i32
    %jit3A_65 = arith.constant 1 : i32
    %select_n3A_66 = arith.select %eq3A_64, %jit3A_65, %jit3A_63 : i32
    %rem3A_67 = arith.remsi %add3A_46, %select_n3A_66 : i32
    %ne3A_68 = arith.constant 0 : i32
    %ne3A_69 = arith.cmpi ne, %rem3A_67, %ne3A_68 : i32
    %lt3A = arith.constant 0 : i32
    %lt3A_70 = arith.cmpi slt, %rem3A_67, %lt3A : i32
    %lt3A_71 = arith.constant 0 : i32
    %lt3A_72 = arith.cmpi slt, %select_n3A_66, %lt3A_71 : i32
    %ne3A_73 = arith.xori %lt3A_70, %lt3A_72 : i1
    %and3A_74 = arith.andi %ne3A_73, %ne3A_69 : i1
    %add3A_75 = arith.addi %rem3A_67, %select_n3A_66 : i32
    %select_n3A_76 = arith.select %and3A_74, %add3A_75, %rem3A_67 : i32
    %dma_wait3A = arith.constant 0 : i32
    %dma_wait3A_77 = arith.constant 0 : i32
    %dma_wait3A_78 = arith.constant 0 : i32
    %dma_wait3A_79 = tpu.memref_slice %arg4[%select_n3A, %dma_wait3A, %select_n3A_76, %dma_wait3A_77, %dma_wait3A_78] : memref<26x8x32x8x128xf32, #tpu.memory_space<hbm>> -> memref<1x8x1x8x128xf32, #tpu.memory_space<hbm>>
    %dma_wait3A_80 = tpu.memref_squeeze %dma_wait3A_79 : memref<1x8x1x8x128xf32, #tpu.memory_space<hbm>> -> memref<8x8x128xf32, #tpu.memory_space<hbm>>
    %dma_wait3A_81 = arith.constant 0 : i32
    %dma_wait3A_82 = arith.constant 0 : i32
    %dma_wait3A_83 = arith.constant 0 : i32
    %dma_wait3A_84 = tpu.memref_slice %arg4[%select_n3A, %dma_wait3A_81, %select_n3A_76, %dma_wait3A_82, %dma_wait3A_83] : memref<26x8x32x8x128xf32, #tpu.memory_space<hbm>> -> memref<1x8x1x8x128xf32, #tpu.memory_space<hbm>>
    %dma_wait3A_85 = tpu.memref_squeeze %dma_wait3A_84 : memref<1x8x1x8x128xf32, #tpu.memory_space<hbm>> -> memref<8x8x128xf32, #tpu.memory_space<hbm>>
    tpu.wait_dma2 semaphore(%arg14 : memref<!tpu.dma_semaphore, #tpu.memory_space<semaphore_mem>>) src(%arg9 : memref<8x8x128xf32, #tpu.memory_space<vmem>>) dst(%dma_wait3A_85 : memref<8x8x128xf32, #tpu.memory_space<hbm>>)
    %mul3A_86 = arith.constant 26 : i32
    %mul3A_87 = arith.muli %add3A, %mul3A_86 : i32
    %add3A_88 = arith.constant 25 : i32
    %add3A_89 = arith.addi %mul3A_87, %add3A_88 : i32
    %jit3A_90 = arith.constant 32 : i32
    %div3A_91 = arith.divsi %add3A_89, %jit3A_90 : i32
    %sign3A_92 = arith.constant 0 : i32
    %sign3A_93 = arith.cmpi sgt, %add3A_89, %sign3A_92 : i32
    %sign3A_94 = arith.extui %sign3A_93 : i1 to i32
    %sign3A_95 = arith.constant 0 : i32
    %sign3A_96 = arith.cmpi slt, %add3A_89, %sign3A_95 : i32
    %sign3A_97 = arith.extui %sign3A_96 : i1 to i32
    %sign3A_98 = arith.subi %sign3A_94, %sign3A_97 : i32
    %sign3A_99 = arith.constant 0 : i32
    %sign3A_100 = arith.cmpi sgt, %jit3A_90, %sign3A_99 : i32
    %sign3A_101 = arith.extui %sign3A_100 : i1 to i32
    %sign3A_102 = arith.constant 0 : i32
    %sign3A_103 = arith.cmpi slt, %jit3A_90, %sign3A_102 : i32
    %sign3A_104 = arith.extui %sign3A_103 : i1 to i32
    %sign3A_105 = arith.subi %sign3A_101, %sign3A_104 : i32
    %ne3A_106 = arith.cmpi ne, %sign3A_98, %sign3A_105 : i32
    %rem3A_107 = arith.remsi %add3A_89, %jit3A_90 : i32
    %ne3A_108 = arith.constant 0 : i32
    %ne3A_109 = arith.cmpi ne, %rem3A_107, %ne3A_108 : i32
    %and3A_110 = arith.andi %ne3A_106, %ne3A_109 : i1
    %sub3A_111 = arith.constant 1 : i32
    %sub3A_112 = arith.subi %div3A_91, %sub3A_111 : i32
    %select_n3A_113 = arith.select %and3A_110, %sub3A_112, %div3A_91 : i32
    %jit3A_114 = arith.constant 32 : i32
    %eq3A_115 = arith.constant 0 : i32
    %eq3A_116 = arith.cmpi eq, %jit3A_114, %eq3A_115 : i32
    %jit3A_117 = arith.constant 1 : i32
    %select_n3A_118 = arith.select %eq3A_116, %jit3A_117, %jit3A_114 : i32
    %rem3A_119 = arith.remsi %add3A_89, %select_n3A_118 : i32
    %ne3A_120 = arith.constant 0 : i32
    %ne3A_121 = arith.cmpi ne, %rem3A_119, %ne3A_120 : i32
    %lt3A_122 = arith.constant 0 : i32
    %lt3A_123 = arith.cmpi slt, %rem3A_119, %lt3A_122 : i32
    %lt3A_124 = arith.constant 0 : i32
    %lt3A_125 = arith.cmpi slt, %select_n3A_118, %lt3A_124 : i32
    %ne3A_126 = arith.xori %lt3A_123, %lt3A_125 : i1
    %and3A_127 = arith.andi %ne3A_126, %ne3A_121 : i1
    %add3A_128 = arith.addi %rem3A_119, %select_n3A_118 : i32
    %select_n3A_129 = arith.select %and3A_127, %add3A_128, %rem3A_119 : i32
    %dma_wait3A_130 = arith.constant 0 : i32
    %dma_wait3A_131 = arith.constant 0 : i32
    %dma_wait3A_132 = arith.constant 0 : i32
    %dma_wait3A_133 = tpu.memref_slice %arg4[%select_n3A_113, %dma_wait3A_130, %select_n3A_129, %dma_wait3A_131, %dma_wait3A_132] : memref<26x8x32x8x128xf32, #tpu.memory_space<hbm>> -> memref<1x8x1x8x128xf32, #tpu.memory_space<hbm>>
    %dma_wait3A_134 = tpu.memref_squeeze %dma_wait3A_133 : memref<1x8x1x8x128xf32, #tpu.memory_space<hbm>> -> memref<8x8x128xf32, #tpu.memory_space<hbm>>
    %dma_wait3A_135 = arith.constant 0 : i32
    %dma_wait3A_136 = arith.constant 0 : i32
    %dma_wait3A_137 = arith.constant 0 : i32
    %dma_wait3A_138 = tpu.memref_slice %arg4[%select_n3A_113, %dma_wait3A_135, %select_n3A_129, %dma_wait3A_136, %dma_wait3A_137] : memref<26x8x32x8x128xf32, #tpu.memory_space<hbm>> -> memref<1x8x1x8x128xf32, #tpu.memory_space<hbm>>
    %dma_wait3A_139 = tpu.memref_squeeze %dma_wait3A_138 : memref<1x8x1x8x128xf32, #tpu.memory_space<hbm>> -> memref<8x8x128xf32, #tpu.memory_space<hbm>>
    tpu.wait_dma2 semaphore(%arg15 : memref<!tpu.dma_semaphore, #tpu.memory_space<semaphore_mem>>) src(%arg10 : memref<8x8x128xf32, #tpu.memory_space<vmem>>) dst(%dma_wait3A_139 : memref<8x8x128xf32, #tpu.memory_space<hbm>>)
    return
  }
}

</mosaic_0001>

<sc_bundles>
// kernel: kernel.3.cloned.1.call-start
scs
__scs_entry_jumppad:
0x0: {  	(pc) =	sbr.rel $0x88, $3  }
0x1: {  	(tag) =	ssettag $0x0;
	lr =	simm.s32 $0x1  }
0x2: {  	[smem:$0x3F9F] =	sst lr;
	_ =	strace $0xD0000000  }
0x3: {  	_ = 	snop  }
0x4: {  	_ = 	snop  }
0x5: {  	_ = 	snop  }
0x6: {  	_ = 	snop  }
0x7: {  	_ = 	snop  }
__scs_overlays_trampoline_lowered:
0x8: {  	[smem:$0x3FAE] =	sst s0  }
0x9: {  	[smem:$0x3FAF] =	sst s1  }
0xa: {  	[smem:$0x3FB0] =	sst s2  }
0xb: {  	[smem:$0x3FB1] =	sst s3  }
0xc: {  	[smem:$0x3FB2] =	sst s4  }
0xd: {  	[smem:$0x3FB3] =	sst s5  }
0xe: {  	[smem:$0x3FB4] =	sst s6  }
0xf: {  	[smem:$0x3FB5] =	sst s7  }
0x10: {  	[smem:$0x3FB6] =	sst s8  }
0x11: {  	[smem:$0x3FB7] =	sst s9;
	s0 =	simm.s32 @!p0 $0x0  }
0x12: {  	s1 =	sld [smem:$0x3F9D];
	s0 =	simm.s32 @p0 $0x1  }
0x13: {  	[smem:$0x3FB8] =	sst s0;
	s0 =	simm.s32 @!p1 $0x0  }
0x14: {  	s2 =	sld [smem:$0x3F9C];
	s0 =	simm.s32 @p1 $0x1  }
0x15: {  	[smem:$0x3FB9] =	sst s0;
	s0 =	simm.s32 @!p2 $0x0  }
0x16: {  	s3 =	sld [smem:$0x3FDB];
	s0 =	simm.s32 @p2 $0x1  }
0x17: {  	s4 =	simm.s32 $0x1BF5;
	[smem:$0x3FBB] =	sst s0  }
0x18: {  	s0 =	sld [smem:$0x3F9E];
	_ =	swait.ge [sflag:s4], $0x0  }
0x19: {  	s7 =	sld [smem:$0x3F9F]  }
0x1a: {  	s8 =	sadd.s32 $0xFFFFE003, lr  }
0x1b: {  	s9 =	sadd.s32 $0xFFFFFEF7, lr;
	s5 =	simm.s32 $0xFFFFFFFF;
	p2 =	slt.u32 s8, $0xFFFFF086  }
0x1c: {  	p1 =	slt.u32 s9, $0xF7A;
	s5 =	simm.s32 @!p2 $0x0  }
0x1d: {  	s5 =	simm.s32 @p1 $0x1;
	p0 =	seq.s32 s7, s2  }
0x1e: {  	s7 =	smul.u32 @!p0 $0xF7A, s2;
	p2 =	seq.s32 @!p0 s5, $0x0  }
0x1f: {  	s9 =	smul.u32 $0xF7A, s1;
	s8 =	simm.s32 @!p0 $0x1BF5;
	p2 =	por !p2, p0  }
0x20: {  	[sflag:s8] =	ssyncset.s32 @!p0 $0xFFFFF086;
	s6 =	sadd.s32 @!p0 s3, s7;
	s7 =	simm.s32 @!p0 $0x108  }
0x21: {  	s3 =	sadd.s32 s3, s9;
	s6 =	sadd.s32 @!p0 $0x88, s6;
	s7 =	simm.s32 @p2 $0x1082  }
0x22: {  	[simem:s7], [sflag:s8] =	dma.local @!p0 [hbm:s6], $0xF7A  }
0x23: {  	s9 =	sor.u32 $0xD0000000, s2;
	s6 =	simm.s32 $0x108;
	_ =	swait.ge @!p0 [sflag:s8], $0x0  }
0x24: {  	s3 =	sadd.s32 $0x88, s3;
	s6 =	simm.s32 @!p1 $0x1082;
	[sflag:s4] =	ssyncset.s32 $0xFFFFF086  }
0x25: {  	[simem:s6], [sflag:s4] =	dma.local [hbm:s3], $0xF7A  }
0x26: {  	[smem:$0x3F9F] =	sst s1;
	(tag) =	ssettag s2;
	_ =	strace s9  }
0x27: {  	s1 =	sld [smem:$0x3FAF]  }
0x28: {  	s2 =	sld [smem:$0x3FB0]  }
0x29: {  	s4 =	sld [smem:$0x3FB2]  }
0x2a: {  	p0 =	seq.s32 s5, $0x0;
	s5 =	sld [smem:$0x3FB3]  }
0x2b: {  	s6 =	sld [smem:$0x3FB4]  }
0x2c: {  	s7 =	sld [smem:$0x3FB5]  }
0x2d: {  	s3 =	simm.s32 $0x108;
	s8 =	sld [smem:$0x3FB6]  }
0x2e: {  	s3 =	simm.s32 @!p0 $0x1082;
	s9 =	sld [smem:$0x3FB7]  }
0x2f: {  	lr =	sadd.s32 s0, s3;
	s0 =	sld [smem:$0x3FAE]  }
0x30: {  	s3 =	sld [smem:$0x3FB1]  }
0x31: {  	[smem:$0x3FBA] =	sst s10  }
0x32: {  	s10 =	sld [smem:$0x3FB8];
	_ =	sdelay $0x3  }
0x33: {  	p0 =	seq.s32 s10, $0x1;
	s10 =	sld [smem:$0x3FBA];
	_ =	sdelay $0x3  }
0x34: {  	[smem:$0x3FBA] =	sst s10  }
0x35: {  	s10 =	sld [smem:$0x3FB9];
	_ =	sdelay $0x3  }
0x36: {  	p1 =	seq.s32 s10, $0x1;
	s10 =	sld [smem:$0x3FBA];
	_ =	sdelay $0x3  }
0x37: {  	[smem:$0x3FBA] =	sst s10  }
0x38: {  	s10 =	sld [smem:$0x3FBB]  }
0x39: {  	_ = 	snop;
	(pc) =	sbr.ind lr, $3  }
0x3a: {  	_ = 	snop  }
0x3b: {  	_ = 	snop  }
0x3c: {  	p2 =	seq.s32 s10, $0x1;
	s10 =	sld [smem:$0x3FBA]  }
0x3d: {  	_ =	shalt  }
0x3e: {  	_ =	shalt  }
0x3f: {  	_ =	shalt  }
0x40: {  	_ =	shalt  }
0x41: {  	_ =	shalt  }
0x42: {  	_ =	shalt  }
0x43: {  	_ =	shalt  }
0x44: {  	_ =	shalt  }
0x45: {  	_ =	shalt  }
0x46: {  	_ =	shalt  }
0x47: {  	_ =	shalt  }
0x48: {  	_ =	shalt  }
0x49: {  	_ =	shalt  }
0x4a: {  	_ =	shalt  }
0x4b: {  	_ =	shalt  }
0x4c: {  	_ =	shalt  }
0x4d: {  	_ =	shalt  }
0x4e: {  	_ =	shalt  }
0x4f: {  	_ =	shalt  }
0x50: {  	_ =	shalt  }
0x51: {  	_ =	shalt  }
0x52: {  	_ =	shalt  }
0x53: {  	_ =	shalt  }
0x54: {  	_ =	shalt  }
0x55: {  	_ =	shalt  }
0x56: {  	_ =	shalt  }
0x57: {  	_ =	shalt  }
0x58: {  	_ =	shalt  }
0x59: {  	_ =	shalt  }
0x5a: {  	_ =	shalt  }
0x5b: {  	_ =	shalt  }
0x5c: {  	_ =	shalt  }
0x5d: {  	_ =	shalt  }
0x5e: {  	_ =	shalt  }
0x5f: {  	_ =	shalt  }
0x60: {  	_ =	shalt  }
0x61: {  	_ =	shalt  }
0x62: {  	_ =	shalt  }
0x63: {  	_ =	shalt  }
0x64: {  	_ =	shalt  }
0x65: {  	_ =	shalt  }
0x66: {  	_ =	shalt  }
0x67: {  	_ =	shalt  }
0x68: {  	_ =	shalt  }
0x69: {  	_ =	shalt  }
0x6a: {  	_ =	shalt  }
0x6b: {  	_ =	shalt  }
0x6c: {  	_ =	shalt  }
0x6d: {  	_ =	shalt  }
0x6e: {  	_ =	shalt  }
0x6f: {  	_ =	shalt  }
0x70: {  	_ =	shalt  }
0x71: {  	_ =	shalt  }
0x72: {  	_ =	shalt  }
0x73: {  	_ =	shalt  }
0x74: {  	_ =	shalt  }
0x75: {  	_ =	shalt  }
0x76: {  	_ =	shalt  }
0x77: {  	_ =	shalt  }
0x78: {  	_ =	shalt  }
0x79: {  	_ =	shalt  }
0x7a: {  	_ =	shalt  }
0x7b: {  	_ =	shalt  }
0x7c: {  	_ =	shalt  }
0x7d: {  	_ =	shalt  }
0x7e: {  	_ =	shalt  }
0x7f: {  	_ =	shalt  }
0x80: {  	_ =	shalt  }
0x81: {  	_ =	shalt  }
0x82: {  	_ =	shalt  }
0x83: {  	_ =	shalt  }
0x84: {  	_ =	shalt  }
0x85: {  	_ =	shalt  }
0x86: {  	_ =	shalt  }
0x87: {  	_ =	shalt  }
.Lfunc_end0:
.L_simem_size_0:
called_computation_lowered:
.L_overlay_start_0:
0x88: {  	s2 =	sld [smem:$0x3FD9]  }
0x89: {  	s3 =	sld [smem:$0x3FFE];
	_ =	sdelay $0x1  }
0x8a: {  	s1 =	srdreg.scid  }
0x8b: {  	s0 =	sand.u32 $0x1, s1  }
0x8c: {  	s17 =	sshll.u32 s0, $0xA;
	s2 =	sadd.s32 s3, s2  }
0x8d: {  	s2 =	sadd.s32 s2, s17  }
0x8e: {  	[smem:$0x3FC6] =	sst s2  }
0x8f: {  	_ = 	snop  }
0x90: {  	s2 =	sld [smem:$0x3FD0];
	(tm) =	ssettm $0x1  }
0x91: {  	s18 =	sld [smem:$0x3FFB];
	_ =	sdelay $0x3  }
0x92: {  	_ =	strace s18  }
0x93: {  	s3 =	sld [smem:$0x3FFC];
	_ =	sdelay $0x3  }
0x94: {  	_ =	strace s3  }
0x95: {  	s3 =	sld [smem:$0x3FFD];
	_ =	sdelay $0x3  }
0x96: {  	_ =	strace s3  }
0x97: {  	_ =	strace $0x8FFFFFFF  }
0x98: {  	s19 =	sld [smem:$0x3FDB];
	_ =	sdelay $0x1  }
0x99: {  	s4 =	simm.s32 $_scs_section_size  }
0x9a: {  	s5 =	simm.s32 $_size__tile_overlayer_lowered;
	s6 =	simm.s32 $_tile_overlayer_lowered  }
0x9b: {  	s22 =	simm.s32 $0x1BFF;
	s21 =	sshll.u32 s6, $0x1;
	s3 =	sadd.s32 s4, s19  }
0x9c: {  	s7 =	simm.s32 $0x0;
	s20 =	sshll.u32 s5, $0x1;
	s5 =	sadd.s32 s21, s3  }
0x9d: {  	[timem:s7], [sflag:s22] =	dma.local [hbm:s5], s20  }
0x9e: {  	_ =	swait.ge [sflag:s22], s20  }
0x9f: {  	s4 =	ssub.s32 $0x0, s20;
	[sflag:s22] =	ssyncset.done $0x0  }
0xa0: {  	[sflag:s22] =	ssyncadd.s32 s4;
	_ =	sdelay $0x1  }
0xa1: {  	s23 =	simm.s32 $0x1B8B  }
0xa2: {  	_ =	swait.ge [sflag:s23], $0x1  }
0xa3: {  	[sflag:s23] =	ssyncset.done $0x0  }
0xa4: {  	s25 =	simm.s32 $0x1B8E;
	s24 =	sld [smem:$0x3FFE];
	[sflag:s23] =	ssyncadd.s32 $0xFFFFFFFF  }
0xa5: {  	s26 =	simm.s32 $execute0_lowered;
	[smem:$0x3FD2] =	sst s25  }
0xa6: {  	s5 =	sshll.u32 s26, $0x1;
	_ =	strace $0x80000046;
	[dreg:$0x1] =	wrdreg $0xFFFFFFFF  }
0xa7: {  	s28 =	simm.s32 $_size_execute0_lowered;
	s3 =	sadd.s32 s3, s5;
	[dreg:$0x0] =	wrdreg $0x0  }
0xa8: {  	s5 =	sshll.u32 s28, $0x1;
	[dreg:$0x2] =	wrdreg s3  }
0xa9: {  	[dreg:$0x3] =	wrdreg s5  }
0xaa: {  	[dreg:$0x4] =	wrdreg $0xC0  }
0xab: {  	_ =	task [dreg:s7], $0x5FFFF  }
0xac: {  	[dreg:$0x1] =	wrdreg $0xFFFFFFFF  }
0xad: {  	[dreg:$0x0] =	wrdreg $0x60  }
0xae: {  	[dreg:$0x2] =	wrdreg s24  }
0xaf: {  	[dreg:$0x3] =	wrdreg s2  }
0xb0: {  	[dreg:$0x4] =	wrdreg $0x9  }
0xb1: {  	_ =	task.clear_ibuf [dreg:s7], $0x5FFFF;
	_ =	strace $0x90000046  }
0xb2: {  	s29 =	simm.s32 $0x9;
	_ =	strace $0x80000048  }
0xb3: {  	_ =	swait.ge [sflag:s29], $0x1  }
0xb4: {  	[sflag:s29] =	ssyncadd.s32 $0xFFFFFFFF  }
0xb5: {  	_ =	strace $0x90000048  }
0xb6: {  	_ =	sfence  }
0xb7: {  	s30 =	sld [smem:$0x0];
	_ =	sdelay $0x2  }
0xb8: {  	s31 =	sshll.u32 s1, $0xD;
	s1 =	sshrl.u32 s1, $0x2  }
0xb9: {  	s3 =	sand.u32 $0x4000, s31;
	s1 =	sadd.s32 s1, s30  }
0xba: {  	s0 =	sor.u32 s3, s0;
	s1 =	sshll.u32 s1, $0x11  }
0xbb: {  	s0 =	sor.u32 s1, s0  }
0xbc: {  	s0 =	sadd.s32 $0x8F2B, s0  }
0xbd: {  	[sflag:s0] =	ssyncadd.remote.s32 $0x1  }
0xbe: {  	_ =	sfence.sel $0xFFFF  }
0xbf: {  	[dreg:$0x0] =	wrdreg $0xFFFFFFFF;
	(pc) =	sbr.abs _section_cstart, $3  }
0xc0: {  	[dreg:$0x1] =	wrdreg $0xFFFFFFFF  }
0xc1: {  	_ =	task.clear_ibuf [dreg:s7], $0x2FFFF;
	_ =	strace $0x9FFFFFFF  }
0xc2: {  	(tm) =	ssettm $0x7FFFFFFF  }
0xc3: {  	_ =	shalt  }
tec
execute0_lowered:
.L_overlay_start_1:
0x0: {  	(tag) =	ssettag $0x1  }
0x1: {  	v0 =	vimm.s32 $0xC3824100  }
0x2: {  	v0 =	vunpack.c.0.s8.s32 v0;
	_ =	sdelay $0x1  }
0x3: {  	vm0 =	vcmask $0xF00;
	v0 =	vand.u32 $0xFF, v0  }
0x4: {  	vm10 =	vcmask $0x1310;
	v0 =	vnsel vm0, $0x3C7, v0  }
0x5: {  	vm9 =	vcmask $0x1714;
	v0 =	vsel vm10, $0x104, v0  }
0x6: {  	vm8 =	vcmask $0x1B18;
	v0 =	vsel vm9, $0x145, v0  }
0x7: {  	vm7 =	vcmask $0x1F1C;
	v0 =	vsel vm8, $0x186, v0  }
0x8: {  	vm6 =	vcmask $0x2320;
	v0 =	vsel vm7, $0x1C7, v0  }
0x9: {  	vm5 =	vcmask $0x2724;
	v0 =	vsel vm6, $0x200, v0  }
0xa: {  	vm4 =	vcmask $0x2B28;
	v0 =	vsel vm5, $0x241, v0  }
0xb: {  	vm3 =	vcmask $0x2F2C;
	v0 =	vsel vm4, $0x282, v0  }
0xc: {  	vm2 =	vcmask $0x3330;
	v0 =	vsel vm3, $0x2C3, v0  }
0xd: {  	vm1 =	vcmask $0x3734;
	v2 =	vimm.s32 $0x38F;
	v1 =	vsel vm2, $0x304, v0  }
0xe: {  	vm12 =	vcmask $0x300;
	vm0 =	vcmask $0x3B38;
	v1 =	vsel vm1, $0x345, v1  }
0xf: {  	vm13 =	vcmask $0x704;
	v14 =	vsel vm0, $0x386, v1;
	v1 =	vsel vm12, $0x0, v2  }
0x10: {  	vm11 =	vcmask $0xB08;
	v2 =	vimm.s32 $0x7C7;
	v1 =	vsel vm13, $0x81, v1  }
0x11: {  	vm14 =	vcmask $0xF0C;
	v2 =	vsel vm12, $0x400, v2;
	v1 =	vsel vm11, $0x102, v1  }
0x12: {  	v3 =	vimm.s32 $0x39F;
	v2 =	vsel vm13, $0x441, v2;
	v1 =	vsel vm14, $0x183, v1  }
0x13: {  	v3 =	vsel vm12, $0x10, v3;
	v2 =	vsel vm11, $0x482, v2;
	v1 =	vsel vm10, $0x204, v1  }
0x14: {  	v3 =	vsel vm13, $0x91, v3;
	v2 =	vsel vm14, $0x4C3, v2;
	v1 =	vsel vm9, $0x285, v1  }
0x15: {  	v3 =	vsel vm11, $0x112, v3;
	v2 =	vsel vm10, $0x504, v2;
	v1 =	vsel vm8, $0x306, v1  }
0x16: {  	v3 =	vsel vm14, $0x193, v3;
	v2 =	vsel vm9, $0x545, v2;
	v1 =	vsel vm7, $0x387, v1  }
0x17: {  	v3 =	vsel vm10, $0x214, v3;
	v2 =	vsel vm8, $0x586, v2;
	v1 =	vsel vm6, $0x8, v1  }
0x18: {  	v3 =	vsel vm9, $0x295, v3;
	v2 =	vsel vm7, $0x5C7, v2;
	v1 =	vsel vm5, $0x89, v1  }
0x19: {  	v3 =	vsel vm8, $0x316, v3;
	v2 =	vsel vm6, $0x600, v2;
	v1 =	vsel vm4, $0x10A, v1  }
0x1a: {  	v3 =	vsel vm7, $0x397, v3;
	v2 =	vsel vm5, $0x641, v2;
	v1 =	vsel vm3, $0x18B, v1  }
0x1b: {  	v3 =	vsel vm6, $0x18, v3;
	v2 =	vsel vm4, $0x682, v2;
	v1 =	vsel vm2, $0x20C, v1  }
0x1c: {  	v3 =	vsel vm5, $0x99, v3;
	v2 =	vsel vm3, $0x6C3, v2;
	v1 =	vsel vm1, $0x28D, v1  }
0x1d: {  	v3 =	vsel vm4, $0x11A, v3;
	v2 =	vsel vm2, $0x704, v2;
	v1 =	vsel vm0, $0x30E, v1  }
0x1e: {  	v3 =	vsel vm3, $0x19B, v3;
	[tilespmem:$0x1FE10] =	vst v1;
	v1 =	vsel vm1, $0x745, v2  }
0x1f: {  	v2 =	vsel vm2, $0x21C, v3;
	v1 =	vsel vm0, $0x786, v1  }
0x20: {  	[tilespmem:$0x1FE20] =	vst v1;
	v1 =	vsel vm1, $0x29D, v2  }
0x21: {  	v2 =	vimm.s32 $0xBC7;
	v1 =	vsel vm0, $0x31E, v1  }
0x22: {  	[tilespmem:$0x1FE30] =	vst v1;
	v1 =	vsel vm12, $0x800, v2  }
0x23: {  	v2 =	vimm.s32 $0x3AF;
	v1 =	vsel vm13, $0x841, v1  }
0x24: {  	v2 =	vsel vm12, $0x20, v2;
	v1 =	vsel vm11, $0x882, v1  }
0x25: {  	v3 =	vimm.s32 $0xFC7;
	v2 =	vsel vm13, $0xA1, v2;
	v1 =	vsel vm14, $0x8C3, v1  }
0x26: {  	v3 =	vsel vm12, $0xC00, v3;
	v2 =	vsel vm11, $0x122, v2;
	v1 =	vsel vm10, $0x904, v1  }
0x27: {  	v3 =	vsel vm13, $0xC41, v3;
	v2 =	vsel vm14, $0x1A3, v2;
	v1 =	vsel vm9, $0x945, v1  }
0x28: {  	v3 =	vsel vm11, $0xC82, v3;
	v2 =	vsel vm10, $0x224, v2;
	v1 =	vsel vm8, $0x986, v1  }
0x29: {  	v3 =	vsel vm14, $0xCC3, v3;
	v2 =	vsel vm9, $0x2A5, v2;
	v1 =	vsel vm7, $0x9C7, v1  }
0x2a: {  	v3 =	vsel vm10, $0xD04, v3;
	v2 =	vsel vm8, $0x326, v2;
	v1 =	vsel vm6, $0xA00, v1  }
0x2b: {  	v3 =	vsel vm9, $0xD45, v3;
	v2 =	vsel vm7, $0x3A7, v2;
	v1 =	vsel vm5, $0xA41, v1  }
0x2c: {  	v3 =	vsel vm8, $0xD86, v3;
	v2 =	vsel vm6, $0x28, v2;
	v1 =	vsel vm4, $0xA82, v1  }
0x2d: {  	v3 =	vsel vm7, $0xDC7, v3;
	v2 =	vsel vm5, $0xA9, v2;
	v1 =	vsel vm3, $0xAC3, v1  }
0x2e: {  	v3 =	vsel vm6, $0xE00, v3;
	v2 =	vsel vm4, $0x12A, v2;
	v1 =	vsel vm2, $0xB04, v1  }
0x2f: {  	v3 =	vsel vm5, $0xE41, v3;
	v2 =	vsel vm3, $0x1AB, v2;
	v1 =	vsel vm1, $0xB45, v1  }
0x30: {  	v3 =	vsel vm4, $0xE82, v3;
	v2 =	vsel vm2, $0x22C, v2;
	v1 =	vsel vm0, $0xB86, v1  }
0x31: {  	v3 =	vsel vm3, $0xEC3, v3;
	[tilespmem:$0x1FE40] =	vst v1;
	v1 =	vsel vm1, $0x2AD, v2  }
0x32: {  	v2 =	vsel vm2, $0xF04, v3;
	v1 =	vsel vm0, $0x32E, v1  }
0x33: {  	[tilespmem:$0x1FE50] =	vst v1;
	v1 =	vsel vm1, $0xF45, v2  }
0x34: {  	v2 =	vimm.s32 $0x3BF;
	v1 =	vsel vm0, $0xF86, v1  }
0x35: {  	[tilespmem:$0x1FE60] =	vst v1;
	v1 =	vsel vm12, $0x30, v2  }
0x36: {  	v2 =	vimm.s32 $0x13C7;
	v1 =	vsel vm13, $0xB1, v1  }
0x37: {  	v0 =	vlaneseq.u32;
	v2 =	vsel vm12, $0x1000, v2;
	v1 =	vsel vm11, $0x132, v1  }
0x38: {  	v3 =	vimm.s32 $0x3CF;
	v2 =	vsel vm13, $0x1041, v2;
	v1 =	vsel vm14, $0x1B3, v1  }
0x39: {  	v3 =	vsel vm12, $0x40, v3;
	v2 =	vsel vm11, $0x1082, v2;
	v1 =	vsel vm10, $0x234, v1  }
0x3a: {  	v3 =	vsel vm13, $0xC1, v3;
	v2 =	vsel vm14, $0x10C3, v2;
	v1 =	vsel vm9, $0x2B5, v1  }
0x3b: {  	v3 =	vsel vm11, $0x142, v3;
	v2 =	vsel vm10, $0x1104, v2;
	v1 =	vsel vm8, $0x336, v1  }
0x3c: {  	v3 =	vsel vm14, $0x1C3, v3;
	v2 =	vsel vm9, $0x1145, v2;
	v1 =	vsel vm7, $0x3B7, v1  }
0x3d: {  	v3 =	vsel vm10, $0x244, v3;
	v2 =	vsel vm8, $0x1186, v2;
	v1 =	vsel vm6, $0x38, v1  }
0x3e: {  	v3 =	vsel vm9, $0x2C5, v3;
	v2 =	vsel vm7, $0x11C7, v2;
	v1 =	vsel vm5, $0xB9, v1  }
0x3f: {  	v3 =	vsel vm8, $0x346, v3;
	v2 =	vsel vm6, $0x1200, v2;
	v1 =	vsel vm4, $0x13A, v1  }
0x40: {  	v3 =	vsel vm7, $0x3C7, v3;
	v2 =	vsel vm5, $0x1241, v2;
	v1 =	vsel vm3, $0x1BB, v1  }
0x41: {  	v3 =	vsel vm6, $0x48, v3;
	v2 =	vsel vm4, $0x1282, v2;
	v1 =	vsel vm2, $0x23C, v1  }
0x42: {  	v3 =	vsel vm5, $0xC9, v3;
	v2 =	vsel vm3, $0x12C3, v2;
	v1 =	vsel vm1, $0x2BD, v1  }
0x43: {  	v3 =	vsel vm4, $0x14A, v3;
	v2 =	vsel vm2, $0x1304, v2;
	v1 =	vsel vm0, $0x33E, v1  }
0x44: {  	v23 =	vmul.u32 $0x40, v0;
	v3 =	vsel vm3, $0x1CB, v3;
	[tilespmem:$0x1FE70] =	vst v1;
	v1 =	vsel vm1, $0x1345, v2  }
0x45: {  	v18 =	vor.u32 $0x20, v0;
	v2 =	vsel vm2, $0x24C, v3;
	v1 =	vsel vm0, $0x1386, v1  }
0x46: {  	v24 =	vor.u32 $0x30, v0;
	v33 =	vor.u32 $0x50, v0;
	[tilespmem:$0x1FE80] =	vst v1;
	v1 =	vsel vm1, $0x2CD, v2  }
0x47: {  	v36 =	vor.u32 $0x60, v0;
	v2 =	vimm.s32 $0x17C7;
	v1 =	vsel vm0, $0x34E, v1  }
0x48: {  	v40 =	vor.u32 $0x70, v0;
	[tilespmem:$0x1FE90] =	vst v1;
	v1 =	vsel vm12, $0x1400, v2;
	v2 =	vimm.s32 $0x3DF  }
0x49: {  	v26 =	vor.u32 $0xC00, v23;
	v1 =	vsel vm13, $0x1441, v1;
	v2 =	vsel vm12, $0x50, v2  }
0x4a: {  	v3 =	vimm.s32 $0x1BC7;
	v1 =	vsel vm11, $0x1482, v1;
	v2 =	vsel vm13, $0xD1, v2  }
0x4b: {  	v3 =	vsel vm12, $0x1800, v3;
	v1 =	vsel vm14, $0x14C3, v1;
	v2 =	vsel vm11, $0x152, v2  }
0x4c: {  	v3 =	vsel vm13, $0x1841, v3;
	v1 =	vsel vm10, $0x1504, v1;
	v2 =	vsel vm14, $0x1D3, v2  }
0x4d: {  	v3 =	vsel vm11, $0x1882, v3;
	v1 =	vsel vm9, $0x1545, v1;
	v2 =	vsel vm10, $0x254, v2  }
0x4e: {  	v3 =	vsel vm14, $0x18C3, v3;
	v1 =	vsel vm8, $0x1586, v1;
	v2 =	vsel vm9, $0x2D5, v2  }
0x4f: {  	v3 =	vsel vm10, $0x1904, v3;
	v1 =	vsel vm7, $0x15C7, v1;
	v2 =	vsel vm8, $0x356, v2  }
0x50: {  	v3 =	vsel vm9, $0x1945, v3;
	v1 =	vsel vm6, $0x1600, v1;
	v2 =	vsel vm7, $0x3D7, v2  }
0x51: {  	v3 =	vsel vm8, $0x1986, v3;
	v1 =	vsel vm5, $0x1641, v1;
	v2 =	vsel vm6, $0x58, v2  }
0x52: {  	v3 =	vsel vm7, $0x19C7, v3;
	v1 =	vsel vm4, $0x1682, v1;
	v2 =	vsel vm5, $0xD9, v2  }
0x53: {  	v3 =	vsel vm6, $0x1A00, v3;
	v1 =	vsel vm3, $0x16C3, v1;
	v2 =	vsel vm4, $0x15A, v2  }
0x54: {  	v3 =	vsel vm5, $0x1A41, v3;
	v1 =	vsel vm2, $0x1704, v1;
	v2 =	vsel vm3, $0x1DB, v2  }
0x55: {  	v3 =	vsel vm4, $0x1A82, v3;
	v1 =	vsel vm1, $0x1745, v1;
	v2 =	vsel vm2, $0x25C, v2  }
0x56: {  	v3 =	vsel vm3, $0x1AC3, v3;
	v4 =	vsel vm0, $0x1786, v1;
	v1 =	vsel vm1, $0x2DD, v2  }
0x57: {  	v22 =	vor.u32 $0x1000, v23;
	v2 =	vsel vm2, $0x1B04, v3;
	v1 =	vsel vm0, $0x35E, v1  }
0x58: {  	v31 =	vor.u32 $0x1400, v23;
	[tilespmem:$0x1FEA0] =	vst v1;
	v1 =	vsel vm1, $0x1B45, v2;
	v2 =	vimm.s32 $0x3EF  }
0x59: {  	s1 =	rddreg [dreg:$0x0];
	s29 =	simm.s32 $0x0;
	v32 =	vsel vm0, $0x1B86, v1;
	v1 =	vsel vm12, $0x60, v2;
	v2 =	vimm.s32 $0x1FC7  }
0x5a: {  	[smem:$0x7FF] =	sst s29;
	v30 =	vor.u32 $0x1800, v23;
	v38 =	vor.u32 $0x1C00, v23;
	v2 =	vsel vm12, $0x1C00, v2  }
0x5b: {  	s2 =	rddreg [dreg:$0x1];
	v3 =	vimm.s32 $0x3FF;
	_ =	strace $0x80000047;
	[tilespmem:$0x1FF10] =	vst v4;
	v1 =	vsel vm13, $0xE1, v1;
	v2 =	vsel vm13, $0x1C41, v2  }
0x5c: {  	v3 =	vsel vm12, $0x70, v3;
	[tilespmem:$0x1FF20] =	vst v18;
	v1 =	vsel vm11, $0x162, v1;
	v2 =	vsel vm11, $0x1C82, v2  }
0x5d: {  	v3 =	vsel vm13, $0xF1, v3;
	[tilespmem:$0x1FF30] =	vst v26;
	v1 =	vsel vm14, $0x1E3, v1;
	v2 =	vsel vm14, $0x1CC3, v2  }
0x5e: {  	v3 =	vsel vm11, $0x172, v3;
	[tilespmem:$0x1FF40] =	vst v24;
	v1 =	vsel vm10, $0x264, v1;
	v2 =	vsel vm10, $0x1D04, v2  }
0x5f: {  	[tilespmem:$0x1FF50] =	vst v22;
	v3 =	vsel vm14, $0x1F3, v3;
	v1 =	vsel vm9, $0x2E5, v1;
	v2 =	vsel vm9, $0x1D45, v2  }
0x60: {  	[tilespmem:$0x1FF60] =	vst v38;
	v3 =	vsel vm10, $0x274, v3;
	v1 =	vsel vm8, $0x366, v1;
	v2 =	vsel vm8, $0x1D86, v2  }
0x61: {  	[tilespmem:$0x1FF70] =	vst v40;
	v3 =	vsel vm9, $0x2F5, v3;
	v1 =	vsel vm7, $0x3E7, v1;
	v2 =	vsel vm7, $0x1DC7, v2  }
0x62: {  	[tilespmem:$0x1FF80] =	vst v23;
	v3 =	vsel vm8, $0x376, v3;
	v1 =	vsel vm6, $0x68, v1;
	v2 =	vsel vm6, $0x1E00, v2  }
0x63: {  	[tilespmem:$0x1FFA0] =	vst v31;
	v3 =	vsel vm7, $0x3F7, v3;
	v1 =	vsel vm5, $0xE9, v1;
	v2 =	vsel vm5, $0x1E41, v2  }
0x64: {  	s3 =	srdreg.scid;
	s0 =	stileid.u32;
	s12 =	simm.s32 $0x6;
	[tilespmem:$0x1FFB0] =	vst v36;
	v3 =	vsel vm6, $0x78, v3;
	v1 =	vsel vm4, $0x16A, v1;
	v2 =	vsel vm4, $0x1E82, v2  }
0x65: {  	s13 =	simm.s32 $0x80;
	s14 =	simm.s32 $0xD00;
	s15 =	simm.s32 $0x2D00;
	[tilespmem:$0x1FFC0] =	vst v33;
	v3 =	vsel vm5, $0xF9, v3;
	v1 =	vsel vm3, $0x1EB, v1;
	v2 =	vsel vm3, $0x1EC3, v2  }
0x66: {  	s16 =	simm.s32 $0x1;
	s17 =	simm.s32 $0x6D00;
	s18 =	simm.s32 $0x400;
	[tilespmem:$0x1FFD0] =	vst v30;
	v3 =	vsel vm4, $0x17A, v3;
	v1 =	vsel vm2, $0x26C, v1;
	v2 =	vsel vm2, $0x1F04, v2  }
0x67: {  	s19 =	simm.s32 $0x8000;
	s4 =	sand.u32 $0x1, s3;
	s5 =	sshll.u32 s0, $0x1;
	[tilespmem:$0x1FFF0] =	vst v14;
	v3 =	vsel vm3, $0x1FB, v3;
	v1 =	vsel vm1, $0x2ED, v1;
	v2 =	vsel vm1, $0x1F45, v2  }
0x68: {  	s20 =	simm.s32 $0x2;
	s21 =	simm.s32 $0x5;
	s5 =	sor.u32 s4, s5;
	[tilespmem:$0x1FF90] =	vst v32;
	v3 =	vsel vm2, $0x27C, v3;
	v25 =	vsel vm0, $0x36E, v1;
	v1 =	vsel vm0, $0x1F86, v2  }
0x69: {  	s22 =	simm.s32 $0x8D00;
	s23 =	simm.s32 $0x4;
	s6 =	smul.u32 $0x1A0, s5;
	[tilespmem:$0x1FEB0] =	vst v1;
	v1 =	vsel vm1, $0x2FD, v3  }
0x6a: {  	s24 =	simm.s32 $0x3;
	s7 =	ssub.s32 $0x2, s4;
	s4 =	smul.u32 $0x1A, s5;
	[tilespmem:$0x1FFE0] =	vst v25;
	v1 =	vsel vm0, $0x37E, v1  }
.Ltmp0:
0x6b: {  	s25 =	simm.s32 $0x4D00;
	s26 =	simm.s32 $0x0;
	[tilespmem:$0x1FEC0] =	vst v1;
	v1 =	vor.u32 $0x400, v23;
	(pc) =	sbr.rel .LBB2_1-.Ltmp0, $4  }
0x6c: {  	s8 =	sshrl.u32 s7, $0x1;
	s5 =	sadd.s32 $0x18A400, s1;
	s1 =	sadd.s32 s6, s1;
	[tilespmem:$0x1FED0] =	vst v1;
	v1 =	vor.u32 $0x10, v0  }
0x6d: {  	s11 =	ssub.s32 s7, s8;
	s7 =	sadd.s32 $0x2, s4;
	s30 =	sadd.s32 $0x187000, s1;
	[tilespmem:$0x1FEE0] =	vst v1;
	v1 =	vor.u32 $0x800, v23  }
0x6e: {  	s8 =	sadd.s32 $0x3, s4;
	s31 =	smax.u32 s11, $0x1;
	[dreg:$0x3] =	wrdreg s30;
	[tilespmem:$0x1FEF0] =	vst v1;
	v1 =	vor.u32 $0x40, v0  }
0x6f: {  	s9 =	sadd.s32 $0x4, s4;
	s10 =	sadd.s32 $0x5, s4;
	[dreg:$0x4] =	wrdreg s31;
	[tilespmem:$0x1FF00] =	vst v1  }
.LBB2_20:
0x70: {  	_ =	swait.ge [sflag:s23], $0x2000  }
0x71: {  	[sflag:s23] =	ssyncset.done $0x0  }
0x72: {  	[sflag:s23] =	ssyncadd.s32 $0xFFFFE000  }
0x73: {  	_ =	swait.ge [sflag:s21], $0x2000  }
0x74: {  	s26 =	sadd.s32 $0x1, s26;
	s0 =	rddreg [dreg:$0x4]  }
0x75: {  	v4 =	vld [tilespmem:$0x1FF10];
	p0 =	sne.s32 s26, s0  }
.Ltmp1:
0x76: {  	v18 =	vld [tilespmem:$0x1FF20];
	(pc) =	sbr.rel @!p0 .LBB2_21-.Ltmp1, $4  }
0x77: {  	v26 =	vld [tilespmem:$0x1FF30]  }
0x78: {  	v24 =	vld [tilespmem:$0x1FF40]  }
0x79: {  	[sflag:s21] =	ssyncset.done $0x0;
	v22 =	vld [tilespmem:$0x1FF50]  }
0x7a: {  	v23 =	vmovc v30;
	v25 =	vmov v28;
	v30 =	vmov v34;
	v31 =	vmov v35;
	v14 =	vld [tilespmem:$0x1FFF0];
	[sflag:s21] =	ssyncadd.s32 $0xFFFFE000  }
.LBB2_1:
0x7b: {  	s0 =	simm.s32 $0x0;
	s1 =	rddreg [dreg:$0x3]  }
0x7c: {  	[tilespmem:s0], [sflag:$0x6] =	stream.linear.gather [hbm4b:s1+s0], $0xD00, $0x38;
	[tilespmem:$0xAD00] =	vst v63  }
0x7d: {  	_ =	swait.ge [sflag:s12], $0xD00  }
0x7e: {  	[sflag:s12] =	ssyncset.done $0x0  }
0x7f: {  	[sflag:s12] =	ssyncadd.s32 $0xFFFFF300  }
0x80: {  	[tilespmem:s14], [sflag:$0x1] =	stream.indirect.gather [hbm4b:s5+s13], $0x40, s0, s13, $0xb8;
	[tilespmem:$0xAD00] =	vst v63  }
0x81: {  	s28 =	simm.s32 $0x0  }
0x82: {  	v20 =	vmov v40;
	v27 =	vmov v4;
	[tilespmem:s15], [sflag:$0x2] =	stream.indirect.gather [hbm4b:s5+s13], $0x40, s13, s13, $0xb8;
	[tilespmem:$0xAD00] =	vst v63  }
.LBB2_2:
0x83: {  	s29 =	simm.s32 $0x3;
	s30 =	simm.s32 $0x2;
	p0 =	seq.s32 s28, $0x4  }
0x84: {  	v5 =	vadd.s32 s29, v0;
	v3 =	vadd.s32 s30, v0;
	s29 =	smul.u32 @!p0 $0xC00, s28  }
0x85: {  	v45 =	vand.u32 $0x3F, v3  }
0x86: {  	s1 =	simm.s32 $0x0;
	s30 =	simm.s32 $0x4;
	v8 =	vor.u32 v38, v45;
	s29 =	sshra.s32 @!p0 s29, $0x2  }
0x87: {  	v1 =	vadd.s32 s1, v0;
	[tilespmem:$0x1FDA0] =	vst v8;
	v8 =	vadd.s32 s30, v0;
	s1 =	sadd.s32 @!p0 $0x100, s29;
	s29 =	simm.s32 @!p0 $0x80;
	s30 =	simm.s32 @!p0 $0x4D00  }
0x88: {  	[tilespmem:s30], [sflag:$0x3] =	stream.indirect.gather @!p0 [hbm4b:s5+s29], $0x40, s1, s29, $0xb8;
	[tilespmem:$0xAD00] =	vst v63  }
0x89: {  	v3 =	vshll.u32 v3, $0x7;
	_ =	swait.ge [sflag:s16], $0x2000  }
0x8a: {  	s3 =	simm.s32 $0x1;
	s31 =	simm.s32 $0x5;
	v51 =	vand.u32 $0x1F80, v3;
	v3 =	vld [tilespmem:$0x1FE20]  }
0x8b: {  	s6 =	simm.s32 $0x7;
	s11 =	simm.s32 $0x6;
	v4 =	vadd.s32 s3, v0;
	v6 =	vadd.s32 s31, v0  }
0x8c: {  	v7 =	vadd.s32 s6, v0;
	v11 =	vadd.s32 s11, v0;
	v2 =	vshll.u32 v1, $0x7  }
0x8d: {  	p1 =	seq.s32 s28, $0x0;
	v19 =	vand.u32 $0x3F, v4;
	v46 =	vand.u32 $0x3F, v6;
	v53 =	vand.u32 $0x3F, v5;
	[sflag:s16] =	ssyncset.done $0x0  }
0x8e: {  	v49 =	vand.u32 $0x3F, v8;
	v10 =	vshll.u32 v8, $0x7;
	v8 =	vand.u32 $0x38, v1;
	s1 =	simm.s32 @!p1 $0x4;
	[sflag:s16] =	ssyncadd.s32 $0xFFFFE000  }
0x8f: {  	v13 =	vor.u32 v23, v49;
	_ =	swait.ge @!p1 [sflag:s1], $0x2000;
	v17 =	vor.u32 v3, v8;
	v3 =	vor.u32 v36, v51  }
0x90: {  	v15 =	vshll.u32 v11, $0x7;
	v48 =	vand.u32 $0x3F, v7;
	v4 =	vshll.u32 v4, $0x7;
	[tilespmem:$0x1FDB0] =	vst v3;
	v3 =	vld [tilespmem:$0x1FE10]  }
0x91: {  	v5 =	vshll.u32 v5, $0x7;
	v12 =	vor.u32 v23, v19;
	v16 =	vor.u32 v23, v46  }
0x92: {  	v47 =	vand.u32 $0x1C00, v2;
	v61 =	vor.u32 v23, v48;
	v34 =	vor.u32 v23, v53;
	v63 =	vld [tilespmem:$0x1FED0];
	[sflag:s1] =	ssyncset.done @!p1 $0x0  }
0x93: {  	v39 =	vand.u32 $0x1F80, v15;
	v1 =	vshll.u32 v7, $0x7;
	v10 =	vand.u32 $0x1F80, v10;
	[sflag:s1] =	ssyncadd.s32 @!p1 $0xFFFFE000  }
0x94: {  	v44 =	vand.u32 $0x1F80, v1;
	v1 =	vshll.u32 v6, $0x7;
	v62 =	vor.u32 v0, v10;
	v13 =	vld.idx.msk [tilespmem:v13+s14+$0x0], $0xffff  }
0x95: {  	v55 =	vand.u32 $0x1F80, v1;
	v21 =	vld [tilespmem:$0x1FEE0];
	v40 =	vor.u32 v3, v47;
	v3 =	vor.u32 v20, v39  }
0x96: {  	v37 =	vand.u32 $0x1F80, v4;
	v58 =	vand.u32 $0x1F80, v5;
	v41 =	vor.u32 v0, v55;
	v15 =	vld.idx.msk [tilespmem:v16+s14+$0x0], $0xffff;
	[tilespmem:$0x1FDC0] =	vst v3  }
0x97: {  	v42 =	vor.u32 v0, v37;
	v4 =	vor.u32 v63, v49;
	v3 =	vor.u32 v20, v58;
	v12 =	vld.idx.msk [tilespmem:v12+s14+$0x0], $0xffff  }
0x98: {  	v50 =	vor.u32 v0, v58;
	v7 =	vor.u32 v14, v8;
	v52 =	vld.idx.msk [tilespmem:v34+s14+$0x0], $0xffff;
	[tilespmem:$0x1FDD0] =	vst v3  }
0x99: {  	v56 =	vand.u32 $0x3F, v11;
	v16 =	vor.u32 v63, v46;
	[tilespmem:v62+s17+$0x0] =	vst.idx.msk $0xffff, v13;
	v13 =	vld.idx.msk [tilespmem:v61+s14+$0x0], $0xffff  }
0x9a: {  	v11 =	vor.u32 v23, v56;
	v38 =	vld [tilespmem:$0x1FF60]  }
0x9b: {  	v9 =	vor.u32 v23, v45;
	v1 =	vor.u32 v0, v44;
	v23 =	vld [tilespmem:$0x1FEF0];
	[tilespmem:v41+s17+$0x0] =	vst.idx.msk $0xffff, v15  }
0x9c: {  	v54 =	vor.u32 v63, v53;
	v59 =	vor.u32 v21, v10;
	v4 =	vld.idx.msk [tilespmem:v4+s14+$0x0], $0xffff;
	[tilespmem:v42+s17+$0x0] =	vst.idx.msk $0xffff, v12  }
0x9d: {  	v60 =	vor.u32 v63, v19;
	v3 =	vor.u32 v31, v45;
	v7 =	vld.idx.msk [tilespmem:v7+s14+$0x0], $0xffff;
	[tilespmem:v50+s17+$0x0] =	vst.idx.msk $0xffff, v52  }
0x9e: {  	v12 =	vld.idx.msk [tilespmem:v16+s14+$0x0], $0xffff;
	[tilespmem:$0x1FDE0] =	vst v3;
	v3 =	vor.u32 v32, v8  }
0x9f: {  	v11 =	vld.idx.msk [tilespmem:v11+s14+$0x0], $0xffff;
	[tilespmem:$0x1FDF0] =	vst v3  }
0xa0: {  	v15 =	vor.u32 v63, v48;
	[tilespmem:v1+s17+$0x0] =	vst.idx.msk $0xffff, v13  }
0xa1: {  	v35 =	vmov v36;
	v36 =	vor.u32 v21, v55;
	v13 =	vld.idx.msk [tilespmem:v54+s14+$0x0], $0xffff;
	[tilespmem:v59+s17+$0x0] =	vst.idx.msk $0xffff, v4  }
0xa2: {  	v43 =	vor.u32 v0, v39;
	v16 =	vor.u32 v23, v46;
	v62 =	vld.idx.msk [tilespmem:v60+s14+$0x0], $0xffff;
	[tilespmem:v40+s17+$0x0] =	vst.idx.msk $0xffff, v7  }
0xa3: {  	v1 =	vor.u32 v21, v58;
	v3 =	vld [tilespmem:$0x1FE30]  }
0xa4: {  	v42 =	vor.u32 v23, v53;
	v4 =	vor.u32 v21, v37;
	v9 =	vld.idx.msk [tilespmem:v9+s14+$0x0], $0xffff  }
0xa5: {  	v32 =	vor.u32 v21, v44;
	v15 =	vld.idx.msk [tilespmem:v15+s14+$0x0], $0xffff  }
0xa6: {  	v2 =	vor.u32 v0, v51;
	v7 =	vor.u32 v63, v56;
	[tilespmem:v36+s17+$0x0] =	vst.idx.msk $0xffff, v12;
	v12 =	vld.idx.msk [tilespmem:v17+s14+$0x0], $0xffff  }
0xa7: {  	v61 =	vor.u32 v23, v49;
	v17 =	vor.u32 v18, v55;
	[tilespmem:v43+s17+$0x0] =	vst.idx.msk $0xffff, v11;
	v16 =	vld.idx.msk [tilespmem:v16+s14+$0x0], $0xffff  }
0xa8: {  	v11 =	vor.u32 v23, v48;
	v34 =	vor.u32 v3, v47;
	v3 =	vld [tilespmem:$0x1FE40];
	[tilespmem:v1+s17+$0x0] =	vst.idx.msk $0xffff, v13  }
0xa9: {  	v1 =	vor.u32 v23, v19;
	[tilespmem:v4+s17+$0x0] =	vst.idx.msk $0xffff, v62;
	v4 =	vor.u32 v18, v58;
	v42 =	vld.idx.msk [tilespmem:v42+s14+$0x0], $0xffff  }
0xaa: {  	v13 =	vor.u32 v26, v46;
	[tilespmem:v32+s17+$0x0] =	vst.idx.msk $0xffff, v15  }
0xab: {  	v6 =	vor.u32 v63, v45;
	v7 =	vld.idx.msk [tilespmem:v7+s14+$0x0], $0xffff;
	v15 =	vor.u32 v21, v39;
	[tilespmem:v2+s17+$0x0] =	vst.idx.msk $0xffff, v9  }
0xac: {  	v60 =	vor.u32 v18, v10;
	v61 =	vld.idx.msk [tilespmem:v61+s14+$0x0], $0xffff;
	v62 =	vor.u32 v23, v56;
	[tilespmem:v17+s17+$0x0] =	vst.idx.msk $0xffff, v16  }
0xad: {  	v2 =	vor.u32 v18, v37;
	v11 =	vld.idx.msk [tilespmem:v11+s14+$0x0], $0xffff;
	v16 =	vor.u32 v18, v44;
	[tilespmem:v34+s17+$0x0] =	vst.idx.msk $0xffff, v12  }
0xae: {  	v59 =	vor.u32 v3, v8;
	v1 =	vld.idx.msk [tilespmem:v1+s14+$0x0], $0xffff;
	v3 =	vor.u32 v38, v53;
	[tilespmem:v4+s17+$0x0] =	vst.idx.msk $0xffff, v42  }
0xaf: {  	v9 =	vor.u32 v24, v55;
	v12 =	vor.u32 v26, v53;
	v13 =	vld.idx.msk [tilespmem:v13+s14+$0x0], $0xffff;
	[tilespmem:$0x1FE00] =	vst v3  }
0xb0: {  	v5 =	vor.u32 v21, v51;
	v17 =	vor.u32 v26, v49;
	[tilespmem:v15+s17+$0x0] =	vst.idx.msk $0xffff, v7;
	v6 =	vld.idx.msk [tilespmem:v6+s14+$0x0], $0xffff  }
0xb1: {  	[tilespmem:v60+s17+$0x0] =	vst.idx.msk $0xffff, v61  }
0xb2: {  	v4 =	vor.u32 v26, v48;
	[tilespmem:v16+s17+$0x0] =	vst.idx.msk $0xffff, v11  }
0xb3: {  	v7 =	vor.u32 v26, v19;
	v52 =	vld.idx.msk [tilespmem:v62+s14+$0x0], $0xffff;
	[tilespmem:v2+s17+$0x0] =	vst.idx.msk $0xffff, v1  }
0xb4: {  	v15 =	vor.u32 v22, v46;
	v12 =	vld.idx.msk [tilespmem:v12+s14+$0x0], $0xffff;
	[tilespmem:v9+s17+$0x0] =	vst.idx.msk $0xffff, v13  }
0xb5: {  	v57 =	vor.u32 v23, v45;
	v32 =	vor.u32 v24, v58;
	v2 =	vld.idx.msk [tilespmem:v17+s14+$0x0], $0xffff;
	[tilespmem:v5+s17+$0x0] =	vst.idx.msk $0xffff, v6  }
0xb6: {  	v11 =	vor.u32 v18, v39;
	v28 =	vld [tilespmem:$0x1FF00]  }
0xb7: {  	v16 =	vor.u32 v24, v10;
	v1 =	vor.u32 v22, v53;
	v4 =	vld.idx.msk [tilespmem:v4+s14+$0x0], $0xffff  }
0xb8: {  	v17 =	vor.u32 v26, v56;
	v9 =	vor.u32 v24, v44;
	v6 =	vld.idx.msk [tilespmem:v7+s14+$0x0], $0xffff  }
0xb9: {  	v13 =	vor.u32 v22, v49;
	v5 =	vor.u32 v24, v37;
	v15 =	vld.idx.msk [tilespmem:v15+s14+$0x0], $0xffff  }
0xba: {  	v34 =	vor.u32 v18, v51;
	v57 =	vld.idx.msk [tilespmem:v57+s14+$0x0], $0xffff;
	[tilespmem:v32+s17+$0x0] =	vst.idx.msk $0xffff, v12  }
0xbb: {  	v3 =	vld [tilespmem:$0x1FE50];
	[tilespmem:v11+s17+$0x0] =	vst.idx.msk $0xffff, v52;
	v7 =	vor.u32 v28, v55  }
0xbc: {  	v1 =	vld.idx.msk [tilespmem:v1+s14+$0x0], $0xffff;
	[tilespmem:v16+s17+$0x0] =	vst.idx.msk $0xffff, v2;
	v2 =	vor.u32 v28, v58  }
0xbd: {  	[tilespmem:v9+s17+$0x0] =	vst.idx.msk $0xffff, v4;
	v4 =	vor.u32 v24, v39;
	v17 =	vld.idx.msk [tilespmem:v17+s14+$0x0], $0xffff  }
0xbe: {  	v12 =	vor.u32 v22, v48;
	[tilespmem:v5+s17+$0x0] =	vst.idx.msk $0xffff, v6;
	v6 =	vld.idx.msk [tilespmem:v13+s14+$0x0], $0xffff;
	v9 =	vor.u32 v28, v10  }
0xbf: {  	[tilespmem:v34+s17+$0x0] =	vst.idx.msk $0xffff, v57  }
0xc0: {  	[tilespmem:v7+s17+$0x0] =	vst.idx.msk $0xffff, v15  }
0xc1: {  	v11 =	vor.u32 v22, v19;
	v54 =	vor.u32 v3, v47;
	v3 =	vld [tilespmem:$0x1FE60];
	[tilespmem:v2+s17+$0x0] =	vst.idx.msk $0xffff, v1  }
0xc2: {  	v32 =	vor.u32 v31, v46;
	[tilespmem:v4+s17+$0x0] =	vst.idx.msk $0xffff, v17  }
0xc3: {  	v5 =	vor.u32 v31, v53;
	v12 =	vld.idx.msk [tilespmem:v12+s14+$0x0], $0xffff;
	v7 =	vor.u32 v28, v44;
	[tilespmem:v9+s17+$0x0] =	vst.idx.msk $0xffff, v6  }
0xc4: {  	v1 =	vld [tilespmem:$0x1FE70];
	_ =	sdelay $0x1  }
0xc5: {  	v11 =	vld.idx.msk [tilespmem:v11+s14+$0x0], $0xffff  }
0xc6: {  	v52 =	vld.idx.msk [tilespmem:v32+s14+$0x0], $0xffff  }
0xc7: {  	v34 =	vor.u32 v28, v37;
	v42 =	vld.idx.msk [tilespmem:v5+s14+$0x0], $0xffff;
	[tilespmem:v7+s17+$0x0] =	vst.idx.msk $0xffff, v12  }
0xc8: {  	v2 =	vor.u32 v33, v55;
	v5 =	vor.u32 v1, v47;
	v1 =	vld [tilespmem:$0x1FE80]  }
0xc9: {  	v59 =	vld.idx.msk [tilespmem:v59+s14+$0x0], $0xffff  }
0xca: {  	v13 =	vor.u32 v22, v56;
	v6 =	vor.u32 v33, v58;
	_ =	sdelay $0x1  }
0xcb: {  	v15 =	vor.u32 v31, v49;
	[tilespmem:v34+s17+$0x0] =	vst.idx.msk $0xffff, v11  }
0xcc: {  	v17 =	vor.u32 v31, v48;
	v4 =	vor.u32 v1, v8;
	v1 =	vld [tilespmem:$0x1FE90];
	[tilespmem:v2+s17+$0x0] =	vst.idx.msk $0xffff, v52  }
0xcd: {  	v40 =	vor.u32 v31, v19;
	[tilespmem:v54+s17+$0x0] =	vst.idx.msk $0xffff, v59  }
0xce: {  	v9 =	vld.idx.msk [tilespmem:v13+s14+$0x0], $0xffff;
	[tilespmem:v6+s17+$0x0] =	vst.idx.msk $0xffff, v42  }
0xcf: {  	v13 =	vor.u32 v30, v46;
	v7 =	vor.u32 v28, v39;
	v57 =	vor.u32 v3, v8;
	v3 =	vld [tilespmem:$0x1FEA0]  }
0xd0: {  	v12 =	vld.idx.msk [tilespmem:v15+s14+$0x0], $0xffff;
	v11 =	vor.u32 v33, v10  }
0xd1: {  	v15 =	vld.idx.msk [tilespmem:v17+s14+$0x0], $0xffff;
	v17 =	vor.u32 v33, v44  }
0xd2: {  	v14 =	vor.u32 v30, v19;
	v41 =	vor.u32 v20, v51;
	v34 =	vor.u32 v33, v37;
	v40 =	vld.idx.msk [tilespmem:v40+s14+$0x0], $0xffff  }
0xd3: {  	v50 =	vor.u32 v24, v51;
	v36 =	vor.u32 v22, v45;
	v53 =	vor.u32 v30, v53  }
0xd4: {  	v42 =	vor.u32 v35, v55;
	[tilespmem:v7+s17+$0x0] =	vst.idx.msk $0xffff, v9;
	v60 =	vor.u32 v3, v47;
	v3 =	vld.idx.msk [tilespmem:v13+s14+$0x0], $0xffff  }
0xd5: {  	v43 =	vor.u32 v38, v56;
	v61 =	vor.u32 v25, v47;
	[tilespmem:v11+s17+$0x0] =	vst.idx.msk $0xffff, v12  }
0xd6: {  	v62 =	vor.u32 v26, v45;
	v32 =	vor.u32 v30, v49;
	[tilespmem:v17+s17+$0x0] =	vst.idx.msk $0xffff, v15  }
0xd7: {  	v16 =	vor.u32 v31, v56;
	v2 =	vor.u32 v27, v8;
	[tilespmem:v34+s17+$0x0] =	vst.idx.msk $0xffff, v40;
	v52 =	vld.idx.msk [tilespmem:v57+s14+$0x0], $0xffff  }
0xd8: {  	v6 =	vor.u32 v35, v10;
	v54 =	vor.u32 v38, v49;
	v15 =	vor.u32 v30, v48;
	v9 =	vld [tilespmem:$0x1FEB0]  }
0xd9: {  	v29 =	vmov v30;
	v49 =	vor.u32 v38, v19;
	v27 =	vmov v31;
	v53 =	vld.idx.msk [tilespmem:v53+s14+$0x0], $0xffff;
	[tilespmem:v42+s17+$0x0] =	vst.idx.msk $0xffff, v3  }
0xda: {  	v31 =	vmovc v23;
	v7 =	vor.u32 v28, v51;
	v11 =	vor.u32 v38, v46;
	v12 =	vor.u32 v20, v55;
	v3 =	vld [tilespmem:$0x1FEC0]  }
0xdb: {  	v57 =	vor.u32 v20, v10;
	v10 =	vor.u32 v20, v44;
	v55 =	vor.u32 v35, v58;
	v59 =	vld.idx.msk [tilespmem:v32+s14+$0x0], $0xffff  }
0xdc: {  	v23 =	vmovc v18;
	v58 =	vor.u32 v30, v56;
	v46 =	vor.u32 v38, v48;
	v28 =	vmov v33;
	v13 =	vld.idx.msk [tilespmem:v62+s14+$0x0], $0xffff  }
0xdd: {  	s29 =	smul.u32 $0x6, s28;
	v1 =	vor.u32 v1, v47;
	v56 =	vld.idx.msk [tilespmem:v15+s14+$0x0], $0xffff;
	v15 =	vor.u32 v35, v44;
	v62 =	vor.u32 v9, v8  }
0xde: {  	v9 =	vor.u32 v33, v51;
	v8 =	vor.u32 v30, v45;
	v45 =	vld.idx.msk [tilespmem:v16+s14+$0x0], $0xffff;
	v51 =	vor.u32 v35, v37  }
0xdf: {  	s31 =	simm.s32 $0x8;
	s30 =	sadd.s32 s4, s29;
	v40 =	vmovc v20;
	v16 =	vor.u32 v33, v39;
	v30 =	vmov v21;
	v3 =	vor.u32 v3, v47;
	v47 =	vld.idx.msk [tilespmem:v14+s14+$0x0], $0xffff  }
.LBB2_3:
0xe0: {  	[tilespmem:v5+s17+$0x0] =	vst.idx.msk $0xffff, v52;
	v5 =	vld [tilespmem:$0x1FDB0]  }
0xe1: {  	v34 =	vld.idx.msk [tilespmem:v4+s14+$0x0], $0xffff  }
0xe2: {  	v4 =	vmov v54;
	v54 =	vld [tilespmem:$0x1FF80];
	_ =	sdelay $0x1  }
0xe3: {  	s11 =	sadd.s32 $0x2, s31  }
0xe4: {  	v48 =	vld.idx.msk [tilespmem:v11+s14+$0x0], $0xffff;
	v35 =	vadd.s32 s11, v0;
	[tilespmem:v16+s17+$0x0] =	vst.idx.msk $0xffff, v45  }
0xe5: {  	[tilespmem:v50+s17+$0x0] =	vst.idx.msk $0xffff, v13;
	v45 =	vand.u32 $0x3F, v35;
	v11 =	vmov v5;
	v5 =	vmov v41;
	v41 =	vld.idx.msk [tilespmem:v58+s14+$0x0], $0xffff  }
0xe6: {  	v58 =	vor.u32 v54, v45;
	[tilespmem:v1+s17+$0x0] =	vst.idx.msk $0xffff, v34;
	v1 =	vld [tilespmem:$0x1FE20]  }
0xe7: {  	v14 =	vor.u32 v40, v37;
	v40 =	vld.idx.msk [tilespmem:v36+s14+$0x0], $0xffff;
	_ =	sdelay $0x1  }
0xe8: {  	v17 =	vadd.s32 s31, v0  }
0xe9: {  	v25 =	vld [tilespmem:$0x1FFB0];
	[tilespmem:v51+s17+$0x0] =	vst.idx.msk $0xffff, v47;
	v51 =	vand.u32 $0x38, v17  }
0xea: {  	[tilespmem:v12+s17+$0x0] =	vst.idx.msk $0xffff, v48;
	v12 =	vor.u32 v1, v51;
	v1 =	vld.idx.msk [tilespmem:v58+s14+$0x0], $0xffff  }
0xeb: {  	[tilespmem:v7+s17+$0x0] =	vst.idx.msk $0xffff, v40;
	v7 =	vld [tilespmem:$0x1FDE0];
	_ =	sdelay $0x2  }
0xec: {  	v13 =	vor.u32 v25, v39  }
0xed: {  	s1 =	sadd.s32 $0x1, s31;
	s11 =	smov.u32 s31  }
0xee: {  	v39 =	vadd.s32 s1, v0;
	s1 =	sadd.s32 $0x4, s11  }
0xef: {  	s3 =	sadd.s32 $0x5, s31;
	[tilespmem:v55+s17+$0x0] =	vst.idx.msk $0xffff, v53;
	v52 =	vadd.s32 s1, v0  }
0xf0: {  	v33 =	vadd.s32 s3, v0;
	[tilespmem:v15+s17+$0x0] =	vst.idx.msk $0xffff, v56;
	v55 =	vand.u32 $0x3F, v52  }
0xf1: {  	v50 =	vand.u32 $0x3F, v33;
	v56 =	vor.u32 v54, v55;
	[tilespmem:v13+s17+$0x0] =	vst.idx.msk $0xffff, v41;
	v13 =	vshll.u32 v33, $0x7;
	v33 =	vld.idx.msk [tilespmem:v7+s14+$0x0], $0xffff  }
0xf2: {  	v7 =	vld [tilespmem:$0x1FFF0];
	_ =	sdelay $0x1  }
0xf3: {  	s6 =	sadd.s32 $0x7, s31;
	v42 =	vld.idx.msk [tilespmem:v49+s14+$0x0], $0xffff  }
0xf4: {  	v37 =	vshll.u32 v17, $0x7;
	v16 =	vadd.s32 s6, v0;
	[tilespmem:v6+s17+$0x0] =	vst.idx.msk $0xffff, v59;
	v34 =	vld.idx.msk [tilespmem:v46+s14+$0x0], $0xffff;
	v47 =	vshll.u32 v52, $0x7  }
0xf5: {  	v17 =	vshll.u32 v16, $0x7;
	v48 =	vand.u32 $0x3F, v16;
	v49 =	vand.u32 $0x1F80, v47;
	v16 =	vld.idx.msk [tilespmem:v56+s14+$0x0], $0xffff  }
0xf6: {  	v20 =	vor.u32 v0, v49;
	v40 =	vor.u32 v54, v48;
	v41 =	vor.u32 v7, v51;
	v7 =	vld [tilespmem:$0x1FE10]  }
0xf7: {  	v18 =	vld [tilespmem:$0x1FE00];
	_ =	sdelay $0x1  }
0xf8: {  	v35 =	vshll.u32 v35, $0x7;
	v46 =	vand.u32 $0x1F80, v17  }
0xf9: {  	v47 =	vand.u32 $0x1C00, v37;
	[tilespmem:v10+s17+$0x0] =	vst.idx.msk $0xffff, v34;
	v56 =	vand.u32 $0x1F80, v13;
	v13 =	vor.u32 v0, v46  }
0xfa: {  	v52 =	vand.u32 $0x1F80, v35;
	[tilespmem:v20+s17+$0x0] =	vst.idx.msk $0xffff, v16;
	v16 =	vld.idx.msk [tilespmem:v40+s14+$0x0], $0xffff;
	v35 =	vor.u32 v7, v47;
	v7 =	vshll.u32 v39, $0x7  }
0xfb: {  	v37 =	vand.u32 $0x1F80, v7;
	v7 =	vld [tilespmem:$0x1FDD0];
	_ =	sdelay $0x1  }
0xfc: {  	[tilespmem:$0x1FD40] =	vst v14;
	v14 =	vor.u32 v38, v45;
	v17 =	vld.idx.msk [tilespmem:v2+s14+$0x0], $0xffff  }
0xfd: {  	s0 =	sadd.s32 $0x3, s31;
	[tilespmem:$0x1FD50] =	vst v14;
	v18 =	vld.idx.msk [tilespmem:v18+s14+$0x0], $0xffff  }
0xfe: {  	v32 =	vadd.s32 s0, v0;
	s0 =	sadd.s32 $0x6, s31;
	v44 =	vand.u32 $0x3F, v39;
	v14 =	vor.u32 v54, v50;
	[tilespmem:v13+s17+$0x0] =	vst.idx.msk $0xffff, v16;
	v13 =	vld [tilespmem:$0x1FDA0]  }
0xff: {  	v15 =	vadd.s32 s0, v0;
	v36 =	vor.u32 v54, v44;
	v43 =	vld.idx.msk [tilespmem:v43+s14+$0x0], $0xffff;
	[tilespmem:v9+s17+$0x0] =	vst.idx.msk $0xffff, v33  }
0x100: {  	v38 =	vshll.u32 v15, $0x7;
	v10 =	vor.u32 v63, v55;
	v58 =	vand.u32 $0x3F, v15;
	v15 =	vld.idx.msk [tilespmem:v8+s14+$0x0], $0xffff  }
0x101: {  	v9 =	vld [tilespmem:$0x1FF70]  }
0x102: {  	[tilespmem:v7+s17+$0x0] =	vst.idx.msk $0xffff, v18;
	v7 =	vld [tilespmem:$0x1FF70]  }
0x103: {  	v53 =	vand.u32 $0x3F, v32;
	v14 =	vld.idx.msk [tilespmem:v14+s14+$0x0], $0xffff  }
0x104: {  	v19 =	vor.u32 v54, v53;
	v36 =	vld.idx.msk [tilespmem:v36+s14+$0x0], $0xffff;
	v34 =	vor.u32 v0, v56  }
0x105: {  	v10 =	vld.idx.msk [tilespmem:v10+s14+$0x0], $0xffff;
	[tilespmem:v11+s17+$0x0] =	vst.idx.msk $0xffff, v15;
	v18 =	vshll.u32 v32, $0x7;
	v32 =	vor.u32 v63, v50  }
0x106: {  	v39 =	vand.u32 $0x1F80, v38;
	v13 =	vld.idx.msk [tilespmem:v13+s14+$0x0], $0xffff;
	v59 =	vand.u32 $0x1F80, v18  }
0x107: {  	[tilespmem:v60+s17+$0x0] =	vst.idx.msk $0xffff, v17;
	v9 =	vor.u32 v9, v59;
	v60 =	vor.u32 v7, v39;
	v7 =	vld [tilespmem:$0x1FDF0]  }
0x108: {  	v2 =	vor.u32 v0, v52;
	[tilespmem:$0x1FDD0] =	vst v9;
	v9 =	vor.u32 v54, v58;
	v54 =	vld [tilespmem:$0x1FD40]  }
0x109: {  	[tilespmem:v34+s17+$0x0] =	vst.idx.msk $0xffff, v14;
	v19 =	vld.idx.msk [tilespmem:v19+s14+$0x0], $0xffff;
	v18 =	vor.u32 v0, v59  }
0x10a: {  	v6 =	vor.u32 v25, v52;
	v14 =	vor.u32 v30, v56;
	v32 =	vld.idx.msk [tilespmem:v32+s14+$0x0], $0xffff  }
0x10b: {  	[tilespmem:$0x1FDB0] =	vst v6;
	v6 =	vor.u32 v63, v45;
	v8 =	vld [tilespmem:$0x1FDC0]  }
0x10c: {  	v16 =	vld [tilespmem:$0x1FE40];
	v17 =	vor.u32 v0, v37;
	[tilespmem:v5+s17+$0x0] =	vst.idx.msk $0xffff, v13  }
0x10d: {  	v20 =	vor.u32 v63, v53;
	v11 =	vld [tilespmem:$0x1FE30];
	[tilespmem:v2+s17+$0x0] =	vst.idx.msk $0xffff, v1  }
0x10e: {  	v34 =	vor.u32 v31, v50;
	v1 =	vld [tilespmem:$0x1FE90];
	[tilespmem:v18+s17+$0x0] =	vst.idx.msk $0xffff, v19  }
0x10f: {  	[tilespmem:v14+s17+$0x0] =	vst.idx.msk $0xffff, v32;
	v21 =	vld.idx.msk [tilespmem:v7+s14+$0x0], $0xffff  }
0x110: {  	v6 =	vld.idx.msk [tilespmem:v6+s14+$0x0], $0xffff;
	[tilespmem:v54+s17+$0x0] =	vst.idx.msk $0xffff, v42  }
0x111: {  	v19 =	vld [tilespmem:$0x1FF70];
	[tilespmem:v17+s17+$0x0] =	vst.idx.msk $0xffff, v36;
	v17 =	vor.u32 v27, v45  }
0x112: {  	v20 =	vld.idx.msk [tilespmem:v20+s14+$0x0], $0xffff;
	[tilespmem:$0x1FDE0] =	vst v17;
	v17 =	vor.u32 v63, v48  }
0x113: {  	[tilespmem:v8+s17+$0x0] =	vst.idx.msk $0xffff, v43;
	v32 =	vld.idx.msk [tilespmem:v34+s14+$0x0], $0xffff;
	v7 =	vor.u32 v30, v52  }
0x114: {  	v8 =	vor.u32 v31, v45;
	[tilespmem:v61+s17+$0x0] =	vst.idx.msk $0xffff, v21;
	v21 =	vld.idx.msk [tilespmem:v4+s14+$0x0], $0xffff  }
0x115: {  	v54 =	vmov v60;
	v36 =	vld.idx.msk [tilespmem:v62+s14+$0x0], $0xffff  }
0x116: {  	v18 =	vor.u32 v30, v59;
	v60 =	vor.u32 v29, v44;
	[tilespmem:$0x1FDC0] =	vst v54;
	v62 =	vld [tilespmem:$0x1FF90]  }
0x117: {  	v43 =	vor.u32 v63, v44;
	[tilespmem:$0x1FD90] =	vst v60;
	v17 =	vld.idx.msk [tilespmem:v17+s14+$0x0], $0xffff  }
0x118: {  	v33 =	vor.u32 v30, v49;
	v4 =	vor.u32 v22, v45;
	[tilespmem:v7+s17+$0x0] =	vst.idx.msk $0xffff, v6;
	v15 =	vld.idx.msk [tilespmem:v41+s14+$0x0], $0xffff  }
0x119: {  	[tilespmem:$0x1FD70] =	vst v4;
	v4 =	vor.u32 v19, v52;
	v19 =	vor.u32 v31, v53;
	v7 =	vld.idx.msk [tilespmem:v8+s14+$0x0], $0xffff  }
0x11a: {  	v61 =	vor.u32 v23, v56;
	[tilespmem:$0x1FD80] =	vst v4;
	v4 =	vld [tilespmem:$0x1FF60]  }
0x11b: {  	v42 =	vor.u32 v31, v55;
	[tilespmem:v18+s17+$0x0] =	vst.idx.msk $0xffff, v20;
	v40 =	vor.u32 v62, v51;
	v62 =	vld.idx.msk [tilespmem:v9+s14+$0x0], $0xffff  }
0x11c: {  	[tilespmem:v3+s17+$0x0] =	vst.idx.msk $0xffff, v36;
	v36 =	vld.idx.msk [tilespmem:v43+s14+$0x0], $0xffff  }
0x11d: {  	[tilespmem:v57+s17+$0x0] =	vst.idx.msk $0xffff, v21;
	v21 =	vor.u32 v26, v50;
	v57 =	vor.u32 v30, v46;
	v3 =	vld [tilespmem:$0x1FF60]  }
0x11e: {  	v38 =	vor.u32 v0, v39;
	[tilespmem:v33+s17+$0x0] =	vst.idx.msk $0xffff, v10;
	v10 =	vor.u32 v31, v48;
	v19 =	vld.idx.msk [tilespmem:v19+s14+$0x0], $0xffff  }
0x11f: {  	v11 =	vor.u32 v11, v47;
	[tilespmem:v61+s17+$0x0] =	vst.idx.msk $0xffff, v32;
	v43 =	vld [tilespmem:$0x1FF00]  }
0x120: {  	v13 =	vor.u32 v23, v52;
	v5 =	vor.u32 v63, v58;
	[tilespmem:v35+s17+$0x0] =	vst.idx.msk $0xffff, v15;
	v15 =	vld.idx.msk [tilespmem:v42+s14+$0x0], $0xffff  }
0x121: {  	[tilespmem:$0x1FDF0] =	vst v40;
	v40 =	vor.u32 v30, v37;
	v35 =	vor.u32 v26, v45;
	v12 =	vld.idx.msk [tilespmem:v12+s14+$0x0], $0xffff  }
0x122: {  	v54 =	vor.u32 v23, v49;
	v33 =	vor.u32 v31, v44;
	[tilespmem:v57+s17+$0x0] =	vst.idx.msk $0xffff, v17;
	v2 =	vld.idx.msk [tilespmem:v21+s14+$0x0], $0xffff  }
0x123: {  	v60 =	vor.u32 v26, v55;
	v3 =	vor.u32 v3, v53;
	[tilespmem:v38+s17+$0x0] =	vst.idx.msk $0xffff, v62;
	v10 =	vld.idx.msk [tilespmem:v10+s14+$0x0], $0xffff  }
0x124: {  	v16 =	vor.u32 v16, v51;
	[tilespmem:$0x1FE00] =	vst v3;
	v3 =	vld [tilespmem:$0x1FE50]  }
0x125: {  	v20 =	vor.u32 v24, v56;
	[tilespmem:v13+s17+$0x0] =	vst.idx.msk $0xffff, v7;
	v42 =	vld.idx.msk [tilespmem:v5+s14+$0x0], $0xffff  }
0x126: {  	v34 =	vor.u32 v23, v59;
	[tilespmem:v40+s17+$0x0] =	vst.idx.msk $0xffff, v36;
	v13 =	vld.idx.msk [tilespmem:v35+s14+$0x0], $0xffff  }
0x127: {  	v41 =	vor.u32 v30, v39;
	v40 =	vor.u32 v26, v53;
	[tilespmem:v54+s17+$0x0] =	vst.idx.msk $0xffff, v15;
	v33 =	vld.idx.msk [tilespmem:v33+s14+$0x0], $0xffff  }
0x128: {  	[tilespmem:v11+s17+$0x0] =	vst.idx.msk $0xffff, v12;
	v11 =	vor.u32 v31, v58;
	v12 =	vor.u32 v23, v46;
	v54 =	vld.idx.msk [tilespmem:v60+s14+$0x0], $0xffff  }
0x129: {  	v17 =	vor.u32 v26, v48;
	v36 =	vor.u32 v23, v37;
	v16 =	vld.idx.msk [tilespmem:v16+s14+$0x0], $0xffff  }
0x12a: {  	v14 =	vor.u32 v24, v49;
	v62 =	vor.u32 v26, v44;
	[tilespmem:v20+s17+$0x0] =	vst.idx.msk $0xffff, v2;
	v2 =	vld [tilespmem:$0x1FF10]  }
0x12b: {  	v18 =	vor.u32 v22, v55;
	[tilespmem:v34+s17+$0x0] =	vst.idx.msk $0xffff, v19;
	v9 =	vor.u32 v3, v47;
	v3 =	vld [tilespmem:$0x1FE60]  }
0x12c: {  	v34 =	vld.idx.msk [tilespmem:v40+s14+$0x0], $0xffff;
	[tilespmem:v41+s17+$0x0] =	vst.idx.msk $0xffff, v42  }
0x12d: {  	v60 =	vor.u32 v23, v39;
	v11 =	vld.idx.msk [tilespmem:v11+s14+$0x0], $0xffff;
	[tilespmem:v12+s17+$0x0] =	vst.idx.msk $0xffff, v10  }
0x12e: {  	[tilespmem:v36+s17+$0x0] =	vst.idx.msk $0xffff, v33;
	v10 =	vor.u32 v26, v58;
	v12 =	vld.idx.msk [tilespmem:v17+s14+$0x0], $0xffff  }
0x12f: {  	v41 =	vor.u32 v24, v37;
	[tilespmem:v14+s17+$0x0] =	vst.idx.msk $0xffff, v54;
	v33 =	vld.idx.msk [tilespmem:v62+s14+$0x0], $0xffff  }
0x130: {  	v15 =	vor.u32 v22, v44;
	v17 =	vor.u32 v24, v46;
	v18 =	vld.idx.msk [tilespmem:v18+s14+$0x0], $0xffff;
	v3 =	vor.u32 v3, v51  }
0x131: {  	v32 =	vor.u32 v43, v49;
	v20 =	vor.u32 v22, v48;
	[tilespmem:$0x1FD60] =	vst v3;
	v3 =	vld [tilespmem:$0x1FD50]  }
0x132: {  	v19 =	vor.u32 v27, v55;
	v54 =	vld [tilespmem:$0x1FF60];
	[tilespmem:v60+s17+$0x0] =	vst.idx.msk $0xffff, v11  }
0x133: {  	v21 =	vor.u32 v43, v56;
	v40 =	vor.u32 v24, v59;
	v10 =	vld.idx.msk [tilespmem:v10+s14+$0x0], $0xffff  }
0x134: {  	v61 =	vor.u32 v43, v37;
	v62 =	vor.u32 v24, v39;
	[tilespmem:v41+s17+$0x0] =	vst.idx.msk $0xffff, v33;
	v41 =	vld [tilespmem:$0x1FEA0]  }
0x135: {  	v7 =	vor.u32 v43, v52;
	[tilespmem:v17+s17+$0x0] =	vst.idx.msk $0xffff, v12;
	v12 =	vor.u32 v22, v58;
	v15 =	vld.idx.msk [tilespmem:v15+s14+$0x0], $0xffff  }
0x136: {  	v14 =	vor.u32 v27, v44;
	[tilespmem:v32+s17+$0x0] =	vst.idx.msk $0xffff, v18;
	v17 =	vld.idx.msk [tilespmem:v20+s14+$0x0], $0xffff;
	v38 =	vmov v3  }
0x137: {  	v42 =	vor.u32 v22, v53;
	v19 =	vld.idx.msk [tilespmem:v19+s14+$0x0], $0xffff;
	[tilespmem:$0x1FDA0] =	vst v38;
	v38 =	vor.u32 v22, v50  }
0x138: {  	[tilespmem:v40+s17+$0x0] =	vst.idx.msk $0xffff, v34;
	v40 =	vor.u32 v43, v59;
	v3 =	vor.u32 v4, v58;
	v4 =	vld [tilespmem:$0x1FE70]  }
0x139: {  	v32 =	vor.u32 v43, v39;
	v20 =	vor.u32 v43, v46;
	[tilespmem:v62+s17+$0x0] =	vst.idx.msk $0xffff, v10;
	v43 =	vmov v3;
	v3 =	vld [tilespmem:$0x1FD60]  }
0x13a: {  	v36 =	vor.u32 v28, v49;
	v18 =	vld.idx.msk [tilespmem:v12+s14+$0x0], $0xffff;
	[tilespmem:v61+s17+$0x0] =	vst.idx.msk $0xffff, v15  }
0x13b: {  	v60 =	vor.u32 v41, v47;
	v41 =	vor.u32 v28, v37;
	v14 =	vld.idx.msk [tilespmem:v14+s14+$0x0], $0xffff  }
0x13c: {  	v6 =	vld.idx.msk [tilespmem:v38+s14+$0x0], $0xffff  }
0x13d: {  	v57 =	vor.u32 v27, v50;
	v38 =	vld.idx.msk [tilespmem:v42+s14+$0x0], $0xffff  }
0x13e: {  	v11 =	vor.u32 v27, v53;
	v12 =	vld [tilespmem:$0x1FFE0]  }
0x13f: {  	[tilespmem:v36+s17+$0x0] =	vst.idx.msk $0xffff, v19;
	v36 =	vld [tilespmem:$0x1FD70]  }
0x140: {  	v5 =	vor.u32 v4, v47;
	v4 =	vld [tilespmem:$0x1FE80];
	[tilespmem:v41+s17+$0x0] =	vst.idx.msk $0xffff, v14  }
0x141: {  	v41 =	vld [tilespmem:$0x1FD80];
	[tilespmem:v21+s17+$0x0] =	vst.idx.msk $0xffff, v6  }
0x142: {  	v21 =	vor.u32 v27, v48;
	[tilespmem:v40+s17+$0x0] =	vst.idx.msk $0xffff, v38;
	v33 =	vld.idx.msk [tilespmem:v57+s14+$0x0], $0xffff  }
0x143: {  	v8 =	vor.u32 v28, v56;
	v38 =	vld.idx.msk [tilespmem:v11+s14+$0x0], $0xffff  }
0x144: {  	v11 =	vld [tilespmem:$0x1FF60]  }
0x145: {  	v14 =	vld [tilespmem:$0x1FD90];
	v57 =	vor.u32 v28, v59  }
0x146: {  	v1 =	vor.u32 v1, v47;
	v35 =	vor.u32 v25, v56;
	[tilespmem:v20+s17+$0x0] =	vst.idx.msk $0xffff, v17;
	v40 =	vld [tilespmem:$0x1FF70]  }
0x147: {  	v2 =	vor.u32 v2, v51;
	[tilespmem:v9+s17+$0x0] =	vst.idx.msk $0xffff, v16;
	v42 =	vor.u32 v29, v50;
	v20 =	vld.idx.msk [tilespmem:v21+s14+$0x0], $0xffff  }
0x148: {  	v34 =	vor.u32 v29, v55;
	v9 =	vor.u32 v28, v52;
	[tilespmem:v8+s17+$0x0] =	vst.idx.msk $0xffff, v33;
	v8 =	vld [tilespmem:$0x1FEB0]  }
0x149: {  	v10 =	vor.u32 v29, v53;
	v11 =	vor.u32 v11, v50;
	v50 =	vor.u32 v24, v52;
	v52 =	vld.idx.msk [tilespmem:v3+s14+$0x0], $0xffff  }
0x14a: {  	v15 =	vor.u32 v27, v58;
	v21 =	vor.u32 v28, v46;
	[tilespmem:v57+s17+$0x0] =	vst.idx.msk $0xffff, v38;
	v38 =	vld [tilespmem:$0x1FF60]  }
0x14b: {  	v16 =	vor.u32 v28, v39;
	v54 =	vor.u32 v54, v55;
	v17 =	vor.u32 v29, v48;
	v3 =	vld [tilespmem:$0x1FEC0]  }
0x14c: {  	p2 =	slt.u32 s31, $0x38;
	v55 =	vor.u32 v25, v59;
	v58 =	vor.u32 v29, v58;
	v61 =	vor.u32 v12, v47;
	v33 =	vld.idx.msk [tilespmem:v42+s14+$0x0], $0xffff  }
.Ltmp2:
0x14d: {  	[tilespmem:v32+s17+$0x0] =	vst.idx.msk $0xffff, v18;
	v4 =	vor.u32 v4, v51;
	v6 =	vor.u32 v25, v49;
	v59 =	vld.idx.msk [tilespmem:v34+s14+$0x0], $0xffff;
	(pc) =	sbr.rel @p2 .LBB2_3-.Ltmp2, $4  }
0x14e: {  	v12 =	vor.u32 v40, v56;
	v57 =	vor.u32 v40, v49;
	v53 =	vld.idx.msk [tilespmem:v10+s14+$0x0], $0xffff;
	v10 =	vor.u32 v40, v46  }
0x14f: {  	[tilespmem:v21+s17+$0x0] =	vst.idx.msk $0xffff, v20;
	v62 =	vor.u32 v8, v51;
	v8 =	vor.u32 v29, v45;
	v45 =	vld.idx.msk [tilespmem:v15+s14+$0x0], $0xffff  }
0x150: {  	v51 =	vor.u32 v25, v37;
	v49 =	vor.u32 v38, v44;
	v56 =	vld.idx.msk [tilespmem:v17+s14+$0x0], $0xffff;
	v15 =	vor.u32 v25, v46  }
0x151: {  	s31 =	sadd.s32 $0x8, s31;
	v3 =	vor.u32 v3, v47;
	v47 =	vld.idx.msk [tilespmem:v14+s14+$0x0], $0xffff;
	v46 =	vor.u32 v38, v48;
	[tilespmem:v35+s17+$0x0] =	vst.idx.msk $0xffff, v33  }
0x152: {  	v34 =	vmov v27;
	v27 =	vld [tilespmem:$0x1FEB0]  }
0x153: {  	v23 =	vmov v63;
	v63 =	vld [tilespmem:$0x1FFE0]  }
0x154: {  	v14 =	vld [tilespmem:$0x1FF80]  }
0x155: {  	v25 =	vld [tilespmem:$0x1FF90]  }
0x156: {  	v24 =	vld [tilespmem:$0x1FEA0];
	[tilespmem:v5+s17+$0x0] =	vst.idx.msk $0xffff, v52  }
0x157: {  	v4 =	vld.idx.msk [tilespmem:v4+s14+$0x0], $0xffff  }
0x158: {  	[tilespmem:v50+s17+$0x0] =	vst.idx.msk $0xffff, v13  }
0x159: {  	v50 =	vld.idx.msk [tilespmem:v36+s14+$0x0], $0xffff;
	_ =	sdelay $0x2  }
0x15a: {  	[tilespmem:v1+s17+$0x0] =	vst.idx.msk $0xffff, v4  }
0x15b: {  	[tilespmem:v16+s17+$0x0] =	vst.idx.msk $0xffff, v45;
	v1 =	vld.idx.msk [tilespmem:v2+s14+$0x0], $0xffff  }
0x15c: {  	[tilespmem:v7+s17+$0x0] =	vst.idx.msk $0xffff, v50  }
0x15d: {  	v2 =	vld [tilespmem:$0x1FDE0];
	[tilespmem:v55+s17+$0x0] =	vst.idx.msk $0xffff, v53  }
0x15e: {  	v5 =	vld [tilespmem:$0x1FFB0];
	[tilespmem:v15+s17+$0x0] =	vst.idx.msk $0xffff, v56  }
0x15f: {  	[tilespmem:v51+s17+$0x0] =	vst.idx.msk $0xffff, v47  }
0x160: {  	[tilespmem:v60+s17+$0x0] =	vst.idx.msk $0xffff, v1  }
0x161: {  	v1 =	vld [tilespmem:$0x1FDF0];
	_ =	sdelay $0x2  }
0x162: {  	v52 =	vld.idx.msk [tilespmem:v11+s14+$0x0], $0xffff  }
0x163: {  	v2 =	vld.idx.msk [tilespmem:v2+s14+$0x0], $0xffff  }
0x164: {  	v55 =	vld.idx.msk [tilespmem:v58+s14+$0x0], $0xffff;
	v18 =	vmov v5;
	v5 =	vor.u32 v5, v39;
	_ =	sdelay $0x1  }
0x165: {  	v58 =	vld.idx.msk [tilespmem:v46+s14+$0x0], $0xffff  }
0x166: {  	[tilespmem:v12+s17+$0x0] =	vst.idx.msk $0xffff, v52;
	v1 =	vld.idx.msk [tilespmem:v1+s14+$0x0], $0xffff  }
0x167: {  	[tilespmem:v9+s17+$0x0] =	vst.idx.msk $0xffff, v2  }
0x168: {  	v4 =	vld [tilespmem:$0x1FE00];
	[tilespmem:v5+s17+$0x0] =	vst.idx.msk $0xffff, v55  }
0x169: {  	[tilespmem:v6+s17+$0x0] =	vst.idx.msk $0xffff, v59  }
0x16a: {  	[tilespmem:v10+s17+$0x0] =	vst.idx.msk $0xffff, v58  }
0x16b: {  	[tilespmem:v61+s17+$0x0] =	vst.idx.msk $0xffff, v1  }
0x16c: {  	v9 =	vld [tilespmem:$0x1FDB0];
	_ =	sdelay $0x2  }
0x16d: {  	v2 =	vld.idx.msk [tilespmem:v8+s14+$0x0], $0xffff;
	_ =	sdelay $0x4  }
0x16e: {  	[tilespmem:v9+s17+$0x0] =	vst.idx.msk $0xffff, v2  }
0x16f: {  	v2 =	vld [tilespmem:$0x1FDD0];
	_ =	sdelay $0x2  }
0x170: {  	v4 =	vld.idx.msk [tilespmem:v4+s14+$0x0], $0xffff;
	_ =	sdelay $0x4  }
0x171: {  	[tilespmem:v2+s17+$0x0] =	vst.idx.msk $0xffff, v4  }
0x172: {  	v2 =	vld [tilespmem:$0x1FDA0];
	_ =	sdelay $0x2  }
0x173: {  	v60 =	vld.idx.msk [tilespmem:v49+s14+$0x0], $0xffff  }
0x174: {  	v59 =	vor.u32 v40, v37;
	v4 =	vld [tilespmem:$0x1FDC0]  }
0x175: {  	v1 =	vld.idx.msk [tilespmem:v54+s14+$0x0], $0xffff  }
0x176: {  	v62 =	vld.idx.msk [tilespmem:v62+s14+$0x0], $0xffff  }
0x177: {  	v5 =	vld.idx.msk [tilespmem:v43+s14+$0x0], $0xffff  }
0x178: {  	v2 =	vld.idx.msk [tilespmem:v2+s14+$0x0], $0xffff  }
0x179: {  	p2 =	sne.s32 s28, $0x4;
	[tilespmem:v59+s17+$0x0] =	vst.idx.msk $0xffff, v60  }
.Ltmp3:
0x17a: {  	s0 =	sshll.u32 s30, $0x7;
	[tilespmem:v57+s17+$0x0] =	vst.idx.msk $0xffff, v1;
	(pc) =	sbr.rel @p2 .LBB2_6-.Ltmp3, $4  }
0x17b: {  	s1 =	sshll.u32 s30, $0xA;
	s0 =	sand.u32 $0xF00, s0;
	[tilespmem:v3+s17+$0x0] =	vst.idx.msk $0xffff, v62  }
0x17c: {  	s1 =	sand.u32 $0xFFF8000, s1;
	s0 =	sadd.s32 s2, s0;
	[tilespmem:v4+s17+$0x0] =	vst.idx.msk $0xffff, v5  }
0x17d: {  	s0 =	sadd.s32 s1, s0;
	[tilespmem:v41+s17+$0x0] =	vst.idx.msk $0xffff, v2  }
0x17e: {  	v33 =	vmov v29;
	v35 =	vmov v28;
	[hbm4b:s0+s18] =	stream.strided.scatter [tilespmem:s17], [sflag:$0x4], $0x2000, s19, s18, $0x38;
	[tilespmem:$0xAD00] =	vst v63  }
.Ltmp4:
0x17f: {  	(pc) =	sbr.rel .LBB2_7-.Ltmp4, $4  }
0x180: {  	_ = 	snop  }
0x181: {  	_ =	swait.ge [sflag:s20], $0x2000  }
0x182: {  	[sflag:s20] =	ssyncset.done $0x0  }
0x183: {  	v54 =	vmov v24;
	v57 =	vmov v27;
	v28 =	vmov v31;
	v22 =	vld [tilespmem:$0x1FF00];
	[sflag:s20] =	ssyncadd.s32 $0xFFFFE000  }
.LBB2_6:
0x184: {  	s0 =	smul.u32 $0xC00, s28;
	_ =	sdelay $0x1  }
0x185: {  	s0 =	sshra.s32 s0, $0x2  }
.Ltmp5:
0x186: {  	s0 =	sadd.s32 $0x180, s0;
	(pc) =	sbr.rel @p1 .LBB2_8-.Ltmp5, $4  }
0x187: {  	[tilespmem:s14], [sflag:$0x1] =	stream.indirect.gather [hbm4b:s5+s13], $0x40, s0, s13, $0xb8;
	[tilespmem:$0xAD00] =	vst v63  }
0x188: {  	_ =	swait.ge [sflag:s20], $0x2000  }
0x189: {  	[sflag:s20] =	ssyncset.done $0x0  }
0x18a: {  	v54 =	vmov v24;
	v57 =	vmov v27;
	v28 =	vmov v31;
	v22 =	vld [tilespmem:$0x1FF00];
	[sflag:s20] =	ssyncadd.s32 $0xFFFFE000  }
.LBB2_7:
0x18b: {  	_ =	swait.ge [sflag:s21], $0x2000  }
0x18c: {  	[sflag:s21] =	ssyncset.done $0x0  }
0x18d: {  	[sflag:s21] =	ssyncadd.s32 $0xFFFFE000  }
.LBB2_8:
0x18e: {  	s0 =	simm.s32 $0x0;
	s11 =	simm.s32 $0x1;
	s1 =	simm.s32 $0x3  }
0x18f: {  	s3 =	simm.s32 $0x2;
	s6 =	simm.s32 $0x5;
	v1 =	vadd.s32 s0, v0;
	v4 =	vadd.s32 s11, v0;
	v5 =	vadd.s32 s1, v0  }
0x190: {  	v7 =	vadd.s32 s3, v0;
	v9 =	vadd.s32 s6, v0;
	v2 =	vshll.u32 v1, $0x7  }
0x191: {  	s1 =	simm.s32 $0x7;
	s3 =	simm.s32 $0x4;
	s6 =	simm.s32 $0x6;
	v44 =	vand.u32 $0x3F, v4;
	v3 =	vand.u32 $0x3F, v7;
	v48 =	vand.u32 $0x3F, v9  }
0x192: {  	v10 =	vadd.s32 s1, v0;
	v8 =	vadd.s32 s3, v0;
	v12 =	vadd.s32 s6, v0  }
0x193: {  	v7 =	vshll.u32 v7, $0x7;
	v4 =	vshll.u32 v4, $0x7;
	v11 =	vor.u32 v14, v3  }
0x194: {  	v6 =	vor.u32 v38, v3;
	v52 =	vand.u32 $0x3F, v8;
	v13 =	vor.u32 v14, v44  }
0x195: {  	v26 =	vmovc v14;
	v15 =	vshll.u32 v12, $0x7;
	v16 =	vshll.u32 v8, $0x7;
	v14 =	vor.u32 v14, v52  }
0x196: {  	v17 =	vor.u32 v26, v48;
	v8 =	vand.u32 $0x38, v1;
	v49 =	vand.u32 $0x1F80, v16;
	v16 =	vld [tilespmem:$0x1FFF0]  }
0x197: {  	v51 =	vand.u32 $0x1F80, v7;
	v1 =	vshll.u32 v10, $0x7;
	[tilespmem:$0x1FCF0] =	vst v6;
	v6 =	vand.u32 $0x3F, v5  }
0x198: {  	v7 =	vld [tilespmem:$0x1FE20];
	v32 =	vand.u32 $0x1F80, v1;
	v1 =	vshll.u32 v9, $0x7;
	v9 =	vor.u32 v18, v51  }
0x199: {  	v24 =	vmovc v18;
	v47 =	vand.u32 $0x3F, v10;
	v37 =	vand.u32 $0x1F80, v4;
	v18 =	vld [tilespmem:$0x1FE10];
	[tilespmem:$0x1FD00] =	vst v9;
	v20 =	vor.u32 v26, v6  }
0x19a: {  	v19 =	vor.u32 v26, v47;
	v39 =	vand.u32 $0x1F80, v15;
	v21 =	vor.u32 v0, v49;
	v14 =	vld.idx.msk [tilespmem:v14+s15+$0x0], $0xffff  }
0x19b: {  	v10 =	vand.u32 $0x1F80, v1;
	v27 =	vor.u32 v40, v39;
	v15 =	vld.idx.msk [tilespmem:v17+s15+$0x0], $0xffff;
	v16 =	vor.u32 v16, v8  }
0x19c: {  	v4 =	vor.u32 v23, v52;
	v5 =	vshll.u32 v5, $0x7;
	v36 =	vor.u32 v0, v10;
	[tilespmem:$0x1FD10] =	vst v27;
	v27 =	vld [tilespmem:$0x1FF70]  }
0x19d: {  	v61 =	vor.u32 v0, v37;
	v56 =	vand.u32 $0x1F80, v5;
	v17 =	vor.u32 v23, v48;
	v13 =	vld.idx.msk [tilespmem:v13+s15+$0x0], $0xffff  }
0x19e: {  	v62 =	vor.u32 v0, v56;
	v20 =	vld.idx.msk [tilespmem:v20+s15+$0x0], $0xffff  }
0x19f: {  	[tilespmem:v21+s22+$0x0] =	vst.idx.msk $0xffff, v14;
	v14 =	vld.idx.msk [tilespmem:v19+s15+$0x0], $0xffff  }
0x1a0: {  	v46 =	vand.u32 $0x1C00, v2;
	v1 =	vor.u32 v0, v32;
	v16 =	vld.idx.msk [tilespmem:v16+s15+$0x0], $0xffff  }
0x1a1: {  	v18 =	vor.u32 v18, v46;
	[tilespmem:v36+s22+$0x0] =	vst.idx.msk $0xffff, v15;
	v4 =	vld.idx.msk [tilespmem:v4+s15+$0x0], $0xffff  }
0x1a2: {  	v42 =	vor.u32 v30, v49;
	[tilespmem:v61+s22+$0x0] =	vst.idx.msk $0xffff, v13;
	v13 =	vld.idx.msk [tilespmem:v17+s15+$0x0], $0xffff  }
0x1a3: {  	v50 =	vor.u32 v30, v10;
	v38 =	vld [tilespmem:$0x1FF60];
	[tilespmem:v62+s22+$0x0] =	vst.idx.msk $0xffff, v20;
	v20 =	vor.u32 v34, v3  }
0x1a4: {  	[tilespmem:$0x1FD20] =	vst v20  }
0x1a5: {  	v55 =	vand.u32 $0x3F, v12;
	v40 =	vld [tilespmem:$0x1FF70];
	[tilespmem:v1+s22+$0x0] =	vst.idx.msk $0xffff, v14  }
0x1a6: {  	v12 =	vor.u32 v26, v55;
	[tilespmem:v18+s22+$0x0] =	vst.idx.msk $0xffff, v16  }
0x1a7: {  	v43 =	vor.u32 v23, v44;
	[tilespmem:v42+s22+$0x0] =	vst.idx.msk $0xffff, v4  }
0x1a8: {  	v19 =	vor.u32 v23, v6;
	v18 =	vld [tilespmem:$0x1FE30];
	[tilespmem:v50+s22+$0x0] =	vst.idx.msk $0xffff, v13  }
0x1a9: {  	v15 =	vor.u32 v23, v47;
	v36 =	vmov v24;
	v24 =	vld [tilespmem:$0x1FF50];
	_ =	sdelay $0x1  }
0x1aa: {  	v41 =	vor.u32 v0, v39;
	v12 =	vld.idx.msk [tilespmem:v12+s15+$0x0], $0xffff  }
0x1ab: {  	v20 =	vld.idx.msk [tilespmem:v43+s15+$0x0], $0xffff  }
0x1ac: {  	v14 =	vld.idx.msk [tilespmem:v19+s15+$0x0], $0xffff  }
0x1ad: {  	v7 =	vor.u32 v7, v8;
	v15 =	vld.idx.msk [tilespmem:v15+s15+$0x0], $0xffff;
	v13 =	vor.u32 v24, v3  }
0x1ae: {  	v31 =	vor.u32 v27, v56;
	v27 =	vor.u32 v25, v8;
	v17 =	vor.u32 v28, v48;
	v25 =	vld [tilespmem:$0x1FF20];
	[tilespmem:$0x1FD30] =	vst v13  }
0x1af: {  	v1 =	vor.u32 v30, v56;
	[tilespmem:v41+s22+$0x0] =	vst.idx.msk $0xffff, v12  }
0x1b0: {  	v4 =	vor.u32 v30, v37;
	v26 =	vld [tilespmem:$0x1FE40]  }
0x1b1: {  	v53 =	vor.u32 v30, v32  }
0x1b2: {  	v18 =	vor.u32 v18, v46;
	v7 =	vld.idx.msk [tilespmem:v7+s15+$0x0], $0xffff  }
0x1b3: {  	v16 =	vor.u32 v23, v55;
	v13 =	vor.u32 v25, v10;
	v17 =	vld.idx.msk [tilespmem:v17+s15+$0x0], $0xffff  }
0x1b4: {  	v2 =	vor.u32 v0, v51;
	v19 =	vor.u32 v28, v6;
	v11 =	vld.idx.msk [tilespmem:v11+s15+$0x0], $0xffff;
	[tilespmem:v1+s22+$0x0] =	vst.idx.msk $0xffff, v14  }
0x1b5: {  	v59 =	vor.u32 v26, v8;
	v26 =	vld [tilespmem:$0x1FF30];
	[tilespmem:v4+s22+$0x0] =	vst.idx.msk $0xffff, v20  }
0x1b6: {  	v45 =	vor.u32 v28, v52;
	[tilespmem:v53+s22+$0x0] =	vst.idx.msk $0xffff, v15  }
0x1b7: {  	v12 =	vor.u32 v28, v47;
	[tilespmem:v18+s22+$0x0] =	vst.idx.msk $0xffff, v7  }
0x1b8: {  	v9 =	vor.u32 v23, v3;
	v1 =	vor.u32 v28, v44;
	v16 =	vld.idx.msk [tilespmem:v16+s15+$0x0], $0xffff;
	[tilespmem:v13+s22+$0x0] =	vst.idx.msk $0xffff, v17  }
0x1b9: {  	v21 =	vor.u32 v28, v3;
	v19 =	vld.idx.msk [tilespmem:v19+s15+$0x0], $0xffff;
	v4 =	vor.u32 v25, v56;
	[tilespmem:v2+s22+$0x0] =	vst.idx.msk $0xffff, v11  }
0x1ba: {  	v15 =	vor.u32 v30, v39;
	v18 =	vor.u32 v28, v55;
	v28 =	vld [tilespmem:$0x1FF40];
	v14 =	vor.u32 v26, v48  }
0x1bb: {  	v60 =	vld.idx.msk [tilespmem:v45+s15+$0x0], $0xffff;
	v20 =	vor.u32 v25, v49;
	v7 =	vor.u32 v26, v6  }
0x1bc: {  	v13 =	vor.u32 v25, v32;
	v12 =	vld.idx.msk [tilespmem:v12+s15+$0x0], $0xffff  }
0x1bd: {  	v2 =	vor.u32 v25, v37;
	v1 =	vld.idx.msk [tilespmem:v1+s15+$0x0], $0xffff;
	v17 =	vor.u32 v26, v52  }
0x1be: {  	v5 =	vor.u32 v30, v51;
	v9 =	vld.idx.msk [tilespmem:v9+s15+$0x0], $0xffff;
	[tilespmem:v4+s22+$0x0] =	vst.idx.msk $0xffff, v19;
	v4 =	vor.u32 v26, v47  }
0x1bf: {  	[tilespmem:v15+s22+$0x0] =	vst.idx.msk $0xffff, v16;
	v15 =	vor.u32 v26, v44;
	v11 =	vor.u32 v28, v10;
	v14 =	vld.idx.msk [tilespmem:v14+s15+$0x0], $0xffff  }
0x1c0: {  	v16 =	vor.u32 v24, v48;
	[tilespmem:v20+s22+$0x0] =	vst.idx.msk $0xffff, v60;
	v19 =	vor.u32 v28, v56;
	v7 =	vld.idx.msk [tilespmem:v7+s15+$0x0], $0xffff  }
0x1c1: {  	v18 =	vld.idx.msk [tilespmem:v18+s15+$0x0], $0xffff;
	[tilespmem:v13+s22+$0x0] =	vst.idx.msk $0xffff, v12  }
0x1c2: {  	v12 =	vor.u32 v25, v39;
	[tilespmem:v2+s22+$0x0] =	vst.idx.msk $0xffff, v1;
	v2 =	vld.idx.msk [tilespmem:v17+s15+$0x0], $0xffff  }
0x1c3: {  	v13 =	vor.u32 v28, v49;
	v1 =	vor.u32 v24, v6;
	[tilespmem:v5+s22+$0x0] =	vst.idx.msk $0xffff, v9;
	v4 =	vld.idx.msk [tilespmem:v4+s15+$0x0], $0xffff  }
0x1c4: {  	v17 =	vor.u32 v26, v55;
	v9 =	vld.idx.msk [tilespmem:v15+s15+$0x0], $0xffff;
	[tilespmem:v11+s22+$0x0] =	vst.idx.msk $0xffff, v14;
	v11 =	vor.u32 v28, v32  }
0x1c5: {  	v5 =	vor.u32 v28, v37;
	v14 =	vor.u32 v24, v52;
	[tilespmem:v19+s22+$0x0] =	vst.idx.msk $0xffff, v7;
	v16 =	vld.idx.msk [tilespmem:v16+s15+$0x0], $0xffff  }
0x1c6: {  	v15 =	vor.u32 v22, v10;
	v19 =	vld [tilespmem:$0x1FE50]  }
0x1c7: {  	v20 =	vor.u32 v25, v51;
	[tilespmem:v12+s22+$0x0] =	vst.idx.msk $0xffff, v18;
	v18 =	vld.idx.msk [tilespmem:v21+s15+$0x0], $0xffff  }
0x1c8: {  	v1 =	vld.idx.msk [tilespmem:v1+s15+$0x0], $0xffff;
	[tilespmem:v13+s22+$0x0] =	vst.idx.msk $0xffff, v2;
	v2 =	vor.u32 v22, v56  }
0x1c9: {  	v17 =	vld.idx.msk [tilespmem:v17+s15+$0x0], $0xffff;
	[tilespmem:v11+s22+$0x0] =	vst.idx.msk $0xffff, v4;
	v4 =	vor.u32 v28, v39  }
0x1ca: {  	v7 =	vor.u32 v24, v47;
	[tilespmem:v5+s22+$0x0] =	vst.idx.msk $0xffff, v9;
	v11 =	vor.u32 v22, v49;
	v9 =	vld.idx.msk [tilespmem:v14+s15+$0x0], $0xffff  }
0x1cb: {  	[tilespmem:v15+s22+$0x0] =	vst.idx.msk $0xffff, v16  }
0x1cc: {  	[tilespmem:v20+s22+$0x0] =	vst.idx.msk $0xffff, v18  }
0x1cd: {  	v12 =	vor.u32 v24, v44;
	v20 =	vld [tilespmem:$0x1FE60];
	[tilespmem:v2+s22+$0x0] =	vst.idx.msk $0xffff, v1  }
0x1ce: {  	v21 =	vor.u32 v34, v48;
	[tilespmem:v4+s22+$0x0] =	vst.idx.msk $0xffff, v17  }
0x1cf: {  	v5 =	vor.u32 v34, v6;
	v7 =	vld.idx.msk [tilespmem:v7+s15+$0x0], $0xffff;
	v15 =	vor.u32 v22, v32;
	[tilespmem:v11+s22+$0x0] =	vst.idx.msk $0xffff, v9  }
0x1d0: {  	v1 =	vld [tilespmem:$0x1FE70];
	_ =	sdelay $0x1  }
0x1d1: {  	v14 =	vor.u32 v24, v55;
	v12 =	vld.idx.msk [tilespmem:v12+s15+$0x0], $0xffff  }
0x1d2: {  	v16 =	vor.u32 v34, v52;
	v18 =	vor.u32 v22, v37;
	v21 =	vld.idx.msk [tilespmem:v21+s15+$0x0], $0xffff  }
0x1d3: {  	v53 =	vld.idx.msk [tilespmem:v5+s15+$0x0], $0xffff;
	v17 =	vor.u32 v34, v47;
	[tilespmem:v15+s22+$0x0] =	vst.idx.msk $0xffff, v7  }
0x1d4: {  	v2 =	vor.u32 v35, v10;
	v5 =	vor.u32 v1, v46;
	v1 =	vld [tilespmem:$0x1FE80]  }
0x1d5: {  	v61 =	vld.idx.msk [tilespmem:v59+s15+$0x0], $0xffff;
	v19 =	vor.u32 v19, v46  }
0x1d6: {  	v62 =	vor.u32 v34, v44;
	v9 =	vor.u32 v35, v56;
	v11 =	vld.idx.msk [tilespmem:v14+s15+$0x0], $0xffff  }
0x1d7: {  	v14 =	vld.idx.msk [tilespmem:v16+s15+$0x0], $0xffff;
	v15 =	vor.u32 v33, v48;
	[tilespmem:v18+s22+$0x0] =	vst.idx.msk $0xffff, v12;
	v12 =	vor.u32 v35, v49  }
0x1d8: {  	v58 =	vor.u32 v33, v44;
	v16 =	vld.idx.msk [tilespmem:v17+s15+$0x0], $0xffff  }
0x1d9: {  	v7 =	vor.u32 v22, v39;
	v4 =	vor.u32 v1, v8;
	v1 =	vld [tilespmem:$0x1FE90];
	[tilespmem:v2+s22+$0x0] =	vst.idx.msk $0xffff, v21  }
0x1da: {  	v43 =	vor.u32 v34, v55;
	v17 =	vor.u32 v35, v32;
	v2 =	vld [tilespmem:$0x1FF10];
	[tilespmem:v19+s22+$0x0] =	vst.idx.msk $0xffff, v61  }
0x1db: {  	v13 =	vor.u32 v26, v3;
	[tilespmem:v9+s22+$0x0] =	vst.idx.msk $0xffff, v53;
	v9 =	vor.u32 v35, v37;
	v19 =	vld.idx.msk [tilespmem:v62+s15+$0x0], $0xffff  }
0x1dc: {  	v20 =	vor.u32 v20, v8;
	[tilespmem:v12+s22+$0x0] =	vst.idx.msk $0xffff, v14;
	v14 =	vor.u32 v36, v10;
	v15 =	vld.idx.msk [tilespmem:v15+s15+$0x0], $0xffff  }
0x1dd: {  	v42 =	vor.u32 v38, v6;
	v41 =	vor.u32 v40, v51;
	v60 =	vor.u32 v54, v46  }
0x1de: {  	v54 =	vor.u32 v38, v52;
	v50 =	vor.u32 v28, v51;
	[tilespmem:v7+s22+$0x0] =	vst.idx.msk $0xffff, v11  }
0x1df: {  	v26 =	vor.u32 v38, v55;
	v18 =	vor.u32 v33, v52;
	[tilespmem:v17+s22+$0x0] =	vst.idx.msk $0xffff, v16  }
0x1e0: {  	v13 =	vld.idx.msk [tilespmem:v13+s15+$0x0], $0xffff;
	v56 =	vor.u32 v36, v56;
	v21 =	vor.u32 v33, v6;
	[tilespmem:v9+s22+$0x0] =	vst.idx.msk $0xffff, v19  }
0x1e1: {  	v6 =	vor.u32 v36, v49;
	v16 =	vor.u32 v33, v47;
	v53 =	vld.idx.msk [tilespmem:v20+s15+$0x0], $0xffff;
	[tilespmem:v14+s22+$0x0] =	vst.idx.msk $0xffff, v15  }
0x1e2: {  	v25 =	vmovc v30;
	v62 =	vor.u32 v57, v8;
	v2 =	vor.u32 v2, v8;
	v8 =	vor.u32 v33, v3;
	v3 =	vld [tilespmem:$0x1FEC0]  }
0x1e3: {  	v7 =	vor.u32 v22, v51;
	v11 =	vor.u32 v38, v48;
	v61 =	vor.u32 v63, v46;
	v45 =	vld.idx.msk [tilespmem:v43+s15+$0x0], $0xffff  }
0x1e4: {  	v12 =	vor.u32 v40, v10;
	v57 =	vor.u32 v40, v49;
	v10 =	vor.u32 v40, v32;
	v59 =	vld.idx.msk [tilespmem:v18+s15+$0x0], $0xffff  }
0x1e5: {  	v49 =	vor.u32 v38, v44;
	v17 =	vor.u32 v35, v39;
	v1 =	vor.u32 v1, v46;
	v52 =	vld.idx.msk [tilespmem:v21+s15+$0x0], $0xffff  }
0x1e6: {  	s11 =	sadd.s32 s29, s4;
	v9 =	vor.u32 v35, v51;
	v51 =	vor.u32 v36, v37;
	v15 =	vor.u32 v33, v55;
	v55 =	vld.idx.msk [tilespmem:v16+s15+$0x0], $0xffff  }
0x1e7: {  	s31 =	simm.s32 $0x8;
	s30 =	sadd.s32 $0x1, s11;
	v16 =	vor.u32 v36, v32;
	v58 =	vld.idx.msk [tilespmem:v58+s15+$0x0], $0xffff;
	v3 =	vor.u32 v3, v46;
	v46 =	vor.u32 v38, v47  }
.LBB2_9:
0x1e8: {  	v18 =	vor.u32 v40, v37;
	v37 =	vld.idx.msk [tilespmem:v11+s15+$0x0], $0xffff  }
0x1e9: {  	[tilespmem:v5+s22+$0x0] =	vst.idx.msk $0xffff, v53;
	v5 =	vld [tilespmem:$0x1FD00]  }
0x1ea: {  	v28 =	vld [tilespmem:$0x1FF80]  }
0x1eb: {  	v24 =	vld [tilespmem:$0x1FD30]  }
0x1ec: {  	[tilespmem:v50+s22+$0x0] =	vst.idx.msk $0xffff, v13;
	s11 =	sadd.s32 $0x2, s31;
	v30 =	vld [tilespmem:$0x1FEF0]  }
0x1ed: {  	s0 =	sadd.s32 $0x1, s31;
	v35 =	vadd.s32 s11, v0;
	v47 =	vld.idx.msk [tilespmem:v4+s15+$0x0], $0xffff;
	s11 =	smov.u32 s31;
	[tilespmem:v17+s22+$0x0] =	vst.idx.msk $0xffff, v45  }
0x1ee: {  	v14 =	vadd.s32 s31, v0;
	v20 =	vadd.s32 s0, v0;
	s0 =	sadd.s32 $0x4, s11;
	[tilespmem:v51+s22+$0x0] =	vst.idx.msk $0xffff, v58;
	v15 =	vld.idx.msk [tilespmem:v15+s15+$0x0], $0xffff  }
0x1ef: {  	s3 =	sadd.s32 $0x5, s31;
	v13 =	vor.u32 v36, v39;
	v19 =	vshll.u32 v14, $0x7;
	v48 =	vadd.s32 s0, v0;
	[tilespmem:v56+s22+$0x0] =	vst.idx.msk $0xffff, v52;
	v32 =	vld.idx.msk [tilespmem:v49+s15+$0x0], $0xffff  }
0x1f0: {  	s6 =	sadd.s32 $0x7, s31;
	v39 =	vadd.s32 s3, v0;
	v44 =	vand.u32 $0x3F, v20;
	[tilespmem:v16+s22+$0x0] =	vst.idx.msk $0xffff, v55;
	v55 =	vand.u32 $0x3F, v48;
	v42 =	vld.idx.msk [tilespmem:v42+s15+$0x0], $0xffff  }
0x1f1: {  	v50 =	vand.u32 $0x3F, v39;
	v17 =	vadd.s32 s6, v0;
	v56 =	vor.u32 v28, v55;
	[tilespmem:v12+s22+$0x0] =	vst.idx.msk $0xffff, v37;
	v37 =	vld.idx.msk [tilespmem:v46+s15+$0x0], $0xffff  }
0x1f2: {  	v51 =	vand.u32 $0x38, v14;
	v33 =	vor.u32 v28, v50;
	v14 =	vshll.u32 v17, $0x7;
	[tilespmem:v1+s22+$0x0] =	vst.idx.msk $0xffff, v47;
	v1 =	vld [tilespmem:$0x1FE20]  }
0x1f3: {  	v45 =	vand.u32 $0x3F, v35;
	v58 =	vor.u32 v28, v44;
	v46 =	vand.u32 $0x1F80, v14;
	v14 =	vld.idx.msk [tilespmem:v2+s15+$0x0], $0xffff  }
0x1f4: {  	v11 =	vmov v5;
	v5 =	vmov v41;
	v41 =	vor.u32 v28, v45;
	v40 =	vld.idx.msk [tilespmem:v24+s15+$0x0], $0xffff  }
0x1f5: {  	[tilespmem:v6+s22+$0x0] =	vst.idx.msk $0xffff, v59;
	v24 =	vld [tilespmem:$0x1FFA0]  }
0x1f6: {  	[tilespmem:v13+s22+$0x0] =	vst.idx.msk $0xffff, v15;
	v15 =	vld.idx.msk [tilespmem:v56+s15+$0x0], $0xffff  }
0x1f7: {  	v35 =	vshll.u32 v35, $0x7;
	v33 =	vld.idx.msk [tilespmem:v33+s15+$0x0], $0xffff  }
0x1f8: {  	v48 =	vshll.u32 v48, $0x7;
	v4 =	vor.u32 v38, v45;
	v52 =	vand.u32 $0x1F80, v35;
	v35 =	vld.idx.msk [tilespmem:v58+s15+$0x0], $0xffff  }
0x1f9: {  	v49 =	vand.u32 $0x1F80, v48;
	v48 =	vand.u32 $0x3F, v17;
	[tilespmem:v10+s22+$0x0] =	vst.idx.msk $0xffff, v37;
	v12 =	vor.u32 v1, v51;
	v1 =	vld.idx.msk [tilespmem:v41+s15+$0x0], $0xffff  }
0x1fa: {  	v6 =	vor.u32 v36, v52;
	v38 =	vor.u32 v28, v48;
	[tilespmem:v7+s22+$0x0] =	vst.idx.msk $0xffff, v40;
	v7 =	vld [tilespmem:$0x1FFF0]  }
0x1fb: {  	v13 =	vshll.u32 v39, $0x7;
	v41 =	vor.u32 v0, v49;
	[tilespmem:v60+s22+$0x0] =	vst.idx.msk $0xffff, v14;
	v40 =	vld.idx.msk [tilespmem:v26+s15+$0x0], $0xffff  }
0x1fc: {  	v10 =	vor.u32 v23, v55;
	[tilespmem:v31+s22+$0x0] =	vst.idx.msk $0xffff, v42;
	v31 =	vmov v36;
	v56 =	vand.u32 $0x1F80, v13;
	v36 =	vld.idx.msk [tilespmem:v27+s15+$0x0], $0xffff  }
0x1fd: {  	v43 =	vor.u32 v0, v56;
	v26 =	vld [tilespmem:$0x1FF50]  }
0x1fe: {  	v42 =	vor.u32 v23, v50;
	v27 =	vld [tilespmem:$0x1FF20]  }
0x1ff: {  	[tilespmem:$0x1FCA0] =	vst v1;
	v1 =	vld [tilespmem:$0x1FD20]  }
0x200: {  	v13 =	vor.u32 v0, v46;
	[tilespmem:v41+s22+$0x0] =	vst.idx.msk $0xffff, v15;
	v15 =	vld.idx.msk [tilespmem:v38+s15+$0x0], $0xffff  }
0x201: {  	v47 =	vand.u32 $0x1C00, v19;
	v10 =	vld.idx.msk [tilespmem:v10+s15+$0x0], $0xffff;
	v19 =	vor.u32 v7, v51  }
0x202: {  	[tilespmem:v43+s22+$0x0] =	vst.idx.msk $0xffff, v33;
	v7 =	vld [tilespmem:$0x1FE10]  }
0x203: {  	[tilespmem:v61+s22+$0x0] =	vst.idx.msk $0xffff, v36;
	v61 =	vld.idx.msk [tilespmem:v42+s15+$0x0], $0xffff  }
0x204: {  	s1 =	sadd.s32 $0x3, s31;
	[tilespmem:v18+s22+$0x0] =	vst.idx.msk $0xffff, v32;
	v32 =	vor.u32 v25, v56;
	v42 =	vld [tilespmem:$0x1FF30]  }
0x205: {  	v21 =	vadd.s32 s1, v0;
	[tilespmem:v13+s22+$0x0] =	vst.idx.msk $0xffff, v15;
	v13 =	vld [tilespmem:$0x1FCF0]  }
0x206: {  	v53 =	vand.u32 $0x3F, v21;
	v33 =	vor.u32 v30, v50;
	v15 =	vld.idx.msk [tilespmem:v19+s15+$0x0], $0xffff  }
0x207: {  	v34 =	vor.u32 v7, v47;
	v7 =	vshll.u32 v20, $0x7;
	v20 =	vor.u32 v28, v53;
	v19 =	vld [tilespmem:$0x1FF70]  }
0x208: {  	v17 =	vld.idx.msk [tilespmem:v1+s15+$0x0], $0xffff  }
0x209: {  	[tilespmem:v32+s22+$0x0] =	vst.idx.msk $0xffff, v61;
	v61 =	vmov v4;
	v4 =	vld [tilespmem:$0x1FF60]  }
0x20a: {  	v37 =	vand.u32 $0x1F80, v7;
	v7 =	vld [tilespmem:$0x1FF70]  }
0x20b: {  	s1 =	sadd.s32 $0x6, s31;
	v21 =	vshll.u32 v21, $0x7;
	v33 =	vld.idx.msk [tilespmem:v33+s15+$0x0], $0xffff;
	v14 =	vor.u32 v0, v37  }
0x20c: {  	v59 =	vand.u32 $0x1F80, v21;
	v16 =	vadd.s32 s1, v0;
	v20 =	vld.idx.msk [tilespmem:v20+s15+$0x0], $0xffff  }
0x20d: {  	v63 =	vshll.u32 v16, $0x7;
	[tilespmem:v9+s22+$0x0] =	vst.idx.msk $0xffff, v17;
	v9 =	vld [tilespmem:$0x1FF70];
	v17 =	vor.u32 v0, v59  }
0x20e: {  	v39 =	vand.u32 $0x1F80, v63;
	v58 =	vand.u32 $0x3F, v16;
	v19 =	vor.u32 v19, v52;
	v16 =	vld.idx.msk [tilespmem:v8+s15+$0x0], $0xffff  }
0x20f: {  	v63 =	vor.u32 v7, v39;
	[tilespmem:$0x1FCC0] =	vst v19;
	v8 =	vld [tilespmem:$0x1FD10]  }
0x210: {  	v21 =	vor.u32 v23, v53;
	v43 =	vmov v63;
	[tilespmem:v14+s22+$0x0] =	vst.idx.msk $0xffff, v35;
	v35 =	vld.idx.msk [tilespmem:v62+s15+$0x0], $0xffff  }
0x211: {  	[tilespmem:$0x1FD10] =	vst v43;
	v43 =	vld.idx.msk [tilespmem:v54+s15+$0x0], $0xffff  }
0x212: {  	v14 =	vor.u32 v23, v48;
	v54 =	vld [tilespmem:$0x1FF90];
	v1 =	vor.u32 v9, v59;
	[tilespmem:v17+s22+$0x0] =	vst.idx.msk $0xffff, v20  }
0x213: {  	v9 =	vor.u32 v28, v58;
	v28 =	vld [tilespmem:$0x1FFD0];
	[tilespmem:$0x1FCD0] =	vst v1  }
0x214: {  	v38 =	vor.u32 v25, v49;
	[tilespmem:v11+s22+$0x0] =	vst.idx.msk $0xffff, v16;
	v11 =	vld [tilespmem:$0x1FE30]  }
0x215: {  	v16 =	vor.u32 v26, v45;
	v21 =	vld.idx.msk [tilespmem:v21+s15+$0x0], $0xffff;
	[tilespmem:v3+s22+$0x0] =	vst.idx.msk $0xffff, v35  }
0x216: {  	v18 =	vor.u32 v30, v55;
	v3 =	vld [tilespmem:$0x1FF60];
	[tilespmem:$0x1FD30] =	vst v16  }
0x217: {  	v17 =	vor.u32 v25, v59;
	v14 =	vld.idx.msk [tilespmem:v14+s15+$0x0], $0xffff;
	[tilespmem:v57+s22+$0x0] =	vst.idx.msk $0xffff, v43  }
0x218: {  	v63 =	vor.u32 v25, v46;
	v13 =	vld.idx.msk [tilespmem:v13+s15+$0x0], $0xffff;
	[tilespmem:v34+s22+$0x0] =	vst.idx.msk $0xffff, v15  }
0x219: {  	v16 =	vld [tilespmem:$0x1FE40];
	[tilespmem:v38+s22+$0x0] =	vst.idx.msk $0xffff, v10  }
0x21a: {  	v19 =	vor.u32 v30, v53;
	v43 =	vld [tilespmem:$0x1FF40];
	[tilespmem:v8+s22+$0x0] =	vst.idx.msk $0xffff, v40;
	v1 =	vor.u32 v28, v44  }
0x21b: {  	v20 =	vor.u32 v27, v49;
	v10 =	vor.u32 v30, v48;
	v15 =	vld.idx.msk [tilespmem:v18+s15+$0x0], $0xffff;
	[tilespmem:$0x1FCE0] =	vst v1  }
0x21c: {  	v2 =	vor.u32 v0, v52;
	v62 =	vor.u32 v42, v55;
	v12 =	vld.idx.msk [tilespmem:v12+s15+$0x0], $0xffff;
	[tilespmem:v17+s22+$0x0] =	vst.idx.msk $0xffff, v21  }
0x21d: {  	v40 =	vld.idx.msk [tilespmem:v9+s15+$0x0], $0xffff;
	v1 =	vor.u32 v24, v45;
	v11 =	vor.u32 v11, v47;
	[tilespmem:v63+s22+$0x0] =	vst.idx.msk $0xffff, v14  }
0x21e: {  	v60 =	vor.u32 v0, v39;
	v36 =	vor.u32 v27, v56;
	v29 =	vor.u32 v3, v53;
	v3 =	vld [tilespmem:$0x1FE50];
	[tilespmem:$0x1FD20] =	vst v1  }
0x21f: {  	v1 =	vor.u32 v54, v51;
	v54 =	vor.u32 v23, v44;
	[tilespmem:v5+s22+$0x0] =	vst.idx.msk $0xffff, v13;
	v19 =	vld.idx.msk [tilespmem:v19+s15+$0x0], $0xffff  }
0x220: {  	v57 =	vor.u32 v42, v50;
	v5 =	vor.u32 v23, v58;
	v10 =	vld.idx.msk [tilespmem:v10+s15+$0x0], $0xffff;
	[tilespmem:v20+s22+$0x0] =	vst.idx.msk $0xffff, v15  }
0x221: {  	v38 =	vor.u32 v30, v44;
	v16 =	vor.u32 v16, v51;
	v32 =	vor.u32 v43, v49;
	v20 =	vld.idx.msk [tilespmem:v62+s15+$0x0], $0xffff  }
0x222: {  	v8 =	vor.u32 v30, v45;
	[tilespmem:v11+s22+$0x0] =	vst.idx.msk $0xffff, v12;
	v11 =	vor.u32 v30, v58;
	v30 =	vld [tilespmem:$0x1FCA0]  }
0x223: {  	[tilespmem:$0x1FD00] =	vst v6;
	v17 =	vor.u32 v26, v55;
	v9 =	vor.u32 v3, v47;
	v3 =	vld [tilespmem:$0x1FE60]  }
0x224: {  	[tilespmem:v60+s22+$0x0] =	vst.idx.msk $0xffff, v40;
	v35 =	vld.idx.msk [tilespmem:v54+s15+$0x0], $0xffff  }
0x225: {  	v6 =	vor.u32 v23, v45;
	[tilespmem:v36+s22+$0x0] =	vst.idx.msk $0xffff, v33;
	v12 =	vor.u32 v27, v46;
	v60 =	vld.idx.msk [tilespmem:v5+s15+$0x0], $0xffff  }
0x226: {  	v14 =	vld.idx.msk [tilespmem:v16+s15+$0x0], $0xffff;
	v16 =	vor.u32 v42, v48;
	[tilespmem:v32+s22+$0x0] =	vst.idx.msk $0xffff, v20  }
0x227: {  	v54 =	vor.u32 v25, v37;
	[tilespmem:v2+s22+$0x0] =	vst.idx.msk $0xffff, v30;
	v2 =	vld.idx.msk [tilespmem:v57+s15+$0x0], $0xffff  }
0x228: {  	[tilespmem:$0x1FCF0] =	vst v61;
	v3 =	vor.u32 v3, v51;
	v17 =	vld.idx.msk [tilespmem:v17+s15+$0x0], $0xffff  }
0x229: {  	v41 =	vor.u32 v25, v39;
	[tilespmem:$0x1FCB0] =	vst v3;
	v3 =	vor.u32 v4, v58;
	v4 =	vld [tilespmem:$0x1FE70]  }
0x22a: {  	v61 =	vor.u32 v42, v44;
	v34 =	vor.u32 v27, v59;
	[tilespmem:v12+s22+$0x0] =	vst.idx.msk $0xffff, v10;
	v6 =	vld.idx.msk [tilespmem:v6+s15+$0x0], $0xffff  }
0x22b: {  	v33 =	vor.u32 v22, v49;
	v13 =	vor.u32 v27, v52;
	v21 =	vor.u32 v43, v56;
	v12 =	vld.idx.msk [tilespmem:v16+s15+$0x0], $0xffff  }
0x22c: {  	v62 =	vor.u32 v27, v39;
	[tilespmem:v54+s22+$0x0] =	vst.idx.msk $0xffff, v35;
	v35 =	vor.u32 v27, v37;
	v27 =	vmov v1;
	v1 =	vld [tilespmem:$0x1FE90]  }
0x22d: {  	v18 =	vor.u32 v42, v45;
	v10 =	vor.u32 v42, v58;
	v54 =	vor.u32 v42, v53;
	v42 =	vmovc v29;
	v29 =	vld [tilespmem:$0x1FFC0]  }
0x22e: {  	v7 =	vor.u32 v25, v52;
	v40 =	vor.u32 v26, v50;
	[tilespmem:v41+s22+$0x0] =	vst.idx.msk $0xffff, v60;
	v38 =	vld.idx.msk [tilespmem:v38+s15+$0x0], $0xffff  }
0x22f: {  	[tilespmem:v34+s22+$0x0] =	vst.idx.msk $0xffff, v19;
	v16 =	vor.u32 v43, v46;
	v11 =	vld.idx.msk [tilespmem:v11+s15+$0x0], $0xffff  }
0x230: {  	v19 =	vor.u32 v24, v55;
	[tilespmem:v21+s22+$0x0] =	vst.idx.msk $0xffff, v2;
	v2 =	vld [tilespmem:$0x1FF10]  }
0x231: {  	v5 =	vor.u32 v4, v47;
	v4 =	vld [tilespmem:$0x1FE80]  }
0x232: {  	v15 =	vor.u32 v26, v44;
	[tilespmem:v33+s22+$0x0] =	vst.idx.msk $0xffff, v17;
	v36 =	vld.idx.msk [tilespmem:v54+s15+$0x0], $0xffff  }
0x233: {  	v60 =	vor.u32 v26, v53;
	v21 =	vor.u32 v26, v48;
	[tilespmem:v7+s22+$0x0] =	vst.idx.msk $0xffff, v6;
	v6 =	vld.idx.msk [tilespmem:v40+s15+$0x0], $0xffff  }
0x234: {  	v54 =	vor.u32 v43, v59;
	[tilespmem:v16+s22+$0x0] =	vst.idx.msk $0xffff, v12;
	v12 =	vor.u32 v26, v58;
	v26 =	vld [tilespmem:$0x1FEA0]  }
0x235: {  	v19 =	vld.idx.msk [tilespmem:v19+s15+$0x0], $0xffff  }
0x236: {  	v34 =	vor.u32 v22, v56;
	[tilespmem:v35+s22+$0x0] =	vst.idx.msk $0xffff, v38;
	v7 =	vld.idx.msk [tilespmem:v8+s15+$0x0], $0xffff  }
0x237: {  	v38 =	vor.u32 v29, v49;
	[tilespmem:v62+s22+$0x0] =	vst.idx.msk $0xffff, v11;
	v35 =	vld.idx.msk [tilespmem:v61+s15+$0x0], $0xffff  }
0x238: {  	v10 =	vld.idx.msk [tilespmem:v10+s15+$0x0], $0xffff  }
0x239: {  	v57 =	vor.u32 v24, v50;
	v41 =	vor.u32 v43, v37;
	v16 =	vld.idx.msk [tilespmem:v21+s15+$0x0], $0xffff;
	[tilespmem:v54+s22+$0x0] =	vst.idx.msk $0xffff, v36  }
0x23a: {  	v40 =	vld.idx.msk [tilespmem:v60+s15+$0x0], $0xffff  }
0x23b: {  	[tilespmem:v34+s22+$0x0] =	vst.idx.msk $0xffff, v6;
	v60 =	vor.u32 v26, v47;
	v26 =	vmov v3;
	v3 =	vld [tilespmem:$0x1FCB0]  }
0x23c: {  	[tilespmem:v38+s22+$0x0] =	vst.idx.msk $0xffff, v19;
	v38 =	vld [tilespmem:$0x1FF60]  }
0x23d: {  	v32 =	vor.u32 v43, v39;
	[tilespmem:v13+s22+$0x0] =	vst.idx.msk $0xffff, v7;
	v19 =	vld [tilespmem:$0x1FCE0]  }
0x23e: {  	[tilespmem:v41+s22+$0x0] =	vst.idx.msk $0xffff, v35;
	v35 =	vld.idx.msk [tilespmem:v57+s15+$0x0], $0xffff  }
0x23f: {  	v54 =	vor.u32 v22, v59;
	v13 =	vld.idx.msk [tilespmem:v18+s15+$0x0], $0xffff  }
0x240: {  	v11 =	vor.u32 v24, v53;
	v21 =	vor.u32 v22, v46;
	v18 =	vld [tilespmem:$0x1FF60]  }
0x241: {  	v62 =	vor.u32 v24, v48;
	v41 =	vld [tilespmem:$0x1FCC0]  }
0x242: {  	[tilespmem:v32+s22+$0x0] =	vst.idx.msk $0xffff, v10;
	v15 =	vld.idx.msk [tilespmem:v15+s15+$0x0], $0xffff  }
0x243: {  	v17 =	vld.idx.msk [tilespmem:v12+s15+$0x0], $0xffff  }
0x244: {  	v8 =	vor.u32 v29, v56;
	v12 =	vld [tilespmem:$0x1FFE0];
	[tilespmem:v54+s22+$0x0] =	vst.idx.msk $0xffff, v40  }
0x245: {  	v57 =	vor.u32 v29, v59;
	[tilespmem:v21+s22+$0x0] =	vst.idx.msk $0xffff, v16;
	v40 =	vld.idx.msk [tilespmem:v11+s15+$0x0], $0xffff  }
0x246: {  	v61 =	vor.u32 v22, v37;
	v21 =	vld.idx.msk [tilespmem:v62+s15+$0x0], $0xffff  }
0x247: {  	v63 =	vor.u32 v28, v50;
	v20 =	vor.u32 v24, v44;
	[tilespmem:v9+s22+$0x0] =	vst.idx.msk $0xffff, v14;
	v11 =	vld [tilespmem:$0x1FF60]  }
0x248: {  	v33 =	vor.u32 v22, v39;
	v34 =	vor.u32 v29, v46;
	v10 =	vor.u32 v28, v53;
	v53 =	vld.idx.msk [tilespmem:v3+s15+$0x0], $0xffff  }
0x249: {  	v1 =	vor.u32 v1, v47;
	v16 =	vor.u32 v28, v48;
	[tilespmem:v8+s22+$0x0] =	vst.idx.msk $0xffff, v35;
	v3 =	vld [tilespmem:$0x1FF60]  }
0x24a: {  	v9 =	vor.u32 v29, v52;
	v2 =	vor.u32 v2, v51;
	[tilespmem:v57+s22+$0x0] =	vst.idx.msk $0xffff, v40;
	v40 =	vld [tilespmem:$0x1FF70]  }
0x24b: {  	v4 =	vor.u32 v4, v51;
	v36 =	vor.u32 v28, v55;
	v8 =	vld [tilespmem:$0x1FEB0];
	[tilespmem:v61+s22+$0x0] =	vst.idx.msk $0xffff, v15  }
0x24c: {  	v6 =	vor.u32 v31, v49;
	v32 =	vor.u32 v29, v37;
	v15 =	vor.u32 v24, v58;
	v20 =	vld.idx.msk [tilespmem:v20+s15+$0x0], $0xffff  }
0x24d: {  	v54 =	vor.u32 v18, v55;
	v18 =	vor.u32 v31, v56;
	v14 =	vld.idx.msk [tilespmem:v63+s15+$0x0], $0xffff;
	[tilespmem:v34+s22+$0x0] =	vst.idx.msk $0xffff, v21  }
0x24e: {  	v7 =	vor.u32 v22, v52;
	v61 =	vor.u32 v12, v47;
	[tilespmem:v33+s22+$0x0] =	vst.idx.msk $0xffff, v17;
	v55 =	vld.idx.msk [tilespmem:v16+s15+$0x0], $0xffff  }
0x24f: {  	p1 =	slt.u32 s31, $0x38;
	v17 =	vor.u32 v29, v39;
	v57 =	vor.u32 v40, v49;
	v49 =	vor.u32 v3, v44;
	v3 =	vld [tilespmem:$0x1FEC0]  }
.Ltmp6:
0x250: {  	v11 =	vor.u32 v11, v50;
	v50 =	vor.u32 v43, v52;
	v62 =	vor.u32 v8, v51;
	v52 =	vld.idx.msk [tilespmem:v10+s15+$0x0], $0xffff;
	(pc) =	sbr.rel @p1 .LBB2_9-.Ltmp6, $4  }
0x251: {  	v8 =	vor.u32 v28, v45;
	v51 =	vor.u32 v31, v37;
	v45 =	vld.idx.msk [tilespmem:v15+s15+$0x0], $0xffff;
	[tilespmem:v32+s22+$0x0] =	vst.idx.msk $0xffff, v20  }
0x252: {  	v15 =	vor.u32 v28, v58;
	[tilespmem:v18+s22+$0x0] =	vst.idx.msk $0xffff, v14;
	v58 =	vld.idx.msk [tilespmem:v19+s15+$0x0], $0xffff;
	v12 =	vor.u32 v40, v56  }
0x253: {  	v10 =	vor.u32 v40, v46;
	v56 =	vor.u32 v31, v59;
	v59 =	vld.idx.msk [tilespmem:v36+s15+$0x0], $0xffff;
	v36 =	vmov v31  }
0x254: {  	s31 =	sadd.s32 $0x8, s31;
	v31 =	vld [tilespmem:$0x1FCD0];
	v16 =	vor.u32 v36, v46;
	v46 =	vor.u32 v38, v48;
	v3 =	vor.u32 v3, v47  }
0x255: {  	v33 =	vld [tilespmem:$0x1FFC0]  }
0x256: {  	v35 =	vld [tilespmem:$0x1FFA0]  }
0x257: {  	v34 =	vld [tilespmem:$0x1FFD0]  }
0x258: {  	v28 =	vld [tilespmem:$0x1FFE0]  }
0x259: {  	v30 =	vld [tilespmem:$0x1FF80]  }
0x25a: {  	v32 =	vld [tilespmem:$0x1FF90];
	[tilespmem:v5+s22+$0x0] =	vst.idx.msk $0xffff, v53  }
0x25b: {  	[tilespmem:v50+s22+$0x0] =	vst.idx.msk $0xffff, v13  }
0x25c: {  	v5 =	vld [tilespmem:$0x1FD30];
	_ =	sdelay $0x6  }
0x25d: {  	v4 =	vld.idx.msk [tilespmem:v4+s15+$0x0], $0xffff  }
0x25e: {  	v5 =	vld.idx.msk [tilespmem:v5+s15+$0x0], $0xffff;
	_ =	sdelay $0x2  }
0x25f: {  	[tilespmem:v17+s22+$0x0] =	vst.idx.msk $0xffff, v45  }
0x260: {  	[tilespmem:v1+s22+$0x0] =	vst.idx.msk $0xffff, v4  }
0x261: {  	v1 =	vld.idx.msk [tilespmem:v2+s15+$0x0], $0xffff;
	[tilespmem:v7+s22+$0x0] =	vst.idx.msk $0xffff, v5  }
0x262: {  	v2 =	vld [tilespmem:$0x1FD20];
	_ =	sdelay $0x2  }
0x263: {  	v50 =	vld.idx.msk [tilespmem:v11+s15+$0x0], $0xffff  }
0x264: {  	[tilespmem:v56+s22+$0x0] =	vst.idx.msk $0xffff, v52  }
0x265: {  	v53 =	vld.idx.msk [tilespmem:v15+s15+$0x0], $0xffff;
	v52 =	vor.u32 v36, v39;
	[tilespmem:v16+s22+$0x0] =	vst.idx.msk $0xffff, v55  }
0x266: {  	[tilespmem:v60+s22+$0x0] =	vst.idx.msk $0xffff, v1;
	v56 =	vld.idx.msk [tilespmem:v46+s15+$0x0], $0xffff  }
0x267: {  	[tilespmem:v51+s22+$0x0] =	vst.idx.msk $0xffff, v58;
	v1 =	vld.idx.msk [tilespmem:v27+s15+$0x0], $0xffff  }
0x268: {  	[tilespmem:v12+s22+$0x0] =	vst.idx.msk $0xffff, v50;
	v2 =	vld.idx.msk [tilespmem:v2+s15+$0x0], $0xffff  }
0x269: {  	[tilespmem:v6+s22+$0x0] =	vst.idx.msk $0xffff, v59  }
0x26a: {  	[tilespmem:v52+s22+$0x0] =	vst.idx.msk $0xffff, v53  }
0x26b: {  	[tilespmem:v10+s22+$0x0] =	vst.idx.msk $0xffff, v56  }
0x26c: {  	[tilespmem:v61+s22+$0x0] =	vst.idx.msk $0xffff, v1  }
0x26d: {  	[tilespmem:v9+s22+$0x0] =	vst.idx.msk $0xffff, v2  }
0x26e: {  	v9 =	vld [tilespmem:$0x1FD00];
	_ =	sdelay $0x1  }
0x26f: {  	v58 =	vld.idx.msk [tilespmem:v42+s15+$0x0], $0xffff  }
0x270: {  	v2 =	vld.idx.msk [tilespmem:v8+s15+$0x0], $0xffff;
	_ =	sdelay $0x3  }
0x271: {  	[tilespmem:v31+s22+$0x0] =	vst.idx.msk $0xffff, v58  }
0x272: {  	[tilespmem:v9+s22+$0x0] =	vst.idx.msk $0xffff, v2  }
0x273: {  	v2 =	vld [tilespmem:$0x1FCF0];
	_ =	sdelay $0x2  }
0x274: {  	v60 =	vld.idx.msk [tilespmem:v49+s15+$0x0], $0xffff  }
0x275: {  	v59 =	vor.u32 v40, v37;
	v4 =	vld [tilespmem:$0x1FD10]  }
0x276: {  	v1 =	vld.idx.msk [tilespmem:v54+s15+$0x0], $0xffff  }
0x277: {  	v63 =	vld.idx.msk [tilespmem:v62+s15+$0x0], $0xffff  }
0x278: {  	v5 =	vld.idx.msk [tilespmem:v26+s15+$0x0], $0xffff  }
0x279: {  	v2 =	vld.idx.msk [tilespmem:v2+s15+$0x0], $0xffff  }
0x27a: {  	[tilespmem:v59+s22+$0x0] =	vst.idx.msk $0xffff, v60  }
.Ltmp7:
0x27b: {  	s0 =	sshll.u32 s30, $0x7;
	[tilespmem:v57+s22+$0x0] =	vst.idx.msk $0xffff, v1;
	(pc) =	sbr.rel @p0 .LBB2_20-.Ltmp7, $4  }
0x27c: {  	s1 =	sshll.u32 s30, $0xA;
	s0 =	sand.u32 $0xF80, s0;
	[tilespmem:v3+s22+$0x0] =	vst.idx.msk $0xffff, v63  }
0x27d: {  	s1 =	sand.u32 $0xFFF8000, s1;
	s0 =	sadd.s32 s2, s0;
	[tilespmem:v4+s22+$0x0] =	vst.idx.msk $0xffff, v5  }
0x27e: {  	s0 =	sadd.s32 s1, s0;
	[tilespmem:v41+s22+$0x0] =	vst.idx.msk $0xffff, v2  }
0x27f: {  	[hbm4b:s0+s18] =	stream.strided.scatter [tilespmem:s22], [sflag:$0x5], $0x2000, s19, s18, $0x38;
	[tilespmem:$0xAD00] =	vst v63  }
0x280: {  	s1 =	simm.s32 $0x3;
	s3 =	simm.s32 $0x2  }
0x281: {  	v5 =	vadd.s32 s1, v0;
	v6 =	vadd.s32 s3, v0;
	s1 =	smul.u32 $0xC00, s28  }
0x282: {  	s11 =	simm.s32 $0x1;
	v45 =	vand.u32 $0x3F, v6  }
0x283: {  	v4 =	vadd.s32 s11, v0;
	s11 =	simm.s32 $0x4;
	v10 =	vor.u32 v38, v45;
	s30 =	sshra.s32 s1, $0x2  }
0x284: {  	s0 =	simm.s32 $0x0;
	s6 =	simm.s32 $0x5;
	[tilespmem:$0x1FC30] =	vst v10;
	v10 =	vadd.s32 s11, v0;
	s11 =	sadd.s32 $0x200, s30  }
0x285: {  	v2 =	vadd.s32 s0, v0;
	[tilespmem:s15], [sflag:$0x2] =	stream.indirect.gather [hbm4b:s5+s13], $0x40, s11, s13, $0xb8;
	[tilespmem:$0xAD00] =	vst v63  }
0x286: {  	s3 =	simm.s32 $0x7;
	v7 =	vadd.s32 s6, v0;
	v3 =	vshll.u32 v2, $0x7;
	_ =	swait.ge [sflag:s24], $0x2000  }
0x287: {  	s6 =	simm.s32 $0x6;
	v44 =	vand.u32 $0x3F, v4;
	v1 =	vand.u32 $0x3F, v7;
	v8 =	vadd.s32 s3, v0;
	[sflag:s24] =	ssyncset.done $0x0  }
0x288: {  	v53 =	vand.u32 $0x3F, v5;
	v11 =	vadd.s32 s6, v0;
	v6 =	vshll.u32 v6, $0x7;
	[sflag:s24] =	ssyncadd.s32 $0xFFFFE000  }
0x289: {  	v49 =	vand.u32 $0x38, v2;
	v51 =	vand.u32 $0x1F80, v6;
	v50 =	vand.u32 $0x3F, v10;
	v6 =	vld [tilespmem:$0x1FE20];
	_ =	swait.ge [sflag:s23], $0x2000  }
0x28a: {  	v4 =	vshll.u32 v4, $0x7;
	v12 =	vor.u32 v30, v44;
	v13 =	vor.u32 v30, v50;
	v24 =	vld [tilespmem:$0x1FF70]  }
0x28b: {  	v14 =	vshll.u32 v11, $0x7;
	v15 =	vor.u32 v30, v1;
	v2 =	vshll.u32 v8, $0x7;
	v23 =	vld [tilespmem:$0x1FED0]  }
0x28c: {  	v48 =	vand.u32 $0x3F, v8;
	v18 =	vor.u32 v30, v53;
	v46 =	vand.u32 $0x1F80, v2;
	v52 =	vld [tilespmem:$0x1FFF0]  }
0x28d: {  	v2 =	vshll.u32 v7, $0x7;
	v7 =	vor.u32 v36, v51;
	v10 =	vshll.u32 v10, $0x7;
	[sflag:s23] =	ssyncset.done $0x0;
	v59 =	vld [tilespmem:$0x1FF70]  }
0x28e: {  	v17 =	vor.u32 v30, v48;
	v39 =	vand.u32 $0x1F80, v14;
	v10 =	vand.u32 $0x1F80, v10;
	[tilespmem:$0x1FC40] =	vst v7;
	v16 =	vld [tilespmem:$0x1FE10];
	[sflag:s23] =	ssyncadd.s32 $0xFFFFE000  }
0x28f: {  	v63 =	vmovc v22;
	v55 =	vand.u32 $0x1F80, v2;
	v19 =	vor.u32 v0, v10;
	v13 =	vld.idx.msk [tilespmem:v13+s25+$0x0], $0xffff;
	v22 =	vor.u32 v24, v39  }
0x290: {  	v5 =	vshll.u32 v5, $0x7;
	v37 =	vand.u32 $0x1F80, v4;
	v20 =	vor.u32 v0, v55;
	v14 =	vld.idx.msk [tilespmem:v15+s25+$0x0], $0xffff;
	[tilespmem:$0x1FC50] =	vst v22  }
0x291: {  	v58 =	vand.u32 $0x1F80, v5;
	v21 =	vor.u32 v0, v37;
	v4 =	vor.u32 v23, v50;
	v12 =	vld.idx.msk [tilespmem:v12+s25+$0x0], $0xffff  }
0x292: {  	v27 =	vld [tilespmem:$0x1FEE0];
	v8 =	vor.u32 v52, v49;
	v24 =	vor.u32 v59, v58  }
0x293: {  	v9 =	vor.u32 v30, v45;
	v57 =	vor.u32 v0, v58;
	v18 =	vld.idx.msk [tilespmem:v18+s25+$0x0], $0xffff;
	[tilespmem:$0x1FC60] =	vst v24  }
0x294: {  	v56 =	vand.u32 $0x3F, v11;
	v15 =	vor.u32 v23, v1;
	[tilespmem:v19+s17+$0x0] =	vst.idx.msk $0xffff, v13;
	v13 =	vld.idx.msk [tilespmem:v17+s25+$0x0], $0xffff  }
0x295: {  	v47 =	vand.u32 $0x1C00, v3;
	v11 =	vor.u32 v30, v56;
	v2 =	vor.u32 v0, v46;
	v29 =	vld [tilespmem:$0x1FEF0];
	[tilespmem:v20+s17+$0x0] =	vst.idx.msk $0xffff, v14  }
0x296: {  	v17 =	vor.u32 v23, v53;
	v4 =	vld.idx.msk [tilespmem:v4+s25+$0x0], $0xffff;
	[tilespmem:v21+s17+$0x0] =	vst.idx.msk $0xffff, v12;
	v12 =	vor.u32 v34, v44  }
0x297: {  	v16 =	vor.u32 v16, v47;
	v42 =	vor.u32 v23, v44;
	v8 =	vld.idx.msk [tilespmem:v8+s25+$0x0], $0xffff;
	[tilespmem:$0x1FC90] =	vst v12  }
0x298: {  	v41 =	vor.u32 v27, v10;
	[tilespmem:v57+s17+$0x0] =	vst.idx.msk $0xffff, v18;
	v18 =	vor.u32 v35, v45  }
0x299: {  	v14 =	vor.u32 v23, v48;
	v12 =	vld.idx.msk [tilespmem:v15+s25+$0x0], $0xffff;
	[tilespmem:$0x1FC70] =	vst v18;
	v18 =	vor.u32 v32, v49  }
0x29a: {  	v20 =	vor.u32 v27, v55;
	v11 =	vld.idx.msk [tilespmem:v11+s25+$0x0], $0xffff;
	[tilespmem:$0x1FC80] =	vst v18  }
0x29b: {  	[tilespmem:v2+s17+$0x0] =	vst.idx.msk $0xffff, v13;
	v13 =	vld.idx.msk [tilespmem:v17+s25+$0x0], $0xffff  }
0x29c: {  	v6 =	vor.u32 v6, v49;
	v18 =	vld.idx.msk [tilespmem:v42+s25+$0x0], $0xffff  }
0x29d: {  	[tilespmem:v41+s17+$0x0] =	vst.idx.msk $0xffff, v4;
	v9 =	vld.idx.msk [tilespmem:v9+s25+$0x0], $0xffff  }
0x29e: {  	v40 =	vor.u32 v0, v39;
	v15 =	vor.u32 v29, v1;
	[tilespmem:v16+s17+$0x0] =	vst.idx.msk $0xffff, v8;
	v14 =	vld.idx.msk [tilespmem:v14+s25+$0x0], $0xffff  }
0x29f: {  	v16 =	vld [tilespmem:$0x1FE30];
	[tilespmem:v20+s17+$0x0] =	vst.idx.msk $0xffff, v12  }
0x2a0: {  	v2 =	vor.u32 v27, v58;
	v60 =	vld [tilespmem:$0x1FF20]  }
0x2a1: {  	v4 =	vor.u32 v27, v37;
	v6 =	vld.idx.msk [tilespmem:v6+s25+$0x0], $0xffff  }
0x2a2: {  	v21 =	vor.u32 v27, v46;
	v25 =	vld [tilespmem:$0x1FF50]  }
0x2a3: {  	v3 =	vor.u32 v0, v51;
	v15 =	vld.idx.msk [tilespmem:v15+s25+$0x0], $0xffff;
	[tilespmem:v40+s17+$0x0] =	vst.idx.msk $0xffff, v11  }
0x2a4: {  	v30 =	vmov v35;
	v8 =	vor.u32 v23, v56;
	v35 =	vld [tilespmem:$0x1FF70];
	v16 =	vor.u32 v16, v47  }
0x2a5: {  	v17 =	vor.u32 v29, v53;
	v20 =	vld [tilespmem:$0x1FE40];
	[tilespmem:v2+s17+$0x0] =	vst.idx.msk $0xffff, v13;
	v12 =	vor.u32 v60, v55  }
0x2a6: {  	v61 =	vld [tilespmem:$0x1FF30];
	[tilespmem:v4+s17+$0x0] =	vst.idx.msk $0xffff, v18  }
0x2a7: {  	v43 =	vor.u32 v29, v50;
	[tilespmem:v21+s17+$0x0] =	vst.idx.msk $0xffff, v14  }
0x2a8: {  	v2 =	vor.u32 v29, v44;
	[tilespmem:v3+s17+$0x0] =	vst.idx.msk $0xffff, v9  }
0x2a9: {  	v11 =	vor.u32 v29, v48;
	v8 =	vld.idx.msk [tilespmem:v8+s25+$0x0], $0xffff;
	[tilespmem:v16+s17+$0x0] =	vst.idx.msk $0xffff, v6  }
0x2aa: {  	v7 =	vor.u32 v23, v45;
	v17 =	vld.idx.msk [tilespmem:v17+s25+$0x0], $0xffff;
	v4 =	vor.u32 v60, v58;
	[tilespmem:v12+s17+$0x0] =	vst.idx.msk $0xffff, v15  }
0x2ab: {  	v5 =	vor.u32 v27, v51;
	v14 =	vor.u32 v27, v39;
	v13 =	vor.u32 v61, v1;
	v27 =	vld [tilespmem:$0x1FF40]  }
0x2ac: {  	v21 =	vld.idx.msk [tilespmem:v43+s25+$0x0], $0xffff;
	v18 =	vor.u32 v60, v10;
	v6 =	vor.u32 v61, v53  }
0x2ad: {  	v3 =	vor.u32 v60, v37;
	v2 =	vld.idx.msk [tilespmem:v2+s25+$0x0], $0xffff;
	v16 =	vor.u32 v29, v56  }
0x2ae: {  	v11 =	vld.idx.msk [tilespmem:v11+s25+$0x0], $0xffff;
	v12 =	vor.u32 v60, v46;
	v15 =	vor.u32 v61, v50  }
0x2af: {  	v7 =	vld.idx.msk [tilespmem:v7+s25+$0x0], $0xffff;
	[tilespmem:v4+s17+$0x0] =	vst.idx.msk $0xffff, v17;
	v4 =	vor.u32 v61, v48  }
0x2b0: {  	[tilespmem:v14+s17+$0x0] =	vst.idx.msk $0xffff, v8;
	v8 =	vor.u32 v61, v44;
	v13 =	vld.idx.msk [tilespmem:v13+s25+$0x0], $0xffff;
	v9 =	vor.u32 v27, v55  }
0x2b1: {  	v14 =	vor.u32 v25, v1;
	[tilespmem:v18+s17+$0x0] =	vst.idx.msk $0xffff, v21;
	v6 =	vld.idx.msk [tilespmem:v6+s25+$0x0], $0xffff;
	v17 =	vor.u32 v27, v58  }
0x2b2: {  	[tilespmem:v3+s17+$0x0] =	vst.idx.msk $0xffff, v2;
	v16 =	vld.idx.msk [tilespmem:v16+s25+$0x0], $0xffff  }
0x2b3: {  	v19 =	vor.u32 v29, v45;
	[tilespmem:v12+s17+$0x0] =	vst.idx.msk $0xffff, v11;
	v11 =	vor.u32 v60, v39;
	v3 =	vld.idx.msk [tilespmem:v15+s25+$0x0], $0xffff  }
0x2b4: {  	[tilespmem:v5+s17+$0x0] =	vst.idx.msk $0xffff, v7;
	v2 =	vor.u32 v25, v53;
	v12 =	vor.u32 v27, v10;
	v4 =	vld.idx.msk [tilespmem:v4+s25+$0x0], $0xffff  }
0x2b5: {  	v15 =	vor.u32 v61, v56;
	v7 =	vld.idx.msk [tilespmem:v8+s25+$0x0], $0xffff;
	[tilespmem:v9+s17+$0x0] =	vst.idx.msk $0xffff, v13;
	v9 =	vor.u32 v27, v46  }
0x2b6: {  	v5 =	vor.u32 v27, v37;
	v13 =	vor.u32 v25, v50;
	[tilespmem:v17+s17+$0x0] =	vst.idx.msk $0xffff, v6;
	v14 =	vld.idx.msk [tilespmem:v14+s25+$0x0], $0xffff  }
0x2b7: {  	v8 =	vor.u32 v63, v55;
	v17 =	vld [tilespmem:$0x1FE50]  }
0x2b8: {  	v18 =	vor.u32 v60, v51;
	[tilespmem:v11+s17+$0x0] =	vst.idx.msk $0xffff, v16;
	v16 =	vld.idx.msk [tilespmem:v19+s25+$0x0], $0xffff  }
0x2b9: {  	v2 =	vld.idx.msk [tilespmem:v2+s25+$0x0], $0xffff;
	[tilespmem:v12+s17+$0x0] =	vst.idx.msk $0xffff, v3;
	v3 =	vor.u32 v63, v58  }
0x2ba: {  	v15 =	vld.idx.msk [tilespmem:v15+s25+$0x0], $0xffff;
	[tilespmem:v9+s17+$0x0] =	vst.idx.msk $0xffff, v4;
	v4 =	vor.u32 v27, v39  }
0x2bb: {  	v6 =	vor.u32 v25, v48;
	[tilespmem:v5+s17+$0x0] =	vst.idx.msk $0xffff, v7;
	v9 =	vor.u32 v63, v10;
	v7 =	vld.idx.msk [tilespmem:v13+s25+$0x0], $0xffff  }
0x2bc: {  	[tilespmem:v8+s17+$0x0] =	vst.idx.msk $0xffff, v14  }
0x2bd: {  	[tilespmem:v18+s17+$0x0] =	vst.idx.msk $0xffff, v16  }
0x2be: {  	v20 =	vor.u32 v20, v49;
	v18 =	vld [tilespmem:$0x1FE60];
	[tilespmem:v3+s17+$0x0] =	vst.idx.msk $0xffff, v2  }
0x2bf: {  	v11 =	vor.u32 v25, v44;
	[tilespmem:v4+s17+$0x0] =	vst.idx.msk $0xffff, v15  }
0x2c0: {  	v5 =	vor.u32 v30, v53;
	v6 =	vld.idx.msk [tilespmem:v6+s25+$0x0], $0xffff;
	v8 =	vor.u32 v63, v46;
	[tilespmem:v9+s17+$0x0] =	vst.idx.msk $0xffff, v7  }
0x2c1: {  	v2 =	vld [tilespmem:$0x1FE70]  }
0x2c2: {  	v19 =	vor.u32 v30, v1  }
0x2c3: {  	v20 =	vld.idx.msk [tilespmem:v20+s25+$0x0], $0xffff;
	v13 =	vor.u32 v25, v56  }
0x2c4: {  	v14 =	vor.u32 v30, v50;
	v16 =	vor.u32 v63, v37;
	v11 =	vld.idx.msk [tilespmem:v11+s25+$0x0], $0xffff  }
0x2c5: {  	v62 =	vld.idx.msk [tilespmem:v5+s25+$0x0], $0xffff;
	v15 =	vor.u32 v30, v48;
	[tilespmem:v8+s17+$0x0] =	vst.idx.msk $0xffff, v6  }
0x2c6: {  	v31 =	vmov v33;
	v5 =	vor.u32 v2, v47;
	v2 =	vld [tilespmem:$0x1FE80]  }
0x2c7: {  	v21 =	vor.u32 v30, v44;
	v3 =	vor.u32 v31, v55;
	v19 =	vld.idx.msk [tilespmem:v19+s25+$0x0], $0xffff  }
0x2c8: {  	v26 =	vmov v34;
	v17 =	vor.u32 v17, v47;
	v9 =	vld.idx.msk [tilespmem:v13+s25+$0x0], $0xffff  }
0x2c9: {  	v7 =	vor.u32 v31, v58;
	v13 =	vor.u32 v26, v1;
	[tilespmem:v16+s17+$0x0] =	vst.idx.msk $0xffff, v11;
	v11 =	vld.idx.msk [tilespmem:v14+s25+$0x0], $0xffff  }
0x2ca: {  	v6 =	vor.u32 v63, v39;
	v14 =	vld.idx.msk [tilespmem:v15+s25+$0x0], $0xffff  }
0x2cb: {  	v8 =	vor.u32 v31, v10;
	v4 =	vor.u32 v2, v49;
	v2 =	vld [tilespmem:$0x1FE90]  }
0x2cc: {  	v15 =	vor.u32 v31, v46;
	[tilespmem:v3+s17+$0x0] =	vst.idx.msk $0xffff, v19;
	v19 =	vld.idx.msk [tilespmem:v21+s25+$0x0], $0xffff  }
0x2cd: {  	v3 =	vld [tilespmem:$0x1FF10];
	[tilespmem:v17+s17+$0x0] =	vst.idx.msk $0xffff, v20;
	v17 =	vor.u32 v31, v37  }
0x2ce: {  	v54 =	vor.u32 v38, v50;
	v22 =	vmov v36;
	[tilespmem:v7+s17+$0x0] =	vst.idx.msk $0xffff, v62;
	v60 =	vld.idx.msk [tilespmem:v13+s25+$0x0], $0xffff  }
0x2cf: {  	v59 =	vor.u32 v22, v55;
	v16 =	vor.u32 v26, v50;
	v7 =	vld [tilespmem:$0x1FEA0];
	[tilespmem:v6+s17+$0x0] =	vst.idx.msk $0xffff, v9  }
0x2d0: {  	v50 =	vor.u32 v38, v1;
	v1 =	vor.u32 v26, v48;
	[tilespmem:v8+s17+$0x0] =	vst.idx.msk $0xffff, v11  }
0x2d1: {  	[tilespmem:v15+s17+$0x0] =	vst.idx.msk $0xffff, v14  }
0x2d2: {  	[tilespmem:v17+s17+$0x0] =	vst.idx.msk $0xffff, v19  }
0x2d3: {  	v8 =	vld [tilespmem:$0x1FEB0]  }
0x2d4: {  	[tilespmem:v59+s17+$0x0] =	vst.idx.msk $0xffff, v60;
	v59 =	vld.idx.msk [tilespmem:v16+s25+$0x0], $0xffff  }
0x2d5: {  	v43 =	vor.u32 v38, v56;
	v21 =	vor.u32 v30, v56;
	v16 =	vor.u32 v26, v56;
	v56 =	vld.idx.msk [tilespmem:v1+s25+$0x0], $0xffff  }
0x2d6: {  	v1 =	vld [tilespmem:$0x1FEC0];
	_ =	sdelay $0x2  }
0x2d7: {  	v12 =	vor.u32 v61, v45  }
0x2d8: {  	v18 =	vor.u32 v18, v49  }
0x2d9: {  	v60 =	vor.u32 v1, v47;
	v1 =	vld [tilespmem:$0x1FC90]  }
0x2da: {  	v42 =	vor.u32 v38, v53;
	v36 =	vor.u32 v25, v45  }
0x2db: {  	v33 =	vor.u32 v35, v51;
	v57 =	vor.u32 v35, v10;
	v29 =	vmovc v52;
	v20 =	vor.u32 v26, v53  }
0x2dc: {  	v13 =	vld.idx.msk [tilespmem:v12+s25+$0x0], $0xffff;
	v62 =	vor.u32 v28, v47;
	v12 =	vor.u32 v35, v55;
	v55 =	vor.u32 v22, v58  }
0x2dd: {  	v58 =	vor.u32 v22, v46;
	v6 =	vor.u32 v22, v10;
	v11 =	vor.u32 v27, v51;
	v52 =	vld.idx.msk [tilespmem:v18+s25+$0x0], $0xffff  }
0x2de: {  	v9 =	vor.u32 v31, v51;
	v10 =	vor.u32 v35, v46;
	v2 =	vor.u32 v2, v47  }
0x2df: {  	v15 =	vld.idx.msk [tilespmem:v21+s25+$0x0], $0xffff;
	v3 =	vor.u32 v3, v49;
	v17 =	vor.u32 v31, v39;
	v61 =	vor.u32 v7, v47  }
0x2e0: {  	v53 =	vld.idx.msk [tilespmem:v20+s25+$0x0], $0xffff;
	v7 =	vor.u32 v63, v51;
	v51 =	vor.u32 v22, v37;
	v63 =	vor.u32 v8, v49  }
0x2e1: {  	s31 =	sadd.s32 s7, s29;
	s1 =	simm.s32 $0x8;
	v8 =	vor.u32 v26, v45;
	v49 =	vor.u32 v38, v44;
	v46 =	vld.idx.msk [tilespmem:v1+s25+$0x0], $0xffff;
	v1 =	vor.u32 v38, v48  }
.LBB2_12:
0x2e2: {  	v22 =	vld [tilespmem:$0x1FF80];
	[tilespmem:v5+s17+$0x0] =	vst.idx.msk $0xffff, v52  }
0x2e3: {  	v47 =	vld.idx.msk [tilespmem:v4+s25+$0x0], $0xffff  }
0x2e4: {  	s0 =	sadd.s32 $0x1, s1  }
0x2e5: {  	v20 =	vadd.s32 s0, v0;
	s0 =	sadd.s32 $0x2, s1  }
0x2e6: {  	[tilespmem:v11+s17+$0x0] =	vst.idx.msk $0xffff, v13;
	v26 =	vadd.s32 s0, v0  }
0x2e7: {  	v18 =	vor.u32 v35, v37;
	v37 =	vld.idx.msk [tilespmem:v50+s25+$0x0], $0xffff;
	v45 =	vand.u32 $0x3F, v26;
	[tilespmem:v17+s17+$0x0] =	vst.idx.msk $0xffff, v15  }
0x2e8: {  	v17 =	vor.u32 v22, v45;
	[tilespmem:v2+s17+$0x0] =	vst.idx.msk $0xffff, v47;
	v2 =	vld [tilespmem:$0x1FE20]  }
0x2e9: {  	v41 =	vld.idx.msk [tilespmem:v36+s25+$0x0], $0xffff;
	_ =	sdelay $0x1  }
0x2ea: {  	v14 =	vadd.s32 s1, v0  }
0x2eb: {  	v31 =	vld [tilespmem:$0x1FFB0];
	[tilespmem:v51+s17+$0x0] =	vst.idx.msk $0xffff, v46;
	v51 =	vand.u32 $0x38, v14  }
0x2ec: {  	[tilespmem:v12+s17+$0x0] =	vst.idx.msk $0xffff, v37;
	v12 =	vor.u32 v2, v51;
	v2 =	vld.idx.msk [tilespmem:v17+s25+$0x0], $0xffff  }
0x2ed: {  	[tilespmem:v7+s17+$0x0] =	vst.idx.msk $0xffff, v41;
	v7 =	vld [tilespmem:$0x1FC70];
	_ =	sdelay $0x2  }
0x2ee: {  	v13 =	vor.u32 v31, v39;
	v16 =	vld.idx.msk [tilespmem:v16+s25+$0x0], $0xffff;
	_ =	sdelay $0x4  }
0x2ef: {  	[tilespmem:v13+s17+$0x0] =	vst.idx.msk $0xffff, v16;
	v16 =	vld.idx.msk [tilespmem:v7+s25+$0x0], $0xffff  }
0x2f0: {  	v7 =	vld [tilespmem:$0x1FE10];
	_ =	sdelay $0x2  }
0x2f1: {  	s6 =	sadd.s32 $0x5, s1;
	v19 =	vshll.u32 v14, $0x7  }
0x2f2: {  	[tilespmem:v58+s17+$0x0] =	vst.idx.msk $0xffff, v56;
	v39 =	vadd.s32 s6, v0;
	v47 =	vand.u32 $0x1C00, v19  }
0x2f3: {  	v1 =	vld.idx.msk [tilespmem:v1+s25+$0x0], $0xffff;
	v50 =	vand.u32 $0x3F, v39;
	v19 =	vor.u32 v7, v47;
	v7 =	vshll.u32 v20, $0x7  }
0x2f4: {  	v35 =	vshll.u32 v26, $0x7;
	v26 =	vor.u32 v22, v50;
	v37 =	vand.u32 $0x1F80, v7;
	v7 =	vld [tilespmem:$0x1FC60];
	_ =	sdelay $0x1  }
0x2f5: {  	[tilespmem:v55+s17+$0x0] =	vst.idx.msk $0xffff, v53  }
0x2f6: {  	v42 =	vld.idx.msk [tilespmem:v42+s25+$0x0], $0xffff;
	v13 =	vshll.u32 v39, $0x7  }
0x2f7: {  	v56 =	vand.u32 $0x1F80, v13  }
0x2f8: {  	s3 =	sadd.s32 $0x3, s1;
	[tilespmem:v10+s17+$0x0] =	vst.idx.msk $0xffff, v1;
	v1 =	vor.u32 v0, v56;
	v36 =	vld.idx.msk [tilespmem:v26+s25+$0x0], $0xffff  }
0x2f9: {  	s11 =	sadd.s32 $0x7, s1;
	v21 =	vadd.s32 s3, v0;
	s3 =	sadd.s32 $0x6, s1;
	v5 =	vld [tilespmem:$0x1FC40]  }
0x2fa: {  	v30 =	vld [tilespmem:$0x1FFA0];
	v15 =	vadd.s32 s11, v0;
	v53 =	vand.u32 $0x3F, v21;
	v58 =	vadd.s32 s3, v0;
	s6 =	smov.u32 s1  }
0x2fb: {  	v52 =	vand.u32 $0x1F80, v35;
	v21 =	vshll.u32 v21, $0x7;
	v14 =	vshll.u32 v15, $0x7;
	s0 =	sadd.s32 $0x4, s6;
	[tilespmem:v7+s17+$0x0] =	vst.idx.msk $0xffff, v42;
	v7 =	vld [tilespmem:$0x1FF70]  }
0x2fc: {  	[tilespmem:v6+s17+$0x0] =	vst.idx.msk $0xffff, v59;
	v25 =	vshll.u32 v58, $0x7;
	v46 =	vand.u32 $0x1F80, v14;
	v40 =	vadd.s32 s0, v0;
	v14 =	vld.idx.msk [tilespmem:v3+s25+$0x0], $0xffff  }
0x2fd: {  	v59 =	vand.u32 $0x1F80, v21;
	v55 =	vand.u32 $0x3F, v40;
	v40 =	vshll.u32 v40, $0x7;
	[tilespmem:v1+s17+$0x0] =	vst.idx.msk $0xffff, v36;
	v1 =	vld [tilespmem:$0x1FFD0]  }
0x2fe: {  	v34 =	vld.idx.msk [tilespmem:v49+s25+$0x0], $0xffff;
	v21 =	vor.u32 v0, v59;
	v11 =	vmovc v5;
	v49 =	vand.u32 $0x1F80, v40;
	v39 =	vand.u32 $0x1F80, v25  }
0x2ff: {  	v5 =	vmovc v33;
	v3 =	vor.u32 v0, v52;
	v13 =	vor.u32 v0, v46;
	v33 =	vor.u32 v0, v39  }
0x300: {  	v40 =	vld.idx.msk [tilespmem:v43+s25+$0x0], $0xffff;
	v41 =	vor.u32 v0, v49;
	[tilespmem:v9+s17+$0x0] =	vst.idx.msk $0xffff, v16;
	v43 =	vor.u32 v7, v39  }
0x301: {  	v44 =	vand.u32 $0x3F, v20;
	[tilespmem:v61+s17+$0x0] =	vst.idx.msk $0xffff, v14;
	v16 =	vld.idx.msk [tilespmem:v8+s25+$0x0], $0xffff;
	v14 =	vor.u32 v0, v37;
	v0 =	vmov v43  }
0x302: {  	v8 =	vld [tilespmem:$0x1FC50];
	[tilespmem:$0x1FC50] =	vst v0;
	v0 =	vor.u32 v1, v44  }
0x303: {  	[tilespmem:$0x1FC20] =	vst v0;
	v0 =	vor.u32 v30, v45  }
0x304: {  	[tilespmem:$0x1FC70] =	vst v0;
	v0 =	vld [tilespmem:$0x1FF90];
	_ =	sdelay $0x3  }
0x305: {  	v26 =	vld [tilespmem:$0x1FF50]  }
0x306: {  	v24 =	vor.u32 v22, v55;
	v7 =	vld [tilespmem:$0x1FC80];
	v0 =	vor.u32 v0, v51  }
0x307: {  	[tilespmem:$0x1FC80] =	vst v0;
	v0 =	vld [tilespmem:$0x1FE30];
	_ =	sdelay $0x2  }
0x308: {  	v48 =	vand.u32 $0x3F, v15  }
0x309: {  	v4 =	vor.u32 v38, v45;
	v38 =	vor.u32 v22, v48;
	v15 =	vld.idx.msk [tilespmem:v24+s25+$0x0], $0xffff  }
0x30a: {  	[tilespmem:v11+s17+$0x0] =	vst.idx.msk $0xffff, v16;
	v11 =	vor.u32 v0, v47;
	v0 =	vor.u32 v26, v45  }
0x30b: {  	[tilespmem:$0x1FC00] =	vst v0;
	v0 =	vld [tilespmem:$0x1FC30];
	_ =	sdelay $0x2  }
0x30c: {  	[tilespmem:v41+s17+$0x0] =	vst.idx.msk $0xffff, v15;
	v15 =	vld.idx.msk [tilespmem:v38+s25+$0x0], $0xffff;
	_ =	sdelay $0x4  }
0x30d: {  	[tilespmem:v13+s17+$0x0] =	vst.idx.msk $0xffff, v15;
	v13 =	vld.idx.msk [tilespmem:v0+s25+$0x0], $0xffff  }
0x30e: {  	v0 =	vld [tilespmem:$0x1FE40];
	_ =	sdelay $0x4  }
0x30f: {  	v16 =	vor.u32 v0, v51;
	v0 =	vld [tilespmem:$0x1FF70];
	_ =	sdelay $0x2  }
0x310: {  	v9 =	vld [tilespmem:$0x1FF70];
	_ =	sdelay $0x1  }
0x311: {  	v32 =	vor.u32 v22, v44;
	v0 =	vor.u32 v0, v52  }
0x312: {  	[tilespmem:$0x1FC10] =	vst v0;
	v0 =	vld [tilespmem:$0x1FF60];
	_ =	sdelay $0x1  }
0x313: {  	v58 =	vand.u32 $0x3F, v58;
	v10 =	vor.u32 v23, v55;
	v9 =	vor.u32 v9, v59  }
0x314: {  	[tilespmem:$0x1FC60] =	vst v9;
	v9 =	vor.u32 v22, v58  }
0x315: {  	v32 =	vld.idx.msk [tilespmem:v32+s25+$0x0], $0xffff  }
0x316: {  	v25 =	vld [tilespmem:$0x1FEE0];
	v0 =	vor.u32 v0, v53  }
0x317: {  	[tilespmem:$0x1FBF0] =	vst v0;
	v0 =	vld [tilespmem:$0x1FE50]  }
0x318: {  	v10 =	vld.idx.msk [tilespmem:v10+s25+$0x0], $0xffff;
	[tilespmem:v8+s17+$0x0] =	vst.idx.msk $0xffff, v40  }
0x319: {  	v40 =	vld.idx.msk [tilespmem:v9+s25+$0x0], $0xffff  }
0x31a: {  	v61 =	vld.idx.msk [tilespmem:v7+s25+$0x0], $0xffff  }
0x31b: {  	v43 =	vld.idx.msk [tilespmem:v54+s25+$0x0], $0xffff  }
0x31c: {  	v38 =	vor.u32 v25, v49;
	v9 =	vor.u32 v0, v47;
	v0 =	vld [tilespmem:$0x1FE60]  }
0x31d: {  	[tilespmem:v18+s17+$0x0] =	vst.idx.msk $0xffff, v34  }
0x31e: {  	[tilespmem:v14+s17+$0x0] =	vst.idx.msk $0xffff, v32  }
0x31f: {  	v27 =	vld [tilespmem:$0x1FF40];
	v20 =	vor.u32 v22, v53;
	[tilespmem:v62+s17+$0x0] =	vst.idx.msk $0xffff, v61  }
0x320: {  	v17 =	vor.u32 v29, v51;
	[tilespmem:v57+s17+$0x0] =	vst.idx.msk $0xffff, v43;
	v32 =	vld.idx.msk [tilespmem:v63+s25+$0x0], $0xffff  }
0x321: {  	v24 =	vld [tilespmem:$0x1FF30];
	v54 =	vor.u32 v23, v44;
	[tilespmem:v38+s17+$0x0] =	vst.idx.msk $0xffff, v10;
	v10 =	vor.u32 v0, v51;
	v0 =	vmov v4  }
0x322: {  	[tilespmem:$0x1FC30] =	vst v0;
	v0 =	vld [tilespmem:$0x1FF60]  }
0x323: {  	v28 =	vmov v29;
	v29 =	vld [tilespmem:$0x1FEF0];
	v42 =	vor.u32 v23, v50  }
0x324: {  	v20 =	vld.idx.msk [tilespmem:v20+s25+$0x0], $0xffff  }
0x325: {  	v35 =	vor.u32 v23, v53;
	v15 =	vld.idx.msk [tilespmem:v17+s25+$0x0], $0xffff;
	[tilespmem:v60+s17+$0x0] =	vst.idx.msk $0xffff, v32  }
0x326: {  	v32 =	vld.idx.msk [tilespmem:v54+s25+$0x0], $0xffff;
	v54 =	vor.u32 v25, v37;
	[tilespmem:v5+s17+$0x0] =	vst.idx.msk $0xffff, v13;
	v5 =	vor.u32 v23, v58  }
0x327: {  	v43 =	vor.u32 v0, v58;
	v0 =	vld [tilespmem:$0x1FE70]  }
0x328: {  	v34 =	vor.u32 v25, v56;
	v14 =	vor.u32 v23, v48;
	v61 =	vld.idx.msk [tilespmem:v42+s25+$0x0], $0xffff  }
0x329: {  	v36 =	vor.u32 v29, v50;
	v22 =	vld [tilespmem:$0x1FF20];
	[tilespmem:v21+s17+$0x0] =	vst.idx.msk $0xffff, v20  }
0x32a: {  	v35 =	vld.idx.msk [tilespmem:v35+s25+$0x0], $0xffff;
	[tilespmem:v33+s17+$0x0] =	vst.idx.msk $0xffff, v40;
	v17 =	vor.u32 v25, v59  }
0x32b: {  	v20 =	vor.u32 v29, v53;
	[tilespmem:v54+s17+$0x0] =	vst.idx.msk $0xffff, v32;
	v54 =	vld.idx.msk [tilespmem:v5+s25+$0x0], $0xffff  }
0x32c: {  	v5 =	vor.u32 v0, v47;
	v0 =	vld [tilespmem:$0x1FE80]  }
0x32d: {  	v18 =	vor.u32 v29, v55;
	v14 =	vld.idx.msk [tilespmem:v14+s25+$0x0], $0xffff;
	[tilespmem:v34+s17+$0x0] =	vst.idx.msk $0xffff, v61  }
0x32e: {  	v41 =	vor.u32 v25, v46;
	v7 =	vor.u32 v25, v52;
	v42 =	vor.u32 v25, v39;
	v34 =	vld.idx.msk [tilespmem:v36+s25+$0x0], $0xffff  }
0x32f: {  	v63 =	vor.u32 v22, v56;
	v60 =	vor.u32 v29, v44;
	[tilespmem:v17+s17+$0x0] =	vst.idx.msk $0xffff, v35;
	v25 =	vld [tilespmem:$0x1FF00]  }
0x330: {  	v6 =	vor.u32 v31, v52;
	v57 =	vor.u32 v24, v50;
	v20 =	vld.idx.msk [tilespmem:v20+s25+$0x0], $0xffff  }
0x331: {  	v35 =	vor.u32 v22, v59;
	[tilespmem:v19+s17+$0x0] =	vst.idx.msk $0xffff, v15;
	v4 =	vor.u32 v0, v51;
	v0 =	vld [tilespmem:$0x1FE90]  }
0x332: {  	[tilespmem:$0x1FC40] =	vst v6;
	v38 =	vor.u32 v29, v48;
	v12 =	vld.idx.msk [tilespmem:v12+s25+$0x0], $0xffff  }
0x333: {  	v21 =	vor.u32 v22, v49;
	v40 =	vor.u32 v24, v53;
	[tilespmem:v41+s17+$0x0] =	vst.idx.msk $0xffff, v14;
	v15 =	vld.idx.msk [tilespmem:v18+s25+$0x0], $0xffff  }
0x334: {  	v62 =	vor.u32 v24, v55;
	[tilespmem:v63+s17+$0x0] =	vst.idx.msk $0xffff, v34;
	v60 =	vld.idx.msk [tilespmem:v60+s25+$0x0], $0xffff  }
0x335: {  	[tilespmem:v3+s17+$0x0] =	vst.idx.msk $0xffff, v2;
	v3 =	vld.idx.msk [tilespmem:v57+s25+$0x0], $0xffff  }
0x336: {  	v33 =	vor.u32 v27, v56;
	[tilespmem:v35+s17+$0x0] =	vst.idx.msk $0xffff, v20;
	v2 =	vor.u32 v0, v47;
	v0 =	vld [tilespmem:$0x1FF10]  }
0x337: {  	v6 =	vor.u32 v23, v45;
	v14 =	vor.u32 v22, v46;
	[tilespmem:v11+s17+$0x0] =	vst.idx.msk $0xffff, v12;
	v12 =	vld.idx.msk [tilespmem:v38+s25+$0x0], $0xffff  }
0x338: {  	v32 =	vor.u32 v22, v37;
	v34 =	vor.u32 v24, v48;
	[tilespmem:v21+s17+$0x0] =	vst.idx.msk $0xffff, v15;
	v40 =	vld.idx.msk [tilespmem:v40+s25+$0x0], $0xffff  }
0x339: {  	v41 =	vor.u32 v27, v59;
	v61 =	vor.u32 v24, v44;
	v21 =	vld.idx.msk [tilespmem:v62+s25+$0x0], $0xffff  }
0x33a: {  	v23 =	vld [tilespmem:$0x1FED0];
	[tilespmem:v42+s17+$0x0] =	vst.idx.msk $0xffff, v54;
	v54 =	vor.u32 v26, v53  }
0x33b: {  	[tilespmem:v33+s17+$0x0] =	vst.idx.msk $0xffff, v3;
	v3 =	vor.u32 v0, v51;
	v0 =	vld [tilespmem:$0x1FEA0]  }
0x33c: {  	v19 =	vor.u32 v27, v49;
	v6 =	vld.idx.msk [tilespmem:v6+s25+$0x0], $0xffff;
	[tilespmem:v14+s17+$0x0] =	vst.idx.msk $0xffff, v12  }
0x33d: {  	v17 =	vor.u32 v26, v55;
	[tilespmem:v32+s17+$0x0] =	vst.idx.msk $0xffff, v60;
	v14 =	vld.idx.msk [tilespmem:v34+s25+$0x0], $0xffff  }
0x33e: {  	[tilespmem:v41+s17+$0x0] =	vst.idx.msk $0xffff, v40;
	v34 =	vld.idx.msk [tilespmem:v61+s25+$0x0], $0xffff  }
0x33f: {  	v11 =	vor.u32 v29, v58;
	v40 =	vld.idx.msk [tilespmem:v54+s25+$0x0], $0xffff  }
0x340: {  	v36 =	vor.u32 v26, v50;
	v54 =	vor.u32 v25, v59;
	v61 =	vor.u32 v0, v47;
	v0 =	vld [tilespmem:$0x1FF60]  }
0x341: {  	v18 =	vor.u32 v24, v45;
	v12 =	vor.u32 v24, v58;
	v24 =	vld [tilespmem:$0x1FFC0];
	[tilespmem:v19+s17+$0x0] =	vst.idx.msk $0xffff, v21  }
0x342: {  	v8 =	vor.u32 v29, v45;
	v17 =	vld.idx.msk [tilespmem:v17+s25+$0x0], $0xffff  }
0x343: {  	v38 =	vor.u32 v25, v49;
	v16 =	vld.idx.msk [tilespmem:v16+s25+$0x0], $0xffff  }
0x344: {  	v20 =	vor.u32 v30, v55;
	v62 =	vor.u32 v22, v39;
	v11 =	vld.idx.msk [tilespmem:v11+s25+$0x0], $0xffff  }
0x345: {  	v32 =	vor.u32 v27, v46;
	[tilespmem:v54+s17+$0x0] =	vst.idx.msk $0xffff, v40;
	v54 =	vor.u32 v0, v55;
	v0 =	vld [tilespmem:$0x1FF60]  }
0x346: {  	v35 =	vor.u32 v25, v56;
	v33 =	vor.u32 v26, v48;
	[tilespmem:v7+s17+$0x0] =	vst.idx.msk $0xffff, v6;
	v6 =	vld.idx.msk [tilespmem:v36+s25+$0x0], $0xffff  }
0x347: {  	v13 =	vor.u32 v22, v52;
	v57 =	vor.u32 v30, v50;
	v7 =	vld.idx.msk [tilespmem:v8+s25+$0x0], $0xffff  }
0x348: {  	[tilespmem:v38+s17+$0x0] =	vst.idx.msk $0xffff, v17;
	v38 =	vld [tilespmem:$0x1FF60]  }
0x349: {  	v17 =	vld.idx.msk [tilespmem:v20+s25+$0x0], $0xffff;
	[tilespmem:v62+s17+$0x0] =	vst.idx.msk $0xffff, v11;
	v62 =	vor.u32 v30, v53  }
0x34a: {  	v22 =	vor.u32 v1, v50;
	[tilespmem:v32+s17+$0x0] =	vst.idx.msk $0xffff, v14;
	v50 =	vor.u32 v0, v50;
	v0 =	vld [tilespmem:$0x1FFE0]  }
0x34b: {  	v42 =	vor.u32 v27, v37;
	v32 =	vld.idx.msk [tilespmem:v33+s25+$0x0], $0xffff;
	[tilespmem:v35+s17+$0x0] =	vst.idx.msk $0xffff, v6  }
0x34c: {  	v15 =	vor.u32 v26, v44;
	[tilespmem:v13+s17+$0x0] =	vst.idx.msk $0xffff, v7;
	v35 =	vld.idx.msk [tilespmem:v57+s25+$0x0], $0xffff  }
0x34d: {  	v33 =	vor.u32 v25, v46;
	v13 =	vld.idx.msk [tilespmem:v18+s25+$0x0], $0xffff  }
0x34e: {  	v14 =	vor.u32 v26, v58;
	v26 =	vor.u32 v30, v48;
	v40 =	vld.idx.msk [tilespmem:v62+s25+$0x0], $0xffff  }
0x34f: {  	v62 =	vor.u32 v0, v47;
	v0 =	vld [tilespmem:$0x1FEB0]  }
0x350: {  	v8 =	vor.u32 v24, v56;
	[tilespmem:v42+s17+$0x0] =	vst.idx.msk $0xffff, v34;
	v42 =	vld [tilespmem:$0x1FBF0]  }
0x351: {  	v11 =	vor.u32 v25, v37;
	v15 =	vld.idx.msk [tilespmem:v15+s25+$0x0], $0xffff  }
0x352: {  	v19 =	vor.u32 v30, v44;
	v21 =	vor.u32 v27, v39;
	[tilespmem:v33+s17+$0x0] =	vst.idx.msk $0xffff, v32;
	v12 =	vld.idx.msk [tilespmem:v12+s25+$0x0], $0xffff  }
0x353: {  	v33 =	vld.idx.msk [tilespmem:v26+s25+$0x0], $0xffff  }
0x354: {  	v60 =	vor.u32 v24, v49;
	v63 =	vor.u32 v0, v51;
	v0 =	vld [tilespmem:$0x1FEC0]  }
0x355: {  	v20 =	vor.u32 v25, v39;
	v26 =	vor.u32 v24, v46;
	[tilespmem:v8+s17+$0x0] =	vst.idx.msk $0xffff, v35;
	v35 =	vld [tilespmem:$0x1FF70]  }
0x356: {  	v7 =	vor.u32 v25, v52;
	v25 =	vor.u32 v1, v48;
	v22 =	vld.idx.msk [tilespmem:v22+s25+$0x0], $0xffff;
	[tilespmem:v11+s17+$0x0] =	vst.idx.msk $0xffff, v15  }
0x357: {  	v41 =	vor.u32 v24, v59;
	[tilespmem:v21+s17+$0x0] =	vst.idx.msk $0xffff, v12;
	v19 =	vld.idx.msk [tilespmem:v19+s25+$0x0], $0xffff  }
0x358: {  	v57 =	vor.u32 v1, v53;
	v14 =	vld.idx.msk [tilespmem:v14+s25+$0x0], $0xffff  }
0x359: {  	[tilespmem:v60+s17+$0x0] =	vst.idx.msk $0xffff, v17;
	v15 =	vor.u32 v30, v58;
	v60 =	vor.u32 v0, v47;
	v0 =	vld [tilespmem:$0x1FC20]  }
0x35a: {  	v36 =	vor.u32 v1, v55;
	v18 =	vor.u32 v31, v56;
	[tilespmem:v26+s17+$0x0] =	vst.idx.msk $0xffff, v33;
	v33 =	vld [tilespmem:$0x1FC10]  }
0x35b: {  	v21 =	vor.u32 v24, v37;
	[tilespmem:v9+s17+$0x0] =	vst.idx.msk $0xffff, v16;
	v12 =	vor.u32 v35, v56;
	v56 =	vld.idx.msk [tilespmem:v25+s25+$0x0], $0xffff  }
0x35c: {  	p0 =	slt.u32 s1, $0x38;
	v11 =	vor.u32 v27, v52;
	v9 =	vor.u32 v24, v52;
	[tilespmem:v41+s17+$0x0] =	vst.idx.msk $0xffff, v40;
	v52 =	vld.idx.msk [tilespmem:v10+s25+$0x0], $0xffff  }
.Ltmp8:
0x35d: {  	v6 =	vor.u32 v31, v49;
	v53 =	vld.idx.msk [tilespmem:v57+s25+$0x0], $0xffff;
	[tilespmem:v20+s17+$0x0] =	vst.idx.msk $0xffff, v14;
	(pc) =	sbr.rel @p0 .LBB2_12-.Ltmp8, $4  }
0x35e: {  	v17 =	vor.u32 v24, v39;
	v8 =	vor.u32 v1, v45;
	v16 =	vor.u32 v1, v58;
	v15 =	vld.idx.msk [tilespmem:v15+s25+$0x0], $0xffff  }
0x35f: {  	v1 =	vor.u32 v38, v48;
	v57 =	vor.u32 v35, v49;
	v55 =	vor.u32 v31, v59;
	v59 =	vld.idx.msk [tilespmem:v36+s25+$0x0], $0xffff  }
0x360: {  	v29 =	vmov v28;
	v10 =	vor.u32 v35, v46;
	v49 =	vor.u32 v38, v44;
	[tilespmem:v21+s17+$0x0] =	vst.idx.msk $0xffff, v19;
	v36 =	vld [tilespmem:$0x1FC00]  }
0x361: {  	s1 =	sadd.s32 $0x8, s1;
	[tilespmem:v18+s17+$0x0] =	vst.idx.msk $0xffff, v22;
	v58 =	vor.u32 v31, v46;
	v51 =	vor.u32 v31, v37;
	v46 =	vld.idx.msk [tilespmem:v0+s25+$0x0], $0xffff;
	v0 =	vlaneseq.u32  }
0x362: {  	_ =	sdelay $0x3  }
0x363: {  	[tilespmem:v5+s17+$0x0] =	vst.idx.msk $0xffff, v52  }
0x364: {  	v4 =	vld.idx.msk [tilespmem:v4+s25+$0x0], $0xffff  }
0x365: {  	[tilespmem:v11+s17+$0x0] =	vst.idx.msk $0xffff, v13  }
0x366: {  	v5 =	vld.idx.msk [tilespmem:v36+s25+$0x0], $0xffff;
	_ =	sdelay $0x2  }
0x367: {  	[tilespmem:v2+s17+$0x0] =	vst.idx.msk $0xffff, v4  }
0x368: {  	[tilespmem:v17+s17+$0x0] =	vst.idx.msk $0xffff, v15;
	v2 =	vld.idx.msk [tilespmem:v3+s25+$0x0], $0xffff  }
0x369: {  	[tilespmem:v7+s17+$0x0] =	vst.idx.msk $0xffff, v5  }
0x36a: {  	v3 =	vld [tilespmem:$0x1FC70];
	[tilespmem:v55+s17+$0x0] =	vst.idx.msk $0xffff, v53  }
0x36b: {  	v24 =	vld [tilespmem:$0x1FFB0];
	[tilespmem:v58+s17+$0x0] =	vst.idx.msk $0xffff, v56  }
0x36c: {  	[tilespmem:v51+s17+$0x0] =	vst.idx.msk $0xffff, v46  }
0x36d: {  	[tilespmem:v61+s17+$0x0] =	vst.idx.msk $0xffff, v2  }
0x36e: {  	v2 =	vld [tilespmem:$0x1FC80];
	_ =	sdelay $0x2  }
0x36f: {  	v4 =	vld.idx.msk [tilespmem:v50+s25+$0x0], $0xffff;
	_ =	sdelay $0x1  }
0x370: {  	v1 =	vld.idx.msk [tilespmem:v1+s25+$0x0], $0xffff  }
0x371: {  	v7 =	vld.idx.msk [tilespmem:v16+s25+$0x0], $0xffff;
	v5 =	vor.u32 v24, v39  }
0x372: {  	v3 =	vld.idx.msk [tilespmem:v3+s25+$0x0], $0xffff  }
0x373: {  	[tilespmem:v12+s17+$0x0] =	vst.idx.msk $0xffff, v4;
	v2 =	vld.idx.msk [tilespmem:v2+s25+$0x0], $0xffff  }
0x374: {  	[tilespmem:v6+s17+$0x0] =	vst.idx.msk $0xffff, v59  }
0x375: {  	[tilespmem:v10+s17+$0x0] =	vst.idx.msk $0xffff, v1  }
0x376: {  	[tilespmem:v5+s17+$0x0] =	vst.idx.msk $0xffff, v7  }
0x377: {  	[tilespmem:v9+s17+$0x0] =	vst.idx.msk $0xffff, v3  }
0x378: {  	v3 =	vld.idx.msk [tilespmem:v8+s25+$0x0], $0xffff;
	[tilespmem:v62+s17+$0x0] =	vst.idx.msk $0xffff, v2  }
0x379: {  	v8 =	vld [tilespmem:$0x1FC40];
	_ =	sdelay $0x7  }
0x37a: {  	[tilespmem:v8+s17+$0x0] =	vst.idx.msk $0xffff, v3  }
0x37b: {  	v3 =	vld [tilespmem:$0x1FC60];
	_ =	sdelay $0x2  }
0x37c: {  	v4 =	vld.idx.msk [tilespmem:v42+s25+$0x0], $0xffff;
	_ =	sdelay $0x4  }
0x37d: {  	[tilespmem:v3+s17+$0x0] =	vst.idx.msk $0xffff, v4  }
0x37e: {  	v3 =	vld [tilespmem:$0x1FC30];
	_ =	sdelay $0x2  }
0x37f: {  	v7 =	vld.idx.msk [tilespmem:v49+s25+$0x0], $0xffff  }
0x380: {  	v6 =	vor.u32 v35, v37;
	v4 =	vld [tilespmem:$0x1FC50]  }
0x381: {  	v1 =	vld.idx.msk [tilespmem:v54+s25+$0x0], $0xffff  }
0x382: {  	v2 =	vld.idx.msk [tilespmem:v63+s25+$0x0], $0xffff  }
0x383: {  	v5 =	vld.idx.msk [tilespmem:v43+s25+$0x0], $0xffff  }
0x384: {  	v3 =	vld.idx.msk [tilespmem:v3+s25+$0x0], $0xffff  }
0x385: {  	s1 =	simm.s32 $0x1;
	[tilespmem:v6+s17+$0x0] =	vst.idx.msk $0xffff, v7  }
0x386: {  	s11 =	simm.s32 $0x3;
	s6 =	simm.s32 $0x2;
	s3 =	sshll.u32 s31, $0x7;
	[tilespmem:v57+s17+$0x0] =	vst.idx.msk $0xffff, v1  }
0x387: {  	s31 =	sshll.u32 s31, $0xA;
	s3 =	sand.u32 $0xF00, s3;
	v6 =	vadd.s32 s11, v0;
	s11 =	simm.s32 $0x5;
	[tilespmem:v60+s17+$0x0] =	vst.idx.msk $0xffff, v2  }
0x388: {  	s0 =	simm.s32 $0x0;
	v8 =	vadd.s32 s6, v0;
	v9 =	vadd.s32 s11, v0;
	s11 =	sadd.s32 s2, s3;
	[tilespmem:v4+s17+$0x0] =	vst.idx.msk $0xffff, v5;
	v5 =	vadd.s32 s1, v0;
	s1 =	sand.u32 $0xFFF8000, s31  }
0x389: {  	v45 =	vand.u32 $0x3F, v8;
	v4 =	vadd.s32 s0, v0;
	s31 =	simm.s32 $0x4;
	v32 =	vld [tilespmem:$0x1FF80];
	s0 =	sadd.s32 s1, s11;
	[tilespmem:v33+s17+$0x0] =	vst.idx.msk $0xffff, v3  }
0x38a: {  	v3 =	vor.u32 v38, v45;
	[hbm4b:s0+s18] =	stream.strided.scatter [tilespmem:s17], [sflag:$0x4], $0x2000, s19, s18, $0x38;
	[tilespmem:$0xAD00] =	vst v63  }
0x38b: {  	[tilespmem:$0x1FBB0] =	vst v3;
	v3 =	vadd.s32 s31, v0;
	s31 =	sadd.s32 $0x280, s30  }
0x38c: {  	[tilespmem:s25], [sflag:$0x3] =	stream.indirect.gather [hbm4b:s5+s13], $0x40, s31, s13, $0xb8;
	[tilespmem:$0xAD00] =	vst v63  }
0x38d: {  	v8 =	vshll.u32 v8, $0x7;
	v50 =	vand.u32 $0x3F, v3;
	_ =	swait.ge [sflag:s16], $0x2000  }
0x38e: {  	v51 =	vand.u32 $0x1F80, v8;
	v1 =	vand.u32 $0x3F, v9;
	v14 =	vor.u32 v32, v50;
	[sflag:s16] =	ssyncset.done $0x0  }
0x38f: {  	v53 =	vand.u32 $0x3F, v6;
	v44 =	vand.u32 $0x3F, v5;
	s11 =	simm.s32 $0x6;
	v16 =	vor.u32 v32, v1;
	[sflag:s16] =	ssyncadd.s32 $0xFFFFE000  }
0x390: {  	v5 =	vshll.u32 v5, $0x7;
	v12 =	vadd.s32 s11, v0;
	v13 =	vor.u32 v32, v44;
	v8 =	vld [tilespmem:$0x1FE20];
	_ =	swait.ge [sflag:s21], $0x2000  }
0x391: {  	v15 =	vshll.u32 v12, $0x7;
	v18 =	vor.u32 v32, v53;
	v3 =	vshll.u32 v3, $0x7;
	[sflag:s21] =	ssyncset.done $0x0  }
0x392: {  	v39 =	vand.u32 $0x1F80, v15;
	v10 =	vand.u32 $0x1F80, v3;
	v3 =	vshll.u32 v9, $0x7;
	[sflag:s21] =	ssyncadd.s32 $0xFFFFE000  }
0x393: {  	v25 =	vor.u32 v35, v39;
	v54 =	vand.u32 $0x1F80, v3;
	v19 =	vor.u32 v0, v10;
	v14 =	vld.idx.msk [tilespmem:v14+s14+$0x0], $0xffff  }
0x394: {  	v6 =	vshll.u32 v6, $0x7;
	v37 =	vand.u32 $0x1F80, v5;
	v20 =	vor.u32 v0, v54;
	v15 =	vld.idx.msk [tilespmem:v16+s14+$0x0], $0xffff;
	[tilespmem:$0x1FBC0] =	vst v25  }
0x395: {  	v58 =	vand.u32 $0x1F80, v6;
	v21 =	vor.u32 v0, v37;
	v13 =	vld.idx.msk [tilespmem:v13+s14+$0x0], $0xffff  }
0x396: {  	v61 =	vor.u32 v0, v58;
	v18 =	vld.idx.msk [tilespmem:v18+s14+$0x0], $0xffff  }
0x397: {  	s6 =	simm.s32 $0x7;
	v9 =	vld [tilespmem:$0x1FE10]  }
0x398: {  	v2 =	vadd.s32 s6, v0;
	v7 =	vshll.u32 v4, $0x7;
	v49 =	vand.u32 $0x38, v4;
	v60 =	vld [tilespmem:$0x1FEE0];
	[tilespmem:v19+s22+$0x0] =	vst.idx.msk $0xffff, v14  }
0x399: {  	v47 =	vand.u32 $0x3F, v2;
	v46 =	vand.u32 $0x1C00, v7;
	v7 =	vor.u32 v29, v49;
	v29 =	vld [tilespmem:$0x1FEF0];
	[tilespmem:v20+s22+$0x0] =	vst.idx.msk $0xffff, v15  }
0x39a: {  	v17 =	vor.u32 v32, v47;
	[tilespmem:v21+s22+$0x0] =	vst.idx.msk $0xffff, v13  }
0x39b: {  	v5 =	vor.u32 v23, v50;
	v26 =	vld [tilespmem:$0x1FFD0];
	[tilespmem:v61+s22+$0x0] =	vst.idx.msk $0xffff, v18  }
0x39c: {  	v16 =	vor.u32 v23, v1;
	v30 =	vld [tilespmem:$0x1FFA0]  }
0x39d: {  	v4 =	vshll.u32 v2, $0x7;
	v56 =	vand.u32 $0x3F, v12  }
0x39e: {  	v48 =	vand.u32 $0x1F80, v4;
	v12 =	vor.u32 v32, v56;
	v7 =	vld.idx.msk [tilespmem:v7+s14+$0x0], $0xffff  }
0x39f: {  	v3 =	vor.u32 v0, v48;
	v14 =	vld.idx.msk [tilespmem:v17+s14+$0x0], $0xffff;
	v17 =	vor.u32 v23, v53  }
0x3a0: {  	v11 =	vor.u32 v32, v45;
	v40 =	vor.u32 v60, v10;
	v5 =	vld.idx.msk [tilespmem:v5+s14+$0x0], $0xffff  }
0x3a1: {  	v13 =	vld.idx.msk [tilespmem:v16+s14+$0x0], $0xffff;
	v18 =	vor.u32 v30, v45  }
0x3a2: {  	v9 =	vor.u32 v9, v46;
	v15 =	vor.u32 v23, v47;
	[tilespmem:$0x1FBD0] =	vst v18;
	v18 =	vld [tilespmem:$0x1FF90]  }
0x3a3: {  	v20 =	vor.u32 v60, v54;
	v12 =	vld.idx.msk [tilespmem:v12+s14+$0x0], $0xffff  }
0x3a4: {  	[tilespmem:v3+s22+$0x0] =	vst.idx.msk $0xffff, v14;
	v14 =	vld.idx.msk [tilespmem:v17+s14+$0x0], $0xffff  }
0x3a5: {  	v8 =	vor.u32 v8, v49;
	[tilespmem:v40+s22+$0x0] =	vst.idx.msk $0xffff, v5;
	v11 =	vld.idx.msk [tilespmem:v11+s14+$0x0], $0xffff  }
0x3a6: {  	v40 =	vld [tilespmem:$0x1FF70]  }
0x3a7: {  	v41 =	vor.u32 v23, v44;
	v15 =	vld.idx.msk [tilespmem:v15+s14+$0x0], $0xffff;
	[tilespmem:v9+s22+$0x0] =	vst.idx.msk $0xffff, v7  }
0x3a8: {  	v22 =	vor.u32 v0, v39;
	v16 =	vor.u32 v29, v1;
	v9 =	vld [tilespmem:$0x1FE30];
	[tilespmem:v20+s22+$0x0] =	vst.idx.msk $0xffff, v13  }
0x3a9: {  	v3 =	vor.u32 v60, v58;
	v31 =	vld [tilespmem:$0x1FF20]  }
0x3aa: {  	v21 =	vor.u32 v60, v48;
	v8 =	vld.idx.msk [tilespmem:v8+s14+$0x0], $0xffff  }
0x3ab: {  	v2 =	vor.u32 v0, v51;
	v63 =	vld [tilespmem:$0x1FF50]  }
0x3ac: {  	v5 =	vor.u32 v60, v37;
	v36 =	vor.u32 v18, v49;
	v18 =	vld.idx.msk [tilespmem:v41+s14+$0x0], $0xffff  }
0x3ad: {  	v7 =	vor.u32 v23, v56;
	v16 =	vld.idx.msk [tilespmem:v16+s14+$0x0], $0xffff;
	[tilespmem:v22+s22+$0x0] =	vst.idx.msk $0xffff, v12;
	v9 =	vor.u32 v9, v46  }
0x3ae: {  	v17 =	vor.u32 v29, v53;
	v20 =	vld [tilespmem:$0x1FE40];
	[tilespmem:v3+s22+$0x0] =	vst.idx.msk $0xffff, v14;
	v13 =	vor.u32 v31, v54  }
0x3af: {  	v22 =	vld [tilespmem:$0x1FF30];
	[tilespmem:v21+s22+$0x0] =	vst.idx.msk $0xffff, v15  }
0x3b0: {  	v62 =	vor.u32 v29, v50;
	[tilespmem:v2+s22+$0x0] =	vst.idx.msk $0xffff, v11  }
0x3b1: {  	v4 =	vor.u32 v23, v45;
	[tilespmem:v5+s22+$0x0] =	vst.idx.msk $0xffff, v18  }
0x3b2: {  	v3 =	vor.u32 v29, v44;
	v7 =	vld.idx.msk [tilespmem:v7+s14+$0x0], $0xffff;
	[tilespmem:v9+s22+$0x0] =	vst.idx.msk $0xffff, v8  }
0x3b3: {  	v12 =	vor.u32 v29, v47;
	v17 =	vld.idx.msk [tilespmem:v17+s14+$0x0], $0xffff;
	v5 =	vor.u32 v31, v58;
	[tilespmem:v13+s22+$0x0] =	vst.idx.msk $0xffff, v16  }
0x3b4: {  	v15 =	vor.u32 v60, v39;
	v14 =	vor.u32 v22, v1;
	v27 =	vld [tilespmem:$0x1FF40]  }
0x3b5: {  	v21 =	vld.idx.msk [tilespmem:v62+s14+$0x0], $0xffff;
	v18 =	vor.u32 v31, v10  }
0x3b6: {  	v6 =	vor.u32 v60, v51;
	v4 =	vld.idx.msk [tilespmem:v4+s14+$0x0], $0xffff  }
0x3b7: {  	v2 =	vor.u32 v31, v37;
	v3 =	vld.idx.msk [tilespmem:v3+s14+$0x0], $0xffff;
	v8 =	vor.u32 v22, v53  }
0x3b8: {  	v12 =	vld.idx.msk [tilespmem:v12+s14+$0x0], $0xffff;
	v9 =	vor.u32 v29, v56;
	v13 =	vor.u32 v31, v48;
	[tilespmem:v5+s22+$0x0] =	vst.idx.msk $0xffff, v17  }
0x3b9: {  	v16 =	vor.u32 v22, v50;
	[tilespmem:v15+s22+$0x0] =	vst.idx.msk $0xffff, v7;
	v14 =	vld.idx.msk [tilespmem:v14+s14+$0x0], $0xffff;
	v11 =	vor.u32 v27, v54  }
0x3ba: {  	[tilespmem:v18+s22+$0x0] =	vst.idx.msk $0xffff, v21  }
0x3bb: {  	v5 =	vor.u32 v22, v47;
	[tilespmem:v6+s22+$0x0] =	vst.idx.msk $0xffff, v4  }
0x3bc: {  	v7 =	vor.u32 v22, v44;
	[tilespmem:v2+s22+$0x0] =	vst.idx.msk $0xffff, v3;
	v8 =	vld.idx.msk [tilespmem:v8+s14+$0x0], $0xffff;
	v17 =	vor.u32 v27, v58  }
0x3bd: {  	v9 =	vld.idx.msk [tilespmem:v9+s14+$0x0], $0xffff;
	[tilespmem:v13+s22+$0x0] =	vst.idx.msk $0xffff, v12  }
0x3be: {  	v19 =	vor.u32 v29, v45;
	v12 =	vor.u32 v31, v39;
	v3 =	vld.idx.msk [tilespmem:v16+s14+$0x0], $0xffff;
	[tilespmem:v11+s22+$0x0] =	vst.idx.msk $0xffff, v14  }
0x3bf: {  	v15 =	vor.u32 v63, v1;
	v29 =	vld [tilespmem:$0x1FF00]  }
0x3c0: {  	v2 =	vor.u32 v63, v53;
	v13 =	vor.u32 v27, v10;
	v5 =	vld.idx.msk [tilespmem:v5+s14+$0x0], $0xffff  }
0x3c1: {  	v16 =	vor.u32 v22, v56;
	v4 =	vor.u32 v27, v37;
	v6 =	vld.idx.msk [tilespmem:v7+s14+$0x0], $0xffff;
	[tilespmem:v17+s22+$0x0] =	vst.idx.msk $0xffff, v8  }
0x3c2: {  	v11 =	vor.u32 v27, v48;
	v14 =	vor.u32 v63, v50;
	v17 =	vld [tilespmem:$0x1FE50]  }
0x3c3: {  	v18 =	vor.u32 v31, v51;
	v8 =	vor.u32 v63, v47;
	[tilespmem:v12+s22+$0x0] =	vst.idx.msk $0xffff, v9;
	v12 =	vld.idx.msk [tilespmem:v19+s14+$0x0], $0xffff  }
0x3c4: {  	v15 =	vld.idx.msk [tilespmem:v15+s14+$0x0], $0xffff;
	v9 =	vor.u32 v63, v44;
	v7 =	vor.u32 v29, v54  }
0x3c5: {  	v2 =	vld.idx.msk [tilespmem:v2+s14+$0x0], $0xffff;
	[tilespmem:v13+s22+$0x0] =	vst.idx.msk $0xffff, v3;
	v3 =	vor.u32 v29, v58  }
0x3c6: {  	v19 =	vor.u32 v30, v1;
	[tilespmem:v4+s22+$0x0] =	vst.idx.msk $0xffff, v6;
	v16 =	vld.idx.msk [tilespmem:v16+s14+$0x0], $0xffff  }
0x3c7: {  	[tilespmem:v11+s22+$0x0] =	vst.idx.msk $0xffff, v5;
	v5 =	vor.u32 v27, v39;
	v6 =	vld.idx.msk [tilespmem:v14+s14+$0x0], $0xffff  }
0x3c8: {  	v11 =	vor.u32 v29, v10;
	v8 =	vld.idx.msk [tilespmem:v8+s14+$0x0], $0xffff;
	[tilespmem:v18+s22+$0x0] =	vst.idx.msk $0xffff, v12  }
0x3c9: {  	v9 =	vld.idx.msk [tilespmem:v9+s14+$0x0], $0xffff;
	[tilespmem:v7+s22+$0x0] =	vst.idx.msk $0xffff, v15  }
0x3ca: {  	v18 =	vld [tilespmem:$0x1FE60];
	[tilespmem:v3+s22+$0x0] =	vst.idx.msk $0xffff, v2;
	v2 =	vor.u32 v38, v56  }
0x3cb: {  	v19 =	vld.idx.msk [tilespmem:v19+s14+$0x0], $0xffff;
	[tilespmem:$0x1FBE0] =	vst v2  }
0x3cc: {  	v31 =	vld [tilespmem:$0x1FFC0];
	[tilespmem:v5+s22+$0x0] =	vst.idx.msk $0xffff, v16  }
0x3cd: {  	v4 =	vor.u32 v30, v53;
	v7 =	vor.u32 v29, v48;
	[tilespmem:v11+s22+$0x0] =	vst.idx.msk $0xffff, v6  }
0x3ce: {  	v2 =	vld [tilespmem:$0x1FE70]  }
0x3cf: {  	v20 =	vor.u32 v20, v49  }
0x3d0: {  	v14 =	vor.u32 v63, v56  }
0x3d1: {  	v13 =	vor.u32 v22, v45;
	v16 =	vor.u32 v30, v47  }
0x3d2: {  	v12 =	vor.u32 v29, v37;
	v15 =	vor.u32 v30, v50;
	v22 =	vld.idx.msk [tilespmem:v4+s14+$0x0], $0xffff;
	[tilespmem:v7+s22+$0x0] =	vst.idx.msk $0xffff, v8  }
0x3d3: {  	v3 =	vor.u32 v31, v54;
	v4 =	vor.u32 v2, v46;
	v2 =	vld [tilespmem:$0x1FE80]  }
0x3d4: {  	v17 =	vor.u32 v17, v46;
	v20 =	vld.idx.msk [tilespmem:v20+s14+$0x0], $0xffff  }
0x3d5: {  	v11 =	vld.idx.msk [tilespmem:v14+s14+$0x0], $0xffff;
	v6 =	vor.u32 v31, v58  }
0x3d6: {  	v21 =	vor.u32 v30, v44;
	v7 =	vor.u32 v29, v39;
	v14 =	vld.idx.msk [tilespmem:v16+s14+$0x0], $0xffff  }
0x3d7: {  	v8 =	vor.u32 v31, v10;
	[tilespmem:v12+s22+$0x0] =	vst.idx.msk $0xffff, v9;
	v9 =	vld.idx.msk [tilespmem:v15+s14+$0x0], $0xffff;
	v12 =	vor.u32 v26, v1  }
0x3d8: {  	v15 =	vor.u32 v31, v48;
	v5 =	vor.u32 v2, v49;
	v2 =	vld [tilespmem:$0x1FE90];
	[tilespmem:v3+s22+$0x0] =	vst.idx.msk $0xffff, v19  }
0x3d9: {  	v3 =	vld [tilespmem:$0x1FF10];
	[tilespmem:v17+s22+$0x0] =	vst.idx.msk $0xffff, v20  }
0x3da: {  	[tilespmem:v6+s22+$0x0] =	vst.idx.msk $0xffff, v22  }
0x3db: {  	v55 =	vor.u32 v38, v50;
	v33 =	vld [tilespmem:$0x1FEA0];
	[tilespmem:v7+s22+$0x0] =	vst.idx.msk $0xffff, v11  }
0x3dc: {  	v16 =	vor.u32 v31, v37;
	v19 =	vld.idx.msk [tilespmem:v21+s14+$0x0], $0xffff;
	v17 =	vor.u32 v26, v50;
	[tilespmem:v8+s22+$0x0] =	vst.idx.msk $0xffff, v9  }
0x3dd: {  	v41 =	vld.idx.msk [tilespmem:v12+s14+$0x0], $0xffff;
	v50 =	vor.u32 v38, v1;
	v1 =	vor.u32 v26, v47;
	[tilespmem:v15+s22+$0x0] =	vst.idx.msk $0xffff, v14  }
0x3de: {  	v22 =	vor.u32 v24, v54;
	v8 =	vld [tilespmem:$0x1FFE0]  }
0x3df: {  	v28 =	vor.u32 v24, v51;
	v42 =	vor.u32 v38, v53  }
0x3e0: {  	v43 =	vor.u32 v35, v58;
	v35 =	vor.u32 v26, v44;
	v18 =	vor.u32 v18, v49  }
0x3e1: {  	v32 =	vor.u32 v40, v51;
	v13 =	vld.idx.msk [tilespmem:v13+s14+$0x0], $0xffff;
	v21 =	vor.u32 v30, v56;
	v12 =	vor.u32 v40, v54  }
0x3e2: {  	v54 =	vor.u32 v24, v58;
	v58 =	vor.u32 v26, v56;
	[tilespmem:v16+s22+$0x0] =	vst.idx.msk $0xffff, v19;
	v56 =	vld.idx.msk [tilespmem:v1+s14+$0x0], $0xffff  }
0x3e3: {  	v20 =	vor.u32 v26, v53;
	v62 =	vor.u32 v8, v46;
	v8 =	vld [tilespmem:$0x1FEB0];
	[tilespmem:v22+s22+$0x0] =	vst.idx.msk $0xffff, v41  }
0x3e4: {  	v57 =	vor.u32 v40, v10;
	v34 =	vor.u32 v63, v45;
	v6 =	vor.u32 v24, v10;
	v1 =	vld [tilespmem:$0x1FEC0]  }
0x3e5: {  	v10 =	vor.u32 v40, v48;
	v7 =	vor.u32 v29, v51;
	v11 =	vor.u32 v27, v51;
	v52 =	vld.idx.msk [tilespmem:v18+s14+$0x0], $0xffff  }
0x3e6: {  	v9 =	vor.u32 v31, v51;
	v51 =	vor.u32 v24, v37;
	v15 =	vor.u32 v24, v48;
	v16 =	vld.idx.msk [tilespmem:v21+s14+$0x0], $0xffff  }
0x3e7: {  	v2 =	vor.u32 v2, v46;
	v3 =	vor.u32 v3, v49;
	v59 =	vld.idx.msk [tilespmem:v17+s14+$0x0], $0xffff;
	v17 =	vor.u32 v31, v39  }
0x3e8: {  	v53 =	vld.idx.msk [tilespmem:v20+s14+$0x0], $0xffff;
	v61 =	vor.u32 v33, v46;
	v63 =	vor.u32 v8, v49;
	v8 =	vor.u32 v26, v45  }
0x3e9: {  	s1 =	simm.s32 $0x8;
	v49 =	vor.u32 v38, v44;
	v60 =	vor.u32 v1, v46;
	v46 =	vld.idx.msk [tilespmem:v35+s14+$0x0], $0xffff;
	v1 =	vor.u32 v38, v47  }
.LBB2_14:
0x3ea: {  	v24 =	vld [tilespmem:$0x1FFB0];
	_ =	sdelay $0x3  }
0x3eb: {  	v30 =	vld [tilespmem:$0x1FF80];
	[tilespmem:v4+s22+$0x0] =	vst.idx.msk $0xffff, v52  }
0x3ec: {  	[tilespmem:v11+s22+$0x0] =	vst.idx.msk $0xffff, v13;
	v13 =	vor.u32 v24, v39;
	v39 =	vld.idx.msk [tilespmem:v5+s14+$0x0], $0xffff;
	_ =	sdelay $0x1  }
0x3ed: {  	s31 =	sadd.s32 $0x2, s1;
	v22 =	vld.idx.msk [tilespmem:v50+s14+$0x0], $0xffff  }
0x3ee: {  	v29 =	vld [tilespmem:$0x1FEE0];
	v35 =	vadd.s32 s31, v0  }
0x3ef: {  	v27 =	vld [tilespmem:$0x1FEF0];
	v45 =	vand.u32 $0x3F, v35  }
0x3f0: {  	v18 =	vor.u32 v40, v37;
	v40 =	vor.u32 v30, v45;
	[tilespmem:v2+s22+$0x0] =	vst.idx.msk $0xffff, v39;
	v2 =	vld [tilespmem:$0x1FE20]  }
0x3f1: {  	s0 =	sadd.s32 $0x1, s1;
	s31 =	smov.u32 s1;
	v41 =	vld.idx.msk [tilespmem:v34+s14+$0x0], $0xffff  }
0x3f2: {  	v14 =	vadd.s32 s1, v0;
	s6 =	sadd.s32 $0x5, s1;
	v31 =	vld [tilespmem:$0x1FFA0];
	v20 =	vadd.s32 s0, v0;
	s0 =	sadd.s32 $0x4, s31;
	[tilespmem:v17+s22+$0x0] =	vst.idx.msk $0xffff, v16  }
0x3f3: {  	v37 =	vadd.s32 s6, v0;
	v47 =	vadd.s32 s0, v0;
	[tilespmem:v51+s22+$0x0] =	vst.idx.msk $0xffff, v46;
	v17 =	vld.idx.msk [tilespmem:v58+s14+$0x0], $0xffff  }
0x3f4: {  	v50 =	vand.u32 $0x3F, v37;
	[tilespmem:v54+s22+$0x0] =	vst.idx.msk $0xffff, v53;
	v54 =	vand.u32 $0x3F, v47;
	v51 =	vand.u32 $0x38, v14;
	v33 =	vld.idx.msk [tilespmem:v49+s14+$0x0], $0xffff  }
0x3f5: {  	s11 =	sadd.s32 $0x7, s1;
	v26 =	vor.u32 v30, v54;
	[tilespmem:v12+s22+$0x0] =	vst.idx.msk $0xffff, v22;
	v12 =	vor.u32 v2, v51;
	v2 =	vld.idx.msk [tilespmem:v40+s14+$0x0], $0xffff  }
0x3f6: {  	v16 =	vadd.s32 s11, v0;
	v25 =	vor.u32 v30, v50;
	[tilespmem:v7+s22+$0x0] =	vst.idx.msk $0xffff, v41;
	v7 =	vld [tilespmem:$0x1FBD0]  }
0x3f7: {  	v19 =	vshll.u32 v14, $0x7;
	v44 =	vand.u32 $0x3F, v20;
	v42 =	vld.idx.msk [tilespmem:v42+s14+$0x0], $0xffff;
	v14 =	vshll.u32 v16, $0x7  }
0x3f8: {  	[tilespmem:v15+s22+$0x0] =	vst.idx.msk $0xffff, v56;
	v58 =	vor.u32 v30, v44;
	v46 =	vand.u32 $0x1F80, v14;
	v14 =	vld.idx.msk [tilespmem:v3+s14+$0x0], $0xffff  }
0x3f9: {  	[tilespmem:v6+s22+$0x0] =	vst.idx.msk $0xffff, v59;
	v1 =	vld.idx.msk [tilespmem:v1+s14+$0x0], $0xffff  }
0x3fa: {  	v4 =	vor.u32 v38, v45;
	v38 =	vshll.u32 v47, $0x7;
	v48 =	vand.u32 $0x3F, v16;
	v16 =	vld.idx.msk [tilespmem:v26+s14+$0x0], $0xffff  }
0x3fb: {  	v49 =	vand.u32 $0x1F80, v38;
	v34 =	vld.idx.msk [tilespmem:v25+s14+$0x0], $0xffff  }
0x3fc: {  	v38 =	vor.u32 v30, v48;
	[tilespmem:v13+s22+$0x0] =	vst.idx.msk $0xffff, v17;
	v25 =	vld [tilespmem:$0x1FF50];
	v41 =	vor.u32 v0, v49  }
0x3fd: {  	v13 =	vshll.u32 v37, $0x7;
	[tilespmem:v61+s22+$0x0] =	vst.idx.msk $0xffff, v14;
	v61 =	vld.idx.msk [tilespmem:v58+s14+$0x0], $0xffff  }
0x3fe: {  	[tilespmem:v10+s22+$0x0] =	vst.idx.msk $0xffff, v1;
	v10 =	vor.u32 v23, v54;
	v56 =	vand.u32 $0x1F80, v13;
	v17 =	vld.idx.msk [tilespmem:v7+s14+$0x0], $0xffff  }
0x3ff: {  	v1 =	vor.u32 v0, v56;
	v7 =	vld [tilespmem:$0x1FFF0]  }
0x400: {  	[tilespmem:v43+s22+$0x0] =	vst.idx.msk $0xffff, v42;
	v42 =	vor.u32 v23, v50;
	v36 =	vld.idx.msk [tilespmem:v36+s14+$0x0], $0xffff  }
0x401: {  	[tilespmem:v41+s22+$0x0] =	vst.idx.msk $0xffff, v16;
	v16 =	vld.idx.msk [tilespmem:v38+s14+$0x0], $0xffff  }
0x402: {  	v13 =	vor.u32 v0, v46;
	v41 =	vmov v4;
	v4 =	vld [tilespmem:$0x1FF60]  }
0x403: {  	v10 =	vld.idx.msk [tilespmem:v10+s14+$0x0], $0xffff  }
0x404: {  	v47 =	vand.u32 $0x1C00, v19;
	[tilespmem:v1+s22+$0x0] =	vst.idx.msk $0xffff, v34;
	v19 =	vor.u32 v7, v51;
	v7 =	vld [tilespmem:$0x1FE10]  }
0x405: {  	[tilespmem:v62+s22+$0x0] =	vst.idx.msk $0xffff, v36;
	v62 =	vld.idx.msk [tilespmem:v42+s14+$0x0], $0xffff  }
0x406: {  	[tilespmem:v18+s22+$0x0] =	vst.idx.msk $0xffff, v33;
	v33 =	vor.u32 v29, v56;
	v42 =	vld [tilespmem:$0x1FF30]  }
0x407: {  	s3 =	sadd.s32 $0x3, s1;
	v34 =	vor.u32 v27, v50;
	[tilespmem:v13+s22+$0x0] =	vst.idx.msk $0xffff, v16;
	v13 =	vld [tilespmem:$0x1FBB0]  }
0x408: {  	v21 =	vadd.s32 s3, v0;
	s3 =	sadd.s32 $0x6, s1;
	v16 =	vld [tilespmem:$0x1FE40]  }
0x409: {  	v15 =	vadd.s32 s3, v0;
	[tilespmem:v9+s22+$0x0] =	vst.idx.msk $0xffff, v17;
	v22 =	vor.u32 v7, v47;
	v7 =	vld [tilespmem:$0x1FBE0]  }
0x40a: {  	v11 =	vmovc v28;
	v5 =	vmov v32;
	v32 =	vshll.u32 v15, $0x7;
	v58 =	vand.u32 $0x3F, v15;
	v15 =	vld.idx.msk [tilespmem:v8+s14+$0x0], $0xffff  }
0x40b: {  	[tilespmem:v33+s22+$0x0] =	vst.idx.msk $0xffff, v62;
	v9 =	vld [tilespmem:$0x1FF70]  }
0x40c: {  	v33 =	vld.idx.msk [tilespmem:v34+s14+$0x0], $0xffff  }
0x40d: {  	v4 =	vor.u32 v4, v58;
	v8 =	vld [tilespmem:$0x1FBC0]  }
0x40e: {  	[tilespmem:$0x1FBE0] =	vst v4;
	v4 =	vld [tilespmem:$0x1FE70]  }
0x40f: {  	[tilespmem:v11+s22+$0x0] =	vst.idx.msk $0xffff, v15;
	v11 =	vld [tilespmem:$0x1FE30]  }
0x410: {  	v53 =	vand.u32 $0x3F, v21;
	v13 =	vld.idx.msk [tilespmem:v13+s14+$0x0], $0xffff  }
0x411: {  	v35 =	vshll.u32 v35, $0x7;
	v26 =	vld.idx.msk [tilespmem:v7+s14+$0x0], $0xffff;
	v7 =	vshll.u32 v20, $0x7;
	v20 =	vor.u32 v30, v53  }
0x412: {  	v52 =	vand.u32 $0x1F80, v35;
	v21 =	vshll.u32 v21, $0x7;
	v15 =	vld.idx.msk [tilespmem:v19+s14+$0x0], $0xffff  }
0x413: {  	v6 =	vor.u32 v24, v52;
	v59 =	vand.u32 $0x1F80, v21;
	v3 =	vor.u32 v0, v52;
	v19 =	vld [tilespmem:$0x1FF70]  }
0x414: {  	v28 =	vor.u32 v9, v59;
	v9 =	vor.u32 v30, v58;
	v37 =	vand.u32 $0x1F80, v7;
	v7 =	vld [tilespmem:$0x1FF70]  }
0x415: {  	[tilespmem:$0x1FB60] =	vst v6;
	v30 =	vld [tilespmem:$0x1FF90];
	v14 =	vor.u32 v0, v37  }
0x416: {  	[tilespmem:v5+s22+$0x0] =	vst.idx.msk $0xffff, v13;
	v20 =	vld.idx.msk [tilespmem:v20+s14+$0x0], $0xffff  }
0x417: {  	v6 =	vor.u32 v23, v45;
	v17 =	vor.u32 v0, v59;
	[tilespmem:v8+s22+$0x0] =	vst.idx.msk $0xffff, v26;
	v26 =	vld [tilespmem:$0x1FFD0]  }
0x418: {  	v39 =	vand.u32 $0x1F80, v32;
	[tilespmem:v3+s22+$0x0] =	vst.idx.msk $0xffff, v2;
	v2 =	vld [tilespmem:$0x1FE90]  }
0x419: {  	v21 =	vor.u32 v23, v53;
	v32 =	vor.u32 v0, v39;
	v43 =	vor.u32 v7, v39;
	v38 =	vld.idx.msk [tilespmem:v9+s14+$0x0], $0xffff  }
0x41a: {  	v1 =	vmov v43;
	v43 =	vld.idx.msk [tilespmem:v55+s14+$0x0], $0xffff;
	[tilespmem:v14+s22+$0x0] =	vst.idx.msk $0xffff, v61  }
0x41b: {  	v7 =	vor.u32 v29, v52;
	v55 =	vld.idx.msk [tilespmem:v63+s14+$0x0], $0xffff;
	v61 =	vor.u32 v23, v44;
	[tilespmem:$0x1FBC0] =	vst v1  }
0x41c: {  	v6 =	vld.idx.msk [tilespmem:v6+s14+$0x0], $0xffff;
	v14 =	vor.u32 v23, v48;
	v1 =	vor.u32 v26, v44;
	[tilespmem:v17+s22+$0x0] =	vst.idx.msk $0xffff, v20  }
0x41d: {  	v9 =	vld [tilespmem:$0x1FF60];
	[tilespmem:$0x1FBA0] =	vst v1  }
0x41e: {  	v8 =	vor.u32 v27, v45;
	v1 =	vor.u32 v31, v45;
	v21 =	vld.idx.msk [tilespmem:v21+s14+$0x0], $0xffff;
	[tilespmem:v32+s22+$0x0] =	vst.idx.msk $0xffff, v38  }
0x41f: {  	v35 =	vor.u32 v29, v49;
	[tilespmem:$0x1FBD0] =	vst v1;
	v1 =	vor.u32 v30, v51;
	v30 =	vld [tilespmem:$0x1FF20]  }
0x420: {  	v18 =	vor.u32 v27, v54;
	[tilespmem:v60+s22+$0x0] =	vst.idx.msk $0xffff, v55;
	v55 =	vld.idx.msk [tilespmem:v61+s14+$0x0], $0xffff  }
0x421: {  	[tilespmem:v7+s22+$0x0] =	vst.idx.msk $0xffff, v6;
	v14 =	vld.idx.msk [tilespmem:v14+s14+$0x0], $0xffff  }
0x422: {  	[tilespmem:v57+s22+$0x0] =	vst.idx.msk $0xffff, v43;
	v43 =	vld [tilespmem:$0x1FF40]  }
0x423: {  	v5 =	vor.u32 v23, v58;
	v60 =	vor.u32 v29, v37;
	v7 =	vld.idx.msk [tilespmem:v8+s14+$0x0], $0xffff;
	[tilespmem:$0x1FB70] =	vst v1  }
0x424: {  	v40 =	vor.u32 v29, v46;
	v17 =	vor.u32 v29, v59;
	[tilespmem:v35+s22+$0x0] =	vst.idx.msk $0xffff, v10;
	v10 =	vld [tilespmem:$0x1FE60]  }
0x425: {  	v61 =	vor.u32 v27, v44;
	v1 =	vor.u32 v25, v45;
	[tilespmem:v22+s22+$0x0] =	vst.idx.msk $0xffff, v15;
	v15 =	vld.idx.msk [tilespmem:v18+s14+$0x0], $0xffff  }
0x426: {  	[tilespmem:$0x1FB80] =	vst v1;
	v1 =	vor.u32 v19, v52;
	v19 =	vor.u32 v27, v53;
	v12 =	vld.idx.msk [tilespmem:v12+s14+$0x0], $0xffff  }
0x427: {  	v11 =	vor.u32 v11, v47;
	v35 =	vor.u32 v27, v48;
	[tilespmem:$0x1FB90] =	vst v1;
	v1 =	vor.u32 v9, v53;
	v9 =	vld [tilespmem:$0x1FE50]  }
0x428: {  	[tilespmem:v60+s22+$0x0] =	vst.idx.msk $0xffff, v55;
	v60 =	vld.idx.msk [tilespmem:v5+s14+$0x0], $0xffff  }
0x429: {  	[tilespmem:$0x1FBB0] =	vst v41;
	v16 =	vor.u32 v16, v51;
	v36 =	vor.u32 v30, v56;
	v5 =	vld [tilespmem:$0x1FE80]  }
0x42a: {  	v41 =	vor.u32 v29, v39;
	[tilespmem:v17+s22+$0x0] =	vst.idx.msk $0xffff, v21;
	v61 =	vld.idx.msk [tilespmem:v61+s14+$0x0], $0xffff  }
0x42b: {  	v57 =	vor.u32 v42, v50;
	v20 =	vor.u32 v30, v49;
	[tilespmem:v40+s22+$0x0] =	vst.idx.msk $0xffff, v14;
	v19 =	vld.idx.msk [tilespmem:v19+s14+$0x0], $0xffff  }
0x42c: {  	v63 =	vor.u32 v42, v54;
	v13 =	vor.u32 v30, v52;
	[tilespmem:v11+s22+$0x0] =	vst.idx.msk $0xffff, v12;
	v12 =	vld.idx.msk [tilespmem:v35+s14+$0x0], $0xffff  }
0x42d: {  	v38 =	vor.u32 v30, v37;
	v11 =	vor.u32 v27, v58;
	v27 =	vld [tilespmem:$0x1FF00]  }
0x42e: {  	v18 =	vor.u32 v42, v45;
	v32 =	vor.u32 v30, v59;
	v16 =	vld.idx.msk [tilespmem:v16+s14+$0x0], $0xffff;
	[tilespmem:v36+s22+$0x0] =	vst.idx.msk $0xffff, v33  }
0x42f: {  	v14 =	vor.u32 v30, v46;
	[tilespmem:v41+s22+$0x0] =	vst.idx.msk $0xffff, v60;
	v60 =	vor.u32 v30, v39;
	v30 =	vld [tilespmem:$0x1FFC0]  }
0x430: {  	[tilespmem:v20+s22+$0x0] =	vst.idx.msk $0xffff, v15;
	v3 =	vld.idx.msk [tilespmem:v57+s14+$0x0], $0xffff  }
0x431: {  	[tilespmem:v13+s22+$0x0] =	vst.idx.msk $0xffff, v7;
	v20 =	vld.idx.msk [tilespmem:v63+s14+$0x0], $0xffff  }
0x432: {  	v62 =	vor.u32 v42, v44;
	[tilespmem:v38+s22+$0x0] =	vst.idx.msk $0xffff, v61;
	v61 =	vld [tilespmem:$0x1FEA0]  }
0x433: {  	v55 =	vor.u32 v42, v53;
	v13 =	vld.idx.msk [tilespmem:v18+s14+$0x0], $0xffff  }
0x434: {  	v33 =	vor.u32 v42, v48;
	v18 =	vld [tilespmem:$0x1FF60]  }
0x435: {  	v21 =	vor.u32 v43, v56;
	v63 =	vld [tilespmem:$0x1FF60]  }
0x436: {  	v34 =	vor.u32 v25, v50;
	v22 =	vor.u32 v43, v49;
	v11 =	vld.idx.msk [tilespmem:v11+s14+$0x0], $0xffff  }
0x437: {  	v17 =	vor.u32 v25, v54;
	[tilespmem:v32+s22+$0x0] =	vst.idx.msk $0xffff, v19;
	v38 =	vld.idx.msk [tilespmem:v62+s14+$0x0], $0xffff  }
0x438: {  	v41 =	vor.u32 v43, v37;
	[tilespmem:v14+s22+$0x0] =	vst.idx.msk $0xffff, v12;
	v36 =	vld.idx.msk [tilespmem:v55+s14+$0x0], $0xffff  }
0x439: {  	v12 =	vor.u32 v42, v58;
	v14 =	vld.idx.msk [tilespmem:v33+s14+$0x0], $0xffff  }
0x43a: {  	v40 =	vor.u32 v43, v59;
	v15 =	vor.u32 v25, v44;
	[tilespmem:v21+s22+$0x0] =	vst.idx.msk $0xffff, v3;
	v3 =	vld [tilespmem:$0x1FF10]  }
0x43b: {  	v57 =	vor.u32 v25, v53;
	v33 =	vor.u32 v43, v46;
	[tilespmem:v22+s22+$0x0] =	vst.idx.msk $0xffff, v20;
	v6 =	vld.idx.msk [tilespmem:v34+s14+$0x0], $0xffff  }
0x43c: {  	v32 =	vor.u32 v27, v56;
	v21 =	vor.u32 v25, v48;
	[tilespmem:v60+s22+$0x0] =	vst.idx.msk $0xffff, v11;
	v17 =	vld.idx.msk [tilespmem:v17+s14+$0x0], $0xffff  }
0x43d: {  	v35 =	vor.u32 v27, v49;
	v55 =	vor.u32 v31, v50;
	[tilespmem:v41+s22+$0x0] =	vst.idx.msk $0xffff, v38;
	v38 =	vld [tilespmem:$0x1FF60]  }
0x43e: {  	v19 =	vor.u32 v31, v54;
	v12 =	vld.idx.msk [tilespmem:v12+s14+$0x0], $0xffff  }
0x43f: {  	v11 =	vor.u32 v27, v37;
	[tilespmem:v40+s22+$0x0] =	vst.idx.msk $0xffff, v36;
	v15 =	vld.idx.msk [tilespmem:v15+s14+$0x0], $0xffff  }
0x440: {  	v20 =	vor.u32 v31, v44;
	v40 =	vor.u32 v27, v59;
	v36 =	vld.idx.msk [tilespmem:v57+s14+$0x0], $0xffff;
	[tilespmem:v33+s22+$0x0] =	vst.idx.msk $0xffff, v14  }
0x441: {  	v22 =	vor.u32 v43, v39;
	v60 =	vor.u32 v31, v53;
	v21 =	vld.idx.msk [tilespmem:v21+s14+$0x0], $0xffff;
	[tilespmem:v32+s22+$0x0] =	vst.idx.msk $0xffff, v6  }
0x442: {  	v14 =	vor.u32 v25, v58;
	v33 =	vor.u32 v27, v46;
	[tilespmem:v35+s22+$0x0] =	vst.idx.msk $0xffff, v17;
	v25 =	vld.idx.msk [tilespmem:v55+s14+$0x0], $0xffff  }
0x443: {  	v9 =	vor.u32 v9, v47;
	v62 =	vor.u32 v31, v48;
	v17 =	vld.idx.msk [tilespmem:v19+s14+$0x0], $0xffff  }
0x444: {  	[tilespmem:v11+s22+$0x0] =	vst.idx.msk $0xffff, v15;
	v11 =	vld [tilespmem:$0x1FFE0]  }
0x445: {  	v8 =	vor.u32 v30, v56;
	[tilespmem:v40+s22+$0x0] =	vst.idx.msk $0xffff, v36;
	v20 =	vld.idx.msk [tilespmem:v20+s14+$0x0], $0xffff  }
0x446: {  	v10 =	vor.u32 v10, v51;
	[tilespmem:v22+s22+$0x0] =	vst.idx.msk $0xffff, v12;
	v36 =	vld.idx.msk [tilespmem:v60+s14+$0x0], $0xffff  }
0x447: {  	v42 =	vor.u32 v30, v49;
	v14 =	vld.idx.msk [tilespmem:v14+s14+$0x0], $0xffff;
	[tilespmem:v33+s22+$0x0] =	vst.idx.msk $0xffff, v21  }
0x448: {  	[tilespmem:v9+s22+$0x0] =	vst.idx.msk $0xffff, v16;
	v57 =	vor.u32 v26, v50;
	v32 =	vld.idx.msk [tilespmem:v62+s14+$0x0], $0xffff  }
0x449: {  	v34 =	vor.u32 v26, v54;
	v62 =	vor.u32 v11, v47;
	v11 =	vor.u32 v43, v52;
	v43 =	vmovc v28;
	v28 =	vld [tilespmem:$0x1FB60]  }
0x44a: {  	[tilespmem:v8+s22+$0x0] =	vst.idx.msk $0xffff, v25;
	v8 =	vld [tilespmem:$0x1FEB0]  }
0x44b: {  	v7 =	vor.u32 v27, v52;
	v9 =	vor.u32 v30, v52;
	v40 =	vor.u32 v30, v59;
	v52 =	vld.idx.msk [tilespmem:v10+s14+$0x0], $0xffff  }
0x44c: {  	[tilespmem:v42+s22+$0x0] =	vst.idx.msk $0xffff, v17;
	v42 =	vmov v1;
	v1 =	vld [tilespmem:$0x1FBA0]  }
0x44d: {  	v4 =	vor.u32 v4, v47;
	v41 =	vor.u32 v26, v53;
	v19 =	vor.u32 v27, v39;
	v25 =	vld.idx.msk [tilespmem:v57+s14+$0x0], $0xffff  }
0x44e: {  	v55 =	vor.u32 v18, v54;
	v22 =	vor.u32 v30, v37;
	v54 =	vor.u32 v24, v59;
	v59 =	vld.idx.msk [tilespmem:v34+s14+$0x0], $0xffff  }
0x44f: {  	v2 =	vor.u32 v2, v47;
	v15 =	vor.u32 v31, v58;
	v33 =	vor.u32 v30, v46;
	v34 =	vld [tilespmem:$0x1FB80]  }
0x450: {  	v5 =	vor.u32 v5, v51;
	v18 =	vor.u32 v24, v56;
	[tilespmem:v40+s22+$0x0] =	vst.idx.msk $0xffff, v36;
	v36 =	vld [tilespmem:$0x1FB70]  }
0x451: {  	v61 =	vor.u32 v61, v47;
	v50 =	vor.u32 v63, v50;
	v21 =	vor.u32 v26, v48;
	v40 =	vld [tilespmem:$0x1FF70]  }
0x452: {  	p0 =	slt.u32 s1, $0x38;
	v3 =	vor.u32 v3, v51;
	v6 =	vor.u32 v24, v49;
	[tilespmem:v19+s22+$0x0] =	vst.idx.msk $0xffff, v14;
	v14 =	vld [tilespmem:$0x1FEC0]  }
.Ltmp9:
0x453: {  	v58 =	vor.u32 v26, v58;
	v17 =	vor.u32 v30, v39;
	[tilespmem:v22+s22+$0x0] =	vst.idx.msk $0xffff, v20;
	v53 =	vld.idx.msk [tilespmem:v41+s14+$0x0], $0xffff;
	(pc) =	sbr.rel @p0 .LBB2_14-.Ltmp9, $4  }
0x454: {  	v16 =	vld.idx.msk [tilespmem:v15+s14+$0x0], $0xffff;
	v15 =	vor.u32 v24, v46;
	[tilespmem:v33+s22+$0x0] =	vst.idx.msk $0xffff, v32;
	v63 =	vor.u32 v8, v51  }
0x455: {  	v32 =	vld [tilespmem:$0x1FB90];
	v8 =	vor.u32 v26, v45;
	v51 =	vor.u32 v24, v37;
	[tilespmem:v18+s22+$0x0] =	vst.idx.msk $0xffff, v25  }
0x456: {  	v12 =	vor.u32 v40, v56;
	v57 =	vor.u32 v40, v49;
	v10 =	vor.u32 v40, v46;
	v56 =	vld.idx.msk [tilespmem:v21+s14+$0x0], $0xffff  }
0x457: {  	s1 =	sadd.s32 $0x8, s1;
	v49 =	vor.u32 v38, v44;
	v60 =	vor.u32 v14, v47;
	v46 =	vld.idx.msk [tilespmem:v1+s14+$0x0], $0xffff;
	v1 =	vor.u32 v38, v48  }
0x458: {  	_ =	sdelay $0x3  }
0x459: {  	[tilespmem:v4+s22+$0x0] =	vst.idx.msk $0xffff, v52  }
0x45a: {  	[tilespmem:v11+s22+$0x0] =	vst.idx.msk $0xffff, v13;
	v4 =	vld.idx.msk [tilespmem:v5+s14+$0x0], $0xffff  }
0x45b: {  	v5 =	vld.idx.msk [tilespmem:v34+s14+$0x0], $0xffff;
	_ =	sdelay $0x2  }
0x45c: {  	[tilespmem:v17+s22+$0x0] =	vst.idx.msk $0xffff, v16  }
0x45d: {  	[tilespmem:v2+s22+$0x0] =	vst.idx.msk $0xffff, v4  }
0x45e: {  	[tilespmem:v7+s22+$0x0] =	vst.idx.msk $0xffff, v5;
	v2 =	vld.idx.msk [tilespmem:v3+s14+$0x0], $0xffff  }
0x45f: {  	v3 =	vld [tilespmem:$0x1FBD0];
	_ =	sdelay $0x3  }
0x460: {  	[tilespmem:v54+s22+$0x0] =	vst.idx.msk $0xffff, v53  }
0x461: {  	v24 =	vld [tilespmem:$0x1FFB0];
	_ =	sdelay $0x1  }
0x462: {  	v4 =	vld.idx.msk [tilespmem:v50+s14+$0x0], $0xffff  }
0x463: {  	v3 =	vld.idx.msk [tilespmem:v3+s14+$0x0], $0xffff  }
0x464: {  	[tilespmem:v15+s22+$0x0] =	vst.idx.msk $0xffff, v56  }
0x465: {  	v7 =	vld.idx.msk [tilespmem:v58+s14+$0x0], $0xffff;
	[tilespmem:v51+s22+$0x0] =	vst.idx.msk $0xffff, v46;
	v5 =	vor.u32 v24, v39  }
0x466: {  	v1 =	vld.idx.msk [tilespmem:v1+s14+$0x0], $0xffff;
	[tilespmem:v61+s22+$0x0] =	vst.idx.msk $0xffff, v2  }
0x467: {  	[tilespmem:v12+s22+$0x0] =	vst.idx.msk $0xffff, v4;
	v2 =	vld.idx.msk [tilespmem:v36+s14+$0x0], $0xffff  }
0x468: {  	v4 =	vld.idx.msk [tilespmem:v42+s14+$0x0], $0xffff;
	[tilespmem:v9+s22+$0x0] =	vst.idx.msk $0xffff, v3  }
0x469: {  	[tilespmem:v6+s22+$0x0] =	vst.idx.msk $0xffff, v59;
	v3 =	vld.idx.msk [tilespmem:v8+s14+$0x0], $0xffff  }
0x46a: {  	[tilespmem:v5+s22+$0x0] =	vst.idx.msk $0xffff, v7  }
0x46b: {  	v5 =	vld [tilespmem:$0x1FBE0];
	[tilespmem:v10+s22+$0x0] =	vst.idx.msk $0xffff, v1  }
0x46c: {  	[tilespmem:v62+s22+$0x0] =	vst.idx.msk $0xffff, v2  }
0x46d: {  	[tilespmem:v43+s22+$0x0] =	vst.idx.msk $0xffff, v4  }
0x46e: {  	[tilespmem:v28+s22+$0x0] =	vst.idx.msk $0xffff, v3  }
0x46f: {  	v3 =	vld [tilespmem:$0x1FBB0];
	_ =	sdelay $0x2  }
0x470: {  	v7 =	vld.idx.msk [tilespmem:v49+s14+$0x0], $0xffff  }
0x471: {  	v6 =	vor.u32 v40, v37;
	v4 =	vld [tilespmem:$0x1FBC0]  }
0x472: {  	v1 =	vld.idx.msk [tilespmem:v55+s14+$0x0], $0xffff  }
0x473: {  	v2 =	vld.idx.msk [tilespmem:v63+s14+$0x0], $0xffff  }
0x474: {  	v5 =	vld.idx.msk [tilespmem:v5+s14+$0x0], $0xffff  }
0x475: {  	v3 =	vld.idx.msk [tilespmem:v3+s14+$0x0], $0xffff  }
0x476: {  	s0 =	simm.s32 $0x0;
	s3 =	sadd.s32 s8, s29;
	[tilespmem:v6+s22+$0x0] =	vst.idx.msk $0xffff, v7  }
0x477: {  	s11 =	simm.s32 $0x3;
	s31 =	simm.s32 $0x2;
	s6 =	sshll.u32 s3, $0x7;
	[tilespmem:v57+s22+$0x0] =	vst.idx.msk $0xffff, v1  }
0x478: {  	s1 =	simm.s32 $0x1;
	v8 =	vadd.s32 s31, v0;
	s31 =	sand.u32 $0xF80, s6;
	v6 =	vadd.s32 s11, v0;
	s11 =	sshll.u32 s3, $0xA;
	[tilespmem:v60+s22+$0x0] =	vst.idx.msk $0xffff, v2  }
0x479: {  	[tilespmem:v4+s22+$0x0] =	vst.idx.msk $0xffff, v5;
	v4 =	vadd.s32 s0, v0;
	v5 =	vadd.s32 s1, v0;
	s0 =	simm.s32 $0x5;
	s1 =	sand.u32 $0xFFF8000, s11;
	s11 =	sadd.s32 s2, s31  }
0x47a: {  	v45 =	vand.u32 $0x3F, v8;
	s31 =	simm.s32 $0x4;
	v9 =	vadd.s32 s0, v0;
	v30 =	vld [tilespmem:$0x1FF80];
	s0 =	sadd.s32 s1, s11;
	[tilespmem:v32+s22+$0x0] =	vst.idx.msk $0xffff, v3  }
0x47b: {  	v3 =	vor.u32 v38, v45;
	[hbm4b:s0+s18] =	stream.strided.scatter [tilespmem:s22], [sflag:$0x5], $0x2000, s19, s18, $0x38;
	[tilespmem:$0xAD00] =	vst v63  }
0x47c: {  	s6 =	simm.s32 $0x7;
	[tilespmem:$0x1FB40] =	vst v3;
	v3 =	vadd.s32 s31, v0;
	s31 =	sadd.s32 $0x300, s30  }
0x47d: {  	v8 =	vshll.u32 v8, $0x7;
	[tilespmem:s14], [sflag:$0x1] =	stream.indirect.gather [hbm4b:s5+s13], $0x40, s31, s13, $0xb8;
	[tilespmem:$0xAD00] =	vst v63  }
0x47e: {  	v51 =	vand.u32 $0x1F80, v8;
	v2 =	vadd.s32 s6, v0;
	v53 =	vand.u32 $0x3F, v6;
	_ =	swait.ge [sflag:s20], $0x2000  }
0x47f: {  	v7 =	vshll.u32 v4, $0x7;
	v44 =	vand.u32 $0x3F, v5;
	s11 =	simm.s32 $0x6;
	v50 =	vand.u32 $0x3F, v3;
	[sflag:s20] =	ssyncset.done $0x0  }
0x480: {  	v1 =	vand.u32 $0x3F, v9;
	v12 =	vadd.s32 s11, v0;
	v14 =	vor.u32 v30, v50;
	[sflag:s20] =	ssyncadd.s32 $0xFFFFE000  }
0x481: {  	v46 =	vand.u32 $0x1C00, v7;
	v15 =	vshll.u32 v12, $0x7;
	v16 =	vor.u32 v30, v1;
	v8 =	vld [tilespmem:$0x1FE20];
	_ =	swait.ge [sflag:s23], $0x2000  }
0x482: {  	v56 =	vand.u32 $0x3F, v12;
	v13 =	vor.u32 v30, v44;
	v3 =	vshll.u32 v3, $0x7;
	v7 =	vld [tilespmem:$0x1FFF0]  }
0x483: {  	v18 =	vor.u32 v30, v53;
	v10 =	vand.u32 $0x1F80, v3;
	v3 =	vshll.u32 v9, $0x7;
	[sflag:s23] =	ssyncset.done $0x0;
	v9 =	vld [tilespmem:$0x1FE10]  }
0x484: {  	v47 =	vand.u32 $0x3F, v2;
	v39 =	vand.u32 $0x1F80, v15;
	v12 =	vor.u32 v30, v56;
	v29 =	vld [tilespmem:$0x1FEE0];
	[sflag:s23] =	ssyncadd.s32 $0xFFFFE000  }
0x485: {  	v5 =	vshll.u32 v5, $0x7;
	v25 =	vor.u32 v40, v39;
	v11 =	vor.u32 v30, v45;
	v14 =	vld.idx.msk [tilespmem:v14+s15+$0x0], $0xffff  }
0x486: {  	v17 =	vor.u32 v30, v47;
	v54 =	vand.u32 $0x1F80, v3;
	v19 =	vor.u32 v0, v10;
	v15 =	vld.idx.msk [tilespmem:v16+s15+$0x0], $0xffff;
	[tilespmem:$0x1FB50] =	vst v25  }
0x487: {  	v37 =	vand.u32 $0x1F80, v5;
	v20 =	vor.u32 v0, v54;
	v13 =	vld.idx.msk [tilespmem:v13+s15+$0x0], $0xffff  }
0x488: {  	v21 =	vor.u32 v0, v37;
	v5 =	vor.u32 v23, v50;
	v18 =	vld.idx.msk [tilespmem:v18+s15+$0x0], $0xffff  }
0x489: {  	v6 =	vshll.u32 v6, $0x7;
	v12 =	vld.idx.msk [tilespmem:v12+s15+$0x0], $0xffff  }
0x48a: {  	v58 =	vand.u32 $0x1F80, v6;
	v49 =	vand.u32 $0x38, v4;
	v16 =	vor.u32 v23, v1;
	v11 =	vld.idx.msk [tilespmem:v11+s15+$0x0], $0xffff  }
0x48b: {  	v61 =	vor.u32 v0, v58;
	v7 =	vor.u32 v7, v49;
	[tilespmem:v19+s17+$0x0] =	vst.idx.msk $0xffff, v14;
	v14 =	vld.idx.msk [tilespmem:v17+s15+$0x0], $0xffff  }
0x48c: {  	v4 =	vshll.u32 v2, $0x7;
	v27 =	vld [tilespmem:$0x1FEF0];
	[tilespmem:v20+s17+$0x0] =	vst.idx.msk $0xffff, v15  }
0x48d: {  	v48 =	vand.u32 $0x1F80, v4;
	v5 =	vld.idx.msk [tilespmem:v5+s15+$0x0], $0xffff;
	[tilespmem:v21+s17+$0x0] =	vst.idx.msk $0xffff, v13  }
0x48e: {  	v3 =	vor.u32 v0, v48;
	v17 =	vor.u32 v23, v53;
	v26 =	vld [tilespmem:$0x1FFD0]  }
0x48f: {  	v62 =	vor.u32 v29, v10;
	v15 =	vor.u32 v23, v47;
	v13 =	vld.idx.msk [tilespmem:v16+s15+$0x0], $0xffff  }
0x490: {  	v9 =	vor.u32 v9, v46;
	[tilespmem:v61+s17+$0x0] =	vst.idx.msk $0xffff, v18;
	v7 =	vld.idx.msk [tilespmem:v7+s15+$0x0], $0xffff  }
0x491: {  	v20 =	vor.u32 v29, v54;
	v30 =	vld [tilespmem:$0x1FFA0]  }
0x492: {  	v18 =	vld [tilespmem:$0x1FF90]  }
0x493: {  	v41 =	vor.u32 v23, v44;
	[tilespmem:v3+s17+$0x0] =	vst.idx.msk $0xffff, v14;
	v14 =	vld.idx.msk [tilespmem:v17+s15+$0x0], $0xffff  }
0x494: {  	v8 =	vor.u32 v8, v49;
	[tilespmem:v62+s17+$0x0] =	vst.idx.msk $0xffff, v5;
	v15 =	vld.idx.msk [tilespmem:v15+s15+$0x0], $0xffff  }
0x495: {  	v28 =	vor.u32 v40, v58;
	v40 =	vld [tilespmem:$0x1FF70];
	[tilespmem:v9+s17+$0x0] =	vst.idx.msk $0xffff, v7  }
0x496: {  	v22 =	vor.u32 v0, v39;
	v16 =	vor.u32 v27, v1;
	v9 =	vld [tilespmem:$0x1FE30];
	[tilespmem:v20+s17+$0x0] =	vst.idx.msk $0xffff, v13  }
0x497: {  	v3 =	vor.u32 v29, v58;
	v31 =	vld [tilespmem:$0x1FF20]  }
0x498: {  	v21 =	vor.u32 v29, v48;
	v36 =	vor.u32 v18, v49;
	v18 =	vld.idx.msk [tilespmem:v41+s15+$0x0], $0xffff  }
0x499: {  	v2 =	vor.u32 v0, v51;
	v8 =	vld.idx.msk [tilespmem:v8+s15+$0x0], $0xffff  }
0x49a: {  	v5 =	vor.u32 v29, v37;
	v25 =	vld [tilespmem:$0x1FF50]  }
0x49b: {  	v17 =	vor.u32 v27, v53;
	[tilespmem:v22+s17+$0x0] =	vst.idx.msk $0xffff, v12;
	v16 =	vld.idx.msk [tilespmem:v16+s15+$0x0], $0xffff;
	v9 =	vor.u32 v9, v46  }
0x49c: {  	v7 =	vor.u32 v23, v56;
	v20 =	vld [tilespmem:$0x1FE40];
	[tilespmem:v3+s17+$0x0] =	vst.idx.msk $0xffff, v14;
	v13 =	vor.u32 v31, v54  }
0x49d: {  	v22 =	vld [tilespmem:$0x1FF30];
	[tilespmem:v21+s17+$0x0] =	vst.idx.msk $0xffff, v15  }
0x49e: {  	v63 =	vor.u32 v27, v50;
	[tilespmem:v2+s17+$0x0] =	vst.idx.msk $0xffff, v11  }
0x49f: {  	v3 =	vor.u32 v27, v44;
	[tilespmem:v5+s17+$0x0] =	vst.idx.msk $0xffff, v18  }
0x4a0: {  	v4 =	vor.u32 v23, v45;
	v19 =	vor.u32 v27, v45;
	v17 =	vld.idx.msk [tilespmem:v17+s15+$0x0], $0xffff;
	[tilespmem:v9+s17+$0x0] =	vst.idx.msk $0xffff, v8  }
0x4a1: {  	v12 =	vor.u32 v27, v47;
	v7 =	vld.idx.msk [tilespmem:v7+s15+$0x0], $0xffff;
	v5 =	vor.u32 v31, v58;
	[tilespmem:v13+s17+$0x0] =	vst.idx.msk $0xffff, v16  }
0x4a2: {  	v15 =	vor.u32 v29, v39;
	v14 =	vor.u32 v22, v1;
	v9 =	vor.u32 v27, v56;
	v27 =	vld [tilespmem:$0x1FF40]  }
0x4a3: {  	v21 =	vld.idx.msk [tilespmem:v63+s15+$0x0], $0xffff;
	v18 =	vor.u32 v31, v10  }
0x4a4: {  	v2 =	vor.u32 v31, v37;
	v3 =	vld.idx.msk [tilespmem:v3+s15+$0x0], $0xffff  }
0x4a5: {  	v6 =	vor.u32 v29, v51;
	v4 =	vld.idx.msk [tilespmem:v4+s15+$0x0], $0xffff;
	v8 =	vor.u32 v22, v53  }
0x4a6: {  	v12 =	vld.idx.msk [tilespmem:v12+s15+$0x0], $0xffff;
	v13 =	vor.u32 v31, v48;
	[tilespmem:v5+s17+$0x0] =	vst.idx.msk $0xffff, v17  }
0x4a7: {  	v16 =	vor.u32 v22, v50;
	[tilespmem:v15+s17+$0x0] =	vst.idx.msk $0xffff, v7;
	v14 =	vld.idx.msk [tilespmem:v14+s15+$0x0], $0xffff;
	v11 =	vor.u32 v27, v54  }
0x4a8: {  	[tilespmem:v18+s17+$0x0] =	vst.idx.msk $0xffff, v21  }
0x4a9: {  	v5 =	vor.u32 v22, v47;
	[tilespmem:v2+s17+$0x0] =	vst.idx.msk $0xffff, v3  }
0x4aa: {  	v7 =	vor.u32 v22, v44;
	[tilespmem:v6+s17+$0x0] =	vst.idx.msk $0xffff, v4;
	v8 =	vld.idx.msk [tilespmem:v8+s15+$0x0], $0xffff;
	v17 =	vor.u32 v27, v58  }
0x4ab: {  	v9 =	vld.idx.msk [tilespmem:v9+s15+$0x0], $0xffff;
	[tilespmem:v13+s17+$0x0] =	vst.idx.msk $0xffff, v12  }
0x4ac: {  	v12 =	vor.u32 v31, v39;
	v3 =	vld.idx.msk [tilespmem:v16+s15+$0x0], $0xffff;
	[tilespmem:v11+s17+$0x0] =	vst.idx.msk $0xffff, v14  }
0x4ad: {  	v15 =	vor.u32 v25, v1;
	v29 =	vld [tilespmem:$0x1FF00]  }
0x4ae: {  	v2 =	vor.u32 v25, v53;
	v13 =	vor.u32 v27, v10;
	v5 =	vld.idx.msk [tilespmem:v5+s15+$0x0], $0xffff  }
0x4af: {  	v16 =	vor.u32 v22, v56;
	v6 =	vld.idx.msk [tilespmem:v7+s15+$0x0], $0xffff;
	v11 =	vor.u32 v27, v48;
	[tilespmem:v17+s17+$0x0] =	vst.idx.msk $0xffff, v8  }
0x4b0: {  	v4 =	vor.u32 v27, v37;
	v14 =	vor.u32 v25, v50;
	v17 =	vld [tilespmem:$0x1FE50]  }
0x4b1: {  	v18 =	vor.u32 v31, v51;
	[tilespmem:v12+s17+$0x0] =	vst.idx.msk $0xffff, v9;
	v12 =	vld.idx.msk [tilespmem:v19+s15+$0x0], $0xffff  }
0x4b2: {  	v15 =	vld.idx.msk [tilespmem:v15+s15+$0x0], $0xffff;
	v7 =	vor.u32 v29, v54  }
0x4b3: {  	v2 =	vld.idx.msk [tilespmem:v2+s15+$0x0], $0xffff;
	[tilespmem:v13+s17+$0x0] =	vst.idx.msk $0xffff, v3;
	v3 =	vor.u32 v29, v58  }
0x4b4: {  	v16 =	vld.idx.msk [tilespmem:v16+s15+$0x0], $0xffff;
	[tilespmem:v11+s17+$0x0] =	vst.idx.msk $0xffff, v5;
	v5 =	vor.u32 v27, v39  }
0x4b5: {  	v8 =	vor.u32 v25, v47;
	[tilespmem:v4+s17+$0x0] =	vst.idx.msk $0xffff, v6;
	v6 =	vld.idx.msk [tilespmem:v14+s15+$0x0], $0xffff;
	v11 =	vor.u32 v29, v10  }
0x4b6: {  	[tilespmem:v18+s17+$0x0] =	vst.idx.msk $0xffff, v12  }
0x4b7: {  	[tilespmem:v7+s17+$0x0] =	vst.idx.msk $0xffff, v15  }
0x4b8: {  	v9 =	vor.u32 v25, v44;
	v18 =	vld [tilespmem:$0x1FE60];
	[tilespmem:v3+s17+$0x0] =	vst.idx.msk $0xffff, v2  }
0x4b9: {  	v19 =	vor.u32 v30, v1;
	v31 =	vld [tilespmem:$0x1FFC0];
	[tilespmem:v5+s17+$0x0] =	vst.idx.msk $0xffff, v16  }
0x4ba: {  	v4 =	vor.u32 v30, v53;
	v8 =	vld.idx.msk [tilespmem:v8+s15+$0x0], $0xffff;
	v7 =	vor.u32 v29, v48;
	[tilespmem:v11+s17+$0x0] =	vst.idx.msk $0xffff, v6  }
0x4bb: {  	v2 =	vld [tilespmem:$0x1FE70]  }
0x4bc: {  	v20 =	vor.u32 v20, v49  }
0x4bd: {  	v14 =	vor.u32 v25, v56;
	v9 =	vld.idx.msk [tilespmem:v9+s15+$0x0], $0xffff  }
0x4be: {  	v13 =	vor.u32 v22, v45;
	v19 =	vld.idx.msk [tilespmem:v19+s15+$0x0], $0xffff;
	v16 =	vor.u32 v30, v47  }
0x4bf: {  	v12 =	vor.u32 v29, v37;
	v15 =	vor.u32 v30, v50;
	v22 =	vld.idx.msk [tilespmem:v4+s15+$0x0], $0xffff;
	[tilespmem:v7+s17+$0x0] =	vst.idx.msk $0xffff, v8  }
0x4c0: {  	v3 =	vor.u32 v31, v54;
	v4 =	vor.u32 v2, v46;
	v2 =	vld [tilespmem:$0x1FE80]  }
0x4c1: {  	v20 =	vld.idx.msk [tilespmem:v20+s15+$0x0], $0xffff;
	v17 =	vor.u32 v17, v46  }
0x4c2: {  	v11 =	vld.idx.msk [tilespmem:v14+s15+$0x0], $0xffff;
	v6 =	vor.u32 v31, v58  }
0x4c3: {  	v21 =	vor.u32 v30, v44;
	v7 =	vor.u32 v29, v39;
	v14 =	vld.idx.msk [tilespmem:v16+s15+$0x0], $0xffff  }
0x4c4: {  	v8 =	vor.u32 v31, v10;
	[tilespmem:v12+s17+$0x0] =	vst.idx.msk $0xffff, v9;
	v9 =	vld.idx.msk [tilespmem:v15+s15+$0x0], $0xffff;
	v12 =	vor.u32 v26, v1  }
0x4c5: {  	v15 =	vor.u32 v31, v48;
	v5 =	vor.u32 v2, v49;
	v2 =	vld [tilespmem:$0x1FE90];
	[tilespmem:v3+s17+$0x0] =	vst.idx.msk $0xffff, v19  }
0x4c6: {  	v3 =	vld [tilespmem:$0x1FF10];
	[tilespmem:v17+s17+$0x0] =	vst.idx.msk $0xffff, v20  }
0x4c7: {  	[tilespmem:v6+s17+$0x0] =	vst.idx.msk $0xffff, v22  }
0x4c8: {  	v55 =	vor.u32 v38, v50;
	v6 =	vld [tilespmem:$0x1FEA0];
	[tilespmem:v7+s17+$0x0] =	vst.idx.msk $0xffff, v11  }
0x4c9: {  	v16 =	vor.u32 v31, v37;
	v19 =	vld.idx.msk [tilespmem:v21+s15+$0x0], $0xffff;
	v17 =	vor.u32 v26, v50;
	[tilespmem:v8+s17+$0x0] =	vst.idx.msk $0xffff, v9  }
0x4ca: {  	v41 =	vld.idx.msk [tilespmem:v12+s15+$0x0], $0xffff;
	v50 =	vor.u32 v38, v1;
	v1 =	vor.u32 v26, v47;
	[tilespmem:v15+s17+$0x0] =	vst.idx.msk $0xffff, v14  }
0x4cb: {  	v22 =	vor.u32 v24, v54;
	v8 =	vld [tilespmem:$0x1FFE0]  }
0x4cc: {  	v42 =	vor.u32 v38, v53;
	v32 =	vor.u32 v24, v51;
	v35 =	vor.u32 v26, v44  }
0x4cd: {  	v43 =	vor.u32 v30, v45;
	v34 =	vor.u32 v25, v45;
	v18 =	vor.u32 v18, v49  }
0x4ce: {  	v25 =	vor.u32 v38, v56;
	v13 =	vld.idx.msk [tilespmem:v13+s15+$0x0], $0xffff;
	v21 =	vor.u32 v30, v56;
	v12 =	vor.u32 v40, v54  }
0x4cf: {  	v54 =	vor.u32 v24, v58;
	v58 =	vor.u32 v26, v56;
	[tilespmem:v16+s17+$0x0] =	vst.idx.msk $0xffff, v19;
	v56 =	vld.idx.msk [tilespmem:v1+s15+$0x0], $0xffff  }
0x4d0: {  	v20 =	vor.u32 v26, v53;
	v62 =	vor.u32 v8, v46;
	v8 =	vld [tilespmem:$0x1FEB0];
	[tilespmem:v22+s17+$0x0] =	vst.idx.msk $0xffff, v41  }
0x4d1: {  	v33 =	vor.u32 v40, v51;
	v57 =	vor.u32 v40, v10;
	v7 =	vor.u32 v29, v51;
	v1 =	vld [tilespmem:$0x1FEC0]  }
0x4d2: {  	v11 =	vor.u32 v27, v51;
	v52 =	vld.idx.msk [tilespmem:v18+s15+$0x0], $0xffff;
	v9 =	vor.u32 v31, v51;
	v51 =	vor.u32 v24, v37  }
0x4d3: {  	v15 =	vor.u32 v24, v48;
	v2 =	vor.u32 v2, v46;
	v16 =	vld.idx.msk [tilespmem:v21+s15+$0x0], $0xffff;
	v3 =	vor.u32 v3, v49  }
0x4d4: {  	v59 =	vld.idx.msk [tilespmem:v17+s15+$0x0], $0xffff;
	v17 =	vor.u32 v31, v39;
	v61 =	vor.u32 v6, v46;
	v6 =	vor.u32 v24, v10  }
0x4d5: {  	v53 =	vld.idx.msk [tilespmem:v20+s15+$0x0], $0xffff;
	v10 =	vor.u32 v40, v48;
	v63 =	vor.u32 v8, v49;
	v8 =	vor.u32 v26, v45  }
0x4d6: {  	s1 =	simm.s32 $0x8;
	v49 =	vor.u32 v38, v44;
	v60 =	vor.u32 v1, v46;
	v46 =	vld.idx.msk [tilespmem:v35+s15+$0x0], $0xffff;
	v1 =	vor.u32 v38, v47  }
.LBB2_16:
0x4d7: {  	v24 =	vld [tilespmem:$0x1FFB0]  }
0x4d8: {  	v22 =	vld.idx.msk [tilespmem:v50+s15+$0x0], $0xffff  }
0x4d9: {  	v30 =	vld [tilespmem:$0x1FF80]  }
0x4da: {  	v29 =	vld [tilespmem:$0x1FEE0]  }
0x4db: {  	[tilespmem:v11+s17+$0x0] =	vst.idx.msk $0xffff, v13;
	s31 =	sadd.s32 $0x2, s1;
	v27 =	vld [tilespmem:$0x1FEF0]  }
0x4dc: {  	s0 =	sadd.s32 $0x1, s1;
	v26 =	vld [tilespmem:$0x1FFD0];
	v35 =	vadd.s32 s31, v0;
	s31 =	smov.u32 s1;
	[tilespmem:v4+s17+$0x0] =	vst.idx.msk $0xffff, v52  }
0x4dd: {  	v31 =	vld [tilespmem:$0x1FFA0];
	v20 =	vadd.s32 s0, v0;
	s0 =	sadd.s32 $0x4, s31;
	[tilespmem:v17+s17+$0x0] =	vst.idx.msk $0xffff, v16  }
0x4de: {  	s6 =	sadd.s32 $0x5, s1;
	v47 =	vadd.s32 s0, v0;
	[tilespmem:v54+s17+$0x0] =	vst.idx.msk $0xffff, v53;
	v13 =	vor.u32 v24, v39;
	v39 =	vld.idx.msk [tilespmem:v5+s15+$0x0], $0xffff  }
0x4df: {  	v18 =	vor.u32 v40, v37;
	v37 =	vadd.s32 s6, v0;
	[tilespmem:v15+s17+$0x0] =	vst.idx.msk $0xffff, v56;
	v54 =	vand.u32 $0x3F, v47;
	v41 =	vld.idx.msk [tilespmem:v34+s15+$0x0], $0xffff  }
0x4e0: {  	v50 =	vand.u32 $0x3F, v37;
	[tilespmem:v51+s17+$0x0] =	vst.idx.msk $0xffff, v46;
	v17 =	vld.idx.msk [tilespmem:v58+s15+$0x0], $0xffff;
	v56 =	vor.u32 v30, v54  }
0x4e1: {  	v5 =	vmov v33;
	v33 =	vld.idx.msk [tilespmem:v49+s15+$0x0], $0xffff;
	v34 =	vor.u32 v30, v50  }
0x4e2: {  	v45 =	vand.u32 $0x3F, v35;
	v42 =	vld.idx.msk [tilespmem:v42+s15+$0x0], $0xffff  }
0x4e3: {  	v14 =	vadd.s32 s1, v0;
	s11 =	sadd.s32 $0x7, s1;
	v40 =	vor.u32 v30, v45;
	[tilespmem:v2+s17+$0x0] =	vst.idx.msk $0xffff, v39;
	v2 =	vld [tilespmem:$0x1FE20]  }
0x4e4: {  	v19 =	vshll.u32 v14, $0x7;
	v16 =	vadd.s32 s11, v0;
	[tilespmem:v6+s17+$0x0] =	vst.idx.msk $0xffff, v59;
	v1 =	vld.idx.msk [tilespmem:v1+s15+$0x0], $0xffff  }
0x4e5: {  	v51 =	vand.u32 $0x38, v14;
	[tilespmem:v12+s17+$0x0] =	vst.idx.msk $0xffff, v22;
	v14 =	vshll.u32 v16, $0x7;
	v48 =	vand.u32 $0x3F, v16;
	v16 =	vld.idx.msk [tilespmem:v56+s15+$0x0], $0xffff  }
0x4e6: {  	v34 =	vld.idx.msk [tilespmem:v34+s15+$0x0], $0xffff  }
0x4e7: {  	v44 =	vand.u32 $0x3F, v20;
	v46 =	vand.u32 $0x1F80, v14;
	v14 =	vld.idx.msk [tilespmem:v3+s15+$0x0], $0xffff  }
0x4e8: {  	v58 =	vor.u32 v30, v44;
	[tilespmem:v13+s17+$0x0] =	vst.idx.msk $0xffff, v17;
	v12 =	vor.u32 v2, v51;
	v2 =	vld.idx.msk [tilespmem:v40+s15+$0x0], $0xffff  }
0x4e9: {  	v4 =	vor.u32 v38, v45;
	v38 =	vshll.u32 v47, $0x7;
	[tilespmem:v7+s17+$0x0] =	vst.idx.msk $0xffff, v41;
	v7 =	vld [tilespmem:$0x1FFF0]  }
0x4ea: {  	v49 =	vand.u32 $0x1F80, v38;
	v40 =	vld.idx.msk [tilespmem:v25+s15+$0x0], $0xffff  }
0x4eb: {  	v38 =	vor.u32 v30, v48;
	v41 =	vor.u32 v0, v49;
	v25 =	vld [tilespmem:$0x1FF50]  }
0x4ec: {  	v17 =	vld.idx.msk [tilespmem:v43+s15+$0x0], $0xffff  }
0x4ed: {  	[tilespmem:v61+s17+$0x0] =	vst.idx.msk $0xffff, v14;
	v61 =	vld.idx.msk [tilespmem:v58+s15+$0x0], $0xffff  }
0x4ee: {  	v13 =	vshll.u32 v37, $0x7;
	[tilespmem:v10+s17+$0x0] =	vst.idx.msk $0xffff, v1;
	v10 =	vor.u32 v23, v54;
	v36 =	vld.idx.msk [tilespmem:v36+s15+$0x0], $0xffff  }
0x4ef: {  	v47 =	vand.u32 $0x1C00, v19;
	v56 =	vand.u32 $0x1F80, v13;
	v19 =	vor.u32 v7, v51;
	v7 =	vld [tilespmem:$0x1FE10]  }
0x4f0: {  	v1 =	vor.u32 v0, v56;
	[tilespmem:v41+s17+$0x0] =	vst.idx.msk $0xffff, v16;
	v16 =	vld.idx.msk [tilespmem:v38+s15+$0x0], $0xffff  }
0x4f1: {  	s3 =	sadd.s32 $0x3, s1;
	[tilespmem:v28+s17+$0x0] =	vst.idx.msk $0xffff, v42;
	v42 =	vor.u32 v23, v50;
	v41 =	vmov v4;
	v4 =	vld [tilespmem:$0x1FF60]  }
0x4f2: {  	v21 =	vadd.s32 s3, v0;
	s3 =	sadd.s32 $0x6, s1;
	[tilespmem:v9+s17+$0x0] =	vst.idx.msk $0xffff, v17;
	v9 =	vld [tilespmem:$0x1FF70]  }
0x4f3: {  	v15 =	vadd.s32 s3, v0;
	v13 =	vor.u32 v0, v46;
	v10 =	vld.idx.msk [tilespmem:v10+s15+$0x0], $0xffff  }
0x4f4: {  	v11 =	vmov v32;
	v32 =	vshll.u32 v15, $0x7;
	v58 =	vand.u32 $0x3F, v15;
	v15 =	vld.idx.msk [tilespmem:v8+s15+$0x0], $0xffff  }
0x4f5: {  	[tilespmem:v1+s17+$0x0] =	vst.idx.msk $0xffff, v34;
	v8 =	vld [tilespmem:$0x1FB50]  }
0x4f6: {  	[tilespmem:v62+s17+$0x0] =	vst.idx.msk $0xffff, v36;
	v62 =	vld.idx.msk [tilespmem:v42+s15+$0x0], $0xffff  }
0x4f7: {  	v53 =	vand.u32 $0x3F, v21;
	v21 =	vshll.u32 v21, $0x7;
	v42 =	vld [tilespmem:$0x1FF30]  }
0x4f8: {  	v59 =	vand.u32 $0x1F80, v21;
	[tilespmem:v13+s17+$0x0] =	vst.idx.msk $0xffff, v16;
	v13 =	vld [tilespmem:$0x1FB40]  }
0x4f9: {  	[tilespmem:v18+s17+$0x0] =	vst.idx.msk $0xffff, v33;
	v33 =	vor.u32 v29, v56;
	v22 =	vor.u32 v7, v47;
	v7 =	vshll.u32 v20, $0x7;
	v16 =	vld [tilespmem:$0x1FE40]  }
0x4fa: {  	v34 =	vor.u32 v27, v50;
	v37 =	vand.u32 $0x1F80, v7;
	v7 =	vld [tilespmem:$0x1FF70];
	v9 =	vor.u32 v9, v59  }
0x4fb: {  	v20 =	vor.u32 v30, v53;
	[tilespmem:$0x1FAE0] =	vst v9;
	v9 =	vor.u32 v30, v58;
	v30 =	vld [tilespmem:$0x1FF90]  }
0x4fc: {  	[tilespmem:v11+s17+$0x0] =	vst.idx.msk $0xffff, v15;
	v11 =	vld [tilespmem:$0x1FE30]  }
0x4fd: {  	v35 =	vshll.u32 v35, $0x7;
	v14 =	vor.u32 v0, v37;
	v15 =	vld.idx.msk [tilespmem:v19+s15+$0x0], $0xffff  }
0x4fe: {  	v52 =	vand.u32 $0x1F80, v35;
	v19 =	vld [tilespmem:$0x1FF70];
	[tilespmem:v33+s17+$0x0] =	vst.idx.msk $0xffff, v62  }
0x4ff: {  	v6 =	vor.u32 v24, v52;
	v39 =	vand.u32 $0x1F80, v32;
	v33 =	vld.idx.msk [tilespmem:v34+s15+$0x0], $0xffff  }
0x500: {  	[tilespmem:$0x1FB20] =	vst v6;
	v20 =	vld.idx.msk [tilespmem:v20+s15+$0x0], $0xffff;
	v43 =	vor.u32 v7, v39  }
0x501: {  	v17 =	vor.u32 v0, v59;
	[tilespmem:v8+s17+$0x0] =	vst.idx.msk $0xffff, v40;
	v1 =	vmov v43;
	v43 =	vld.idx.msk [tilespmem:v55+s15+$0x0], $0xffff  }
0x502: {  	v21 =	vor.u32 v23, v53;
	[tilespmem:v14+s17+$0x0] =	vst.idx.msk $0xffff, v61;
	v55 =	vld.idx.msk [tilespmem:v63+s15+$0x0], $0xffff  }
0x503: {  	v61 =	vor.u32 v23, v44;
	v38 =	vld.idx.msk [tilespmem:v9+s15+$0x0], $0xffff;
	[tilespmem:$0x1FB50] =	vst v1;
	v1 =	vor.u32 v26, v44  }
0x504: {  	v14 =	vor.u32 v23, v48;
	v9 =	vld [tilespmem:$0x1FF60];
	[tilespmem:$0x1FB30] =	vst v1;
	v1 =	vor.u32 v30, v51  }
0x505: {  	v13 =	vld.idx.msk [tilespmem:v13+s15+$0x0], $0xffff;
	[tilespmem:$0x1FAD0] =	vst v1  }
0x506: {  	v35 =	vor.u32 v29, v49;
	v30 =	vld [tilespmem:$0x1FF20];
	v1 =	vor.u32 v25, v45;
	[tilespmem:v17+s17+$0x0] =	vst.idx.msk $0xffff, v20  }
0x507: {  	[tilespmem:$0x1FB00] =	vst v1;
	v21 =	vld.idx.msk [tilespmem:v21+s15+$0x0], $0xffff  }
0x508: {  	v1 =	vor.u32 v19, v52;
	[tilespmem:v60+s17+$0x0] =	vst.idx.msk $0xffff, v55;
	v55 =	vld.idx.msk [tilespmem:v61+s15+$0x0], $0xffff  }
0x509: {  	v18 =	vor.u32 v27, v54;
	[tilespmem:$0x1FB10] =	vst v1;
	v14 =	vld.idx.msk [tilespmem:v14+s15+$0x0], $0xffff  }
0x50a: {  	[tilespmem:v57+s17+$0x0] =	vst.idx.msk $0xffff, v43;
	v1 =	vor.u32 v9, v53;
	v9 =	vld [tilespmem:$0x1FE50]  }
0x50b: {  	v3 =	vor.u32 v0, v52;
	v43 =	vld [tilespmem:$0x1FF40];
	[tilespmem:v35+s17+$0x0] =	vst.idx.msk $0xffff, v10  }
0x50c: {  	v6 =	vor.u32 v23, v45;
	v32 =	vor.u32 v0, v39;
	v17 =	vor.u32 v29, v59;
	[tilespmem:$0x1FAF0] =	vst v1;
	v10 =	vld [tilespmem:$0x1FE60]  }
0x50d: {  	v19 =	vor.u32 v27, v53;
	[tilespmem:v5+s17+$0x0] =	vst.idx.msk $0xffff, v13;
	v1 =	vor.u32 v4, v58;
	v4 =	vld [tilespmem:$0x1FE70]  }
0x50e: {  	v60 =	vor.u32 v29, v37;
	[tilespmem:v22+s17+$0x0] =	vst.idx.msk $0xffff, v15;
	v5 =	vor.u32 v23, v58;
	v15 =	vld.idx.msk [tilespmem:v18+s15+$0x0], $0xffff  }
0x50f: {  	v61 =	vor.u32 v27, v44;
	v12 =	vld.idx.msk [tilespmem:v12+s15+$0x0], $0xffff  }
0x510: {  	v40 =	vor.u32 v29, v46;
	[tilespmem:v3+s17+$0x0] =	vst.idx.msk $0xffff, v2;
	v2 =	vld [tilespmem:$0x1FE90]  }
0x511: {  	v11 =	vor.u32 v11, v47;
	v35 =	vor.u32 v27, v48;
	v6 =	vld.idx.msk [tilespmem:v6+s15+$0x0], $0xffff;
	[tilespmem:v17+s17+$0x0] =	vst.idx.msk $0xffff, v21  }
0x512: {  	[tilespmem:v32+s17+$0x0] =	vst.idx.msk $0xffff, v38;
	v19 =	vld.idx.msk [tilespmem:v19+s15+$0x0], $0xffff  }
0x513: {  	v16 =	vor.u32 v16, v51;
	v36 =	vor.u32 v30, v56;
	[tilespmem:v60+s17+$0x0] =	vst.idx.msk $0xffff, v55;
	v60 =	vld.idx.msk [tilespmem:v5+s15+$0x0], $0xffff  }
0x514: {  	v57 =	vor.u32 v42, v50;
	v20 =	vor.u32 v30, v49;
	v61 =	vld.idx.msk [tilespmem:v61+s15+$0x0], $0xffff  }
0x515: {  	v63 =	vor.u32 v42, v54;
	[tilespmem:v40+s17+$0x0] =	vst.idx.msk $0xffff, v14;
	v5 =	vld [tilespmem:$0x1FE80]  }
0x516: {  	v7 =	vor.u32 v29, v52;
	[tilespmem:v11+s17+$0x0] =	vst.idx.msk $0xffff, v12;
	v12 =	vld.idx.msk [tilespmem:v35+s15+$0x0], $0xffff  }
0x517: {  	[tilespmem:$0x1FB40] =	vst v41;
	v8 =	vor.u32 v27, v45;
	v32 =	vor.u32 v30, v59;
	v11 =	vor.u32 v27, v58;
	v27 =	vld [tilespmem:$0x1FF00]  }
0x518: {  	v55 =	vor.u32 v42, v53;
	[tilespmem:v36+s17+$0x0] =	vst.idx.msk $0xffff, v33;
	v16 =	vld.idx.msk [tilespmem:v16+s15+$0x0], $0xffff  }
0x519: {  	v41 =	vor.u32 v29, v39;
	[tilespmem:v20+s17+$0x0] =	vst.idx.msk $0xffff, v15;
	v3 =	vld.idx.msk [tilespmem:v57+s15+$0x0], $0xffff  }
0x51a: {  	v38 =	vor.u32 v30, v37;
	v20 =	vld.idx.msk [tilespmem:v63+s15+$0x0], $0xffff  }
0x51b: {  	v62 =	vor.u32 v42, v44;
	v14 =	vor.u32 v30, v46;
	[tilespmem:v7+s17+$0x0] =	vst.idx.msk $0xffff, v6;
	v63 =	vld [tilespmem:$0x1FF60]  }
0x51c: {  	v33 =	vor.u32 v42, v48;
	v7 =	vld.idx.msk [tilespmem:v8+s15+$0x0], $0xffff;
	[tilespmem:v32+s17+$0x0] =	vst.idx.msk $0xffff, v19  }
0x51d: {  	v34 =	vor.u32 v25, v50;
	v13 =	vor.u32 v30, v52;
	v21 =	vor.u32 v43, v56;
	v36 =	vld.idx.msk [tilespmem:v55+s15+$0x0], $0xffff  }
0x51e: {  	v22 =	vor.u32 v43, v49;
	[tilespmem:v41+s17+$0x0] =	vst.idx.msk $0xffff, v60;
	v60 =	vor.u32 v30, v39;
	v30 =	vld [tilespmem:$0x1FFC0]  }
0x51f: {  	v17 =	vor.u32 v25, v54;
	[tilespmem:v38+s17+$0x0] =	vst.idx.msk $0xffff, v61;
	v11 =	vld.idx.msk [tilespmem:v11+s15+$0x0], $0xffff  }
0x520: {  	v18 =	vor.u32 v42, v45;
	[tilespmem:v14+s17+$0x0] =	vst.idx.msk $0xffff, v12;
	v38 =	vld.idx.msk [tilespmem:v62+s15+$0x0], $0xffff  }
0x521: {  	v40 =	vor.u32 v43, v59;
	v14 =	vld.idx.msk [tilespmem:v33+s15+$0x0], $0xffff  }
0x522: {  	v57 =	vor.u32 v25, v53;
	[tilespmem:v21+s17+$0x0] =	vst.idx.msk $0xffff, v3;
	v3 =	vld [tilespmem:$0x1FF10]  }
0x523: {  	v41 =	vor.u32 v43, v37;
	v12 =	vor.u32 v42, v58;
	[tilespmem:v22+s17+$0x0] =	vst.idx.msk $0xffff, v20;
	v6 =	vld.idx.msk [tilespmem:v34+s15+$0x0], $0xffff  }
0x524: {  	v33 =	vor.u32 v43, v46;
	v17 =	vld.idx.msk [tilespmem:v17+s15+$0x0], $0xffff;
	[tilespmem:v13+s17+$0x0] =	vst.idx.msk $0xffff, v7  }
0x525: {  	v15 =	vor.u32 v25, v44;
	v13 =	vld.idx.msk [tilespmem:v18+s15+$0x0], $0xffff  }
0x526: {  	v32 =	vor.u32 v27, v56;
	v21 =	vor.u32 v25, v48;
	v18 =	vld [tilespmem:$0x1FF60];
	[tilespmem:v40+s17+$0x0] =	vst.idx.msk $0xffff, v36  }
0x527: {  	v55 =	vor.u32 v31, v50;
	v35 =	vor.u32 v27, v49;
	v36 =	vld.idx.msk [tilespmem:v57+s15+$0x0], $0xffff;
	[tilespmem:v60+s17+$0x0] =	vst.idx.msk $0xffff, v11  }
0x528: {  	v19 =	vor.u32 v31, v54;
	v40 =	vor.u32 v27, v59;
	[tilespmem:v41+s17+$0x0] =	vst.idx.msk $0xffff, v38;
	v12 =	vld.idx.msk [tilespmem:v12+s15+$0x0], $0xffff  }
0x529: {  	v60 =	vor.u32 v31, v53;
	[tilespmem:v33+s17+$0x0] =	vst.idx.msk $0xffff, v14;
	v14 =	vor.u32 v25, v58;
	v25 =	vld [tilespmem:$0x1FEA0]  }
0x52a: {  	v11 =	vor.u32 v27, v37;
	v15 =	vld.idx.msk [tilespmem:v15+s15+$0x0], $0xffff  }
0x52b: {  	v22 =	vor.u32 v43, v39;
	v21 =	vld.idx.msk [tilespmem:v21+s15+$0x0], $0xffff;
	[tilespmem:v32+s17+$0x0] =	vst.idx.msk $0xffff, v6  }
0x52c: {  	[tilespmem:v35+s17+$0x0] =	vst.idx.msk $0xffff, v17;
	v38 =	vld.idx.msk [tilespmem:v55+s15+$0x0], $0xffff  }
0x52d: {  	v20 =	vor.u32 v31, v44;
	v33 =	vor.u32 v27, v46;
	v17 =	vld.idx.msk [tilespmem:v19+s15+$0x0], $0xffff;
	[tilespmem:v40+s17+$0x0] =	vst.idx.msk $0xffff, v36  }
0x52e: {  	v62 =	vor.u32 v31, v48;
	v36 =	vld.idx.msk [tilespmem:v60+s15+$0x0], $0xffff  }
0x52f: {  	v8 =	vor.u32 v30, v56;
	[tilespmem:v11+s17+$0x0] =	vst.idx.msk $0xffff, v15;
	v11 =	vld [tilespmem:$0x1FFE0]  }
0x530: {  	v61 =	vor.u32 v25, v47;
	v25 =	vmov v1;
	[tilespmem:v22+s17+$0x0] =	vst.idx.msk $0xffff, v12;
	v1 =	vld [tilespmem:$0x1FB30]  }
0x531: {  	v42 =	vor.u32 v30, v49;
	v14 =	vld.idx.msk [tilespmem:v14+s15+$0x0], $0xffff  }
0x532: {  	v57 =	vor.u32 v26, v50;
	[tilespmem:v33+s17+$0x0] =	vst.idx.msk $0xffff, v21;
	v20 =	vld.idx.msk [tilespmem:v20+s15+$0x0], $0xffff  }
0x533: {  	v9 =	vor.u32 v9, v47;
	v34 =	vor.u32 v26, v54;
	v32 =	vld.idx.msk [tilespmem:v62+s15+$0x0], $0xffff  }
0x534: {  	[tilespmem:v8+s17+$0x0] =	vst.idx.msk $0xffff, v38;
	v38 =	vld [tilespmem:$0x1FF60]  }
0x535: {  	v10 =	vor.u32 v10, v51;
	v8 =	vld [tilespmem:$0x1FEB0]  }
0x536: {  	v40 =	vor.u32 v30, v59;
	[tilespmem:v42+s17+$0x0] =	vst.idx.msk $0xffff, v17;
	v42 =	vld [tilespmem:$0x1FAF0]  }
0x537: {  	v28 =	vor.u32 v31, v45;
	v35 =	vld.idx.msk [tilespmem:v57+s15+$0x0], $0xffff  }
0x538: {  	[tilespmem:v9+s17+$0x0] =	vst.idx.msk $0xffff, v16;
	v55 =	vor.u32 v18, v54;
	v54 =	vor.u32 v24, v59;
	v59 =	vld.idx.msk [tilespmem:v34+s15+$0x0], $0xffff  }
0x539: {  	v7 =	vor.u32 v27, v52;
	v9 =	vor.u32 v30, v52;
	v41 =	vor.u32 v26, v53;
	v34 =	vld [tilespmem:$0x1FB00]  }
0x53a: {  	v19 =	vor.u32 v27, v39;
	v62 =	vor.u32 v11, v47;
	v11 =	vor.u32 v43, v52;
	v52 =	vld.idx.msk [tilespmem:v10+s15+$0x0], $0xffff  }
0x53b: {  	v22 =	vor.u32 v30, v37;
	v15 =	vor.u32 v31, v58;
	[tilespmem:v40+s17+$0x0] =	vst.idx.msk $0xffff, v36;
	v36 =	vld [tilespmem:$0x1FAD0]  }
0x53c: {  	v33 =	vor.u32 v30, v46;
	v43 =	vmov v28;
	v28 =	vld [tilespmem:$0x1FAE0]  }
0x53d: {  	v4 =	vor.u32 v4, v47;
	v2 =	vor.u32 v2, v47;
	v18 =	vor.u32 v24, v56;
	v40 =	vld [tilespmem:$0x1FF70]  }
0x53e: {  	v5 =	vor.u32 v5, v51;
	v50 =	vor.u32 v63, v50;
	v21 =	vor.u32 v26, v48;
	v53 =	vld.idx.msk [tilespmem:v41+s15+$0x0], $0xffff  }
0x53f: {  	p0 =	slt.u32 s1, $0x38;
	v3 =	vor.u32 v3, v51;
	v6 =	vor.u32 v24, v49;
	[tilespmem:v19+s17+$0x0] =	vst.idx.msk $0xffff, v14;
	v14 =	vld [tilespmem:$0x1FEC0]  }
.Ltmp10:
0x540: {  	v58 =	vor.u32 v26, v58;
	v17 =	vor.u32 v30, v39;
	[tilespmem:v22+s17+$0x0] =	vst.idx.msk $0xffff, v20;
	v16 =	vld.idx.msk [tilespmem:v15+s15+$0x0], $0xffff;
	(pc) =	sbr.rel @p0 .LBB2_16-.Ltmp10, $4  }
0x541: {  	v63 =	vor.u32 v8, v51;
	v8 =	vor.u32 v26, v45;
	[tilespmem:v33+s17+$0x0] =	vst.idx.msk $0xffff, v32;
	v33 =	vld [tilespmem:$0x1FB10]  }
0x542: {  	v51 =	vor.u32 v24, v37;
	v32 =	vld [tilespmem:$0x1FB20];
	v15 =	vor.u32 v24, v46;
	[tilespmem:v18+s17+$0x0] =	vst.idx.msk $0xffff, v35  }
0x543: {  	v12 =	vor.u32 v40, v56;
	v57 =	vor.u32 v40, v49;
	v10 =	vor.u32 v40, v46;
	v56 =	vld.idx.msk [tilespmem:v21+s15+$0x0], $0xffff  }
0x544: {  	s1 =	sadd.s32 $0x8, s1;
	v49 =	vor.u32 v38, v44;
	v46 =	vld.idx.msk [tilespmem:v1+s15+$0x0], $0xffff;
	v1 =	vor.u32 v38, v48;
	v60 =	vor.u32 v14, v47  }
0x545: {  	_ =	sdelay $0x3  }
0x546: {  	[tilespmem:v4+s17+$0x0] =	vst.idx.msk $0xffff, v52  }
0x547: {  	[tilespmem:v11+s17+$0x0] =	vst.idx.msk $0xffff, v13;
	v4 =	vld.idx.msk [tilespmem:v5+s15+$0x0], $0xffff  }
0x548: {  	v5 =	vld.idx.msk [tilespmem:v34+s15+$0x0], $0xffff;
	_ =	sdelay $0x1  }
0x549: {  	[tilespmem:v17+s17+$0x0] =	vst.idx.msk $0xffff, v16  }
0x54a: {  	[tilespmem:v54+s17+$0x0] =	vst.idx.msk $0xffff, v53  }
0x54b: {  	[tilespmem:v2+s17+$0x0] =	vst.idx.msk $0xffff, v4;
	v4 =	vld.idx.msk [tilespmem:v50+s15+$0x0], $0xffff  }
0x54c: {  	[tilespmem:v7+s17+$0x0] =	vst.idx.msk $0xffff, v5;
	v2 =	vld.idx.msk [tilespmem:v3+s15+$0x0], $0xffff  }
0x54d: {  	v24 =	vld [tilespmem:$0x1FFB0]  }
0x54e: {  	v3 =	vld.idx.msk [tilespmem:v43+s15+$0x0], $0xffff  }
0x54f: {  	[tilespmem:v15+s17+$0x0] =	vst.idx.msk $0xffff, v56  }
0x550: {  	[tilespmem:v51+s17+$0x0] =	vst.idx.msk $0xffff, v46;
	v1 =	vld.idx.msk [tilespmem:v1+s15+$0x0], $0xffff  }
0x551: {  	[tilespmem:v12+s17+$0x0] =	vst.idx.msk $0xffff, v4;
	v4 =	vld.idx.msk [tilespmem:v42+s15+$0x0], $0xffff  }
0x552: {  	v7 =	vld.idx.msk [tilespmem:v58+s15+$0x0], $0xffff;
	v5 =	vor.u32 v24, v39;
	[tilespmem:v61+s17+$0x0] =	vst.idx.msk $0xffff, v2  }
0x553: {  	[tilespmem:v9+s17+$0x0] =	vst.idx.msk $0xffff, v3;
	v2 =	vld.idx.msk [tilespmem:v36+s15+$0x0], $0xffff  }
0x554: {  	[tilespmem:v6+s17+$0x0] =	vst.idx.msk $0xffff, v59;
	v3 =	vld.idx.msk [tilespmem:v8+s15+$0x0], $0xffff  }
0x555: {  	[tilespmem:v10+s17+$0x0] =	vst.idx.msk $0xffff, v1  }
0x556: {  	[tilespmem:v28+s17+$0x0] =	vst.idx.msk $0xffff, v4  }
0x557: {  	[tilespmem:v5+s17+$0x0] =	vst.idx.msk $0xffff, v7  }
0x558: {  	[tilespmem:v62+s17+$0x0] =	vst.idx.msk $0xffff, v2  }
0x559: {  	[tilespmem:v32+s17+$0x0] =	vst.idx.msk $0xffff, v3  }
0x55a: {  	v3 =	vld [tilespmem:$0x1FB40];
	_ =	sdelay $0x2  }
0x55b: {  	v4 =	vld [tilespmem:$0x1FB50]  }
0x55c: {  	v1 =	vld.idx.msk [tilespmem:v55+s15+$0x0], $0xffff  }
0x55d: {  	v6 =	vor.u32 v40, v37;
	v7 =	vld.idx.msk [tilespmem:v49+s15+$0x0], $0xffff  }
0x55e: {  	v5 =	vld.idx.msk [tilespmem:v25+s15+$0x0], $0xffff  }
0x55f: {  	v2 =	vld.idx.msk [tilespmem:v63+s15+$0x0], $0xffff  }
0x560: {  	v3 =	vld.idx.msk [tilespmem:v3+s15+$0x0], $0xffff  }
0x561: {  	s3 =	sadd.s32 s9, s29;
	[tilespmem:v57+s17+$0x0] =	vst.idx.msk $0xffff, v1  }
0x562: {  	s0 =	simm.s32 $0x0;
	s6 =	sshll.u32 s3, $0x7;
	[tilespmem:v6+s17+$0x0] =	vst.idx.msk $0xffff, v7  }
0x563: {  	s31 =	simm.s32 $0x2;
	s3 =	sshll.u32 s3, $0xA;
	[tilespmem:v4+s17+$0x0] =	vst.idx.msk $0xffff, v5;
	v4 =	vadd.s32 s0, v0;
	s0 =	sand.u32 $0xF00, s6  }
0x564: {  	s11 =	simm.s32 $0x3;
	s3 =	sand.u32 $0xFFF8000, s3;
	v7 =	vadd.s32 s31, v0;
	[tilespmem:v60+s17+$0x0] =	vst.idx.msk $0xffff, v2;
	s0 =	sadd.s32 s2, s0  }
0x565: {  	v6 =	vadd.s32 s11, v0;
	s11 =	simm.s32 $0x5;
	s31 =	simm.s32 $0x7;
	v45 =	vand.u32 $0x3F, v7;
	v30 =	vld [tilespmem:$0x1FF80];
	s0 =	sadd.s32 s3, s0;
	[tilespmem:v33+s17+$0x0] =	vst.idx.msk $0xffff, v3  }
0x566: {  	v10 =	vadd.s32 s11, v0;
	v3 =	vor.u32 v38, v45;
	[hbm4b:s0+s18] =	stream.strided.scatter [tilespmem:s17], [sflag:$0x4], $0x2000, s19, s18, $0x38;
	[tilespmem:$0xAD00] =	vst v63  }
0x567: {  	s11 =	simm.s32 $0x6;
	v52 =	vand.u32 $0x3F, v6;
	v7 =	vshll.u32 v7, $0x7;
	v2 =	vadd.s32 s31, v0;
	s31 =	sadd.s32 $0x380, s30;
	s6 =	simm.s32 $0x4;
	[tilespmem:$0x1FAA0] =	vst v3  }
0x568: {  	v1 =	vand.u32 $0x3F, v10;
	v12 =	vadd.s32 s11, v0;
	v3 =	vadd.s32 s6, v0;
	[tilespmem:s15], [sflag:$0x2] =	stream.indirect.gather [hbm4b:s5+s13], $0x40, s31, s13, $0xb8;
	[tilespmem:$0xAD00] =	vst v63  }
0x569: {  	s1 =	simm.s32 $0x1;
	v8 =	vand.u32 $0x1F80, v7;
	v15 =	vshll.u32 v12, $0x7;
	v49 =	vand.u32 $0x3F, v3;
	_ =	swait.ge [sflag:s24], $0x2000  }
0x56a: {  	v39 =	vand.u32 $0x1F80, v15;
	v5 =	vadd.s32 s1, v0;
	v14 =	vor.u32 v30, v49;
	[sflag:s24] =	ssyncset.done $0x0  }
0x56b: {  	v60 =	vor.u32 v40, v39;
	v44 =	vand.u32 $0x3F, v5;
	v16 =	vor.u32 v30, v1;
	[sflag:s24] =	ssyncadd.s32 $0xFFFFE000  }
0x56c: {  	v9 =	vshll.u32 v4, $0x7;
	v48 =	vand.u32 $0x38, v4;
	v13 =	vor.u32 v30, v44;
	v7 =	vld [tilespmem:$0x1FE20];
	_ =	swait.ge [sflag:s21], $0x2000  }
0x56d: {  	v4 =	vshll.u32 v2, $0x7;
	v20 =	vor.u32 v30, v52;
	v3 =	vshll.u32 v3, $0x7;
	[sflag:s21] =	ssyncset.done $0x0  }
0x56e: {  	v51 =	vand.u32 $0x1F80, v3;
	v3 =	vand.u32 $0x1F80, v4;
	v4 =	vshll.u32 v10, $0x7;
	v17 =	vld [tilespmem:$0x1FFF0];
	[sflag:s21] =	ssyncadd.s32 $0xFFFFE000  }
0x56f: {  	v5 =	vshll.u32 v5, $0x7;
	v10 =	vand.u32 $0x1F80, v4;
	v21 =	vor.u32 v0, v51;
	v14 =	vld.idx.msk [tilespmem:v14+s25+$0x0], $0xffff  }
0x570: {  	v6 =	vshll.u32 v6, $0x7;
	v37 =	vand.u32 $0x1F80, v5;
	v22 =	vor.u32 v0, v10;
	v15 =	vld.idx.msk [tilespmem:v16+s25+$0x0], $0xffff;
	[tilespmem:$0x1FAB0] =	vst v60  }
0x571: {  	v56 =	vand.u32 $0x1F80, v6;
	v35 =	vor.u32 v0, v37;
	v13 =	vld.idx.msk [tilespmem:v13+s25+$0x0], $0xffff  }
0x572: {  	v61 =	vor.u32 v0, v56;
	v20 =	vld.idx.msk [tilespmem:v20+s25+$0x0], $0xffff  }
0x573: {  	v46 =	vand.u32 $0x3F, v2;
	v18 =	vld [tilespmem:$0x1FE10]  }
0x574: {  	v19 =	vor.u32 v30, v46;
	v29 =	vld [tilespmem:$0x1FEE0];
	[tilespmem:v21+s22+$0x0] =	vst.idx.msk $0xffff, v14  }
0x575: {  	v5 =	vor.u32 v23, v49;
	v27 =	vld [tilespmem:$0x1FEF0];
	[tilespmem:v22+s22+$0x0] =	vst.idx.msk $0xffff, v15  }
0x576: {  	v16 =	vor.u32 v23, v1;
	[tilespmem:v35+s22+$0x0] =	vst.idx.msk $0xffff, v13  }
0x577: {  	v54 =	vand.u32 $0x3F, v12;
	v17 =	vor.u32 v17, v48;
	v26 =	vld [tilespmem:$0x1FFD0];
	[tilespmem:v61+s22+$0x0] =	vst.idx.msk $0xffff, v20  }
0x578: {  	v11 =	vor.u32 v30, v45;
	v12 =	vor.u32 v30, v54;
	v30 =	vld [tilespmem:$0x1FFA0]  }
0x579: {  	v14 =	vld.idx.msk [tilespmem:v19+s25+$0x0], $0xffff  }
0x57a: {  	v5 =	vld.idx.msk [tilespmem:v5+s25+$0x0], $0xffff  }
0x57b: {  	v4 =	vor.u32 v0, v3;
	v19 =	vor.u32 v23, v52;
	v13 =	vld.idx.msk [tilespmem:v16+s25+$0x0], $0xffff  }
0x57c: {  	v62 =	vor.u32 v29, v51;
	v17 =	vld.idx.msk [tilespmem:v17+s25+$0x0], $0xffff  }
0x57d: {  	v47 =	vand.u32 $0x1C00, v9;
	v38 =	vld [tilespmem:$0x1FF60];
	v20 =	vor.u32 v30, v45  }
0x57e: {  	v18 =	vor.u32 v18, v47;
	v15 =	vor.u32 v23, v46;
	[tilespmem:$0x1FAC0] =	vst v20;
	v20 =	vld [tilespmem:$0x1FF90]  }
0x57f: {  	v22 =	vor.u32 v29, v10;
	v12 =	vld.idx.msk [tilespmem:v12+s25+$0x0], $0xffff  }
0x580: {  	[tilespmem:v4+s22+$0x0] =	vst.idx.msk $0xffff, v14;
	v14 =	vld.idx.msk [tilespmem:v19+s25+$0x0], $0xffff  }
0x581: {  	v7 =	vor.u32 v7, v48;
	[tilespmem:v62+s22+$0x0] =	vst.idx.msk $0xffff, v5;
	v11 =	vld.idx.msk [tilespmem:v11+s25+$0x0], $0xffff  }
0x582: {  	v28 =	vor.u32 v40, v56;
	v40 =	vld [tilespmem:$0x1FF70]  }
0x583: {  	v63 =	vor.u32 v23, v44;
	v15 =	vld.idx.msk [tilespmem:v15+s25+$0x0], $0xffff;
	[tilespmem:v18+s22+$0x0] =	vst.idx.msk $0xffff, v17  }
0x584: {  	v41 =	vor.u32 v0, v39;
	v16 =	vor.u32 v27, v1;
	v18 =	vld [tilespmem:$0x1FE30];
	[tilespmem:v22+s22+$0x0] =	vst.idx.msk $0xffff, v13  }
0x585: {  	v4 =	vor.u32 v29, v56;
	v31 =	vld [tilespmem:$0x1FF20]  }
0x586: {  	v53 =	vor.u32 v29, v3;
	v7 =	vld.idx.msk [tilespmem:v7+s25+$0x0], $0xffff  }
0x587: {  	v2 =	vor.u32 v0, v8;
	v55 =	vld [tilespmem:$0x1FF50]  }
0x588: {  	v5 =	vor.u32 v29, v37;
	v36 =	vor.u32 v20, v48;
	v20 =	vld.idx.msk [tilespmem:v63+s25+$0x0], $0xffff  }
0x589: {  	v17 =	vor.u32 v23, v54;
	v16 =	vld.idx.msk [tilespmem:v16+s25+$0x0], $0xffff;
	[tilespmem:v41+s22+$0x0] =	vst.idx.msk $0xffff, v12;
	v18 =	vor.u32 v18, v47  }
0x58a: {  	v19 =	vor.u32 v27, v52;
	v22 =	vld [tilespmem:$0x1FE40];
	[tilespmem:v4+s22+$0x0] =	vst.idx.msk $0xffff, v14;
	v13 =	vor.u32 v31, v10  }
0x58b: {  	v57 =	vld [tilespmem:$0x1FF30];
	[tilespmem:v53+s22+$0x0] =	vst.idx.msk $0xffff, v15  }
0x58c: {  	v50 =	vor.u32 v27, v49;
	[tilespmem:v2+s22+$0x0] =	vst.idx.msk $0xffff, v11  }
0x58d: {  	v9 =	vor.u32 v23, v45;
	[tilespmem:v5+s22+$0x0] =	vst.idx.msk $0xffff, v20  }
0x58e: {  	v21 =	vor.u32 v27, v45;
	v4 =	vor.u32 v27, v44;
	v17 =	vld.idx.msk [tilespmem:v17+s25+$0x0], $0xffff;
	[tilespmem:v18+s22+$0x0] =	vst.idx.msk $0xffff, v7  }
0x58f: {  	v12 =	vor.u32 v27, v46;
	v19 =	vld.idx.msk [tilespmem:v19+s25+$0x0], $0xffff;
	v5 =	vor.u32 v31, v56;
	[tilespmem:v13+s22+$0x0] =	vst.idx.msk $0xffff, v16  }
0x590: {  	v15 =	vor.u32 v29, v39;
	v14 =	vor.u32 v57, v1;
	v18 =	vor.u32 v27, v54;
	v27 =	vld [tilespmem:$0x1FF40]  }
0x591: {  	v43 =	vld.idx.msk [tilespmem:v50+s25+$0x0], $0xffff;
	v20 =	vor.u32 v31, v51  }
0x592: {  	v6 =	vor.u32 v29, v8;
	v9 =	vld.idx.msk [tilespmem:v9+s25+$0x0], $0xffff  }
0x593: {  	v2 =	vor.u32 v31, v37;
	v4 =	vld.idx.msk [tilespmem:v4+s25+$0x0], $0xffff;
	v7 =	vor.u32 v57, v52  }
0x594: {  	v12 =	vld.idx.msk [tilespmem:v12+s25+$0x0], $0xffff;
	v13 =	vor.u32 v31, v3;
	[tilespmem:v5+s22+$0x0] =	vst.idx.msk $0xffff, v19  }
0x595: {  	v16 =	vor.u32 v57, v49;
	[tilespmem:v15+s22+$0x0] =	vst.idx.msk $0xffff, v17;
	v14 =	vld.idx.msk [tilespmem:v14+s25+$0x0], $0xffff;
	v11 =	vor.u32 v27, v10  }
0x596: {  	[tilespmem:v20+s22+$0x0] =	vst.idx.msk $0xffff, v43  }
0x597: {  	v5 =	vor.u32 v57, v46;
	[tilespmem:v6+s22+$0x0] =	vst.idx.msk $0xffff, v9  }
0x598: {  	v15 =	vor.u32 v57, v44;
	[tilespmem:v2+s22+$0x0] =	vst.idx.msk $0xffff, v4;
	v7 =	vld.idx.msk [tilespmem:v7+s25+$0x0], $0xffff;
	v19 =	vor.u32 v27, v56  }
0x599: {  	v18 =	vld.idx.msk [tilespmem:v18+s25+$0x0], $0xffff;
	[tilespmem:v13+s22+$0x0] =	vst.idx.msk $0xffff, v12  }
0x59a: {  	v12 =	vor.u32 v31, v39;
	v4 =	vld.idx.msk [tilespmem:v16+s25+$0x0], $0xffff;
	[tilespmem:v11+s22+$0x0] =	vst.idx.msk $0xffff, v14  }
0x59b: {  	v17 =	vor.u32 v55, v1;
	v29 =	vld [tilespmem:$0x1FF00]  }
0x59c: {  	v2 =	vor.u32 v55, v52;
	v13 =	vor.u32 v27, v51;
	v5 =	vld.idx.msk [tilespmem:v5+s25+$0x0], $0xffff  }
0x59d: {  	v16 =	vor.u32 v57, v54;
	v9 =	vld.idx.msk [tilespmem:v15+s25+$0x0], $0xffff;
	v11 =	vor.u32 v27, v3;
	[tilespmem:v19+s22+$0x0] =	vst.idx.msk $0xffff, v7  }
0x59e: {  	v6 =	vor.u32 v27, v37;
	v14 =	vor.u32 v55, v49;
	v19 =	vld [tilespmem:$0x1FE50]  }
0x59f: {  	v20 =	vor.u32 v31, v8;
	[tilespmem:v12+s22+$0x0] =	vst.idx.msk $0xffff, v18;
	v18 =	vld.idx.msk [tilespmem:v21+s25+$0x0], $0xffff  }
0x5a0: {  	v17 =	vld.idx.msk [tilespmem:v17+s25+$0x0], $0xffff;
	v15 =	vor.u32 v29, v10  }
0x5a1: {  	v2 =	vld.idx.msk [tilespmem:v2+s25+$0x0], $0xffff;
	[tilespmem:v13+s22+$0x0] =	vst.idx.msk $0xffff, v4;
	v4 =	vor.u32 v29, v56  }
0x5a2: {  	v16 =	vld.idx.msk [tilespmem:v16+s25+$0x0], $0xffff;
	[tilespmem:v11+s22+$0x0] =	vst.idx.msk $0xffff, v5;
	v5 =	vor.u32 v27, v39  }
0x5a3: {  	v7 =	vor.u32 v55, v46;
	[tilespmem:v6+s22+$0x0] =	vst.idx.msk $0xffff, v9;
	v9 =	vld.idx.msk [tilespmem:v14+s25+$0x0], $0xffff;
	v11 =	vor.u32 v29, v51  }
0x5a4: {  	[tilespmem:v20+s22+$0x0] =	vst.idx.msk $0xffff, v18  }
0x5a5: {  	[tilespmem:v15+s22+$0x0] =	vst.idx.msk $0xffff, v17  }
0x5a6: {  	v20 =	vld [tilespmem:$0x1FE60];
	[tilespmem:v4+s22+$0x0] =	vst.idx.msk $0xffff, v2  }
0x5a7: {  	v12 =	vor.u32 v55, v44;
	v31 =	vld [tilespmem:$0x1FFC0];
	[tilespmem:v5+s22+$0x0] =	vst.idx.msk $0xffff, v16  }
0x5a8: {  	v21 =	vor.u32 v30, v1;
	v7 =	vld.idx.msk [tilespmem:v7+s25+$0x0], $0xffff;
	v15 =	vor.u32 v29, v3;
	[tilespmem:v11+s22+$0x0] =	vst.idx.msk $0xffff, v9  }
0x5a9: {  	v2 =	vld [tilespmem:$0x1FE70];
	_ =	sdelay $0x1  }
0x5aa: {  	v22 =	vor.u32 v22, v48  }
0x5ab: {  	v14 =	vor.u32 v55, v54;
	v12 =	vld.idx.msk [tilespmem:v12+s25+$0x0], $0xffff  }
0x5ac: {  	v18 =	vor.u32 v29, v37;
	v17 =	vor.u32 v30, v49;
	v21 =	vld.idx.msk [tilespmem:v21+s25+$0x0], $0xffff;
	[tilespmem:v15+s22+$0x0] =	vst.idx.msk $0xffff, v7  }
0x5ad: {  	v58 =	vor.u32 v31, v10;
	v4 =	vor.u32 v2, v47;
	v2 =	vld [tilespmem:$0x1FE80];
	_ =	sdelay $0x1  }
0x5ae: {  	v22 =	vld.idx.msk [tilespmem:v22+s25+$0x0], $0xffff;
	v6 =	vor.u32 v30, v52  }
0x5af: {  	v11 =	vld.idx.msk [tilespmem:v14+s25+$0x0], $0xffff  }
0x5b0: {  	v14 =	vld.idx.msk [tilespmem:v17+s25+$0x0], $0xffff;
	[tilespmem:v18+s22+$0x0] =	vst.idx.msk $0xffff, v12  }
0x5b1: {  	v5 =	vor.u32 v2, v48;
	v2 =	vld [tilespmem:$0x1FE90];
	[tilespmem:v58+s22+$0x0] =	vst.idx.msk $0xffff, v21  }
0x5b2: {  	v19 =	vor.u32 v19, v47;
	v16 =	vor.u32 v30, v46;
	v17 =	vld [tilespmem:$0x1FF10]  }
0x5b3: {  	v59 =	vor.u32 v30, v44;
	v6 =	vld.idx.msk [tilespmem:v6+s25+$0x0], $0xffff;
	v9 =	vor.u32 v31, v56  }
0x5b4: {  	v7 =	vor.u32 v29, v39  }
0x5b5: {  	v15 =	vor.u32 v26, v1;
	v12 =	vor.u32 v31, v51  }
0x5b6: {  	v13 =	vor.u32 v57, v45  }
0x5b7: {  	v16 =	vld.idx.msk [tilespmem:v16+s25+$0x0], $0xffff;
	[tilespmem:v19+s22+$0x0] =	vst.idx.msk $0xffff, v22;
	v63 =	vor.u32 v17, v48;
	v17 =	vor.u32 v31, v3  }
0x5b8: {  	[tilespmem:v9+s22+$0x0] =	vst.idx.msk $0xffff, v6;
	v9 =	vor.u32 v31, v37;
	v19 =	vld.idx.msk [tilespmem:v59+s25+$0x0], $0xffff  }
0x5b9: {  	v6 =	vld [tilespmem:$0x1FEA0];
	[tilespmem:v7+s22+$0x0] =	vst.idx.msk $0xffff, v11;
	v11 =	vor.u32 v38, v1;
	v1 =	vor.u32 v26, v46  }
0x5ba: {  	v33 =	vor.u32 v24, v8;
	v15 =	vld.idx.msk [tilespmem:v15+s25+$0x0], $0xffff;
	[tilespmem:v12+s22+$0x0] =	vst.idx.msk $0xffff, v14;
	v14 =	vor.u32 v24, v10  }
0x5bb: {  	v35 =	vor.u32 v26, v44;
	v42 =	vor.u32 v38, v52;
	v41 =	vor.u32 v40, v8  }
0x5bc: {  	v34 =	vor.u32 v55, v45;
	v13 =	vld.idx.msk [tilespmem:v13+s25+$0x0], $0xffff;
	v20 =	vor.u32 v20, v48;
	[tilespmem:v17+s22+$0x0] =	vst.idx.msk $0xffff, v16  }
0x5bd: {  	v43 =	vor.u32 v38, v54;
	v18 =	vor.u32 v26, v49;
	v21 =	vor.u32 v26, v52;
	v12 =	vld [tilespmem:$0x1FFE0]  }
0x5be: {  	v58 =	vor.u32 v26, v54;
	v22 =	vor.u32 v30, v54;
	[tilespmem:v9+s22+$0x0] =	vst.idx.msk $0xffff, v19;
	v54 =	vld.idx.msk [tilespmem:v1+s25+$0x0], $0xffff  }
0x5bf: {  	v50 =	vor.u32 v27, v8;
	v57 =	vor.u32 v40, v51;
	v9 =	vld [tilespmem:$0x1FEB0];
	[tilespmem:v14+s22+$0x0] =	vst.idx.msk $0xffff, v15  }
0x5c0: {  	v55 =	vor.u32 v38, v49;
	v56 =	vor.u32 v24, v56;
	v49 =	vor.u32 v38, v44;
	v1 =	vld [tilespmem:$0x1FEC0]  }
0x5c1: {  	v7 =	vor.u32 v29, v8;
	v53 =	vld.idx.msk [tilespmem:v20+s25+$0x0], $0xffff;
	v2 =	vor.u32 v2, v47;
	v60 =	vor.u32 v6, v47  }
0x5c2: {  	v59 =	vld.idx.msk [tilespmem:v18+s25+$0x0], $0xffff;
	v6 =	vor.u32 v24, v51;
	v51 =	vor.u32 v24, v37;
	v17 =	vor.u32 v31, v39  }
0x5c3: {  	v52 =	vld.idx.msk [tilespmem:v21+s25+$0x0], $0xffff;
	v15 =	vor.u32 v24, v3;
	v61 =	vor.u32 v12, v47;
	v12 =	vor.u32 v40, v10  }
0x5c4: {  	v16 =	vld.idx.msk [tilespmem:v22+s25+$0x0], $0xffff;
	v10 =	vor.u32 v40, v3;
	v62 =	vor.u32 v9, v48;
	v9 =	vor.u32 v31, v8  }
0x5c5: {  	s1 =	simm.s32 $0x8;
	v8 =	vor.u32 v26, v45;
	v3 =	vor.u32 v1, v47;
	v47 =	vld.idx.msk [tilespmem:v35+s25+$0x0], $0xffff;
	v1 =	vor.u32 v38, v46  }
.LBB2_18:
0x5c6: {  	v24 =	vld [tilespmem:$0x1FFB0]  }
0x5c7: {  	v22 =	vld.idx.msk [tilespmem:v11+s25+$0x0], $0xffff  }
0x5c8: {  	v30 =	vld [tilespmem:$0x1FF80]  }
0x5c9: {  	v29 =	vld [tilespmem:$0x1FEE0]  }
0x5ca: {  	v27 =	vld [tilespmem:$0x1FEF0]  }
0x5cb: {  	v14 =	vadd.s32 s1, v0;
	[tilespmem:v50+s22+$0x0] =	vst.idx.msk $0xffff, v13;
	s31 =	sadd.s32 $0x2, s1;
	v31 =	vld [tilespmem:$0x1FFA0]  }
0x5cc: {  	s0 =	sadd.s32 $0x1, s1;
	[tilespmem:v4+s22+$0x0] =	vst.idx.msk $0xffff, v53;
	v19 =	vshll.u32 v14, $0x7;
	v35 =	vadd.s32 s31, v0;
	s31 =	smov.u32 s1;
	v26 =	vld.idx.msk [tilespmem:v34+s25+$0x0], $0xffff  }
0x5cd: {  	v18 =	vor.u32 v40, v37;
	v20 =	vadd.s32 s0, v0;
	s0 =	sadd.s32 $0x4, s31;
	[tilespmem:v51+s22+$0x0] =	vst.idx.msk $0xffff, v47;
	v47 =	vand.u32 $0x1C00, v19;
	v19 =	vld [tilespmem:$0x1FFF0]  }
0x5ce: {  	v45 =	vand.u32 $0x3F, v35;
	v46 =	vadd.s32 s0, v0;
	[tilespmem:v17+s22+$0x0] =	vst.idx.msk $0xffff, v16;
	v13 =	vor.u32 v24, v39;
	v39 =	vld.idx.msk [tilespmem:v5+s25+$0x0], $0xffff  }
0x5cf: {  	s6 =	sadd.s32 $0x5, s1;
	v4 =	vor.u32 v38, v45;
	[tilespmem:v15+s22+$0x0] =	vst.idx.msk $0xffff, v54;
	v54 =	vand.u32 $0x3F, v46;
	v17 =	vld.idx.msk [tilespmem:v58+s25+$0x0], $0xffff  }
0x5d0: {  	v37 =	vadd.s32 s6, v0;
	v11 =	vmov v33;
	[tilespmem:v56+s22+$0x0] =	vst.idx.msk $0xffff, v52;
	v38 =	vor.u32 v30, v54;
	v33 =	vld.idx.msk [tilespmem:v49+s25+$0x0], $0xffff  }
0x5d1: {  	v50 =	vand.u32 $0x3F, v37;
	v42 =	vld.idx.msk [tilespmem:v42+s25+$0x0], $0xffff  }
0x5d2: {  	s11 =	sadd.s32 $0x7, s1;
	v35 =	vshll.u32 v35, $0x7;
	[tilespmem:v6+s22+$0x0] =	vst.idx.msk $0xffff, v59;
	v25 =	vor.u32 v30, v50;
	v1 =	vld.idx.msk [tilespmem:v1+s25+$0x0], $0xffff  }
0x5d3: {  	v16 =	vadd.s32 s11, v0;
	v51 =	vand.u32 $0x38, v14;
	v52 =	vand.u32 $0x1F80, v35;
	[tilespmem:v12+s22+$0x0] =	vst.idx.msk $0xffff, v22;
	v22 =	vld [tilespmem:$0x1FE10]  }
0x5d4: {  	v14 =	vshll.u32 v16, $0x7;
	v48 =	vand.u32 $0x3F, v16;
	v16 =	vor.u32 v24, v52;
	[tilespmem:v2+s22+$0x0] =	vst.idx.msk $0xffff, v39;
	v2 =	vld [tilespmem:$0x1FE20]  }
0x5d5: {  	[tilespmem:$0x1FA80] =	vst v16;
	v16 =	vld.idx.msk [tilespmem:v38+s25+$0x0], $0xffff  }
0x5d6: {  	v5 =	vmov v41;
	v41 =	vor.u32 v30, v45;
	[tilespmem:v13+s22+$0x0] =	vst.idx.msk $0xffff, v17;
	v17 =	vld [tilespmem:$0x1FAC0]  }
0x5d7: {  	v34 =	vld.idx.msk [tilespmem:v25+s25+$0x0], $0xffff  }
0x5d8: {  	v44 =	vand.u32 $0x3F, v20;
	v46 =	vshll.u32 v46, $0x7;
	[tilespmem:v10+s22+$0x0] =	vst.idx.msk $0xffff, v1;
	v10 =	vld [tilespmem:$0x1FF70]  }
0x5d9: {  	s3 =	sadd.s32 $0x3, s1;
	v58 =	vor.u32 v30, v44;
	v49 =	vand.u32 $0x1F80, v46;
	v46 =	vand.u32 $0x1F80, v14;
	v14 =	vld.idx.msk [tilespmem:v63+s25+$0x0], $0xffff  }
0x5da: {  	v21 =	vadd.s32 s3, v0;
	v25 =	vld [tilespmem:$0x1FF50]  }
0x5db: {  	v53 =	vand.u32 $0x3F, v21;
	v12 =	vor.u32 v2, v51;
	v2 =	vld.idx.msk [tilespmem:v41+s25+$0x0], $0xffff  }
0x5dc: {  	v38 =	vor.u32 v30, v48;
	[tilespmem:v7+s22+$0x0] =	vst.idx.msk $0xffff, v26;
	v26 =	vld.idx.msk [tilespmem:v43+s25+$0x0], $0xffff;
	v43 =	vor.u32 v0, v49  }
0x5dd: {  	[tilespmem:v28+s22+$0x0] =	vst.idx.msk $0xffff, v42;
	v28 =	vld [tilespmem:$0x1FF40];
	v41 =	vor.u32 v30, v53  }
0x5de: {  	v20 =	vshll.u32 v20, $0x7;
	v63 =	vld.idx.msk [tilespmem:v58+s25+$0x0], $0xffff;
	[tilespmem:v60+s22+$0x0] =	vst.idx.msk $0xffff, v14  }
0x5df: {  	v13 =	vshll.u32 v37, $0x7;
	v37 =	vand.u32 $0x1F80, v20;
	v20 =	vor.u32 v23, v54;
	v36 =	vld.idx.msk [tilespmem:v36+s25+$0x0], $0xffff  }
0x5e0: {  	v56 =	vand.u32 $0x1F80, v13;
	v17 =	vld.idx.msk [tilespmem:v17+s25+$0x0], $0xffff  }
0x5e1: {  	s30 =	sadd.s32 $0x6, s1;
	v21 =	vshll.u32 v21, $0x7;
	v1 =	vor.u32 v0, v56;
	[tilespmem:v43+s22+$0x0] =	vst.idx.msk $0xffff, v16;
	v16 =	vld.idx.msk [tilespmem:v38+s25+$0x0], $0xffff  }
0x5e2: {  	v15 =	vadd.s32 s30, v0;
	v59 =	vand.u32 $0x1F80, v21;
	v14 =	vor.u32 v0, v37;
	v21 =	vld.idx.msk [tilespmem:v41+s25+$0x0], $0xffff  }
0x5e3: {  	v32 =	vshll.u32 v15, $0x7;
	[tilespmem:v18+s22+$0x0] =	vst.idx.msk $0xffff, v33;
	v55 =	vld.idx.msk [tilespmem:v55+s25+$0x0], $0xffff  }
0x5e4: {  	v42 =	vor.u32 v23, v50;
	v39 =	vand.u32 $0x1F80, v32;
	v20 =	vld.idx.msk [tilespmem:v20+s25+$0x0], $0xffff;
	[tilespmem:v61+s22+$0x0] =	vst.idx.msk $0xffff, v36  }
0x5e5: {  	v60 =	vor.u32 v10, v39;
	[tilespmem:v9+s22+$0x0] =	vst.idx.msk $0xffff, v17;
	v9 =	vld [tilespmem:$0x1FF70]  }
0x5e6: {  	v13 =	vor.u32 v0, v46;
	[tilespmem:v1+s22+$0x0] =	vst.idx.msk $0xffff, v34;
	v1 =	vmov v60;
	v60 =	vld.idx.msk [tilespmem:v62+s25+$0x0], $0xffff  }
0x5e7: {  	v58 =	vand.u32 $0x3F, v15;
	[tilespmem:v14+s22+$0x0] =	vst.idx.msk $0xffff, v63;
	v14 =	vor.u32 v23, v48;
	v15 =	vld.idx.msk [tilespmem:v8+s25+$0x0], $0xffff  }
0x5e8: {  	v8 =	vld [tilespmem:$0x1FAB0]  }
0x5e9: {  	v62 =	vld.idx.msk [tilespmem:v42+s25+$0x0], $0xffff  }
0x5ea: {  	v19 =	vor.u32 v19, v51;
	v42 =	vld [tilespmem:$0x1FF30]  }
0x5eb: {  	[tilespmem:v13+s22+$0x0] =	vst.idx.msk $0xffff, v16;
	v16 =	vld [tilespmem:$0x1FE40]  }
0x5ec: {  	v17 =	vor.u32 v0, v59;
	[tilespmem:$0x1FAB0] =	vst v1;
	v14 =	vld.idx.msk [tilespmem:v14+s25+$0x0], $0xffff;
	v9 =	vor.u32 v9, v59  }
0x5ed: {  	v35 =	vor.u32 v29, v49;
	v43 =	vor.u32 v23, v53;
	[tilespmem:$0x1FA30] =	vst v9;
	v9 =	vor.u32 v30, v58;
	v30 =	vld [tilespmem:$0x1FF90]  }
0x5ee: {  	v61 =	vor.u32 v23, v44;
	[tilespmem:v11+s22+$0x0] =	vst.idx.msk $0xffff, v15;
	v11 =	vld [tilespmem:$0x1FE30]  }
0x5ef: {  	v33 =	vor.u32 v29, v56;
	[tilespmem:v57+s22+$0x0] =	vst.idx.msk $0xffff, v55;
	v15 =	vld.idx.msk [tilespmem:v19+s25+$0x0], $0xffff  }
0x5f0: {  	v22 =	vor.u32 v22, v47;
	v34 =	vor.u32 v27, v50;
	[tilespmem:v8+s22+$0x0] =	vst.idx.msk $0xffff, v26;
	v26 =	vld [tilespmem:$0x1FFD0]  }
0x5f1: {  	[tilespmem:v17+s22+$0x0] =	vst.idx.msk $0xffff, v21;
	v19 =	vld [tilespmem:$0x1FF70]  }
0x5f2: {  	[tilespmem:v35+s22+$0x0] =	vst.idx.msk $0xffff, v20;
	v43 =	vld.idx.msk [tilespmem:v43+s25+$0x0], $0xffff  }
0x5f3: {  	[tilespmem:v3+s22+$0x0] =	vst.idx.msk $0xffff, v60;
	v60 =	vld.idx.msk [tilespmem:v61+s25+$0x0], $0xffff  }
0x5f4: {  	v10 =	vor.u32 v29, v52;
	v41 =	vor.u32 v29, v39;
	[tilespmem:v33+s22+$0x0] =	vst.idx.msk $0xffff, v62;
	v3 =	vld [tilespmem:$0x1FF60]  }
0x5f5: {  	v57 =	vor.u32 v29, v46;
	v33 =	vld.idx.msk [tilespmem:v34+s25+$0x0], $0xffff;
	[tilespmem:v22+s22+$0x0] =	vst.idx.msk $0xffff, v15;
	v1 =	vor.u32 v26, v44  }
0x5f6: {  	v17 =	vor.u32 v29, v59;
	v61 =	vor.u32 v29, v37;
	v29 =	vld [tilespmem:$0x1FF00];
	[tilespmem:$0x1FA90] =	vst v1;
	v1 =	vor.u32 v31, v45  }
0x5f7: {  	v18 =	vor.u32 v27, v54;
	v12 =	vld.idx.msk [tilespmem:v12+s25+$0x0], $0xffff;
	[tilespmem:$0x1FAC0] =	vst v1;
	v1 =	vor.u32 v30, v51  }
0x5f8: {  	v35 =	vor.u32 v27, v44;
	v30 =	vld [tilespmem:$0x1FF20];
	[tilespmem:$0x1FA60] =	vst v1;
	v1 =	vor.u32 v25, v45  }
0x5f9: {  	v20 =	vor.u32 v27, v48;
	v11 =	vor.u32 v11, v47;
	[tilespmem:$0x1FA70] =	vst v1;
	v1 =	vld [tilespmem:$0x1FAA0]  }
0x5fa: {  	v16 =	vor.u32 v16, v51;
	v38 =	vld.idx.msk [tilespmem:v9+s25+$0x0], $0xffff  }
0x5fb: {  	[tilespmem:v17+s22+$0x0] =	vst.idx.msk $0xffff, v43;
	v43 =	vmov v4;
	v4 =	vld [tilespmem:$0x1FF60]  }
0x5fc: {  	v15 =	vld.idx.msk [tilespmem:v18+s25+$0x0], $0xffff;
	[tilespmem:v61+s22+$0x0] =	vst.idx.msk $0xffff, v60  }
0x5fd: {  	[tilespmem:v57+s22+$0x0] =	vst.idx.msk $0xffff, v14;
	v35 =	vld.idx.msk [tilespmem:v35+s25+$0x0], $0xffff;
	v21 =	vor.u32 v30, v49  }
0x5fe: {  	[tilespmem:v11+s22+$0x0] =	vst.idx.msk $0xffff, v12;
	v12 =	vld.idx.msk [tilespmem:v20+s25+$0x0], $0xffff  }
0x5ff: {  	v63 =	vor.u32 v42, v54;
	v16 =	vld.idx.msk [tilespmem:v16+s25+$0x0], $0xffff;
	v14 =	vor.u32 v30, v46  }
0x600: {  	v20 =	vor.u32 v42, v48;
	[tilespmem:$0x1FAA0] =	vst v43;
	v43 =	vor.u32 v4, v58;
	v4 =	vld [tilespmem:$0x1FE70];
	v60 =	vor.u32 v30, v37  }
0x601: {  	v40 =	vor.u32 v42, v44;
	v8 =	vor.u32 v27, v45;
	v11 =	vor.u32 v27, v58;
	v13 =	vld.idx.msk [tilespmem:v1+s25+$0x0], $0xffff  }
0x602: {  	v1 =	vor.u32 v19, v52;
	v19 =	vor.u32 v27, v53;
	[tilespmem:v21+s22+$0x0] =	vst.idx.msk $0xffff, v15;
	v27 =	vld [tilespmem:$0x1FF10]  }
0x603: {  	v36 =	vor.u32 v30, v56;
	[tilespmem:$0x1FA50] =	vst v1;
	v1 =	vor.u32 v3, v53;
	v3 =	vld [tilespmem:$0x1FE50]  }
0x604: {  	[tilespmem:v14+s22+$0x0] =	vst.idx.msk $0xffff, v12;
	v21 =	vld.idx.msk [tilespmem:v63+s25+$0x0], $0xffff  }
0x605: {  	v6 =	vor.u32 v0, v52;
	v55 =	vor.u32 v42, v50;
	[tilespmem:v60+s22+$0x0] =	vst.idx.msk $0xffff, v35;
	v14 =	vld.idx.msk [tilespmem:v20+s25+$0x0], $0xffff  }
0x606: {  	v32 =	vor.u32 v0, v39;
	v35 =	vld.idx.msk [tilespmem:v40+s25+$0x0], $0xffff  }
0x607: {  	v7 =	vor.u32 v23, v45;
	v22 =	vor.u32 v28, v49;
	[tilespmem:$0x1FA40] =	vst v1;
	v1 =	vld [tilespmem:$0x1FEC0]  }
0x608: {  	v17 =	vor.u32 v25, v54;
	[tilespmem:v36+s22+$0x0] =	vst.idx.msk $0xffff, v33;
	v19 =	vld.idx.msk [tilespmem:v19+s25+$0x0], $0xffff  }
0x609: {  	[tilespmem:v5+s22+$0x0] =	vst.idx.msk $0xffff, v13;
	v5 =	vor.u32 v23, v58;
	v9 =	vor.u32 v3, v47;
	v3 =	vld [tilespmem:$0x1FE60]  }
0x60a: {  	v34 =	vor.u32 v30, v59;
	[tilespmem:v6+s22+$0x0] =	vst.idx.msk $0xffff, v2;
	v6 =	vld.idx.msk [tilespmem:v55+s25+$0x0], $0xffff  }
0x60b: {  	v61 =	vor.u32 v42, v53;
	[tilespmem:v32+s22+$0x0] =	vst.idx.msk $0xffff, v38;
	v32 =	vor.u32 v28, v56;
	v2 =	vld [tilespmem:$0x1FE90]  }
0x60c: {  	v38 =	vor.u32 v25, v50;
	[tilespmem:v22+s22+$0x0] =	vst.idx.msk $0xffff, v21;
	v7 =	vld.idx.msk [tilespmem:v7+s25+$0x0], $0xffff  }
0x60d: {  	v33 =	vor.u32 v29, v49;
	v17 =	vld.idx.msk [tilespmem:v17+s25+$0x0], $0xffff  }
0x60e: {  	v62 =	vld.idx.msk [tilespmem:v5+s25+$0x0], $0xffff  }
0x60f: {  	v5 =	vld [tilespmem:$0x1FE80];
	[tilespmem:v34+s22+$0x0] =	vst.idx.msk $0xffff, v19;
	v19 =	vor.u32 v31, v54  }
0x610: {  	v20 =	vor.u32 v28, v46;
	v36 =	vld.idx.msk [tilespmem:v61+s25+$0x0], $0xffff;
	[tilespmem:v32+s22+$0x0] =	vst.idx.msk $0xffff, v6  }
0x611: {  	v13 =	vor.u32 v30, v52;
	v6 =	vor.u32 v25, v48;
	[tilespmem:v10+s22+$0x0] =	vst.idx.msk $0xffff, v7;
	v7 =	vld.idx.msk [tilespmem:v38+s25+$0x0], $0xffff  }
0x612: {  	v55 =	vor.u32 v28, v59;
	v34 =	vor.u32 v29, v56;
	[tilespmem:v33+s22+$0x0] =	vst.idx.msk $0xffff, v17;
	v8 =	vld.idx.msk [tilespmem:v8+s25+$0x0], $0xffff  }
0x613: {  	v61 =	vor.u32 v25, v53;
	[tilespmem:v41+s22+$0x0] =	vst.idx.msk $0xffff, v62;
	v62 =	vor.u32 v30, v39;
	v30 =	vld [tilespmem:$0x1FFC0]  }
0x614: {  	v57 =	vor.u32 v31, v50;
	v17 =	vld.idx.msk [tilespmem:v19+s25+$0x0], $0xffff  }
0x615: {  	v18 =	vor.u32 v42, v45;
	[tilespmem:v20+s22+$0x0] =	vst.idx.msk $0xffff, v14;
	v11 =	vld.idx.msk [tilespmem:v11+s25+$0x0], $0xffff  }
0x616: {  	v20 =	vld.idx.msk [tilespmem:v6+s25+$0x0], $0xffff  }
0x617: {  	v41 =	vor.u32 v28, v37;
	[tilespmem:v55+s22+$0x0] =	vst.idx.msk $0xffff, v36;
	v6 =	vld [tilespmem:$0x1FEA0]  }
0x618: {  	v15 =	vor.u32 v25, v44;
	v38 =	vld.idx.msk [tilespmem:v61+s25+$0x0], $0xffff;
	[tilespmem:v34+s22+$0x0] =	vst.idx.msk $0xffff, v7  }
0x619: {  	v3 =	vor.u32 v3, v51;
	[tilespmem:v13+s22+$0x0] =	vst.idx.msk $0xffff, v8;
	v8 =	vld.idx.msk [tilespmem:v57+s25+$0x0], $0xffff  }
0x61a: {  	v13 =	vld.idx.msk [tilespmem:v18+s25+$0x0], $0xffff  }
0x61b: {  	v12 =	vor.u32 v42, v58;
	[tilespmem:v9+s22+$0x0] =	vst.idx.msk $0xffff, v16;
	v55 =	vor.u32 v29, v59;
	v18 =	vld [tilespmem:$0x1FF60]  }
0x61c: {  	v10 =	vor.u32 v30, v56;
	[tilespmem:v41+s22+$0x0] =	vst.idx.msk $0xffff, v35;
	v41 =	vld [tilespmem:$0x1FA50]  }
0x61d: {  	[tilespmem:v62+s22+$0x0] =	vst.idx.msk $0xffff, v11;
	v11 =	vor.u32 v31, v53;
	v15 =	vld.idx.msk [tilespmem:v15+s25+$0x0], $0xffff  }
0x61e: {  	v57 =	vor.u32 v26, v53;
	v35 =	vor.u32 v29, v46;
	v53 =	vld.idx.msk [tilespmem:v3+s25+$0x0], $0xffff  }
0x61f: {  	v14 =	vor.u32 v25, v58;
	v25 =	vor.u32 v31, v48;
	v3 =	vor.u32 v1, v47;
	v1 =	vld [tilespmem:$0x1FA90]  }
0x620: {  	v42 =	vor.u32 v26, v50;
	v12 =	vld.idx.msk [tilespmem:v12+s25+$0x0], $0xffff;
	[tilespmem:v55+s22+$0x0] =	vst.idx.msk $0xffff, v38  }
0x621: {  	v61 =	vor.u32 v29, v37;
	[tilespmem:v10+s22+$0x0] =	vst.idx.msk $0xffff, v8;
	v8 =	vld [tilespmem:$0x1FEB0]  }
0x622: {  	v22 =	vor.u32 v28, v39;
	v38 =	vld.idx.msk [tilespmem:v11+s25+$0x0], $0xffff  }
0x623: {  	v21 =	vor.u32 v31, v44;
	[tilespmem:v35+s22+$0x0] =	vst.idx.msk $0xffff, v20;
	v11 =	vld [tilespmem:$0x1FF60]  }
0x624: {  	v33 =	vld.idx.msk [tilespmem:v25+s25+$0x0], $0xffff  }
0x625: {  	v25 =	vld.idx.msk [tilespmem:v42+s25+$0x0], $0xffff  }
0x626: {  	v40 =	vor.u32 v30, v59;
	[tilespmem:v61+s22+$0x0] =	vst.idx.msk $0xffff, v15;
	v42 =	vld [tilespmem:$0x1FA40]  }
0x627: {  	[tilespmem:v22+s22+$0x0] =	vst.idx.msk $0xffff, v12;
	v12 =	vld [tilespmem:$0x1FFE0]  }
0x628: {  	v4 =	vor.u32 v4, v47;
	v34 =	vor.u32 v30, v46;
	v21 =	vld.idx.msk [tilespmem:v21+s25+$0x0], $0xffff  }
0x629: {  	v63 =	vor.u32 v27, v51;
	v2 =	vor.u32 v2, v47;
	v5 =	vor.u32 v5, v51;
	v14 =	vld.idx.msk [tilespmem:v14+s25+$0x0], $0xffff  }
0x62a: {  	v32 =	vor.u32 v30, v49;
	v11 =	vor.u32 v11, v50;
	v50 =	vor.u32 v28, v52;
	v28 =	vld [tilespmem:$0x1FA30]  }
0x62b: {  	v20 =	vor.u32 v26, v48;
	v22 =	vor.u32 v30, v37;
	[tilespmem:v40+s22+$0x0] =	vst.idx.msk $0xffff, v38;
	v40 =	vld [tilespmem:$0x1FF70]  }
0x62c: {  	v19 =	vor.u32 v29, v39;
	v36 =	vor.u32 v26, v54;
	v55 =	vor.u32 v18, v54;
	v38 =	vld [tilespmem:$0x1FF60]  }
0x62d: {  	v18 =	vor.u32 v24, v56;
	v15 =	vor.u32 v31, v58;
	[tilespmem:v34+s22+$0x0] =	vst.idx.msk $0xffff, v33;
	v34 =	vld [tilespmem:$0x1FA70]  }
0x62e: {  	v7 =	vor.u32 v29, v52;
	v9 =	vor.u32 v30, v52;
	v60 =	vor.u32 v6, v47;
	v33 =	vld [tilespmem:$0x1FA80]  }
0x62f: {  	p0 =	slt.u32 s1, $0x38;
	v6 =	vor.u32 v24, v49;
	[tilespmem:v32+s22+$0x0] =	vst.idx.msk $0xffff, v17;
	v17 =	vor.u32 v30, v39;
	v52 =	vld.idx.msk [tilespmem:v57+s25+$0x0], $0xffff  }
.Ltmp11:
0x630: {  	v58 =	vor.u32 v26, v58;
	v62 =	vor.u32 v8, v51;
	[tilespmem:v22+s22+$0x0] =	vst.idx.msk $0xffff, v21;
	v54 =	vld.idx.msk [tilespmem:v20+s25+$0x0], $0xffff;
	(pc) =	sbr.rel @p0 .LBB2_18-.Ltmp11, $4  }
0x631: {  	v8 =	vor.u32 v26, v45;
	v61 =	vor.u32 v12, v47;
	[tilespmem:v19+s22+$0x0] =	vst.idx.msk $0xffff, v14;
	v47 =	vld.idx.msk [tilespmem:v1+s25+$0x0], $0xffff  }
0x632: {  	v51 =	vor.u32 v24, v37;
	[tilespmem:v18+s22+$0x0] =	vst.idx.msk $0xffff, v25;
	v16 =	vld.idx.msk [tilespmem:v15+s25+$0x0], $0xffff;
	v15 =	vor.u32 v24, v46  }
0x633: {  	v12 =	vor.u32 v40, v56;
	v57 =	vor.u32 v40, v49;
	v56 =	vor.u32 v24, v59;
	v59 =	vld.idx.msk [tilespmem:v36+s25+$0x0], $0xffff  }
0x634: {  	s1 =	sadd.s32 $0x8, s1;
	v10 =	vor.u32 v40, v46;
	v49 =	vor.u32 v38, v44;
	v36 =	vld [tilespmem:$0x1FA60];
	v1 =	vor.u32 v38, v48  }
0x635: {  	_ =	sdelay $0x3  }
0x636: {  	[tilespmem:v4+s22+$0x0] =	vst.idx.msk $0xffff, v53  }
0x637: {  	[tilespmem:v50+s22+$0x0] =	vst.idx.msk $0xffff, v13;
	v4 =	vld.idx.msk [tilespmem:v5+s25+$0x0], $0xffff  }
0x638: {  	v48 =	vld.idx.msk [tilespmem:v34+s25+$0x0], $0xffff;
	_ =	sdelay $0x2  }
0x639: {  	[tilespmem:v17+s22+$0x0] =	vst.idx.msk $0xffff, v16  }
0x63a: {  	[tilespmem:v2+s22+$0x0] =	vst.idx.msk $0xffff, v4  }
0x63b: {  	[tilespmem:v7+s22+$0x0] =	vst.idx.msk $0xffff, v48  }
0x63c: {  	v4 =	vld [tilespmem:$0x1FAC0];
	_ =	sdelay $0x4  }
0x63d: {  	v50 =	vld.idx.msk [tilespmem:v11+s25+$0x0], $0xffff  }
0x63e: {  	v2 =	vld.idx.msk [tilespmem:v63+s25+$0x0], $0xffff;
	[tilespmem:v56+s22+$0x0] =	vst.idx.msk $0xffff, v52  }
0x63f: {  	v13 =	vld [tilespmem:$0x1FFB0]  }
0x640: {  	v4 =	vld.idx.msk [tilespmem:v4+s25+$0x0], $0xffff  }
0x641: {  	v56 =	vld.idx.msk [tilespmem:v58+s25+$0x0], $0xffff;
	[tilespmem:v15+s22+$0x0] =	vst.idx.msk $0xffff, v54  }
0x642: {  	[tilespmem:v51+s22+$0x0] =	vst.idx.msk $0xffff, v47;
	v58 =	vld.idx.msk [tilespmem:v42+s25+$0x0], $0xffff  }
0x643: {  	[tilespmem:v12+s22+$0x0] =	vst.idx.msk $0xffff, v50;
	v1 =	vld.idx.msk [tilespmem:v1+s25+$0x0], $0xffff  }
0x644: {  	[tilespmem:v60+s22+$0x0] =	vst.idx.msk $0xffff, v2;
	v53 =	vor.u32 v13, v39  }
0x645: {  	v2 =	vld.idx.msk [tilespmem:v36+s25+$0x0], $0xffff;
	[tilespmem:v9+s22+$0x0] =	vst.idx.msk $0xffff, v4  }
0x646: {  	[tilespmem:v6+s22+$0x0] =	vst.idx.msk $0xffff, v59;
	v4 =	vld.idx.msk [tilespmem:v8+s25+$0x0], $0xffff  }
0x647: {  	[tilespmem:v28+s22+$0x0] =	vst.idx.msk $0xffff, v58  }
0x648: {  	[tilespmem:v10+s22+$0x0] =	vst.idx.msk $0xffff, v1  }
0x649: {  	[tilespmem:v53+s22+$0x0] =	vst.idx.msk $0xffff, v56  }
0x64a: {  	[tilespmem:v61+s22+$0x0] =	vst.idx.msk $0xffff, v2  }
0x64b: {  	[tilespmem:v33+s22+$0x0] =	vst.idx.msk $0xffff, v4  }
0x64c: {  	v4 =	vld [tilespmem:$0x1FAA0];
	_ =	sdelay $0x2  }
0x64d: {  	v63 =	vld.idx.msk [tilespmem:v49+s25+$0x0], $0xffff  }
0x64e: {  	v60 =	vor.u32 v40, v37;
	v5 =	vld [tilespmem:$0x1FAB0]  }
0x64f: {  	v1 =	vld.idx.msk [tilespmem:v55+s25+$0x0], $0xffff  }
0x650: {  	v2 =	vld.idx.msk [tilespmem:v62+s25+$0x0], $0xffff  }
0x651: {  	v59 =	vld.idx.msk [tilespmem:v43+s25+$0x0], $0xffff  }
0x652: {  	v4 =	vld.idx.msk [tilespmem:v4+s25+$0x0], $0xffff  }
0x653: {  	[tilespmem:v60+s22+$0x0] =	vst.idx.msk $0xffff, v63  }
0x654: {  	[tilespmem:v57+s22+$0x0] =	vst.idx.msk $0xffff, v1  }
0x655: {  	[tilespmem:v3+s22+$0x0] =	vst.idx.msk $0xffff, v2  }
0x656: {  	[tilespmem:v5+s22+$0x0] =	vst.idx.msk $0xffff, v59  }
0x657: {  	[tilespmem:v41+s22+$0x0] =	vst.idx.msk $0xffff, v4  }
0x658: {  	v14 =	vld [tilespmem:$0x1FFF0]  }
0x659: {  	v27 =	vld [tilespmem:$0x1FF10]  }
0x65a: {  	v18 =	vld [tilespmem:$0x1FF20]  }
0x65b: {  	v26 =	vld [tilespmem:$0x1FF30]  }
0x65c: {  	v24 =	vld [tilespmem:$0x1FF40]  }
0x65d: {  	v22 =	vld [tilespmem:$0x1FF50]  }
0x65e: {  	s0 =	sadd.s32 s10, s29;
	v31 =	vld [tilespmem:$0x1FFA0]  }
.Ltmp12:
0x65f: {  	s1 =	sshll.u32 s0, $0x7;
	v33 =	vld [tilespmem:$0x1FFC0];
	(pc) =	sbr.rel .LBB2_2-.Ltmp12, $4  }
0x660: {  	s0 =	sshll.u32 s0, $0xA;
	s1 =	sand.u32 $0xF80, s1;
	v30 =	vld [tilespmem:$0x1FFD0]  }
0x661: {  	s0 =	sand.u32 $0xFFF8000, s0;
	s1 =	sadd.s32 s2, s1;
	v32 =	vld [tilespmem:$0x1FF90]  }
0x662: {  	s28 =	sadd.s32 $0x1, s28;
	s0 =	sadd.s32 s0, s1;
	v23 =	vld [tilespmem:$0x1FF80]  }
0x663: {  	v20 =	vmov v40;
	v36 =	vmov v13;
	[hbm4b:s0+s18] =	stream.strided.scatter [tilespmem:s22], [sflag:$0x5], $0x2000, s19, s18, $0x38;
	v25 =	vld [tilespmem:$0x1FFE0]  }
.LBB2_21:
0x664: {  	_ =	sfence.sel $0x180000  }
0x665: {  	[bflag:$0x0] =	sbarrier.arrive $0xFFFF  }
0x666: {  	_ =	strace $0x90000047  }
0x667: {  	s0 =	stileid.u32;
	[bflag:$0x2] =	sbarrier.arrive $0xFFFF  }
0x668: {  	p0 =	sne.s32 s0, $0x0;
	s0 =	rddreg [dreg:$0x2]  }
0x669: {  	s0 =	sadd.s32 @!p0 $0x100000, s0  }
0x66a: {  	[sflag:s0] =	ssyncadd.tile.s32 @!p0 $0x1;
	_ =	shalt  }
.Lfunc_end2:
_tile_overlayer_lowered:
.L_overlay_start_2:
0x66b: {  	(tag) =	ssettag $0x2  }
0x66c: {  	s0 =	rddreg [dreg:$0x0];
	s2 =	stileid.u32  }
0x66d: {  	s1 =	rddreg [dreg:$0x1];
	p0 =	sne.s32 s2, $0x0  }
0x66e: {  	s3 =	rddreg [dreg:$0x2];
	[bflag:$0x3] =	sbarrier.arrive $0xFFFF;
	s2 =	simm.s32 @!p0 $0x1C06  }
0x66f: {  	[timem:s3], [sflag:s2] =	dma.local @!p0 [hbm:s0], s1  }
0x670: {  	s0 =	simm.s32 @!p0 $0x6  }
0x671: {  	_ =	swait.ge @!p0 [sflag:s0], s1  }
0x672: {  	s1 =	ssub.s32 @!p0 $0x0, s1;
	[sflag:s0] =	ssyncset.done @!p0 $0x0  }
0x673: {  	[sflag:s0] =	ssyncadd.s32 @!p0 s1  }
0x674: {  	[bflag:$0x3] =	sbarrier.arrive $0xFFFF  }
0x675: {  	_ =	shalt  }

</sc_bundles>
